<compile_context>
chip_gen: v7x
topology: tpu7x:2x2x1
jax: 0.10.2.dev20260603
libtpu: 0.0.44.dev20260713+nightly
codegen_flags: <defaults>
</compile_context>

<pallas_src>
import functools

import jax
import jax.numpy as jnp
from jax import lax
from jax.experimental import pallas as pl
from jax.experimental.pallas import tpu as pltpu
from jax.experimental.pallas import tpu_sc as plsc

D_IN = 128
D_HID = 128
D_OUT = 349
N1 = 4000
N2 = 1000
NUM_ET = 7
NUM_NT = 4
NPAPER = 20000

W = 144
NSEG = NUM_ET * N2
SEG_PAD = 7040
DUMP = 7008
NC = 2
NS = 16
NW = NC * NS
CH = 128
ROWS_A = 4096
NXOUT = 1024
PER_TILE_SEG = SEG_PAD // NS
BLK = 512
RSHIFT = 15

_mesh = plsc.VectorSubcoreMesh(core_axis_name="c", subcore_axis_name="s")
_sc_params = pltpu.CompilerParams(needs_layout_passes=False,
                                  use_tc_tiling_on_sc=False)


def _agg_kernel(eb, blk, translate, *args):
    if translate:
        (xp_hbm, emb_hbm, src_hbm, dst_hbm, et_hbm, nid_hbm, nt_hbm, li_hbm,
         acc_out, xaug_out, nt_out,
         nid128, ntv, liv, gv, embv, gbuf,
         srcblk0, dstblk0, etblk0, srcblk1, dstblk1, etblk1, packc, segb,
         rows0, rows1, acc, gsem, ssem, isem0, isem1) = args
        rowsrc = xaug_out.at[lax.axis_index("c")]
    else:
        (rowsrc_hbm, src_hbm, dst_hbm, et_hbm, acc_out,
         srcblk0, dstblk0, etblk0, srcblk1, dstblk1, etblk1, packc, segb,
         rows0, rows1, acc, gsem, ssem, isem0, isem1) = args
        rowsrc = rowsrc_hbm

    cid = lax.axis_index("c")
    sid = lax.axis_index("s")
    wid = sid * NC + cid
    packs = ((eb + CH - 1) // CH) * CH

    def zrow(r, carry):
        for c in range(W // 16):
            rows0[r, pl.ds(c * 16, 16)] = jnp.zeros((16,), jnp.float32)
        return carry

    lax.fori_loop(0, CH, zrow, 0)
    base = sid * PER_TILE_SEG
    for i in range(PER_TILE_SEG // CH):
        pltpu.sync_copy(rows0, acc.at[pl.ds(base + i * CH, CH)])
    rem = PER_TILE_SEG % CH
    if rem:
        pltpu.sync_copy(rows0.at[pl.ds(0, rem)],
                        acc.at[pl.ds(base + (PER_TILE_SEG // CH) * CH, rem)])

    if translate:
        share = ROWS_A // NS
        PC = 64
        NPC = share // PC
        sems = (isem0, isem1)
        pltpu.sync_copy(emb_hbm, embv)
        pltpu.sync_copy(nid_hbm.at[pl.ds(sid * share, share)], nid128)

        def issue_ids(c):
            pltpu.async_copy(nt_hbm.at[nid128.at[pl.ds(c * PC, PC)]],
                             ntv.at[pl.ds(c * PC, PC)], sems[c % 2])
            pltpu.async_copy(li_hbm.at[nid128.at[pl.ds(c * PC, PC)]],
                             liv.at[pl.ds(c * PC, PC)], sems[c % 2])

        issue_ids(0)
        onescol = jnp.where(lax.iota(jnp.int32, 16) == 0,
                            jnp.full((16,), 1.0, jnp.float32),
                            jnp.zeros((16,), jnp.float32))
        for c in range(NPC):
            gb = sid * share + c * PC
            for _ in range(2):
                pltpu.make_async_copy(nt_hbm.at[nid128.at[pl.ds(0, PC)]],
                                      ntv.at[pl.ds(0, PC)],
                                      sems[c % 2]).wait()
            if c + 1 < NPC:
                issue_ids(c + 1)

            def ggrp(j, carry):
                lig = jnp.clip(liv[pl.ds(c * PC + j * 16, 16)], 0, NPAPER - 1)
                gv[pl.ds(j * 16, 16)] = lig
                return carry

            lax.fori_loop(0, PC // 16, ggrp, 0)

            pltpu.async_copy(xp_hbm.at[gv.at[pl.ds(0, PC)]], gbuf,
                             gsem).wait()
            rbuf = rows1 if c % 2 == 0 else rows0
            if c >= 2:
                pltpu.make_async_copy(rows0.at[pl.ds(0, PC)],
                                      xaug_out.at[cid].at[pl.ds(0, PC)],
                                      ssem).wait()

            def prow(r, carry):
                ntr = ntv[pl.ds(c * PC + r, 16)][0]

                @pl.when(ntr == 0)
                def _():
                    for q in range(D_IN // 16):
                        rbuf[r, pl.ds(q * 16, 16)] = gbuf[r, pl.ds(q * 16, 16)]

                @pl.when(ntr != 0)
                def _():
                    for q in range(D_IN // 16):
                        rbuf[r, pl.ds(q * 16, 16)] = embv[
                            ntr - 1, pl.ds(q * 16, 16)]

                rbuf[r, pl.ds(D_IN, 16)] = onescol
                return carry

            lax.fori_loop(0, PC, prow, 0)
            pltpu.async_copy(rbuf.at[pl.ds(0, PC)],
                             xaug_out.at[cid].at[pl.ds(gb, PC)], ssem)

            @pl.when(jnp.logical_and(cid == 0, gb < NXOUT))
            def _():
                pltpu.sync_copy(ntv.at[pl.ds(c * PC, PC)],
                                nt_out.at[pl.ds(gb, PC)])

        for c in range(2):
            pltpu.make_async_copy(rows0.at[pl.ds(0, PC)],
                                  xaug_out.at[cid].at[pl.ds(0, PC)],
                                  ssem).wait()

    plsc.subcore_barrier()

    nblk = eb // blk
    idb = ((srcblk0, dstblk0, etblk0, isem0), (srcblk1, dstblk1, etblk1, isem1))

    def issue_blk(b, bufs):
        off = wid * eb + b * blk
        sb, db, tb, sem = bufs
        pltpu.async_copy(src_hbm.at[pl.ds(off, blk)], sb, sem)
        pltpu.async_copy(dst_hbm.at[pl.ds(off, blk)], db, sem)
        pltpu.async_copy(et_hbm.at[pl.ds(off, blk)], tb, sem)

    def wait_blk(bufs):
        sb, db, tb, sem = bufs
        for buf in (sb, db, tb):
            pltpu.make_async_copy(src_hbm.at[pl.ds(0, blk)], buf, sem).wait()

    issue_blk(0, idb[0])

    def blk_pair(j, ptr):
        for par in range(2):
            b = 2 * j + par
            bufs = idb[par]
            nbufs = idb[1 - par]
            wait_blk(bufs)

            @pl.when(b + 1 < nblk)
            def _():
                issue_blk(b + 1, nbufs)

            sb, db, tb, _sem = bufs

            def grp(g, q):
                dv = db[pl.ds(g * 16, 16)]
                ev = tb[pl.ds(g * 16, 16)]
                sv = sb[pl.ds(g * 16, 16)]
                m = dv < N2
                packed = jnp.bitwise_or(
                    jnp.left_shift(ev * N2 + dv, RSHIFT), sv)
                plsc.store_compressed(packc.at[pl.ds(q, 16)], packed, mask=m)
                cnt = plsc.all_reduce_population_count(m)
                return q + cnt[0]

            ptr = lax.fori_loop(0, blk // 16, grp, ptr)
        return ptr

    n = lax.fori_loop(0, nblk // 2, blk_pair, jnp.int32(0))
    if nblk % 2:
        bufs = idb[(nblk - 1) % 2]
        sb, db, tb, _sem = bufs
        wait_blk(bufs)

        def tgrp(g, q):
            dv = db[pl.ds(g * 16, 16)]
            ev = tb[pl.ds(g * 16, 16)]
            sv = sb[pl.ds(g * 16, 16)]
            m = dv < N2
            packed = jnp.bitwise_or(
                jnp.left_shift(ev * N2 + dv, RSHIFT), sv)
            plsc.store_compressed(packc.at[pl.ds(q, 16)], packed, mask=m)
            cnt = plsc.all_reduce_population_count(m)
            return q + cnt[0]

        n = lax.fori_loop(0, blk // 16, tgrp, n)
    nck = (n + CH - 1) // CH

    padv = jnp.full((16,), (DUMP + sid) << RSHIFT, jnp.int32)
    iota16 = lax.iota(jnp.int32, 16)
    for j in range(CH // 16):
        off = n + j * 16
        b16 = jnp.minimum(off, packs - 16)
        cur = packc[pl.ds(b16, 16)]
        lanes = b16 + iota16
        packc[pl.ds(b16, 16)] = jnp.where(lanes < n, cur, padv)

    def rp(g, carry):
        pv = packc[pl.ds(g * 16, 16)]
        row = g // (CH // 16)
        col = (g % (CH // 16)) * 16
        segb[row, pl.ds(col, 16)] = jnp.right_shift(pv, RSHIFT)
        packc[pl.ds(g * 16, 16)] = jnp.bitwise_and(pv, (1 << RSHIFT) - 1)
        return carry

    lax.fori_loop(0, nck * (CH // 16), rp, 0)

    def issue_gather(k, buf):
        pltpu.async_copy(rowsrc.at[packc.at[pl.ds(k * CH, CH)]], buf, gsem)

    def wait_gather(buf):
        pltpu.make_async_copy(rowsrc.at[packc.at[pl.ds(0, CH)]], buf,
                              gsem).wait()

    def wait_scatter():
        pltpu.make_async_copy(rows0, acc.at[segb.at[0]], ssem).wait()

    @pl.when(nck > 0)
    def _():
        issue_gather(0, rows0)

    def outer(j, carry):
        for b in range(2):
            k = 2 * j + b
            rb = rows0 if b == 0 else rows1
            ro = rows1 if b == 0 else rows0

            @pl.when(k < nck)
            def _():
                wait_gather(rb)

                @pl.when(k >= 1)
                def _():
                    wait_scatter()

                @pl.when(k + 1 < nck)
                def _():
                    issue_gather(k + 1, ro)

                pltpu.async_copy(rb, acc.at[segb.at[k]], ssem, add=True)

        return carry

    lax.fori_loop(0, (nck + 1) // 2, outer, 0)

    @pl.when(nck > 0)
    def _():
        wait_scatter()

    plsc.subcore_barrier()

    s = sid * PER_TILE_SEG
    pltpu.sync_copy(acc.at[pl.ds(s, PER_TILE_SEG)],
                    acc_out.at[cid].at[pl.ds(s, PER_TILE_SEG)])


def _make_l0_call(eb, blk):
    packs = ((eb + CH - 1) // CH) * CH
    return functools.partial(
        pl.kernel,
        out_type=(
            jax.ShapeDtypeStruct((NC, SEG_PAD, W), jnp.float32),
            jax.ShapeDtypeStruct((NC, ROWS_A, W), jnp.float32),
            jax.ShapeDtypeStruct((NXOUT,), jnp.int32),
        ),
        mesh=_mesh,
        scratch_types=[
            pltpu.VMEM((256,), jnp.int32),
            pltpu.VMEM((272,), jnp.int32),
            pltpu.VMEM((256,), jnp.int32),
            pltpu.VMEM((128,), jnp.int32),
            pltpu.VMEM((3, D_IN), jnp.float32),
            pltpu.VMEM((64, D_IN), jnp.float32),
            pltpu.VMEM((blk,), jnp.int32),
            pltpu.VMEM((blk,), jnp.int32),
            pltpu.VMEM((blk,), jnp.int32),
            pltpu.VMEM((blk,), jnp.int32),
            pltpu.VMEM((blk,), jnp.int32),
            pltpu.VMEM((blk,), jnp.int32),
            pltpu.VMEM((packs,), jnp.int32),
            pltpu.VMEM((packs // CH, CH), jnp.int32),
            pltpu.VMEM((CH, W), jnp.float32),
            pltpu.VMEM((CH, W), jnp.float32),
            pltpu.VMEM_SHARED((SEG_PAD, W), jnp.float32),
            pltpu.SemaphoreType.DMA,
            pltpu.SemaphoreType.DMA,
            pltpu.SemaphoreType.DMA,
            pltpu.SemaphoreType.DMA,
        ],
        compiler_params=_sc_params,
    )(functools.partial(_agg_kernel, eb, blk, True))


def _make_l1_call(eb, blk):
    packs = ((eb + CH - 1) // CH) * CH
    return functools.partial(
        pl.kernel,
        out_type=jax.ShapeDtypeStruct((NC, SEG_PAD, W), jnp.float32),
        mesh=_mesh,
        scratch_types=[
            pltpu.VMEM((blk,), jnp.int32),
            pltpu.VMEM((blk,), jnp.int32),
            pltpu.VMEM((blk,), jnp.int32),
            pltpu.VMEM((blk,), jnp.int32),
            pltpu.VMEM((blk,), jnp.int32),
            pltpu.VMEM((blk,), jnp.int32),
            pltpu.VMEM((packs,), jnp.int32),
            pltpu.VMEM((packs // CH, CH), jnp.int32),
            pltpu.VMEM((CH, W), jnp.float32),
            pltpu.VMEM((CH, W), jnp.float32),
            pltpu.VMEM_SHARED((SEG_PAD, W), jnp.float32),
            pltpu.SemaphoreType.DMA,
            pltpu.SemaphoreType.DMA,
            pltpu.SemaphoreType.DMA,
            pltpu.SemaphoreType.DMA,
        ],
        compiler_params=_sc_params,
    )(functools.partial(_agg_kernel, eb, blk, False))


def _dense0_kernel(acc_ref, xaug_ref, nt_ref, w_ref, rw_ref, rb_ref, out_ref):
    acc = acc_ref[0] + acc_ref[1]
    feats = acc[:NSEG, :D_IN]
    cnt = acc[:NSEG, D_IN:D_IN + 1]
    scaled = feats / jnp.maximum(cnt, 1.0)
    h = jnp.zeros((N2, D_HID), jnp.float32)
    for i in range(NUM_ET):
        h = h + jnp.dot(scaled[i * N2:(i + 1) * N2], w_ref[i].T,
                        preferred_element_type=jnp.float32)
    x_tgt = xaug_ref[:N2, :D_IN]
    nt = nt_ref[:N2]
    for t in range(NUM_NT):
        r = jnp.dot(x_tgt, rw_ref[t].T, preferred_element_type=jnp.float32)
        r = r + rb_ref[t][None, :]
        h = h + jnp.where(nt == t, r, 0.0)
    h = jnp.maximum(h, 0.0)
    out_ref[:, :D_IN] = h
    colpad = lax.broadcasted_iota(jnp.int32, (N2, W - D_IN), 1)
    out_ref[:, D_IN:] = jnp.where(colpad == 0, 1.0, 0.0)


def _dense1_kernel(acc_ref, xaug_ref, nt_ref, w_ref, rw_ref, rb_ref, out_ref):
    acc = acc_ref[0] + acc_ref[1]
    feats = acc[:NSEG, :D_HID]
    cnt = acc[:NSEG, D_HID:D_HID + 1]
    scaled = feats / jnp.maximum(cnt, 1.0)
    o = jnp.zeros((N2, D_OUT), jnp.float32)
    for i in range(NUM_ET):
        o = o + jnp.dot(scaled[i * N2:(i + 1) * N2], w_ref[i].T,
                        preferred_element_type=jnp.float32)
    x_tgt = xaug_ref[:N2, :D_HID]
    nt = nt_ref[:N2]
    for t in range(NUM_NT):
        r = jnp.dot(x_tgt, rw_ref[t].T, preferred_element_type=jnp.float32)
        r = r + rb_ref[t][None, :]
        o = o + jnp.where(nt == t, r, 0.0)
    m = jnp.max(o, axis=1, keepdims=True)
    e = jnp.exp(o - m)
    lse = jnp.log(jnp.sum(e, axis=1, keepdims=True))
    out_ref[...] = o - m - lse


def _pad_edges(src, dst, et, epad):
    e = src.shape[0]
    pad = epad - e
    src = jnp.concatenate([src.astype(jnp.int32), jnp.zeros((pad,), jnp.int32)])
    dst = jnp.concatenate([dst.astype(jnp.int32),
                           jnp.full((pad,), N1, jnp.int32)])
    et = jnp.concatenate([et.astype(jnp.int32), jnp.zeros((pad,), jnp.int32)])
    return src, dst, et


def kernel(n_id, x_paper, edge_index_0, edge_type_0, edge_index_1, edge_type_1,
           node_type, local_node_idx, emb, rel_W0, root_W0, root_b0,
           rel_W1, root_W1, root_b1):
    src0, dst0, et0 = _pad_edges(edge_index_0[0], edge_index_0[1],
                                 edge_type_0, 262144)
    acc0, xaug, nt1024 = _make_l0_call(262144 // NW, BLK)(
        x_paper, emb, src0, dst0, et0, n_id.astype(jnp.int32),
        node_type.astype(jnp.int32), local_node_idx.astype(jnp.int32))

    nt1000 = nt1024[:N2][:, None]
    h1aug = pl.pallas_call(
        _dense0_kernel,
        out_shape=jax.ShapeDtypeStruct((N2, W), jnp.float32),
    )(acc0, xaug[0, :N2], nt1000, rel_W0, root_W0, root_b0)

    src1, dst1, et1 = _pad_edges(edge_index_1[0], edge_index_1[1],
                                 edge_type_1, 65536)
    acc1 = _make_l1_call(65536 // NW, BLK)(h1aug, src1, dst1, et1)

    out = pl.pallas_call(
        _dense1_kernel,
        out_shape=jax.ShapeDtypeStruct((N2, D_OUT), jnp.float32),
    )(acc1, h1aug, nt1000, rel_W1, root_W1, root_b1)
    return out

# --- scband reference (transcript-rebuilt; emitter-appended) ---
"""Pipeline reference for scband-rgcn-69861938037148 (READ-ONLY COPY).

The authoritative reference and input builder live on the scoring server;
editing this copy changes nothing except your own understanding.
"""

import jax, jax.numpy as jnp
import numpy as np

D_IN = 128
D_HID = 128
D_OUT = 349
N0 = 10000
N1 = 4000
N2 = 1000
NUM_ET = 7
NUM_NT = 4


def _glorot(key, shape):
    fan = shape[-1]
    return (jax.random.normal(key, shape, dtype=jnp.float32) / np.sqrt(fan)).astype(jnp.float32)


def setup_inputs(seed: int = 0) -> dict:
    key = jax.random.key(seed)
    ks = jax.random.split(key, 16)
    n_id = jax.random.randint(ks[0], (N0,), 0, 40000)
    x_paper = jax.random.normal(ks[1], (20000, D_IN), dtype=jnp.float32)
    edge_index_0 = jax.random.randint(ks[2], (2, 256000), 0, N1)
    edge_type_0 = jax.random.randint(ks[3], (256000,), 0, NUM_ET)
    edge_index_1 = jax.random.randint(ks[4], (2, 64000), 0, N2)
    edge_type_1 = jax.random.randint(ks[5], (64000,), 0, NUM_ET)
    node_type = jax.random.randint(ks[6], (40000,), 0, NUM_NT)
    local_node_idx = jax.random.randint(ks[7], (40000,), 0, 4000)
    emb = _glorot(ks[8], (NUM_NT - 1, D_IN))
    rel_W0 = _glorot(ks[9], (NUM_ET, D_HID, D_IN))
    root_W0 = _glorot(ks[10], (NUM_NT, D_HID, D_IN))
    root_b0 = jnp.zeros((NUM_NT, D_HID), jnp.float32)
    rel_W1 = _glorot(ks[11], (NUM_ET, D_OUT, D_HID))
    root_W1 = _glorot(ks[12], (NUM_NT, D_OUT, D_HID))
    root_b1 = jnp.zeros((NUM_NT, D_OUT), jnp.float32)
    return {
        'n_id': n_id, 'x_paper': x_paper,
        'edge_index_0': edge_index_0, 'edge_type_0': edge_type_0,
        'edge_index_1': edge_index_1, 'edge_type_1': edge_type_1,
        'node_type': node_type, 'local_node_idx': local_node_idx,
        'emb': emb,
        'rel_W0': rel_W0, 'root_W0': root_W0, 'root_b0': root_b0,
        'rel_W1': rel_W1, 'root_W1': root_W1, 'root_b1': root_b1,
    }


def _group_input(x_paper, emb, nt, li):
    # h starts at zeros; typed features fill paper nodes, learned embeddings fill the rest
    h = jnp.zeros((nt.shape[0], x_paper.shape[1]), x_paper.dtype)
    gathered = x_paper[jnp.clip(li, 0, x_paper.shape[0] - 1)]
    h = jnp.where((nt == 0)[:, None], gathered, h)
    for t in range(1, NUM_NT):
        h = jnp.where((nt == t)[:, None], emb[t - 1][None, :], h)
    return h


def _rgcn_conv(x_src, x_tgt, edge_index, edge_type, nt_tgt, rel_W, root_W, root_b):
    n_tgt = x_tgt.shape[0]
    d_out = rel_W.shape[1]
    out = jnp.zeros((n_tgt, d_out), x_src.dtype)
    src = edge_index[0]
    dst = edge_index[1]
    # per-edge-type relational linear + mean aggregation at dst (PyG aggr='mean' per propagate call)
    xj_all = x_src[src]
    for i in range(rel_W.shape[0]):
        m = (edge_type == i).astype(x_src.dtype)
        msg = (xj_all @ rel_W[i].T) * m[:, None]
        s = jax.ops.segment_sum(msg, dst, num_segments=n_tgt)
        cnt = jax.ops.segment_sum(m, dst, num_segments=n_tgt)
        out = out + s / jnp.maximum(cnt, 1.0)[:, None]
    # per-node-type root linear
    for t in range(root_W.shape[0]):
        r = x_tgt @ root_W[t].T + root_b[t][None, :]
        out = out + jnp.where((nt_tgt == t)[:, None], r, jnp.zeros_like(r))
    return out


def reference(n_id, x_paper, edge_index_0, edge_type_0, edge_index_1, edge_type_1,
              node_type, local_node_idx, emb, rel_W0, root_W0, root_b0,
              rel_W1, root_W1, root_b1):
    nt = node_type[n_id]
    li = local_node_idx[n_id]
    x = _group_input(x_paper, emb, nt, li)
    # layer 0: size (N0 -> N1)
    x_tgt = x[:N1]
    nt1 = nt[:N1]
    x = _rgcn_conv(x, x_tgt, edge_index_0, edge_type_0, nt1, rel_W0, root_W0, root_b0)
    x = jax.nn.relu(x)
    # dropout is identity in eval / deterministic mode
    # layer 1: size (N1 -> N2)
    x_tgt = x[:N2]
    nt2 = nt1[:N2]
    x = _rgcn_conv(x, x_tgt, edge_index_1, edge_type_1, nt2, rel_W1, root_W1, root_b1)
    return jax.nn.log_softmax(x, axis=-1)

if __name__ == "__main__":
    import jax
    _d = setup_inputs()
    print(jax.jit(kernel)(*tuple(_d.values())))

</pallas_src>

<mosaic_0001>
#map = affine_map<(d0, d1) -> (0, 0)>
#map1 = affine_map<(d0, d1) -> (0)>
#map2 = affine_map<(d0, d1) -> (0, 0, 0)>
module attributes {stable_mosaic.version = 14 : i64} {
  func.func @_agg_kernel(%arg0: i32, %arg1: i32, %arg2: memref<20000x128xf32, #tpu.memory_space<hbm>>, %arg3: memref<3x128xf32, #tpu.memory_space<hbm>>, %arg4: memref<262144xi32, #tpu.memory_space<hbm>>, %arg5: memref<262144xi32, #tpu.memory_space<hbm>>, %arg6: memref<262144xi32, #tpu.memory_space<hbm>>, %arg7: memref<10000xi32, #tpu.memory_space<hbm>>, %arg8: memref<40000xi32, #tpu.memory_space<hbm>>, %arg9: memref<40000xi32, #tpu.memory_space<hbm>>, %arg10: memref<2x7040x144xf32, #tpu.memory_space<hbm>>, %arg11: memref<2x4096x144xf32, #tpu.memory_space<hbm>>, %arg12: memref<1024xi32, #tpu.memory_space<hbm>>, %arg13: memref<256xi32, #tpu.memory_space<vmem>>, %arg14: memref<272xi32, #tpu.memory_space<vmem>>, %arg15: memref<256xi32, #tpu.memory_space<vmem>>, %arg16: memref<128xi32, #tpu.memory_space<vmem>>, %arg17: memref<3x128xf32, #tpu.memory_space<vmem>>, %arg18: memref<64x128xf32, #tpu.memory_space<vmem>>, %arg19: memref<512xi32, #tpu.memory_space<vmem>>, %arg20: memref<512xi32, #tpu.memory_space<vmem>>, %arg21: memref<512xi32, #tpu.memory_space<vmem>>, %arg22: memref<512xi32, #tpu.memory_space<vmem>>, %arg23: memref<512xi32, #tpu.memory_space<vmem>>, %arg24: memref<512xi32, #tpu.memory_space<vmem>>, %arg25: memref<8192xi32, #tpu.memory_space<vmem>>, %arg26: memref<64x128xi32, #tpu.memory_space<vmem>>, %arg27: memref<128x144xf32, #tpu.memory_space<vmem>>, %arg28: memref<128x144xf32, #tpu.memory_space<vmem>>, %arg29: memref<7040x144xf32, #tpu.memory_space<vmem_shared>>, %arg30: memref<!tpu.dma_semaphore, #tpu.memory_space<semaphore_mem>>, %arg31: memref<!tpu.dma_semaphore, #tpu.memory_space<semaphore_mem>>, %arg32: memref<!tpu.dma_semaphore, #tpu.memory_space<semaphore_mem>>, %arg33: memref<!tpu.dma_semaphore, #tpu.memory_space<semaphore_mem>>) attributes {dimension_semantics = [#tpu.dimension_semantics<core_parallel>, #tpu.dimension_semantics<subcore_parallel>], iteration_bounds = array<i64: 2, 16>, scalar_prefetch = 0 : i64, scratch_operands = 21 : i64, tpu.core_type = #tpu.core_type<sc_vector_subcore>, window_params = [{transform_indices = #map}, {transform_indices = #map}, {transform_indices = #map1}, {transform_indices = #map1}, {transform_indices = #map1}, {transform_indices = #map1}, {transform_indices = #map1}, {transform_indices = #map1}, {transform_indices = #map2}, {transform_indices = #map2}, {transform_indices = #map1}]} {
    %mul3A = arith.constant 2 : i32
    %mul3A_0 = arith.muli %arg1, %mul3A : i32
    %add3A = arith.addi %mul3A_0, %arg0 : i32
    %scan3A = arith.constant 0 : i32
    %scan3A_1 = arith.constant 0 : i32
    %scan3A_2 = arith.constant 128 : i32
    %scan3A_3 = arith.addi %scan3A_1, %scan3A_2 : i32
    %scan3A_4 = arith.constant 1 : i32
    scf.for %scan3A_605 = %scan3A_1 to %scan3A_3 step %scan3A_4  : i32 {
      %broadcast_in_dim3A_606 = arith.constant 0.000000e+00 : f32
      %broadcast_in_dim3A_607 = vector.broadcast %broadcast_in_dim3A_606 : f32 to vector<16xf32>
      %swap3A_608 = arith.index_cast %scan3A_605 : i32 to index
      %swap3A_609 = arith.constant 0 : index
      %swap3A_610 = tpu.vector_load %arg27[%swap3A_608, %swap3A_609] {strides = array<i32>} : memref<128x144xf32, #tpu.memory_space<vmem>>, vector<16xf32>,
      tpu.vector_store %arg27[%swap3A_608, %swap3A_609], %broadcast_in_dim3A_607 {strides = array<i32>} : memref<128x144xf32, #tpu.memory_space<vmem>>, vector<16xf32>,
      %broadcast_in_dim3A_611 = arith.constant 0.000000e+00 : f32
      %broadcast_in_dim3A_612 = vector.broadcast %broadcast_in_dim3A_611 : f32 to vector<16xf32>
      %swap3A_613 = arith.index_cast %scan3A_605 : i32 to index
      %swap3A_614 = arith.constant 16 : index
      %swap3A_615 = tpu.vector_load %arg27[%swap3A_613, %swap3A_614] {strides = array<i32>} : memref<128x144xf32, #tpu.memory_space<vmem>>, vector<16xf32>,
      tpu.vector_store %arg27[%swap3A_613, %swap3A_614], %broadcast_in_dim3A_612 {strides = array<i32>} : memref<128x144xf32, #tpu.memory_space<vmem>>, vector<16xf32>,
      %broadcast_in_dim3A_616 = arith.constant 0.000000e+00 : f32
      %broadcast_in_dim3A_617 = vector.broadcast %broadcast_in_dim3A_616 : f32 to vector<16xf32>
      %swap3A_618 = arith.index_cast %scan3A_605 : i32 to index
      %swap3A_619 = arith.constant 32 : index
      %swap3A_620 = tpu.vector_load %arg27[%swap3A_618, %swap3A_619] {strides = array<i32>} : memref<128x144xf32, #tpu.memory_space<vmem>>, vector<16xf32>,
      tpu.vector_store %arg27[%swap3A_618, %swap3A_619], %broadcast_in_dim3A_617 {strides = array<i32>} : memref<128x144xf32, #tpu.memory_space<vmem>>, vector<16xf32>,
      %broadcast_in_dim3A_621 = arith.constant 0.000000e+00 : f32
      %broadcast_in_dim3A_622 = vector.broadcast %broadcast_in_dim3A_621 : f32 to vector<16xf32>
      %swap3A_623 = arith.index_cast %scan3A_605 : i32 to index
      %swap3A_624 = arith.constant 48 : index
      %swap3A_625 = tpu.vector_load %arg27[%swap3A_623, %swap3A_624] {strides = array<i32>} : memref<128x144xf32, #tpu.memory_space<vmem>>, vector<16xf32>,
      tpu.vector_store %arg27[%swap3A_623, %swap3A_624], %broadcast_in_dim3A_622 {strides = array<i32>} : memref<128x144xf32, #tpu.memory_space<vmem>>, vector<16xf32>,
      %broadcast_in_dim3A_626 = arith.constant 0.000000e+00 : f32
      %broadcast_in_dim3A_627 = vector.broadcast %broadcast_in_dim3A_626 : f32 to vector<16xf32>
      %swap3A_628 = arith.index_cast %scan3A_605 : i32 to index
      %swap3A_629 = arith.constant 64 : index
      %swap3A_630 = tpu.vector_load %arg27[%swap3A_628, %swap3A_629] {strides = array<i32>} : memref<128x144xf32, #tpu.memory_space<vmem>>, vector<16xf32>,
      tpu.vector_store %arg27[%swap3A_628, %swap3A_629], %broadcast_in_dim3A_627 {strides = array<i32>} : memref<128x144xf32, #tpu.memory_space<vmem>>, vector<16xf32>,
      %broadcast_in_dim3A_631 = arith.constant 0.000000e+00 : f32
      %broadcast_in_dim3A_632 = vector.broadcast %broadcast_in_dim3A_631 : f32 to vector<16xf32>
      %swap3A_633 = arith.index_cast %scan3A_605 : i32 to index
      %swap3A_634 = arith.constant 80 : index
      %swap3A_635 = tpu.vector_load %arg27[%swap3A_633, %swap3A_634] {strides = array<i32>} : memref<128x144xf32, #tpu.memory_space<vmem>>, vector<16xf32>,
      tpu.vector_store %arg27[%swap3A_633, %swap3A_634], %broadcast_in_dim3A_632 {strides = array<i32>} : memref<128x144xf32, #tpu.memory_space<vmem>>, vector<16xf32>,
      %broadcast_in_dim3A_636 = arith.constant 0.000000e+00 : f32
      %broadcast_in_dim3A_637 = vector.broadcast %broadcast_in_dim3A_636 : f32 to vector<16xf32>
      %swap3A_638 = arith.index_cast %scan3A_605 : i32 to index
      %swap3A_639 = arith.constant 96 : index
      %swap3A_640 = tpu.vector_load %arg27[%swap3A_638, %swap3A_639] {strides = array<i32>} : memref<128x144xf32, #tpu.memory_space<vmem>>, vector<16xf32>,
      tpu.vector_store %arg27[%swap3A_638, %swap3A_639], %broadcast_in_dim3A_637 {strides = array<i32>} : memref<128x144xf32, #tpu.memory_space<vmem>>, vector<16xf32>,
      %broadcast_in_dim3A_641 = arith.constant 0.000000e+00 : f32
      %broadcast_in_dim3A_642 = vector.broadcast %broadcast_in_dim3A_641 : f32 to vector<16xf32>
      %swap3A_643 = arith.index_cast %scan3A_605 : i32 to index
      %swap3A_644 = arith.constant 112 : index
      %swap3A_645 = tpu.vector_load %arg27[%swap3A_643, %swap3A_644] {strides = array<i32>} : memref<128x144xf32, #tpu.memory_space<vmem>>, vector<16xf32>,
      tpu.vector_store %arg27[%swap3A_643, %swap3A_644], %broadcast_in_dim3A_642 {strides = array<i32>} : memref<128x144xf32, #tpu.memory_space<vmem>>, vector<16xf32>,
      %broadcast_in_dim3A_646 = arith.constant 0.000000e+00 : f32
      %broadcast_in_dim3A_647 = vector.broadcast %broadcast_in_dim3A_646 : f32 to vector<16xf32>
      %swap3A_648 = arith.index_cast %scan3A_605 : i32 to index
      %swap3A_649 = arith.constant 128 : index
      %swap3A_650 = tpu.vector_load %arg27[%swap3A_648, %swap3A_649] {strides = array<i32>} : memref<128x144xf32, #tpu.memory_space<vmem>>, vector<16xf32>,
      tpu.vector_store %arg27[%swap3A_648, %swap3A_649], %broadcast_in_dim3A_647 {strides = array<i32>} : memref<128x144xf32, #tpu.memory_space<vmem>>, vector<16xf32>,
    }
    %scan3A_5 = arith.constant 128 : i32
    %mul3A_6 = arith.constant 440 : i32
    %mul3A_7 = arith.muli %arg1, %mul3A_6 : i32
    %add3A_8 = arith.constant 0 : i32
    %add3A_9 = arith.addi %mul3A_7, %add3A_8 : i32
    "tpu.region"() ({
      %run_scoped3A = tpu.sem_alloc : memref<!tpu.dma_semaphore, #tpu.memory_space<semaphore_mem>>
      %dma_start3A_605 = arith.constant 0 : i32
      %dma_start3A_606 = tpu.memref_slice %arg29[%add3A_9, %dma_start3A_605] : memref<7040x144xf32, #tpu.memory_space<vmem_shared>> -> memref<128x144xf32, #tpu.memory_space<vmem_shared>>
      %dma_start3A_607 = arith.constant 0 : i32
      %dma_start3A_608 = tpu.memref_slice %arg29[%add3A_9, %dma_start3A_607] : memref<7040x144xf32, #tpu.memory_space<vmem_shared>> -> memref<128x144xf32, #tpu.memory_space<vmem_shared>>
      tpu.enqueue_dma source(%arg27 : memref<128x144xf32, #tpu.memory_space<vmem>>) target(%dma_start3A_608 : memref<128x144xf32, #tpu.memory_space<vmem_shared>>) target_semaphore(%run_scoped3A : memref<!tpu.dma_semaphore, #tpu.memory_space<semaphore_mem>>)
      %dma_wait3A_609 = arith.constant 0 : i32
      %dma_wait3A_610 = tpu.memref_slice %arg29[%add3A_9, %dma_wait3A_609] : memref<7040x144xf32, #tpu.memory_space<vmem_shared>> -> memref<128x144xf32, #tpu.memory_space<vmem_shared>>
      %dma_wait3A_611 = arith.constant 0 : i32
      %dma_wait3A_612 = tpu.memref_slice %arg29[%add3A_9, %dma_wait3A_611] : memref<7040x144xf32, #tpu.memory_space<vmem_shared>> -> memref<128x144xf32, #tpu.memory_space<vmem_shared>>
      tpu.wait_dma2 semaphore(%run_scoped3A : memref<!tpu.dma_semaphore, #tpu.memory_space<semaphore_mem>>) src(%arg27 : memref<128x144xf32, #tpu.memory_space<vmem>>) dst(%dma_wait3A_612 : memref<128x144xf32, #tpu.memory_space<vmem_shared>>)
      tpu.yield
    }) : () -> ()
    %add3A_10 = arith.constant 128 : i32
    %add3A_11 = arith.addi %mul3A_7, %add3A_10 : i32
    "tpu.region"() ({
      %run_scoped3A = tpu.sem_alloc : memref<!tpu.dma_semaphore, #tpu.memory_space<semaphore_mem>>
      %dma_start3A_605 = arith.constant 0 : i32
      %dma_start3A_606 = tpu.memref_slice %arg29[%add3A_11, %dma_start3A_605] : memref<7040x144xf32, #tpu.memory_space<vmem_shared>> -> memref<128x144xf32, #tpu.memory_space<vmem_shared>>
      %dma_start3A_607 = arith.constant 0 : i32
      %dma_start3A_608 = tpu.memref_slice %arg29[%add3A_11, %dma_start3A_607] : memref<7040x144xf32, #tpu.memory_space<vmem_shared>> -> memref<128x144xf32, #tpu.memory_space<vmem_shared>>
      tpu.enqueue_dma source(%arg27 : memref<128x144xf32, #tpu.memory_space<vmem>>) target(%dma_start3A_608 : memref<128x144xf32, #tpu.memory_space<vmem_shared>>) target_semaphore(%run_scoped3A : memref<!tpu.dma_semaphore, #tpu.memory_space<semaphore_mem>>)
      %dma_wait3A_609 = arith.constant 0 : i32
      %dma_wait3A_610 = tpu.memref_slice %arg29[%add3A_11, %dma_wait3A_609] : memref<7040x144xf32, #tpu.memory_space<vmem_shared>> -> memref<128x144xf32, #tpu.memory_space<vmem_shared>>
      %dma_wait3A_611 = arith.constant 0 : i32
      %dma_wait3A_612 = tpu.memref_slice %arg29[%add3A_11, %dma_wait3A_611] : memref<7040x144xf32, #tpu.memory_space<vmem_shared>> -> memref<128x144xf32, #tpu.memory_space<vmem_shared>>
      tpu.wait_dma2 semaphore(%run_scoped3A : memref<!tpu.dma_semaphore, #tpu.memory_space<semaphore_mem>>) src(%arg27 : memref<128x144xf32, #tpu.memory_space<vmem>>) dst(%dma_wait3A_612 : memref<128x144xf32, #tpu.memory_space<vmem_shared>>)
      tpu.yield
    }) : () -> ()
    %add3A_12 = arith.constant 256 : i32
    %add3A_13 = arith.addi %mul3A_7, %add3A_12 : i32
    "tpu.region"() ({
      %run_scoped3A = tpu.sem_alloc : memref<!tpu.dma_semaphore, #tpu.memory_space<semaphore_mem>>
      %dma_start3A_605 = arith.constant 0 : i32
      %dma_start3A_606 = tpu.memref_slice %arg29[%add3A_13, %dma_start3A_605] : memref<7040x144xf32, #tpu.memory_space<vmem_shared>> -> memref<128x144xf32, #tpu.memory_space<vmem_shared>>
      %dma_start3A_607 = arith.constant 0 : i32
      %dma_start3A_608 = tpu.memref_slice %arg29[%add3A_13, %dma_start3A_607] : memref<7040x144xf32, #tpu.memory_space<vmem_shared>> -> memref<128x144xf32, #tpu.memory_space<vmem_shared>>
      tpu.enqueue_dma source(%arg27 : memref<128x144xf32, #tpu.memory_space<vmem>>) target(%dma_start3A_608 : memref<128x144xf32, #tpu.memory_space<vmem_shared>>) target_semaphore(%run_scoped3A : memref<!tpu.dma_semaphore, #tpu.memory_space<semaphore_mem>>)
      %dma_wait3A_609 = arith.constant 0 : i32
      %dma_wait3A_610 = tpu.memref_slice %arg29[%add3A_13, %dma_wait3A_609] : memref<7040x144xf32, #tpu.memory_space<vmem_shared>> -> memref<128x144xf32, #tpu.memory_space<vmem_shared>>
      %dma_wait3A_611 = arith.constant 0 : i32
      %dma_wait3A_612 = tpu.memref_slice %arg29[%add3A_13, %dma_wait3A_611] : memref<7040x144xf32, #tpu.memory_space<vmem_shared>> -> memref<128x144xf32, #tpu.memory_space<vmem_shared>>
      tpu.wait_dma2 semaphore(%run_scoped3A : memref<!tpu.dma_semaphore, #tpu.memory_space<semaphore_mem>>) src(%arg27 : memref<128x144xf32, #tpu.memory_space<vmem>>) dst(%dma_wait3A_612 : memref<128x144xf32, #tpu.memory_space<vmem_shared>>)
      tpu.yield
    }) : () -> ()
    %add3A_14 = arith.constant 384 : i32
    %add3A_15 = arith.addi %mul3A_7, %add3A_14 : i32
    "tpu.region"() ({
      %run_scoped3A = tpu.sem_alloc : memref<!tpu.dma_semaphore, #tpu.memory_space<semaphore_mem>>
      %dma_start3A_605 = arith.constant 0 : i32
      %dma_start3A_606 = arith.constant 0 : i32
      %dma_start3A_607 = tpu.memref_slice %arg27[%dma_start3A_605, %dma_start3A_606] : memref<128x144xf32, #tpu.memory_space<vmem>> -> memref<56x144xf32, #tpu.memory_space<vmem>>
      %dma_start3A_608 = arith.constant 0 : i32
      %dma_start3A_609 = tpu.memref_slice %arg29[%add3A_15, %dma_start3A_608] : memref<7040x144xf32, #tpu.memory_space<vmem_shared>> -> memref<56x144xf32, #tpu.memory_space<vmem_shared>>
      %dma_start3A_610 = arith.constant 0 : i32
      %dma_start3A_611 = tpu.memref_slice %arg29[%add3A_15, %dma_start3A_610] : memref<7040x144xf32, #tpu.memory_space<vmem_shared>> -> memref<56x144xf32, #tpu.memory_space<vmem_shared>>
      %dma_start3A_612 = arith.constant 0 : i32
      %dma_start3A_613 = arith.constant 0 : i32
      %dma_start3A_614 = tpu.memref_slice %arg27[%dma_start3A_612, %dma_start3A_613] : memref<128x144xf32, #tpu.memory_space<vmem>> -> memref<56x144xf32, #tpu.memory_space<vmem>>
      tpu.enqueue_dma source(%dma_start3A_614 : memref<56x144xf32, #tpu.memory_space<vmem>>) target(%dma_start3A_611 : memref<56x144xf32, #tpu.memory_space<vmem_shared>>) target_semaphore(%run_scoped3A : memref<!tpu.dma_semaphore, #tpu.memory_space<semaphore_mem>>)
      %dma_wait3A_615 = arith.constant 0 : i32
      %dma_wait3A_616 = arith.constant 0 : i32
      %dma_wait3A_617 = tpu.memref_slice %arg27[%dma_wait3A_615, %dma_wait3A_616] : memref<128x144xf32, #tpu.memory_space<vmem>> -> memref<56x144xf32, #tpu.memory_space<vmem>>
      %dma_wait3A_618 = arith.constant 0 : i32
      %dma_wait3A_619 = tpu.memref_slice %arg29[%add3A_15, %dma_wait3A_618] : memref<7040x144xf32, #tpu.memory_space<vmem_shared>> -> memref<56x144xf32, #tpu.memory_space<vmem_shared>>
      %dma_wait3A_620 = arith.constant 0 : i32
      %dma_wait3A_621 = tpu.memref_slice %arg29[%add3A_15, %dma_wait3A_620] : memref<7040x144xf32, #tpu.memory_space<vmem_shared>> -> memref<56x144xf32, #tpu.memory_space<vmem_shared>>
      %dma_wait3A_622 = arith.constant 0 : i32
      %dma_wait3A_623 = arith.constant 0 : i32
      %dma_wait3A_624 = tpu.memref_slice %arg27[%dma_wait3A_622, %dma_wait3A_623] : memref<128x144xf32, #tpu.memory_space<vmem>> -> memref<56x144xf32, #tpu.memory_space<vmem>>
      tpu.wait_dma2 semaphore(%run_scoped3A : memref<!tpu.dma_semaphore, #tpu.memory_space<semaphore_mem>>) src(%dma_wait3A_624 : memref<56x144xf32, #tpu.memory_space<vmem>>) dst(%dma_wait3A_621 : memref<56x144xf32, #tpu.memory_space<vmem_shared>>)
      tpu.yield
    }) : () -> ()
    "tpu.region"() ({
      %run_scoped3A = tpu.sem_alloc : memref<!tpu.dma_semaphore, #tpu.memory_space<semaphore_mem>>
      tpu.enqueue_dma source(%arg3 : memref<3x128xf32, #tpu.memory_space<hbm>>) target(%arg17 : memref<3x128xf32, #tpu.memory_space<vmem>>) target_semaphore(%run_scoped3A : memref<!tpu.dma_semaphore, #tpu.memory_space<semaphore_mem>>)
      tpu.wait_dma2 semaphore(%run_scoped3A : memref<!tpu.dma_semaphore, #tpu.memory_space<semaphore_mem>>) src(%arg3 : memref<3x128xf32, #tpu.memory_space<hbm>>) dst(%arg17 : memref<3x128xf32, #tpu.memory_space<vmem>>)
      tpu.yield
    }) : () -> ()
    %mul3A_16 = arith.constant 256 : i32
    %mul3A_17 = arith.muli %arg1, %mul3A_16 : i32
    "tpu.region"() ({
      %run_scoped3A = tpu.sem_alloc : memref<!tpu.dma_semaphore, #tpu.memory_space<semaphore_mem>>
      %dma_start3A_605 = tpu.memref_slice %arg7[%mul3A_17] : memref<10000xi32, #tpu.memory_space<hbm>> -> memref<256xi32, #tpu.memory_space<hbm>>
      %dma_start3A_606 = tpu.memref_slice %arg7[%mul3A_17] : memref<10000xi32, #tpu.memory_space<hbm>> -> memref<256xi32, #tpu.memory_space<hbm>>
      tpu.enqueue_dma source(%dma_start3A_606 : memref<256xi32, #tpu.memory_space<hbm>>) target(%arg13 : memref<256xi32, #tpu.memory_space<vmem>>) target_semaphore(%run_scoped3A : memref<!tpu.dma_semaphore, #tpu.memory_space<semaphore_mem>>)
      %dma_wait3A_607 = tpu.memref_slice %arg7[%mul3A_17] : memref<10000xi32, #tpu.memory_space<hbm>> -> memref<256xi32, #tpu.memory_space<hbm>>
      %dma_wait3A_608 = tpu.memref_slice %arg7[%mul3A_17] : memref<10000xi32, #tpu.memory_space<hbm>> -> memref<256xi32, #tpu.memory_space<hbm>>
      tpu.wait_dma2 semaphore(%run_scoped3A : memref<!tpu.dma_semaphore, #tpu.memory_space<semaphore_mem>>) src(%dma_wait3A_608 : memref<256xi32, #tpu.memory_space<hbm>>) dst(%arg13 : memref<256xi32, #tpu.memory_space<vmem>>)
      tpu.yield
    }) : () -> ()
    %dma_start3A = arith.constant 0 : i32
    %dma_start3A_18 = tpu.memref_slice %arg14[%dma_start3A] : memref<272xi32, #tpu.memory_space<vmem>> -> memref<64xi32, #tpu.memory_space<vmem>>
    %dma_start3A_19 = arith.constant 0 : i32
    %dma_start3A_20 = tpu.memref_slice %arg13[%dma_start3A_19] : memref<256xi32, #tpu.memory_space<vmem>> -> memref<64xi32, #tpu.memory_space<vmem>>
    %dma_start3A_21 = arith.constant 0 : i32
    %dma_start3A_22 = tpu.memref_slice %arg8[%dma_start3A_21] : memref<40000xi32, #tpu.memory_space<hbm>> -> memref<40000xi32, #tpu.memory_space<hbm>>
    tpu.enqueue_indirect_dma source(%dma_start3A_22 : memref<40000xi32, #tpu.memory_space<hbm>>) target(%dma_start3A_18 : memref<64xi32, #tpu.memory_space<vmem>>) offsets(%dma_start3A_20 : memref<64xi32, #tpu.memory_space<vmem>>) semaphore(%arg32 : memref<!tpu.dma_semaphore, #tpu.memory_space<semaphore_mem>>)
    %dma_start3A_23 = arith.constant 0 : i32
    %dma_start3A_24 = tpu.memref_slice %arg15[%dma_start3A_23] : memref<256xi32, #tpu.memory_space<vmem>> -> memref<64xi32, #tpu.memory_space<vmem>>
    %dma_start3A_25 = arith.constant 0 : i32
    %dma_start3A_26 = tpu.memref_slice %arg13[%dma_start3A_25] : memref<256xi32, #tpu.memory_space<vmem>> -> memref<64xi32, #tpu.memory_space<vmem>>
    %dma_start3A_27 = arith.constant 0 : i32
    %dma_start3A_28 = tpu.memref_slice %arg9[%dma_start3A_27] : memref<40000xi32, #tpu.memory_space<hbm>> -> memref<40000xi32, #tpu.memory_space<hbm>>
    tpu.enqueue_indirect_dma source(%dma_start3A_28 : memref<40000xi32, #tpu.memory_space<hbm>>) target(%dma_start3A_24 : memref<64xi32, #tpu.memory_space<vmem>>) offsets(%dma_start3A_26 : memref<64xi32, #tpu.memory_space<vmem>>) semaphore(%arg32 : memref<!tpu.dma_semaphore, #tpu.memory_space<semaphore_mem>>)
    %iota3A = tpu.iota {dimensions = array<i32: 0>} : vector<16xi32>
    %eq3A = arith.constant 0 : i32
    %eq3A_29 = vector.broadcast %eq3A : i32 to vector<16xi32>
    %eq3A_30 = arith.cmpi eq, %iota3A, %eq3A_29 : vector<16xi32>
    %broadcast_in_dim3A = arith.constant 1.000000e+00 : f32
    %broadcast_in_dim3A_31 = vector.broadcast %broadcast_in_dim3A : f32 to vector<16xf32>
    %broadcast_in_dim3A_32 = arith.constant 0.000000e+00 : f32
    %broadcast_in_dim3A_33 = vector.broadcast %broadcast_in_dim3A_32 : f32 to vector<16xf32>
    %select_n3A = arith.select %eq3A_30, %broadcast_in_dim3A_31, %broadcast_in_dim3A_33 : vector<16xi1>, vector<16xf32>
    %mul3A_34 = arith.constant 256 : i32
    %mul3A_35 = arith.muli %arg1, %mul3A_34 : i32
    %add3A_36 = arith.constant 0 : i32
    %add3A_37 = arith.addi %mul3A_35, %add3A_36 : i32
    %dma_wait3A = arith.constant 0 : i32
    %dma_wait3A_38 = tpu.memref_slice %arg14[%dma_wait3A] : memref<272xi32, #tpu.memory_space<vmem>> -> memref<64xi32, #tpu.memory_space<vmem>>
    %dma_wait3A_39 = arith.constant 0 : i32
    %dma_wait3A_40 = tpu.memref_slice %arg13[%dma_wait3A_39] : memref<256xi32, #tpu.memory_space<vmem>> -> memref<64xi32, #tpu.memory_space<vmem>>
    %dma_wait3A_41 = arith.constant 0 : i32
    %dma_wait3A_42 = tpu.memref_slice %arg8[%dma_wait3A_41] : memref<40000xi32, #tpu.memory_space<hbm>> -> memref<40000xi32, #tpu.memory_space<hbm>>
    tpu.wait_indirect_dma semaphore(%arg32 : memref<!tpu.dma_semaphore, #tpu.memory_space<semaphore_mem>>) src(%dma_wait3A_42 : memref<40000xi32, #tpu.memory_space<hbm>>) dst(%dma_wait3A_38 : memref<64xi32, #tpu.memory_space<vmem>>)
    %dma_wait3A_43 = arith.constant 0 : i32
    %dma_wait3A_44 = tpu.memref_slice %arg14[%dma_wait3A_43] : memref<272xi32, #tpu.memory_space<vmem>> -> memref<64xi32, #tpu.memory_space<vmem>>
    %dma_wait3A_45 = arith.constant 0 : i32
    %dma_wait3A_46 = tpu.memref_slice %arg13[%dma_wait3A_45] : memref<256xi32, #tpu.memory_space<vmem>> -> memref<64xi32, #tpu.memory_space<vmem>>
    %dma_wait3A_47 = arith.constant 0 : i32
    %dma_wait3A_48 = tpu.memref_slice %arg8[%dma_wait3A_47] : memref<40000xi32, #tpu.memory_space<hbm>> -> memref<40000xi32, #tpu.memory_space<hbm>>
    tpu.wait_indirect_dma semaphore(%arg32 : memref<!tpu.dma_semaphore, #tpu.memory_space<semaphore_mem>>) src(%dma_wait3A_48 : memref<40000xi32, #tpu.memory_space<hbm>>) dst(%dma_wait3A_44 : memref<64xi32, #tpu.memory_space<vmem>>)
    %dma_start3A_49 = arith.constant 64 : i32
    %dma_start3A_50 = tpu.memref_slice %arg14[%dma_start3A_49] : memref<272xi32, #tpu.memory_space<vmem>> -> memref<64xi32, #tpu.memory_space<vmem>>
    %dma_start3A_51 = arith.constant 64 : i32
    %dma_start3A_52 = tpu.memref_slice %arg13[%dma_start3A_51] : memref<256xi32, #tpu.memory_space<vmem>> -> memref<64xi32, #tpu.memory_space<vmem>>
    %dma_start3A_53 = arith.constant 0 : i32
    %dma_start3A_54 = tpu.memref_slice %arg8[%dma_start3A_53] : memref<40000xi32, #tpu.memory_space<hbm>> -> memref<40000xi32, #tpu.memory_space<hbm>>
    tpu.enqueue_indirect_dma source(%dma_start3A_54 : memref<40000xi32, #tpu.memory_space<hbm>>) target(%dma_start3A_50 : memref<64xi32, #tpu.memory_space<vmem>>) offsets(%dma_start3A_52 : memref<64xi32, #tpu.memory_space<vmem>>) semaphore(%arg33 : memref<!tpu.dma_semaphore, #tpu.memory_space<semaphore_mem>>)
    %dma_start3A_55 = arith.constant 64 : i32
    %dma_start3A_56 = tpu.memref_slice %arg15[%dma_start3A_55] : memref<256xi32, #tpu.memory_space<vmem>> -> memref<64xi32, #tpu.memory_space<vmem>>
    %dma_start3A_57 = arith.constant 64 : i32
    %dma_start3A_58 = tpu.memref_slice %arg13[%dma_start3A_57] : memref<256xi32, #tpu.memory_space<vmem>> -> memref<64xi32, #tpu.memory_space<vmem>>
    %dma_start3A_59 = arith.constant 0 : i32
    %dma_start3A_60 = tpu.memref_slice %arg9[%dma_start3A_59] : memref<40000xi32, #tpu.memory_space<hbm>> -> memref<40000xi32, #tpu.memory_space<hbm>>
    tpu.enqueue_indirect_dma source(%dma_start3A_60 : memref<40000xi32, #tpu.memory_space<hbm>>) target(%dma_start3A_56 : memref<64xi32, #tpu.memory_space<vmem>>) offsets(%dma_start3A_58 : memref<64xi32, #tpu.memory_space<vmem>>) semaphore(%arg33 : memref<!tpu.dma_semaphore, #tpu.memory_space<semaphore_mem>>)
    %scan3A_61 = arith.constant 0 : i32
    %scan3A_62 = arith.constant 0 : i32
    %scan3A_63 = arith.constant 4 : i32
    %scan3A_64 = arith.addi %scan3A_62, %scan3A_63 : i32
    %scan3A_65 = arith.constant 1 : i32
    scf.for %scan3A_605 = %scan3A_62 to %scan3A_64 step %scan3A_65  : i32 {
      %mul3A_606 = arith.constant 16 : i32
      %mul3A_607 = arith.muli %scan3A_605, %mul3A_606 : i32
      %add3A_608 = arith.constant 0 : i32
      %add3A_609 = arith.addi %add3A_608, %mul3A_607 : i32
      %get3A_610 = arith.index_cast %add3A_609 : i32 to index
      %get3A_611 = tpu.vector_load %arg15[%get3A_610] {strides = array<i32>} : memref<256xi32, #tpu.memory_space<vmem>>, vector<16xi32>,
      %jit3A_612 = arith.constant 0 : i32
      %jit3A_613 = arith.constant 19999 : i32
      %max3A = vector.broadcast %jit3A_612 : i32 to vector<16xi32>
      %max3A_614 = arith.maxsi %max3A, %get3A_611 : vector<16xi32>
      %min3A_615 = vector.broadcast %jit3A_613 : i32 to vector<16xi32>
      %min3A_616 = arith.minsi %min3A_615, %max3A_614 : vector<16xi32>
      %mul3A_617 = arith.constant 16 : i32
      %mul3A_618 = arith.muli %scan3A_605, %mul3A_617 : i32
      %swap3A_619 = arith.index_cast %mul3A_618 : i32 to index
      %swap3A_620 = tpu.vector_load %arg16[%swap3A_619] {strides = array<i32>} : memref<128xi32, #tpu.memory_space<vmem>>, vector<16xi32>,
      tpu.vector_store %arg16[%swap3A_619], %min3A_616 {strides = array<i32>} : memref<128xi32, #tpu.memory_space<vmem>>, vector<16xi32>,
    }
    %scan3A_66 = arith.constant 4 : i32
    %dma_start3A_67 = arith.constant 0 : i32
    %dma_start3A_68 = tpu.memref_slice %arg16[%dma_start3A_67] : memref<128xi32, #tpu.memory_space<vmem>> -> memref<64xi32, #tpu.memory_space<vmem>>
    %dma_start3A_69 = arith.constant 0 : i32
    %dma_start3A_70 = arith.constant 0 : i32
    %dma_start3A_71 = tpu.memref_slice %arg2[%dma_start3A_69, %dma_start3A_70] : memref<20000x128xf32, #tpu.memory_space<hbm>> -> memref<20000x128xf32, #tpu.memory_space<hbm>>
    tpu.enqueue_indirect_dma source(%dma_start3A_71 : memref<20000x128xf32, #tpu.memory_space<hbm>>) target(%arg18 : memref<64x128xf32, #tpu.memory_space<vmem>>) offsets(%dma_start3A_68 : memref<64xi32, #tpu.memory_space<vmem>>) semaphore(%arg30 : memref<!tpu.dma_semaphore, #tpu.memory_space<semaphore_mem>>)
    %dma_wait3A_72 = arith.constant 0 : i32
    %dma_wait3A_73 = tpu.memref_slice %arg16[%dma_wait3A_72] : memref<128xi32, #tpu.memory_space<vmem>> -> memref<64xi32, #tpu.memory_space<vmem>>
    %dma_wait3A_74 = arith.constant 0 : i32
    %dma_wait3A_75 = arith.constant 0 : i32
    %dma_wait3A_76 = tpu.memref_slice %arg2[%dma_wait3A_74, %dma_wait3A_75] : memref<20000x128xf32, #tpu.memory_space<hbm>> -> memref<20000x128xf32, #tpu.memory_space<hbm>>
    tpu.wait_indirect_dma semaphore(%arg30 : memref<!tpu.dma_semaphore, #tpu.memory_space<semaphore_mem>>) src(%dma_wait3A_76 : memref<20000x128xf32, #tpu.memory_space<hbm>>) dst(%arg18 : memref<64x128xf32, #tpu.memory_space<vmem>>)
    %scan3A_77 = arith.constant 0 : i32
    %scan3A_78 = arith.constant 0 : i32
    %scan3A_79 = arith.constant 64 : i32
    %scan3A_80 = arith.addi %scan3A_78, %scan3A_79 : i32
    %scan3A_81 = arith.constant 1 : i32
    scf.for %scan3A_605 = %scan3A_78 to %scan3A_80 step %scan3A_81  : i32 {
      %add3A_606 = arith.constant 0 : i32
      %add3A_607 = arith.addi %add3A_606, %scan3A_605 : i32
      %get3A_608 = arith.index_cast %add3A_607 : i32 to index
      %get3A_609 = tpu.vector_load %arg14[%get3A_608] {strides = array<i32>} : memref<272xi32, #tpu.memory_space<vmem>>, vector<16xi32>,
      %slice3A = vector.extract_strided_slice %get3A_609 {offsets = [0], sizes = [1], strides = [1]} : vector<16xi32> to vector<1xi32>
      %squeeze3A = vector.extract %slice3A[0] : i32 from vector<1xi32>
      %eq3A_610 = arith.constant 0 : i32
      %eq3A_611 = arith.cmpi eq, %squeeze3A, %eq3A_610 : i32
      %convert_element_type3A_612 = arith.extui %eq3A_611 : i1 to i32
      %cond3A_613 = arith.constant 0 : i32
      %cond3A_614 = arith.cmpi ne, %convert_element_type3A_612, %cond3A_613 : i32
      scf.if %cond3A_614 {
        %get3A_623 = arith.index_cast %scan3A_605 : i32 to index
        %get3A_624 = arith.constant 0 : index
        %get3A_625 = tpu.vector_load %arg18[%get3A_623, %get3A_624] {strides = array<i32>} : memref<64x128xf32, #tpu.memory_space<vmem>>, vector<16xf32>,
        %swap3A_626 = arith.index_cast %scan3A_605 : i32 to index
        %swap3A_627 = arith.constant 0 : index
        %swap3A_628 = tpu.vector_load %arg28[%swap3A_626, %swap3A_627] {strides = array<i32>} : memref<128x144xf32, #tpu.memory_space<vmem>>, vector<16xf32>,
        tpu.vector_store %arg28[%swap3A_626, %swap3A_627], %get3A_625 {strides = array<i32>} : memref<128x144xf32, #tpu.memory_space<vmem>>, vector<16xf32>,
        %get3A_629 = arith.index_cast %scan3A_605 : i32 to index
        %get3A_630 = arith.constant 16 : index
        %get3A_631 = tpu.vector_load %arg18[%get3A_629, %get3A_630] {strides = array<i32>} : memref<64x128xf32, #tpu.memory_space<vmem>>, vector<16xf32>,
        %swap3A_632 = arith.index_cast %scan3A_605 : i32 to index
        %swap3A_633 = arith.constant 16 : index
        %swap3A_634 = tpu.vector_load %arg28[%swap3A_632, %swap3A_633] {strides = array<i32>} : memref<128x144xf32, #tpu.memory_space<vmem>>, vector<16xf32>,
        tpu.vector_store %arg28[%swap3A_632, %swap3A_633], %get3A_631 {strides = array<i32>} : memref<128x144xf32, #tpu.memory_space<vmem>>, vector<16xf32>,
        %get3A_635 = arith.index_cast %scan3A_605 : i32 to index
        %get3A_636 = arith.constant 32 : index
        %get3A_637 = tpu.vector_load %arg18[%get3A_635, %get3A_636] {strides = array<i32>} : memref<64x128xf32, #tpu.memory_space<vmem>>, vector<16xf32>,
        %swap3A_638 = arith.index_cast %scan3A_605 : i32 to index
        %swap3A_639 = arith.constant 32 : index
        %swap3A_640 = tpu.vector_load %arg28[%swap3A_638, %swap3A_639] {strides = array<i32>} : memref<128x144xf32, #tpu.memory_space<vmem>>, vector<16xf32>,
        tpu.vector_store %arg28[%swap3A_638, %swap3A_639], %get3A_637 {strides = array<i32>} : memref<128x144xf32, #tpu.memory_space<vmem>>, vector<16xf32>,
        %get3A_641 = arith.index_cast %scan3A_605 : i32 to index
        %get3A_642 = arith.constant 48 : index
        %get3A_643 = tpu.vector_load %arg18[%get3A_641, %get3A_642] {strides = array<i32>} : memref<64x128xf32, #tpu.memory_space<vmem>>, vector<16xf32>,
        %swap3A_644 = arith.index_cast %scan3A_605 : i32 to index
        %swap3A_645 = arith.constant 48 : index
        %swap3A_646 = tpu.vector_load %arg28[%swap3A_644, %swap3A_645] {strides = array<i32>} : memref<128x144xf32, #tpu.memory_space<vmem>>, vector<16xf32>,
        tpu.vector_store %arg28[%swap3A_644, %swap3A_645], %get3A_643 {strides = array<i32>} : memref<128x144xf32, #tpu.memory_space<vmem>>, vector<16xf32>,
        %get3A_647 = arith.index_cast %scan3A_605 : i32 to index
        %get3A_648 = arith.constant 64 : index
        %get3A_649 = tpu.vector_load %arg18[%get3A_647, %get3A_648] {strides = array<i32>} : memref<64x128xf32, #tpu.memory_space<vmem>>, vector<16xf32>,
        %swap3A_650 = arith.index_cast %scan3A_605 : i32 to index
        %swap3A_651 = arith.constant 64 : index
        %swap3A_652 = tpu.vector_load %arg28[%swap3A_650, %swap3A_651] {strides = array<i32>} : memref<128x144xf32, #tpu.memory_space<vmem>>, vector<16xf32>,
        tpu.vector_store %arg28[%swap3A_650, %swap3A_651], %get3A_649 {strides = array<i32>} : memref<128x144xf32, #tpu.memory_space<vmem>>, vector<16xf32>,
        %get3A_653 = arith.index_cast %scan3A_605 : i32 to index
        %get3A_654 = arith.constant 80 : index
        %get3A_655 = tpu.vector_load %arg18[%get3A_653, %get3A_654] {strides = array<i32>} : memref<64x128xf32, #tpu.memory_space<vmem>>, vector<16xf32>,
        %swap3A_656 = arith.index_cast %scan3A_605 : i32 to index
        %swap3A_657 = arith.constant 80 : index
        %swap3A_658 = tpu.vector_load %arg28[%swap3A_656, %swap3A_657] {strides = array<i32>} : memref<128x144xf32, #tpu.memory_space<vmem>>, vector<16xf32>,
        tpu.vector_store %arg28[%swap3A_656, %swap3A_657], %get3A_655 {strides = array<i32>} : memref<128x144xf32, #tpu.memory_space<vmem>>, vector<16xf32>,
        %get3A_659 = arith.index_cast %scan3A_605 : i32 to index
        %get3A_660 = arith.constant 96 : index
        %get3A_661 = tpu.vector_load %arg18[%get3A_659, %get3A_660] {strides = array<i32>} : memref<64x128xf32, #tpu.memory_space<vmem>>, vector<16xf32>,
        %swap3A_662 = arith.index_cast %scan3A_605 : i32 to index
        %swap3A_663 = arith.constant 96 : index
        %swap3A_664 = tpu.vector_load %arg28[%swap3A_662, %swap3A_663] {strides = array<i32>} : memref<128x144xf32, #tpu.memory_space<vmem>>, vector<16xf32>,
        tpu.vector_store %arg28[%swap3A_662, %swap3A_663], %get3A_661 {strides = array<i32>} : memref<128x144xf32, #tpu.memory_space<vmem>>, vector<16xf32>,
        %get3A_665 = arith.index_cast %scan3A_605 : i32 to index
        %get3A_666 = arith.constant 112 : index
        %get3A_667 = tpu.vector_load %arg18[%get3A_665, %get3A_666] {strides = array<i32>} : memref<64x128xf32, #tpu.memory_space<vmem>>, vector<16xf32>,
        %swap3A_668 = arith.index_cast %scan3A_605 : i32 to index
        %swap3A_669 = arith.constant 112 : index
        %swap3A_670 = tpu.vector_load %arg28[%swap3A_668, %swap3A_669] {strides = array<i32>} : memref<128x144xf32, #tpu.memory_space<vmem>>, vector<16xf32>,
        tpu.vector_store %arg28[%swap3A_668, %swap3A_669], %get3A_667 {strides = array<i32>} : memref<128x144xf32, #tpu.memory_space<vmem>>, vector<16xf32>,
      } else {
      }
      %ne3A_615 = arith.constant 0 : i32
      %ne3A_616 = arith.cmpi ne, %squeeze3A, %ne3A_615 : i32
      %convert_element_type3A_617 = arith.extui %ne3A_616 : i1 to i32
      %cond3A_618 = arith.constant 0 : i32
      %cond3A_619 = arith.cmpi ne, %convert_element_type3A_617, %cond3A_618 : i32
      scf.if %cond3A_619 {
        %sub3A_623 = arith.constant 1 : i32
        %sub3A_624 = arith.subi %squeeze3A, %sub3A_623 : i32
        %get3A_625 = arith.index_cast %sub3A_624 : i32 to index
        %get3A_626 = arith.constant 0 : index
        %get3A_627 = tpu.vector_load %arg17[%get3A_625, %get3A_626] {strides = array<i32>} : memref<3x128xf32, #tpu.memory_space<vmem>>, vector<16xf32>,
        %swap3A_628 = arith.index_cast %scan3A_605 : i32 to index
        %swap3A_629 = arith.constant 0 : index
        %swap3A_630 = tpu.vector_load %arg28[%swap3A_628, %swap3A_629] {strides = array<i32>} : memref<128x144xf32, #tpu.memory_space<vmem>>, vector<16xf32>,
        tpu.vector_store %arg28[%swap3A_628, %swap3A_629], %get3A_627 {strides = array<i32>} : memref<128x144xf32, #tpu.memory_space<vmem>>, vector<16xf32>,
        %sub3A_631 = arith.constant 1 : i32
        %sub3A_632 = arith.subi %squeeze3A, %sub3A_631 : i32
        %get3A_633 = arith.index_cast %sub3A_632 : i32 to index
        %get3A_634 = arith.constant 16 : index
        %get3A_635 = tpu.vector_load %arg17[%get3A_633, %get3A_634] {strides = array<i32>} : memref<3x128xf32, #tpu.memory_space<vmem>>, vector<16xf32>,
        %swap3A_636 = arith.index_cast %scan3A_605 : i32 to index
        %swap3A_637 = arith.constant 16 : index
        %swap3A_638 = tpu.vector_load %arg28[%swap3A_636, %swap3A_637] {strides = array<i32>} : memref<128x144xf32, #tpu.memory_space<vmem>>, vector<16xf32>,
        tpu.vector_store %arg28[%swap3A_636, %swap3A_637], %get3A_635 {strides = array<i32>} : memref<128x144xf32, #tpu.memory_space<vmem>>, vector<16xf32>,
        %sub3A_639 = arith.constant 1 : i32
        %sub3A_640 = arith.subi %squeeze3A, %sub3A_639 : i32
        %get3A_641 = arith.index_cast %sub3A_640 : i32 to index
        %get3A_642 = arith.constant 32 : index
        %get3A_643 = tpu.vector_load %arg17[%get3A_641, %get3A_642] {strides = array<i32>} : memref<3x128xf32, #tpu.memory_space<vmem>>, vector<16xf32>,
        %swap3A_644 = arith.index_cast %scan3A_605 : i32 to index
        %swap3A_645 = arith.constant 32 : index
        %swap3A_646 = tpu.vector_load %arg28[%swap3A_644, %swap3A_645] {strides = array<i32>} : memref<128x144xf32, #tpu.memory_space<vmem>>, vector<16xf32>,
        tpu.vector_store %arg28[%swap3A_644, %swap3A_645], %get3A_643 {strides = array<i32>} : memref<128x144xf32, #tpu.memory_space<vmem>>, vector<16xf32>,
        %sub3A_647 = arith.constant 1 : i32
        %sub3A_648 = arith.subi %squeeze3A, %sub3A_647 : i32
        %get3A_649 = arith.index_cast %sub3A_648 : i32 to index
        %get3A_650 = arith.constant 48 : index
        %get3A_651 = tpu.vector_load %arg17[%get3A_649, %get3A_650] {strides = array<i32>} : memref<3x128xf32, #tpu.memory_space<vmem>>, vector<16xf32>,
        %swap3A_652 = arith.index_cast %scan3A_605 : i32 to index
        %swap3A_653 = arith.constant 48 : index
        %swap3A_654 = tpu.vector_load %arg28[%swap3A_652, %swap3A_653] {strides = array<i32>} : memref<128x144xf32, #tpu.memory_space<vmem>>, vector<16xf32>,
        tpu.vector_store %arg28[%swap3A_652, %swap3A_653], %get3A_651 {strides = array<i32>} : memref<128x144xf32, #tpu.memory_space<vmem>>, vector<16xf32>,
        %sub3A_655 = arith.constant 1 : i32
        %sub3A_656 = arith.subi %squeeze3A, %sub3A_655 : i32
        %get3A_657 = arith.index_cast %sub3A_656 : i32 to index
        %get3A_658 = arith.constant 64 : index
        %get3A_659 = tpu.vector_load %arg17[%get3A_657, %get3A_658] {strides = array<i32>} : memref<3x128xf32, #tpu.memory_space<vmem>>, vector<16xf32>,
        %swap3A_660 = arith.index_cast %scan3A_605 : i32 to index
        %swap3A_661 = arith.constant 64 : index
        %swap3A_662 = tpu.vector_load %arg28[%swap3A_660, %swap3A_661] {strides = array<i32>} : memref<128x144xf32, #tpu.memory_space<vmem>>, vector<16xf32>,
        tpu.vector_store %arg28[%swap3A_660, %swap3A_661], %get3A_659 {strides = array<i32>} : memref<128x144xf32, #tpu.memory_space<vmem>>, vector<16xf32>,
        %sub3A_663 = arith.constant 1 : i32
        %sub3A_664 = arith.subi %squeeze3A, %sub3A_663 : i32
        %get3A_665 = arith.index_cast %sub3A_664 : i32 to index
        %get3A_666 = arith.constant 80 : index
        %get3A_667 = tpu.vector_load %arg17[%get3A_665, %get3A_666] {strides = array<i32>} : memref<3x128xf32, #tpu.memory_space<vmem>>, vector<16xf32>,
        %swap3A_668 = arith.index_cast %scan3A_605 : i32 to index
        %swap3A_669 = arith.constant 80 : index
        %swap3A_670 = tpu.vector_load %arg28[%swap3A_668, %swap3A_669] {strides = array<i32>} : memref<128x144xf32, #tpu.memory_space<vmem>>, vector<16xf32>,
        tpu.vector_store %arg28[%swap3A_668, %swap3A_669], %get3A_667 {strides = array<i32>} : memref<128x144xf32, #tpu.memory_space<vmem>>, vector<16xf32>,
        %sub3A_671 = arith.constant 1 : i32
        %sub3A_672 = arith.subi %squeeze3A, %sub3A_671 : i32
        %get3A_673 = arith.index_cast %sub3A_672 : i32 to index
        %get3A_674 = arith.constant 96 : index
        %get3A_675 = tpu.vector_load %arg17[%get3A_673, %get3A_674] {strides = array<i32>} : memref<3x128xf32, #tpu.memory_space<vmem>>, vector<16xf32>,
        %swap3A_676 = arith.index_cast %scan3A_605 : i32 to index
        %swap3A_677 = arith.constant 96 : index
        %swap3A_678 = tpu.vector_load %arg28[%swap3A_676, %swap3A_677] {strides = array<i32>} : memref<128x144xf32, #tpu.memory_space<vmem>>, vector<16xf32>,
        tpu.vector_store %arg28[%swap3A_676, %swap3A_677], %get3A_675 {strides = array<i32>} : memref<128x144xf32, #tpu.memory_space<vmem>>, vector<16xf32>,
        %sub3A_679 = arith.constant 1 : i32
        %sub3A_680 = arith.subi %squeeze3A, %sub3A_679 : i32
        %get3A_681 = arith.index_cast %sub3A_680 : i32 to index
        %get3A_682 = arith.constant 112 : index
        %get3A_683 = tpu.vector_load %arg17[%get3A_681, %get3A_682] {strides = array<i32>} : memref<3x128xf32, #tpu.memory_space<vmem>>, vector<16xf32>,
        %swap3A_684 = arith.index_cast %scan3A_605 : i32 to index
        %swap3A_685 = arith.constant 112 : index
        %swap3A_686 = tpu.vector_load %arg28[%swap3A_684, %swap3A_685] {strides = array<i32>} : memref<128x144xf32, #tpu.memory_space<vmem>>, vector<16xf32>,
        tpu.vector_store %arg28[%swap3A_684, %swap3A_685], %get3A_683 {strides = array<i32>} : memref<128x144xf32, #tpu.memory_space<vmem>>, vector<16xf32>,
      } else {
      }
      %swap3A_620 = arith.index_cast %scan3A_605 : i32 to index
      %swap3A_621 = arith.constant 128 : index
      %swap3A_622 = tpu.vector_load %arg28[%swap3A_620, %swap3A_621] {strides = array<i32>} : memref<128x144xf32, #tpu.memory_space<vmem>>, vector<16xf32>,
      tpu.vector_store %arg28[%swap3A_620, %swap3A_621], %select_n3A {strides = array<i32>} : memref<128x144xf32, #tpu.memory_space<vmem>>, vector<16xf32>,
    }
    %scan3A_82 = arith.constant 64 : i32
    %dma_start3A_83 = arith.constant 0 : i32
    %dma_start3A_84 = arith.constant 0 : i32
    %dma_start3A_85 = tpu.memref_slice %arg28[%dma_start3A_83, %dma_start3A_84] : memref<128x144xf32, #tpu.memory_space<vmem>> -> memref<64x144xf32, #tpu.memory_space<vmem>>
    %dma_start3A_86 = arith.constant 0 : i32
    %dma_start3A_87 = arith.constant 0 : i32
    %dma_start3A_88 = tpu.memref_slice %arg11[%arg0, %dma_start3A_86, %dma_start3A_87] : memref<2x4096x144xf32, #tpu.memory_space<hbm>> -> memref<1x4096x144xf32, #tpu.memory_space<hbm>>
    %dma_start3A_89 = tpu.memref_squeeze %dma_start3A_88 : memref<1x4096x144xf32, #tpu.memory_space<hbm>> -> memref<4096x144xf32, #tpu.memory_space<hbm>>
    %dma_start3A_90 = arith.constant 0 : i32
    %dma_start3A_91 = tpu.memref_slice %dma_start3A_89[%add3A_37, %dma_start3A_90] : memref<4096x144xf32, #tpu.memory_space<hbm>> -> memref<64x144xf32, #tpu.memory_space<hbm>>
    %dma_start3A_92 = arith.constant 0 : i32
    %dma_start3A_93 = arith.constant 0 : i32
    %dma_start3A_94 = tpu.memref_slice %arg11[%arg0, %dma_start3A_92, %dma_start3A_93] : memref<2x4096x144xf32, #tpu.memory_space<hbm>> -> memref<1x4096x144xf32, #tpu.memory_space<hbm>>
    %dma_start3A_95 = tpu.memref_squeeze %dma_start3A_94 : memref<1x4096x144xf32, #tpu.memory_space<hbm>> -> memref<4096x144xf32, #tpu.memory_space<hbm>>
    %dma_start3A_96 = arith.constant 0 : i32
    %dma_start3A_97 = tpu.memref_slice %dma_start3A_95[%add3A_37, %dma_start3A_96] : memref<4096x144xf32, #tpu.memory_space<hbm>> -> memref<64x144xf32, #tpu.memory_space<hbm>>
    %dma_start3A_98 = arith.constant 0 : i32
    %dma_start3A_99 = arith.constant 0 : i32
    %dma_start3A_100 = tpu.memref_slice %arg28[%dma_start3A_98, %dma_start3A_99] : memref<128x144xf32, #tpu.memory_space<vmem>> -> memref<64x144xf32, #tpu.memory_space<vmem>>
    tpu.enqueue_dma source(%dma_start3A_100 : memref<64x144xf32, #tpu.memory_space<vmem>>) target(%dma_start3A_97 : memref<64x144xf32, #tpu.memory_space<hbm>>) target_semaphore(%arg31 : memref<!tpu.dma_semaphore, #tpu.memory_space<semaphore_mem>>)
    %eq3A_101 = arith.constant 0 : i32
    %eq3A_102 = arith.cmpi eq, %arg0, %eq3A_101 : i32
    %lt3A = arith.constant 1024 : i32
    %lt3A_103 = arith.cmpi slt, %add3A_37, %lt3A : i32
    %and3A = arith.andi %eq3A_102, %lt3A_103 : i1
    %convert_element_type3A = arith.extui %and3A : i1 to i32
    %cond3A = arith.constant 0 : i32
    %cond3A_104 = arith.cmpi ne, %convert_element_type3A, %cond3A : i32
    scf.if %cond3A_104 {
      "tpu.region"() ({
        %run_scoped3A = tpu.sem_alloc : memref<!tpu.dma_semaphore, #tpu.memory_space<semaphore_mem>>
        %dma_start3A_605 = arith.constant 0 : i32
        %dma_start3A_606 = tpu.memref_slice %arg14[%dma_start3A_605] : memref<272xi32, #tpu.memory_space<vmem>> -> memref<64xi32, #tpu.memory_space<vmem>>
        %dma_start3A_607 = tpu.memref_slice %arg12[%add3A_37] : memref<1024xi32, #tpu.memory_space<hbm>> -> memref<64xi32, #tpu.memory_space<hbm>>
        %dma_start3A_608 = tpu.memref_slice %arg12[%add3A_37] : memref<1024xi32, #tpu.memory_space<hbm>> -> memref<64xi32, #tpu.memory_space<hbm>>
        %dma_start3A_609 = arith.constant 0 : i32
        %dma_start3A_610 = tpu.memref_slice %arg14[%dma_start3A_609] : memref<272xi32, #tpu.memory_space<vmem>> -> memref<64xi32, #tpu.memory_space<vmem>>
        tpu.enqueue_dma source(%dma_start3A_610 : memref<64xi32, #tpu.memory_space<vmem>>) target(%dma_start3A_608 : memref<64xi32, #tpu.memory_space<hbm>>) target_semaphore(%run_scoped3A : memref<!tpu.dma_semaphore, #tpu.memory_space<semaphore_mem>>)
        %dma_wait3A_611 = arith.constant 0 : i32
        %dma_wait3A_612 = tpu.memref_slice %arg14[%dma_wait3A_611] : memref<272xi32, #tpu.memory_space<vmem>> -> memref<64xi32, #tpu.memory_space<vmem>>
        %dma_wait3A_613 = tpu.memref_slice %arg12[%add3A_37] : memref<1024xi32, #tpu.memory_space<hbm>> -> memref<64xi32, #tpu.memory_space<hbm>>
        %dma_wait3A_614 = tpu.memref_slice %arg12[%add3A_37] : memref<1024xi32, #tpu.memory_space<hbm>> -> memref<64xi32, #tpu.memory_space<hbm>>
        %dma_wait3A_615 = arith.constant 0 : i32
        %dma_wait3A_616 = tpu.memref_slice %arg14[%dma_wait3A_615] : memref<272xi32, #tpu.memory_space<vmem>> -> memref<64xi32, #tpu.memory_space<vmem>>
        tpu.wait_dma2 semaphore(%run_scoped3A : memref<!tpu.dma_semaphore, #tpu.memory_space<semaphore_mem>>) src(%dma_wait3A_616 : memref<64xi32, #tpu.memory_space<vmem>>) dst(%dma_wait3A_614 : memref<64xi32, #tpu.memory_space<hbm>>)
        tpu.yield
      }) : () -> ()
    } else {
    }
    %mul3A_105 = arith.constant 256 : i32
    %mul3A_106 = arith.muli %arg1, %mul3A_105 : i32
    %add3A_107 = arith.constant 64 : i32
    %add3A_108 = arith.addi %mul3A_106, %add3A_107 : i32
    %dma_wait3A_109 = arith.constant 0 : i32
    %dma_wait3A_110 = tpu.memref_slice %arg14[%dma_wait3A_109] : memref<272xi32, #tpu.memory_space<vmem>> -> memref<64xi32, #tpu.memory_space<vmem>>
    %dma_wait3A_111 = arith.constant 0 : i32
    %dma_wait3A_112 = tpu.memref_slice %arg13[%dma_wait3A_111] : memref<256xi32, #tpu.memory_space<vmem>> -> memref<64xi32, #tpu.memory_space<vmem>>
    %dma_wait3A_113 = arith.constant 0 : i32
    %dma_wait3A_114 = tpu.memref_slice %arg8[%dma_wait3A_113] : memref<40000xi32, #tpu.memory_space<hbm>> -> memref<40000xi32, #tpu.memory_space<hbm>>
    tpu.wait_indirect_dma semaphore(%arg33 : memref<!tpu.dma_semaphore, #tpu.memory_space<semaphore_mem>>) src(%dma_wait3A_114 : memref<40000xi32, #tpu.memory_space<hbm>>) dst(%dma_wait3A_110 : memref<64xi32, #tpu.memory_space<vmem>>)
    %dma_wait3A_115 = arith.constant 0 : i32
    %dma_wait3A_116 = tpu.memref_slice %arg14[%dma_wait3A_115] : memref<272xi32, #tpu.memory_space<vmem>> -> memref<64xi32, #tpu.memory_space<vmem>>
    %dma_wait3A_117 = arith.constant 0 : i32
    %dma_wait3A_118 = tpu.memref_slice %arg13[%dma_wait3A_117] : memref<256xi32, #tpu.memory_space<vmem>> -> memref<64xi32, #tpu.memory_space<vmem>>
    %dma_wait3A_119 = arith.constant 0 : i32
    %dma_wait3A_120 = tpu.memref_slice %arg8[%dma_wait3A_119] : memref<40000xi32, #tpu.memory_space<hbm>> -> memref<40000xi32, #tpu.memory_space<hbm>>
    tpu.wait_indirect_dma semaphore(%arg33 : memref<!tpu.dma_semaphore, #tpu.memory_space<semaphore_mem>>) src(%dma_wait3A_120 : memref<40000xi32, #tpu.memory_space<hbm>>) dst(%dma_wait3A_116 : memref<64xi32, #tpu.memory_space<vmem>>)
    %dma_start3A_121 = arith.constant 128 : i32
    %dma_start3A_122 = tpu.memref_slice %arg14[%dma_start3A_121] : memref<272xi32, #tpu.memory_space<vmem>> -> memref<64xi32, #tpu.memory_space<vmem>>
    %dma_start3A_123 = arith.constant 128 : i32
    %dma_start3A_124 = tpu.memref_slice %arg13[%dma_start3A_123] : memref<256xi32, #tpu.memory_space<vmem>> -> memref<64xi32, #tpu.memory_space<vmem>>
    %dma_start3A_125 = arith.constant 0 : i32
    %dma_start3A_126 = tpu.memref_slice %arg8[%dma_start3A_125] : memref<40000xi32, #tpu.memory_space<hbm>> -> memref<40000xi32, #tpu.memory_space<hbm>>
    tpu.enqueue_indirect_dma source(%dma_start3A_126 : memref<40000xi32, #tpu.memory_space<hbm>>) target(%dma_start3A_122 : memref<64xi32, #tpu.memory_space<vmem>>) offsets(%dma_start3A_124 : memref<64xi32, #tpu.memory_space<vmem>>) semaphore(%arg32 : memref<!tpu.dma_semaphore, #tpu.memory_space<semaphore_mem>>)
    %dma_start3A_127 = arith.constant 128 : i32
    %dma_start3A_128 = tpu.memref_slice %arg15[%dma_start3A_127] : memref<256xi32, #tpu.memory_space<vmem>> -> memref<64xi32, #tpu.memory_space<vmem>>
    %dma_start3A_129 = arith.constant 128 : i32
    %dma_start3A_130 = tpu.memref_slice %arg13[%dma_start3A_129] : memref<256xi32, #tpu.memory_space<vmem>> -> memref<64xi32, #tpu.memory_space<vmem>>
    %dma_start3A_131 = arith.constant 0 : i32
    %dma_start3A_132 = tpu.memref_slice %arg9[%dma_start3A_131] : memref<40000xi32, #tpu.memory_space<hbm>> -> memref<40000xi32, #tpu.memory_space<hbm>>
    tpu.enqueue_indirect_dma source(%dma_start3A_132 : memref<40000xi32, #tpu.memory_space<hbm>>) target(%dma_start3A_128 : memref<64xi32, #tpu.memory_space<vmem>>) offsets(%dma_start3A_130 : memref<64xi32, #tpu.memory_space<vmem>>) semaphore(%arg32 : memref<!tpu.dma_semaphore, #tpu.memory_space<semaphore_mem>>)
    %scan3A_133 = arith.constant 0 : i32
    %scan3A_134 = arith.constant 0 : i32
    %scan3A_135 = arith.constant 4 : i32
    %scan3A_136 = arith.addi %scan3A_134, %scan3A_135 : i32
    %scan3A_137 = arith.constant 1 : i32
    scf.for %scan3A_605 = %scan3A_134 to %scan3A_136 step %scan3A_137  : i32 {
      %mul3A_606 = arith.constant 16 : i32
      %mul3A_607 = arith.muli %scan3A_605, %mul3A_606 : i32
      %add3A_608 = arith.constant 64 : i32
      %add3A_609 = arith.addi %add3A_608, %mul3A_607 : i32
      %get3A_610 = arith.index_cast %add3A_609 : i32 to index
      %get3A_611 = tpu.vector_load %arg15[%get3A_610] {strides = array<i32>} : memref<256xi32, #tpu.memory_space<vmem>>, vector<16xi32>,
      %jit3A_612 = arith.constant 0 : i32
      %jit3A_613 = arith.constant 19999 : i32
      %max3A = vector.broadcast %jit3A_612 : i32 to vector<16xi32>
      %max3A_614 = arith.maxsi %max3A, %get3A_611 : vector<16xi32>
      %min3A_615 = vector.broadcast %jit3A_613 : i32 to vector<16xi32>
      %min3A_616 = arith.minsi %min3A_615, %max3A_614 : vector<16xi32>
      %mul3A_617 = arith.constant 16 : i32
      %mul3A_618 = arith.muli %scan3A_605, %mul3A_617 : i32
      %swap3A_619 = arith.index_cast %mul3A_618 : i32 to index
      %swap3A_620 = tpu.vector_load %arg16[%swap3A_619] {strides = array<i32>} : memref<128xi32, #tpu.memory_space<vmem>>, vector<16xi32>,
      tpu.vector_store %arg16[%swap3A_619], %min3A_616 {strides = array<i32>} : memref<128xi32, #tpu.memory_space<vmem>>, vector<16xi32>,
    }
    %scan3A_138 = arith.constant 4 : i32
    %dma_start3A_139 = arith.constant 0 : i32
    %dma_start3A_140 = tpu.memref_slice %arg16[%dma_start3A_139] : memref<128xi32, #tpu.memory_space<vmem>> -> memref<64xi32, #tpu.memory_space<vmem>>
    %dma_start3A_141 = arith.constant 0 : i32
    %dma_start3A_142 = arith.constant 0 : i32
    %dma_start3A_143 = tpu.memref_slice %arg2[%dma_start3A_141, %dma_start3A_142] : memref<20000x128xf32, #tpu.memory_space<hbm>> -> memref<20000x128xf32, #tpu.memory_space<hbm>>
    tpu.enqueue_indirect_dma source(%dma_start3A_143 : memref<20000x128xf32, #tpu.memory_space<hbm>>) target(%arg18 : memref<64x128xf32, #tpu.memory_space<vmem>>) offsets(%dma_start3A_140 : memref<64xi32, #tpu.memory_space<vmem>>) semaphore(%arg30 : memref<!tpu.dma_semaphore, #tpu.memory_space<semaphore_mem>>)
    %dma_wait3A_144 = arith.constant 0 : i32
    %dma_wait3A_145 = tpu.memref_slice %arg16[%dma_wait3A_144] : memref<128xi32, #tpu.memory_space<vmem>> -> memref<64xi32, #tpu.memory_space<vmem>>
    %dma_wait3A_146 = arith.constant 0 : i32
    %dma_wait3A_147 = arith.constant 0 : i32
    %dma_wait3A_148 = tpu.memref_slice %arg2[%dma_wait3A_146, %dma_wait3A_147] : memref<20000x128xf32, #tpu.memory_space<hbm>> -> memref<20000x128xf32, #tpu.memory_space<hbm>>
    tpu.wait_indirect_dma semaphore(%arg30 : memref<!tpu.dma_semaphore, #tpu.memory_space<semaphore_mem>>) src(%dma_wait3A_148 : memref<20000x128xf32, #tpu.memory_space<hbm>>) dst(%arg18 : memref<64x128xf32, #tpu.memory_space<vmem>>)
    %scan3A_149 = arith.constant 0 : i32
    %scan3A_150 = arith.constant 0 : i32
    %scan3A_151 = arith.constant 64 : i32
    %scan3A_152 = arith.addi %scan3A_150, %scan3A_151 : i32
    %scan3A_153 = arith.constant 1 : i32
    scf.for %scan3A_605 = %scan3A_150 to %scan3A_152 step %scan3A_153  : i32 {
      %add3A_606 = arith.constant 64 : i32
      %add3A_607 = arith.addi %add3A_606, %scan3A_605 : i32
      %get3A_608 = arith.index_cast %add3A_607 : i32 to index
      %get3A_609 = tpu.vector_load %arg14[%get3A_608] {strides = array<i32>} : memref<272xi32, #tpu.memory_space<vmem>>, vector<16xi32>,
      %slice3A = vector.extract_strided_slice %get3A_609 {offsets = [0], sizes = [1], strides = [1]} : vector<16xi32> to vector<1xi32>
      %squeeze3A = vector.extract %slice3A[0] : i32 from vector<1xi32>
      %eq3A_610 = arith.constant 0 : i32
      %eq3A_611 = arith.cmpi eq, %squeeze3A, %eq3A_610 : i32
      %convert_element_type3A_612 = arith.extui %eq3A_611 : i1 to i32
      %cond3A_613 = arith.constant 0 : i32
      %cond3A_614 = arith.cmpi ne, %convert_element_type3A_612, %cond3A_613 : i32
      scf.if %cond3A_614 {
        %get3A_623 = arith.index_cast %scan3A_605 : i32 to index
        %get3A_624 = arith.constant 0 : index
        %get3A_625 = tpu.vector_load %arg18[%get3A_623, %get3A_624] {strides = array<i32>} : memref<64x128xf32, #tpu.memory_space<vmem>>, vector<16xf32>,
        %swap3A_626 = arith.index_cast %scan3A_605 : i32 to index
        %swap3A_627 = arith.constant 0 : index
        %swap3A_628 = tpu.vector_load %arg27[%swap3A_626, %swap3A_627] {strides = array<i32>} : memref<128x144xf32, #tpu.memory_space<vmem>>, vector<16xf32>,
        tpu.vector_store %arg27[%swap3A_626, %swap3A_627], %get3A_625 {strides = array<i32>} : memref<128x144xf32, #tpu.memory_space<vmem>>, vector<16xf32>,
        %get3A_629 = arith.index_cast %scan3A_605 : i32 to index
        %get3A_630 = arith.constant 16 : index
        %get3A_631 = tpu.vector_load %arg18[%get3A_629, %get3A_630] {strides = array<i32>} : memref<64x128xf32, #tpu.memory_space<vmem>>, vector<16xf32>,
        %swap3A_632 = arith.index_cast %scan3A_605 : i32 to index
        %swap3A_633 = arith.constant 16 : index
        %swap3A_634 = tpu.vector_load %arg27[%swap3A_632, %swap3A_633] {strides = array<i32>} : memref<128x144xf32, #tpu.memory_space<vmem>>, vector<16xf32>,
        tpu.vector_store %arg27[%swap3A_632, %swap3A_633], %get3A_631 {strides = array<i32>} : memref<128x144xf32, #tpu.memory_space<vmem>>, vector<16xf32>,
        %get3A_635 = arith.index_cast %scan3A_605 : i32 to index
        %get3A_636 = arith.constant 32 : index
        %get3A_637 = tpu.vector_load %arg18[%get3A_635, %get3A_636] {strides = array<i32>} : memref<64x128xf32, #tpu.memory_space<vmem>>, vector<16xf32>,
        %swap3A_638 = arith.index_cast %scan3A_605 : i32 to index
        %swap3A_639 = arith.constant 32 : index
        %swap3A_640 = tpu.vector_load %arg27[%swap3A_638, %swap3A_639] {strides = array<i32>} : memref<128x144xf32, #tpu.memory_space<vmem>>, vector<16xf32>,
        tpu.vector_store %arg27[%swap3A_638, %swap3A_639], %get3A_637 {strides = array<i32>} : memref<128x144xf32, #tpu.memory_space<vmem>>, vector<16xf32>,
        %get3A_641 = arith.index_cast %scan3A_605 : i32 to index
        %get3A_642 = arith.constant 48 : index
        %get3A_643 = tpu.vector_load %arg18[%get3A_641, %get3A_642] {strides = array<i32>} : memref<64x128xf32, #tpu.memory_space<vmem>>, vector<16xf32>,
        %swap3A_644 = arith.index_cast %scan3A_605 : i32 to index
        %swap3A_645 = arith.constant 48 : index
        %swap3A_646 = tpu.vector_load %arg27[%swap3A_644, %swap3A_645] {strides = array<i32>} : memref<128x144xf32, #tpu.memory_space<vmem>>, vector<16xf32>,
        tpu.vector_store %arg27[%swap3A_644, %swap3A_645], %get3A_643 {strides = array<i32>} : memref<128x144xf32, #tpu.memory_space<vmem>>, vector<16xf32>,
        %get3A_647 = arith.index_cast %scan3A_605 : i32 to index
        %get3A_648 = arith.constant 64 : index
        %get3A_649 = tpu.vector_load %arg18[%get3A_647, %get3A_648] {strides = array<i32>} : memref<64x128xf32, #tpu.memory_space<vmem>>, vector<16xf32>,
        %swap3A_650 = arith.index_cast %scan3A_605 : i32 to index
        %swap3A_651 = arith.constant 64 : index
        %swap3A_652 = tpu.vector_load %arg27[%swap3A_650, %swap3A_651] {strides = array<i32>} : memref<128x144xf32, #tpu.memory_space<vmem>>, vector<16xf32>,
        tpu.vector_store %arg27[%swap3A_650, %swap3A_651], %get3A_649 {strides = array<i32>} : memref<128x144xf32, #tpu.memory_space<vmem>>, vector<16xf32>,
        %get3A_653 = arith.index_cast %scan3A_605 : i32 to index
        %get3A_654 = arith.constant 80 : index
        %get3A_655 = tpu.vector_load %arg18[%get3A_653, %get3A_654] {strides = array<i32>} : memref<64x128xf32, #tpu.memory_space<vmem>>, vector<16xf32>,
        %swap3A_656 = arith.index_cast %scan3A_605 : i32 to index
        %swap3A_657 = arith.constant 80 : index
        %swap3A_658 = tpu.vector_load %arg27[%swap3A_656, %swap3A_657] {strides = array<i32>} : memref<128x144xf32, #tpu.memory_space<vmem>>, vector<16xf32>,
        tpu.vector_store %arg27[%swap3A_656, %swap3A_657], %get3A_655 {strides = array<i32>} : memref<128x144xf32, #tpu.memory_space<vmem>>, vector<16xf32>,
        %get3A_659 = arith.index_cast %scan3A_605 : i32 to index
        %get3A_660 = arith.constant 96 : index
        %get3A_661 = tpu.vector_load %arg18[%get3A_659, %get3A_660] {strides = array<i32>} : memref<64x128xf32, #tpu.memory_space<vmem>>, vector<16xf32>,
        %swap3A_662 = arith.index_cast %scan3A_605 : i32 to index
        %swap3A_663 = arith.constant 96 : index
        %swap3A_664 = tpu.vector_load %arg27[%swap3A_662, %swap3A_663] {strides = array<i32>} : memref<128x144xf32, #tpu.memory_space<vmem>>, vector<16xf32>,
        tpu.vector_store %arg27[%swap3A_662, %swap3A_663], %get3A_661 {strides = array<i32>} : memref<128x144xf32, #tpu.memory_space<vmem>>, vector<16xf32>,
        %get3A_665 = arith.index_cast %scan3A_605 : i32 to index
        %get3A_666 = arith.constant 112 : index
        %get3A_667 = tpu.vector_load %arg18[%get3A_665, %get3A_666] {strides = array<i32>} : memref<64x128xf32, #tpu.memory_space<vmem>>, vector<16xf32>,
        %swap3A_668 = arith.index_cast %scan3A_605 : i32 to index
        %swap3A_669 = arith.constant 112 : index
        %swap3A_670 = tpu.vector_load %arg27[%swap3A_668, %swap3A_669] {strides = array<i32>} : memref<128x144xf32, #tpu.memory_space<vmem>>, vector<16xf32>,
        tpu.vector_store %arg27[%swap3A_668, %swap3A_669], %get3A_667 {strides = array<i32>} : memref<128x144xf32, #tpu.memory_space<vmem>>, vector<16xf32>,
      } else {
      }
      %ne3A_615 = arith.constant 0 : i32
      %ne3A_616 = arith.cmpi ne, %squeeze3A, %ne3A_615 : i32
      %convert_element_type3A_617 = arith.extui %ne3A_616 : i1 to i32
      %cond3A_618 = arith.constant 0 : i32
      %cond3A_619 = arith.cmpi ne, %convert_element_type3A_617, %cond3A_618 : i32
      scf.if %cond3A_619 {
        %sub3A_623 = arith.constant 1 : i32
        %sub3A_624 = arith.subi %squeeze3A, %sub3A_623 : i32
        %get3A_625 = arith.index_cast %sub3A_624 : i32 to index
        %get3A_626 = arith.constant 0 : index
        %get3A_627 = tpu.vector_load %arg17[%get3A_625, %get3A_626] {strides = array<i32>} : memref<3x128xf32, #tpu.memory_space<vmem>>, vector<16xf32>,
        %swap3A_628 = arith.index_cast %scan3A_605 : i32 to index
        %swap3A_629 = arith.constant 0 : index
        %swap3A_630 = tpu.vector_load %arg27[%swap3A_628, %swap3A_629] {strides = array<i32>} : memref<128x144xf32, #tpu.memory_space<vmem>>, vector<16xf32>,
        tpu.vector_store %arg27[%swap3A_628, %swap3A_629], %get3A_627 {strides = array<i32>} : memref<128x144xf32, #tpu.memory_space<vmem>>, vector<16xf32>,
        %sub3A_631 = arith.constant 1 : i32
        %sub3A_632 = arith.subi %squeeze3A, %sub3A_631 : i32
        %get3A_633 = arith.index_cast %sub3A_632 : i32 to index
        %get3A_634 = arith.constant 16 : index
        %get3A_635 = tpu.vector_load %arg17[%get3A_633, %get3A_634] {strides = array<i32>} : memref<3x128xf32, #tpu.memory_space<vmem>>, vector<16xf32>,
        %swap3A_636 = arith.index_cast %scan3A_605 : i32 to index
        %swap3A_637 = arith.constant 16 : index
        %swap3A_638 = tpu.vector_load %arg27[%swap3A_636, %swap3A_637] {strides = array<i32>} : memref<128x144xf32, #tpu.memory_space<vmem>>, vector<16xf32>,
        tpu.vector_store %arg27[%swap3A_636, %swap3A_637], %get3A_635 {strides = array<i32>} : memref<128x144xf32, #tpu.memory_space<vmem>>, vector<16xf32>,
        %sub3A_639 = arith.constant 1 : i32
        %sub3A_640 = arith.subi %squeeze3A, %sub3A_639 : i32
        %get3A_641 = arith.index_cast %sub3A_640 : i32 to index
        %get3A_642 = arith.constant 32 : index
        %get3A_643 = tpu.vector_load %arg17[%get3A_641, %get3A_642] {strides = array<i32>} : memref<3x128xf32, #tpu.memory_space<vmem>>, vector<16xf32>,
        %swap3A_644 = arith.index_cast %scan3A_605 : i32 to index
        %swap3A_645 = arith.constant 32 : index
        %swap3A_646 = tpu.vector_load %arg27[%swap3A_644, %swap3A_645] {strides = array<i32>} : memref<128x144xf32, #tpu.memory_space<vmem>>, vector<16xf32>,
        tpu.vector_store %arg27[%swap3A_644, %swap3A_645], %get3A_643 {strides = array<i32>} : memref<128x144xf32, #tpu.memory_space<vmem>>, vector<16xf32>,
        %sub3A_647 = arith.constant 1 : i32
        %sub3A_648 = arith.subi %squeeze3A, %sub3A_647 : i32
        %get3A_649 = arith.index_cast %sub3A_648 : i32 to index
        %get3A_650 = arith.constant 48 : index
        %get3A_651 = tpu.vector_load %arg17[%get3A_649, %get3A_650] {strides = array<i32>} : memref<3x128xf32, #tpu.memory_space<vmem>>, vector<16xf32>,
        %swap3A_652 = arith.index_cast %scan3A_605 : i32 to index
        %swap3A_653 = arith.constant 48 : index
        %swap3A_654 = tpu.vector_load %arg27[%swap3A_652, %swap3A_653] {strides = array<i32>} : memref<128x144xf32, #tpu.memory_space<vmem>>, vector<16xf32>,
        tpu.vector_store %arg27[%swap3A_652, %swap3A_653], %get3A_651 {strides = array<i32>} : memref<128x144xf32, #tpu.memory_space<vmem>>, vector<16xf32>,
        %sub3A_655 = arith.constant 1 : i32
        %sub3A_656 = arith.subi %squeeze3A, %sub3A_655 : i32
        %get3A_657 = arith.index_cast %sub3A_656 : i32 to index
        %get3A_658 = arith.constant 64 : index
        %get3A_659 = tpu.vector_load %arg17[%get3A_657, %get3A_658] {strides = array<i32>} : memref<3x128xf32, #tpu.memory_space<vmem>>, vector<16xf32>,
        %swap3A_660 = arith.index_cast %scan3A_605 : i32 to index
        %swap3A_661 = arith.constant 64 : index
        %swap3A_662 = tpu.vector_load %arg27[%swap3A_660, %swap3A_661] {strides = array<i32>} : memref<128x144xf32, #tpu.memory_space<vmem>>, vector<16xf32>,
        tpu.vector_store %arg27[%swap3A_660, %swap3A_661], %get3A_659 {strides = array<i32>} : memref<128x144xf32, #tpu.memory_space<vmem>>, vector<16xf32>,
        %sub3A_663 = arith.constant 1 : i32
        %sub3A_664 = arith.subi %squeeze3A, %sub3A_663 : i32
        %get3A_665 = arith.index_cast %sub3A_664 : i32 to index
        %get3A_666 = arith.constant 80 : index
        %get3A_667 = tpu.vector_load %arg17[%get3A_665, %get3A_666] {strides = array<i32>} : memref<3x128xf32, #tpu.memory_space<vmem>>, vector<16xf32>,
        %swap3A_668 = arith.index_cast %scan3A_605 : i32 to index
        %swap3A_669 = arith.constant 80 : index
        %swap3A_670 = tpu.vector_load %arg27[%swap3A_668, %swap3A_669] {strides = array<i32>} : memref<128x144xf32, #tpu.memory_space<vmem>>, vector<16xf32>,
        tpu.vector_store %arg27[%swap3A_668, %swap3A_669], %get3A_667 {strides = array<i32>} : memref<128x144xf32, #tpu.memory_space<vmem>>, vector<16xf32>,
        %sub3A_671 = arith.constant 1 : i32
        %sub3A_672 = arith.subi %squeeze3A, %sub3A_671 : i32
        %get3A_673 = arith.index_cast %sub3A_672 : i32 to index
        %get3A_674 = arith.constant 96 : index
        %get3A_675 = tpu.vector_load %arg17[%get3A_673, %get3A_674] {strides = array<i32>} : memref<3x128xf32, #tpu.memory_space<vmem>>, vector<16xf32>,
        %swap3A_676 = arith.index_cast %scan3A_605 : i32 to index
        %swap3A_677 = arith.constant 96 : index
        %swap3A_678 = tpu.vector_load %arg27[%swap3A_676, %swap3A_677] {strides = array<i32>} : memref<128x144xf32, #tpu.memory_space<vmem>>, vector<16xf32>,
        tpu.vector_store %arg27[%swap3A_676, %swap3A_677], %get3A_675 {strides = array<i32>} : memref<128x144xf32, #tpu.memory_space<vmem>>, vector<16xf32>,
        %sub3A_679 = arith.constant 1 : i32
        %sub3A_680 = arith.subi %squeeze3A, %sub3A_679 : i32
        %get3A_681 = arith.index_cast %sub3A_680 : i32 to index
        %get3A_682 = arith.constant 112 : index
        %get3A_683 = tpu.vector_load %arg17[%get3A_681, %get3A_682] {strides = array<i32>} : memref<3x128xf32, #tpu.memory_space<vmem>>, vector<16xf32>,
        %swap3A_684 = arith.index_cast %scan3A_605 : i32 to index
        %swap3A_685 = arith.constant 112 : index
        %swap3A_686 = tpu.vector_load %arg27[%swap3A_684, %swap3A_685] {strides = array<i32>} : memref<128x144xf32, #tpu.memory_space<vmem>>, vector<16xf32>,
        tpu.vector_store %arg27[%swap3A_684, %swap3A_685], %get3A_683 {strides = array<i32>} : memref<128x144xf32, #tpu.memory_space<vmem>>, vector<16xf32>,
      } else {
      }
      %swap3A_620 = arith.index_cast %scan3A_605 : i32 to index
      %swap3A_621 = arith.constant 128 : index
      %swap3A_622 = tpu.vector_load %arg27[%swap3A_620, %swap3A_621] {strides = array<i32>} : memref<128x144xf32, #tpu.memory_space<vmem>>, vector<16xf32>,
      tpu.vector_store %arg27[%swap3A_620, %swap3A_621], %select_n3A {strides = array<i32>} : memref<128x144xf32, #tpu.memory_space<vmem>>, vector<16xf32>,
    }
    %scan3A_154 = arith.constant 64 : i32
    %dma_start3A_155 = arith.constant 0 : i32
    %dma_start3A_156 = arith.constant 0 : i32
    %dma_start3A_157 = tpu.memref_slice %arg27[%dma_start3A_155, %dma_start3A_156] : memref<128x144xf32, #tpu.memory_space<vmem>> -> memref<64x144xf32, #tpu.memory_space<vmem>>
    %dma_start3A_158 = arith.constant 0 : i32
    %dma_start3A_159 = arith.constant 0 : i32
    %dma_start3A_160 = tpu.memref_slice %arg11[%arg0, %dma_start3A_158, %dma_start3A_159] : memref<2x4096x144xf32, #tpu.memory_space<hbm>> -> memref<1x4096x144xf32, #tpu.memory_space<hbm>>
    %dma_start3A_161 = tpu.memref_squeeze %dma_start3A_160 : memref<1x4096x144xf32, #tpu.memory_space<hbm>> -> memref<4096x144xf32, #tpu.memory_space<hbm>>
    %dma_start3A_162 = arith.constant 0 : i32
    %dma_start3A_163 = tpu.memref_slice %dma_start3A_161[%add3A_108, %dma_start3A_162] : memref<4096x144xf32, #tpu.memory_space<hbm>> -> memref<64x144xf32, #tpu.memory_space<hbm>>
    %dma_start3A_164 = arith.constant 0 : i32
    %dma_start3A_165 = arith.constant 0 : i32
    %dma_start3A_166 = tpu.memref_slice %arg11[%arg0, %dma_start3A_164, %dma_start3A_165] : memref<2x4096x144xf32, #tpu.memory_space<hbm>> -> memref<1x4096x144xf32, #tpu.memory_space<hbm>>
    %dma_start3A_167 = tpu.memref_squeeze %dma_start3A_166 : memref<1x4096x144xf32, #tpu.memory_space<hbm>> -> memref<4096x144xf32, #tpu.memory_space<hbm>>
    %dma_start3A_168 = arith.constant 0 : i32
    %dma_start3A_169 = tpu.memref_slice %dma_start3A_167[%add3A_108, %dma_start3A_168] : memref<4096x144xf32, #tpu.memory_space<hbm>> -> memref<64x144xf32, #tpu.memory_space<hbm>>
    %dma_start3A_170 = arith.constant 0 : i32
    %dma_start3A_171 = arith.constant 0 : i32
    %dma_start3A_172 = tpu.memref_slice %arg27[%dma_start3A_170, %dma_start3A_171] : memref<128x144xf32, #tpu.memory_space<vmem>> -> memref<64x144xf32, #tpu.memory_space<vmem>>
    tpu.enqueue_dma source(%dma_start3A_172 : memref<64x144xf32, #tpu.memory_space<vmem>>) target(%dma_start3A_169 : memref<64x144xf32, #tpu.memory_space<hbm>>) target_semaphore(%arg31 : memref<!tpu.dma_semaphore, #tpu.memory_space<semaphore_mem>>)
    %eq3A_173 = arith.constant 0 : i32
    %eq3A_174 = arith.cmpi eq, %arg0, %eq3A_173 : i32
    %lt3A_175 = arith.constant 1024 : i32
    %lt3A_176 = arith.cmpi slt, %add3A_108, %lt3A_175 : i32
    %and3A_177 = arith.andi %eq3A_174, %lt3A_176 : i1
    %convert_element_type3A_178 = arith.extui %and3A_177 : i1 to i32
    %cond3A_179 = arith.constant 0 : i32
    %cond3A_180 = arith.cmpi ne, %convert_element_type3A_178, %cond3A_179 : i32
    scf.if %cond3A_180 {
      "tpu.region"() ({
        %run_scoped3A = tpu.sem_alloc : memref<!tpu.dma_semaphore, #tpu.memory_space<semaphore_mem>>
        %dma_start3A_605 = arith.constant 64 : i32
        %dma_start3A_606 = tpu.memref_slice %arg14[%dma_start3A_605] : memref<272xi32, #tpu.memory_space<vmem>> -> memref<64xi32, #tpu.memory_space<vmem>>
        %dma_start3A_607 = tpu.memref_slice %arg12[%add3A_108] : memref<1024xi32, #tpu.memory_space<hbm>> -> memref<64xi32, #tpu.memory_space<hbm>>
        %dma_start3A_608 = tpu.memref_slice %arg12[%add3A_108] : memref<1024xi32, #tpu.memory_space<hbm>> -> memref<64xi32, #tpu.memory_space<hbm>>
        %dma_start3A_609 = arith.constant 64 : i32
        %dma_start3A_610 = tpu.memref_slice %arg14[%dma_start3A_609] : memref<272xi32, #tpu.memory_space<vmem>> -> memref<64xi32, #tpu.memory_space<vmem>>
        tpu.enqueue_dma source(%dma_start3A_610 : memref<64xi32, #tpu.memory_space<vmem>>) target(%dma_start3A_608 : memref<64xi32, #tpu.memory_space<hbm>>) target_semaphore(%run_scoped3A : memref<!tpu.dma_semaphore, #tpu.memory_space<semaphore_mem>>)
        %dma_wait3A_611 = arith.constant 64 : i32
        %dma_wait3A_612 = tpu.memref_slice %arg14[%dma_wait3A_611] : memref<272xi32, #tpu.memory_space<vmem>> -> memref<64xi32, #tpu.memory_space<vmem>>
        %dma_wait3A_613 = tpu.memref_slice %arg12[%add3A_108] : memref<1024xi32, #tpu.memory_space<hbm>> -> memref<64xi32, #tpu.memory_space<hbm>>
        %dma_wait3A_614 = tpu.memref_slice %arg12[%add3A_108] : memref<1024xi32, #tpu.memory_space<hbm>> -> memref<64xi32, #tpu.memory_space<hbm>>
        %dma_wait3A_615 = arith.constant 64 : i32
        %dma_wait3A_616 = tpu.memref_slice %arg14[%dma_wait3A_615] : memref<272xi32, #tpu.memory_space<vmem>> -> memref<64xi32, #tpu.memory_space<vmem>>
        tpu.wait_dma2 semaphore(%run_scoped3A : memref<!tpu.dma_semaphore, #tpu.memory_space<semaphore_mem>>) src(%dma_wait3A_616 : memref<64xi32, #tpu.memory_space<vmem>>) dst(%dma_wait3A_614 : memref<64xi32, #tpu.memory_space<hbm>>)
        tpu.yield
      }) : () -> ()
    } else {
    }
    %mul3A_181 = arith.constant 256 : i32
    %mul3A_182 = arith.muli %arg1, %mul3A_181 : i32
    %add3A_183 = arith.constant 128 : i32
    %add3A_184 = arith.addi %mul3A_182, %add3A_183 : i32
    %dma_wait3A_185 = arith.constant 0 : i32
    %dma_wait3A_186 = tpu.memref_slice %arg14[%dma_wait3A_185] : memref<272xi32, #tpu.memory_space<vmem>> -> memref<64xi32, #tpu.memory_space<vmem>>
    %dma_wait3A_187 = arith.constant 0 : i32
    %dma_wait3A_188 = tpu.memref_slice %arg13[%dma_wait3A_187] : memref<256xi32, #tpu.memory_space<vmem>> -> memref<64xi32, #tpu.memory_space<vmem>>
    %dma_wait3A_189 = arith.constant 0 : i32
    %dma_wait3A_190 = tpu.memref_slice %arg8[%dma_wait3A_189] : memref<40000xi32, #tpu.memory_space<hbm>> -> memref<40000xi32, #tpu.memory_space<hbm>>
    tpu.wait_indirect_dma semaphore(%arg32 : memref<!tpu.dma_semaphore, #tpu.memory_space<semaphore_mem>>) src(%dma_wait3A_190 : memref<40000xi32, #tpu.memory_space<hbm>>) dst(%dma_wait3A_186 : memref<64xi32, #tpu.memory_space<vmem>>)
    %dma_wait3A_191 = arith.constant 0 : i32
    %dma_wait3A_192 = tpu.memref_slice %arg14[%dma_wait3A_191] : memref<272xi32, #tpu.memory_space<vmem>> -> memref<64xi32, #tpu.memory_space<vmem>>
    %dma_wait3A_193 = arith.constant 0 : i32
    %dma_wait3A_194 = tpu.memref_slice %arg13[%dma_wait3A_193] : memref<256xi32, #tpu.memory_space<vmem>> -> memref<64xi32, #tpu.memory_space<vmem>>
    %dma_wait3A_195 = arith.constant 0 : i32
    %dma_wait3A_196 = tpu.memref_slice %arg8[%dma_wait3A_195] : memref<40000xi32, #tpu.memory_space<hbm>> -> memref<40000xi32, #tpu.memory_space<hbm>>
    tpu.wait_indirect_dma semaphore(%arg32 : memref<!tpu.dma_semaphore, #tpu.memory_space<semaphore_mem>>) src(%dma_wait3A_196 : memref<40000xi32, #tpu.memory_space<hbm>>) dst(%dma_wait3A_192 : memref<64xi32, #tpu.memory_space<vmem>>)
    %dma_start3A_197 = arith.constant 192 : i32
    %dma_start3A_198 = tpu.memref_slice %arg14[%dma_start3A_197] : memref<272xi32, #tpu.memory_space<vmem>> -> memref<64xi32, #tpu.memory_space<vmem>>
    %dma_start3A_199 = arith.constant 192 : i32
    %dma_start3A_200 = tpu.memref_slice %arg13[%dma_start3A_199] : memref<256xi32, #tpu.memory_space<vmem>> -> memref<64xi32, #tpu.memory_space<vmem>>
    %dma_start3A_201 = arith.constant 0 : i32
    %dma_start3A_202 = tpu.memref_slice %arg8[%dma_start3A_201] : memref<40000xi32, #tpu.memory_space<hbm>> -> memref<40000xi32, #tpu.memory_space<hbm>>
    tpu.enqueue_indirect_dma source(%dma_start3A_202 : memref<40000xi32, #tpu.memory_space<hbm>>) target(%dma_start3A_198 : memref<64xi32, #tpu.memory_space<vmem>>) offsets(%dma_start3A_200 : memref<64xi32, #tpu.memory_space<vmem>>) semaphore(%arg33 : memref<!tpu.dma_semaphore, #tpu.memory_space<semaphore_mem>>)
    %dma_start3A_203 = arith.constant 192 : i32
    %dma_start3A_204 = tpu.memref_slice %arg15[%dma_start3A_203] : memref<256xi32, #tpu.memory_space<vmem>> -> memref<64xi32, #tpu.memory_space<vmem>>
    %dma_start3A_205 = arith.constant 192 : i32
    %dma_start3A_206 = tpu.memref_slice %arg13[%dma_start3A_205] : memref<256xi32, #tpu.memory_space<vmem>> -> memref<64xi32, #tpu.memory_space<vmem>>
    %dma_start3A_207 = arith.constant 0 : i32
    %dma_start3A_208 = tpu.memref_slice %arg9[%dma_start3A_207] : memref<40000xi32, #tpu.memory_space<hbm>> -> memref<40000xi32, #tpu.memory_space<hbm>>
    tpu.enqueue_indirect_dma source(%dma_start3A_208 : memref<40000xi32, #tpu.memory_space<hbm>>) target(%dma_start3A_204 : memref<64xi32, #tpu.memory_space<vmem>>) offsets(%dma_start3A_206 : memref<64xi32, #tpu.memory_space<vmem>>) semaphore(%arg33 : memref<!tpu.dma_semaphore, #tpu.memory_space<semaphore_mem>>)
    %scan3A_209 = arith.constant 0 : i32
    %scan3A_210 = arith.constant 0 : i32
    %scan3A_211 = arith.constant 4 : i32
    %scan3A_212 = arith.addi %scan3A_210, %scan3A_211 : i32
    %scan3A_213 = arith.constant 1 : i32
    scf.for %scan3A_605 = %scan3A_210 to %scan3A_212 step %scan3A_213  : i32 {
      %mul3A_606 = arith.constant 16 : i32
      %mul3A_607 = arith.muli %scan3A_605, %mul3A_606 : i32
      %add3A_608 = arith.constant 128 : i32
      %add3A_609 = arith.addi %add3A_608, %mul3A_607 : i32
      %get3A_610 = arith.index_cast %add3A_609 : i32 to index
      %get3A_611 = tpu.vector_load %arg15[%get3A_610] {strides = array<i32>} : memref<256xi32, #tpu.memory_space<vmem>>, vector<16xi32>,
      %jit3A_612 = arith.constant 0 : i32
      %jit3A_613 = arith.constant 19999 : i32
      %max3A = vector.broadcast %jit3A_612 : i32 to vector<16xi32>
      %max3A_614 = arith.maxsi %max3A, %get3A_611 : vector<16xi32>
      %min3A_615 = vector.broadcast %jit3A_613 : i32 to vector<16xi32>
      %min3A_616 = arith.minsi %min3A_615, %max3A_614 : vector<16xi32>
      %mul3A_617 = arith.constant 16 : i32
      %mul3A_618 = arith.muli %scan3A_605, %mul3A_617 : i32
      %swap3A_619 = arith.index_cast %mul3A_618 : i32 to index
      %swap3A_620 = tpu.vector_load %arg16[%swap3A_619] {strides = array<i32>} : memref<128xi32, #tpu.memory_space<vmem>>, vector<16xi32>,
      tpu.vector_store %arg16[%swap3A_619], %min3A_616 {strides = array<i32>} : memref<128xi32, #tpu.memory_space<vmem>>, vector<16xi32>,
    }
    %scan3A_214 = arith.constant 4 : i32
    %dma_start3A_215 = arith.constant 0 : i32
    %dma_start3A_216 = tpu.memref_slice %arg16[%dma_start3A_215] : memref<128xi32, #tpu.memory_space<vmem>> -> memref<64xi32, #tpu.memory_space<vmem>>
    %dma_start3A_217 = arith.constant 0 : i32
    %dma_start3A_218 = arith.constant 0 : i32
    %dma_start3A_219 = tpu.memref_slice %arg2[%dma_start3A_217, %dma_start3A_218] : memref<20000x128xf32, #tpu.memory_space<hbm>> -> memref<20000x128xf32, #tpu.memory_space<hbm>>
    tpu.enqueue_indirect_dma source(%dma_start3A_219 : memref<20000x128xf32, #tpu.memory_space<hbm>>) target(%arg18 : memref<64x128xf32, #tpu.memory_space<vmem>>) offsets(%dma_start3A_216 : memref<64xi32, #tpu.memory_space<vmem>>) semaphore(%arg30 : memref<!tpu.dma_semaphore, #tpu.memory_space<semaphore_mem>>)
    %dma_wait3A_220 = arith.constant 0 : i32
    %dma_wait3A_221 = tpu.memref_slice %arg16[%dma_wait3A_220] : memref<128xi32, #tpu.memory_space<vmem>> -> memref<64xi32, #tpu.memory_space<vmem>>
    %dma_wait3A_222 = arith.constant 0 : i32
    %dma_wait3A_223 = arith.constant 0 : i32
    %dma_wait3A_224 = tpu.memref_slice %arg2[%dma_wait3A_222, %dma_wait3A_223] : memref<20000x128xf32, #tpu.memory_space<hbm>> -> memref<20000x128xf32, #tpu.memory_space<hbm>>
    tpu.wait_indirect_dma semaphore(%arg30 : memref<!tpu.dma_semaphore, #tpu.memory_space<semaphore_mem>>) src(%dma_wait3A_224 : memref<20000x128xf32, #tpu.memory_space<hbm>>) dst(%arg18 : memref<64x128xf32, #tpu.memory_space<vmem>>)
    %dma_wait3A_225 = arith.constant 0 : i32
    %dma_wait3A_226 = arith.constant 0 : i32
    %dma_wait3A_227 = tpu.memref_slice %arg27[%dma_wait3A_225, %dma_wait3A_226] : memref<128x144xf32, #tpu.memory_space<vmem>> -> memref<64x144xf32, #tpu.memory_space<vmem>>
    %dma_wait3A_228 = arith.constant 0 : i32
    %dma_wait3A_229 = arith.constant 0 : i32
    %dma_wait3A_230 = tpu.memref_slice %arg11[%arg0, %dma_wait3A_228, %dma_wait3A_229] : memref<2x4096x144xf32, #tpu.memory_space<hbm>> -> memref<1x4096x144xf32, #tpu.memory_space<hbm>>
    %dma_wait3A_231 = tpu.memref_squeeze %dma_wait3A_230 : memref<1x4096x144xf32, #tpu.memory_space<hbm>> -> memref<4096x144xf32, #tpu.memory_space<hbm>>
    %dma_wait3A_232 = arith.constant 0 : i32
    %dma_wait3A_233 = arith.constant 0 : i32
    %dma_wait3A_234 = tpu.memref_slice %dma_wait3A_231[%dma_wait3A_232, %dma_wait3A_233] : memref<4096x144xf32, #tpu.memory_space<hbm>> -> memref<64x144xf32, #tpu.memory_space<hbm>>
    %dma_wait3A_235 = arith.constant 0 : i32
    %dma_wait3A_236 = arith.constant 0 : i32
    %dma_wait3A_237 = tpu.memref_slice %arg11[%arg0, %dma_wait3A_235, %dma_wait3A_236] : memref<2x4096x144xf32, #tpu.memory_space<hbm>> -> memref<1x4096x144xf32, #tpu.memory_space<hbm>>
    %dma_wait3A_238 = tpu.memref_squeeze %dma_wait3A_237 : memref<1x4096x144xf32, #tpu.memory_space<hbm>> -> memref<4096x144xf32, #tpu.memory_space<hbm>>
    %dma_wait3A_239 = arith.constant 0 : i32
    %dma_wait3A_240 = arith.constant 0 : i32
    %dma_wait3A_241 = tpu.memref_slice %dma_wait3A_238[%dma_wait3A_239, %dma_wait3A_240] : memref<4096x144xf32, #tpu.memory_space<hbm>> -> memref<64x144xf32, #tpu.memory_space<hbm>>
    %dma_wait3A_242 = arith.constant 0 : i32
    %dma_wait3A_243 = arith.constant 0 : i32
    %dma_wait3A_244 = tpu.memref_slice %arg27[%dma_wait3A_242, %dma_wait3A_243] : memref<128x144xf32, #tpu.memory_space<vmem>> -> memref<64x144xf32, #tpu.memory_space<vmem>>
    tpu.wait_dma2 semaphore(%arg31 : memref<!tpu.dma_semaphore, #tpu.memory_space<semaphore_mem>>) src(%dma_wait3A_244 : memref<64x144xf32, #tpu.memory_space<vmem>>) dst(%dma_wait3A_241 : memref<64x144xf32, #tpu.memory_space<hbm>>)
    %scan3A_245 = arith.constant 0 : i32
    %scan3A_246 = arith.constant 0 : i32
    %scan3A_247 = arith.constant 64 : i32
    %scan3A_248 = arith.addi %scan3A_246, %scan3A_247 : i32
    %scan3A_249 = arith.constant 1 : i32
    scf.for %scan3A_605 = %scan3A_246 to %scan3A_248 step %scan3A_249  : i32 {
      %add3A_606 = arith.constant 128 : i32
      %add3A_607 = arith.addi %add3A_606, %scan3A_605 : i32
      %get3A_608 = arith.index_cast %add3A_607 : i32 to index
      %get3A_609 = tpu.vector_load %arg14[%get3A_608] {strides = array<i32>} : memref<272xi32, #tpu.memory_space<vmem>>, vector<16xi32>,
      %slice3A = vector.extract_strided_slice %get3A_609 {offsets = [0], sizes = [1], strides = [1]} : vector<16xi32> to vector<1xi32>
      %squeeze3A = vector.extract %slice3A[0] : i32 from vector<1xi32>
      %eq3A_610 = arith.constant 0 : i32
      %eq3A_611 = arith.cmpi eq, %squeeze3A, %eq3A_610 : i32
      %convert_element_type3A_612 = arith.extui %eq3A_611 : i1 to i32
      %cond3A_613 = arith.constant 0 : i32
      %cond3A_614 = arith.cmpi ne, %convert_element_type3A_612, %cond3A_613 : i32
      scf.if %cond3A_614 {
        %get3A_623 = arith.index_cast %scan3A_605 : i32 to index
        %get3A_624 = arith.constant 0 : index
        %get3A_625 = tpu.vector_load %arg18[%get3A_623, %get3A_624] {strides = array<i32>} : memref<64x128xf32, #tpu.memory_space<vmem>>, vector<16xf32>,
        %swap3A_626 = arith.index_cast %scan3A_605 : i32 to index
        %swap3A_627 = arith.constant 0 : index
        %swap3A_628 = tpu.vector_load %arg28[%swap3A_626, %swap3A_627] {strides = array<i32>} : memref<128x144xf32, #tpu.memory_space<vmem>>, vector<16xf32>,
        tpu.vector_store %arg28[%swap3A_626, %swap3A_627], %get3A_625 {strides = array<i32>} : memref<128x144xf32, #tpu.memory_space<vmem>>, vector<16xf32>,
        %get3A_629 = arith.index_cast %scan3A_605 : i32 to index
        %get3A_630 = arith.constant 16 : index
        %get3A_631 = tpu.vector_load %arg18[%get3A_629, %get3A_630] {strides = array<i32>} : memref<64x128xf32, #tpu.memory_space<vmem>>, vector<16xf32>,
        %swap3A_632 = arith.index_cast %scan3A_605 : i32 to index
        %swap3A_633 = arith.constant 16 : index
        %swap3A_634 = tpu.vector_load %arg28[%swap3A_632, %swap3A_633] {strides = array<i32>} : memref<128x144xf32, #tpu.memory_space<vmem>>, vector<16xf32>,
        tpu.vector_store %arg28[%swap3A_632, %swap3A_633], %get3A_631 {strides = array<i32>} : memref<128x144xf32, #tpu.memory_space<vmem>>, vector<16xf32>,
        %get3A_635 = arith.index_cast %scan3A_605 : i32 to index
        %get3A_636 = arith.constant 32 : index
        %get3A_637 = tpu.vector_load %arg18[%get3A_635, %get3A_636] {strides = array<i32>} : memref<64x128xf32, #tpu.memory_space<vmem>>, vector<16xf32>,
        %swap3A_638 = arith.index_cast %scan3A_605 : i32 to index
        %swap3A_639 = arith.constant 32 : index
        %swap3A_640 = tpu.vector_load %arg28[%swap3A_638, %swap3A_639] {strides = array<i32>} : memref<128x144xf32, #tpu.memory_space<vmem>>, vector<16xf32>,
        tpu.vector_store %arg28[%swap3A_638, %swap3A_639], %get3A_637 {strides = array<i32>} : memref<128x144xf32, #tpu.memory_space<vmem>>, vector<16xf32>,
        %get3A_641 = arith.index_cast %scan3A_605 : i32 to index
        %get3A_642 = arith.constant 48 : index
        %get3A_643 = tpu.vector_load %arg18[%get3A_641, %get3A_642] {strides = array<i32>} : memref<64x128xf32, #tpu.memory_space<vmem>>, vector<16xf32>,
        %swap3A_644 = arith.index_cast %scan3A_605 : i32 to index
        %swap3A_645 = arith.constant 48 : index
        %swap3A_646 = tpu.vector_load %arg28[%swap3A_644, %swap3A_645] {strides = array<i32>} : memref<128x144xf32, #tpu.memory_space<vmem>>, vector<16xf32>,
        tpu.vector_store %arg28[%swap3A_644, %swap3A_645], %get3A_643 {strides = array<i32>} : memref<128x144xf32, #tpu.memory_space<vmem>>, vector<16xf32>,
        %get3A_647 = arith.index_cast %scan3A_605 : i32 to index
        %get3A_648 = arith.constant 64 : index
        %get3A_649 = tpu.vector_load %arg18[%get3A_647, %get3A_648] {strides = array<i32>} : memref<64x128xf32, #tpu.memory_space<vmem>>, vector<16xf32>,
        %swap3A_650 = arith.index_cast %scan3A_605 : i32 to index
        %swap3A_651 = arith.constant 64 : index
        %swap3A_652 = tpu.vector_load %arg28[%swap3A_650, %swap3A_651] {strides = array<i32>} : memref<128x144xf32, #tpu.memory_space<vmem>>, vector<16xf32>,
        tpu.vector_store %arg28[%swap3A_650, %swap3A_651], %get3A_649 {strides = array<i32>} : memref<128x144xf32, #tpu.memory_space<vmem>>, vector<16xf32>,
        %get3A_653 = arith.index_cast %scan3A_605 : i32 to index
        %get3A_654 = arith.constant 80 : index
        %get3A_655 = tpu.vector_load %arg18[%get3A_653, %get3A_654] {strides = array<i32>} : memref<64x128xf32, #tpu.memory_space<vmem>>, vector<16xf32>,
        %swap3A_656 = arith.index_cast %scan3A_605 : i32 to index
        %swap3A_657 = arith.constant 80 : index
        %swap3A_658 = tpu.vector_load %arg28[%swap3A_656, %swap3A_657] {strides = array<i32>} : memref<128x144xf32, #tpu.memory_space<vmem>>, vector<16xf32>,
        tpu.vector_store %arg28[%swap3A_656, %swap3A_657], %get3A_655 {strides = array<i32>} : memref<128x144xf32, #tpu.memory_space<vmem>>, vector<16xf32>,
        %get3A_659 = arith.index_cast %scan3A_605 : i32 to index
        %get3A_660 = arith.constant 96 : index
        %get3A_661 = tpu.vector_load %arg18[%get3A_659, %get3A_660] {strides = array<i32>} : memref<64x128xf32, #tpu.memory_space<vmem>>, vector<16xf32>,
        %swap3A_662 = arith.index_cast %scan3A_605 : i32 to index
        %swap3A_663 = arith.constant 96 : index
        %swap3A_664 = tpu.vector_load %arg28[%swap3A_662, %swap3A_663] {strides = array<i32>} : memref<128x144xf32, #tpu.memory_space<vmem>>, vector<16xf32>,
        tpu.vector_store %arg28[%swap3A_662, %swap3A_663], %get3A_661 {strides = array<i32>} : memref<128x144xf32, #tpu.memory_space<vmem>>, vector<16xf32>,
        %get3A_665 = arith.index_cast %scan3A_605 : i32 to index
        %get3A_666 = arith.constant 112 : index
        %get3A_667 = tpu.vector_load %arg18[%get3A_665, %get3A_666] {strides = array<i32>} : memref<64x128xf32, #tpu.memory_space<vmem>>, vector<16xf32>,
        %swap3A_668 = arith.index_cast %scan3A_605 : i32 to index
        %swap3A_669 = arith.constant 112 : index
        %swap3A_670 = tpu.vector_load %arg28[%swap3A_668, %swap3A_669] {strides = array<i32>} : memref<128x144xf32, #tpu.memory_space<vmem>>, vector<16xf32>,
        tpu.vector_store %arg28[%swap3A_668, %swap3A_669], %get3A_667 {strides = array<i32>} : memref<128x144xf32, #tpu.memory_space<vmem>>, vector<16xf32>,
      } else {
      }
      %ne3A_615 = arith.constant 0 : i32
      %ne3A_616 = arith.cmpi ne, %squeeze3A, %ne3A_615 : i32
      %convert_element_type3A_617 = arith.extui %ne3A_616 : i1 to i32
      %cond3A_618 = arith.constant 0 : i32
      %cond3A_619 = arith.cmpi ne, %convert_element_type3A_617, %cond3A_618 : i32
      scf.if %cond3A_619 {
        %sub3A_623 = arith.constant 1 : i32
        %sub3A_624 = arith.subi %squeeze3A, %sub3A_623 : i32
        %get3A_625 = arith.index_cast %sub3A_624 : i32 to index
        %get3A_626 = arith.constant 0 : index
        %get3A_627 = tpu.vector_load %arg17[%get3A_625, %get3A_626] {strides = array<i32>} : memref<3x128xf32, #tpu.memory_space<vmem>>, vector<16xf32>,
        %swap3A_628 = arith.index_cast %scan3A_605 : i32 to index
        %swap3A_629 = arith.constant 0 : index
        %swap3A_630 = tpu.vector_load %arg28[%swap3A_628, %swap3A_629] {strides = array<i32>} : memref<128x144xf32, #tpu.memory_space<vmem>>, vector<16xf32>,
        tpu.vector_store %arg28[%swap3A_628, %swap3A_629], %get3A_627 {strides = array<i32>} : memref<128x144xf32, #tpu.memory_space<vmem>>, vector<16xf32>,
        %sub3A_631 = arith.constant 1 : i32
        %sub3A_632 = arith.subi %squeeze3A, %sub3A_631 : i32
        %get3A_633 = arith.index_cast %sub3A_632 : i32 to index
        %get3A_634 = arith.constant 16 : index
        %get3A_635 = tpu.vector_load %arg17[%get3A_633, %get3A_634] {strides = array<i32>} : memref<3x128xf32, #tpu.memory_space<vmem>>, vector<16xf32>,
        %swap3A_636 = arith.index_cast %scan3A_605 : i32 to index
        %swap3A_637 = arith.constant 16 : index
        %swap3A_638 = tpu.vector_load %arg28[%swap3A_636, %swap3A_637] {strides = array<i32>} : memref<128x144xf32, #tpu.memory_space<vmem>>, vector<16xf32>,
        tpu.vector_store %arg28[%swap3A_636, %swap3A_637], %get3A_635 {strides = array<i32>} : memref<128x144xf32, #tpu.memory_space<vmem>>, vector<16xf32>,
        %sub3A_639 = arith.constant 1 : i32
        %sub3A_640 = arith.subi %squeeze3A, %sub3A_639 : i32
        %get3A_641 = arith.index_cast %sub3A_640 : i32 to index
        %get3A_642 = arith.constant 32 : index
        %get3A_643 = tpu.vector_load %arg17[%get3A_641, %get3A_642] {strides = array<i32>} : memref<3x128xf32, #tpu.memory_space<vmem>>, vector<16xf32>,
        %swap3A_644 = arith.index_cast %scan3A_605 : i32 to index
        %swap3A_645 = arith.constant 32 : index
        %swap3A_646 = tpu.vector_load %arg28[%swap3A_644, %swap3A_645] {strides = array<i32>} : memref<128x144xf32, #tpu.memory_space<vmem>>, vector<16xf32>,
        tpu.vector_store %arg28[%swap3A_644, %swap3A_645], %get3A_643 {strides = array<i32>} : memref<128x144xf32, #tpu.memory_space<vmem>>, vector<16xf32>,
        %sub3A_647 = arith.constant 1 : i32
        %sub3A_648 = arith.subi %squeeze3A, %sub3A_647 : i32
        %get3A_649 = arith.index_cast %sub3A_648 : i32 to index
        %get3A_650 = arith.constant 48 : index
        %get3A_651 = tpu.vector_load %arg17[%get3A_649, %get3A_650] {strides = array<i32>} : memref<3x128xf32, #tpu.memory_space<vmem>>, vector<16xf32>,
        %swap3A_652 = arith.index_cast %scan3A_605 : i32 to index
        %swap3A_653 = arith.constant 48 : index
        %swap3A_654 = tpu.vector_load %arg28[%swap3A_652, %swap3A_653] {strides = array<i32>} : memref<128x144xf32, #tpu.memory_space<vmem>>, vector<16xf32>,
        tpu.vector_store %arg28[%swap3A_652, %swap3A_653], %get3A_651 {strides = array<i32>} : memref<128x144xf32, #tpu.memory_space<vmem>>, vector<16xf32>,
        %sub3A_655 = arith.constant 1 : i32
        %sub3A_656 = arith.subi %squeeze3A, %sub3A_655 : i32
        %get3A_657 = arith.index_cast %sub3A_656 : i32 to index
        %get3A_658 = arith.constant 64 : index
        %get3A_659 = tpu.vector_load %arg17[%get3A_657, %get3A_658] {strides = array<i32>} : memref<3x128xf32, #tpu.memory_space<vmem>>, vector<16xf32>,
        %swap3A_660 = arith.index_cast %scan3A_605 : i32 to index
        %swap3A_661 = arith.constant 64 : index
        %swap3A_662 = tpu.vector_load %arg28[%swap3A_660, %swap3A_661] {strides = array<i32>} : memref<128x144xf32, #tpu.memory_space<vmem>>, vector<16xf32>,
        tpu.vector_store %arg28[%swap3A_660, %swap3A_661], %get3A_659 {strides = array<i32>} : memref<128x144xf32, #tpu.memory_space<vmem>>, vector<16xf32>,
        %sub3A_663 = arith.constant 1 : i32
        %sub3A_664 = arith.subi %squeeze3A, %sub3A_663 : i32
        %get3A_665 = arith.index_cast %sub3A_664 : i32 to index
        %get3A_666 = arith.constant 80 : index
        %get3A_667 = tpu.vector_load %arg17[%get3A_665, %get3A_666] {strides = array<i32>} : memref<3x128xf32, #tpu.memory_space<vmem>>, vector<16xf32>,
        %swap3A_668 = arith.index_cast %scan3A_605 : i32 to index
        %swap3A_669 = arith.constant 80 : index
        %swap3A_670 = tpu.vector_load %arg28[%swap3A_668, %swap3A_669] {strides = array<i32>} : memref<128x144xf32, #tpu.memory_space<vmem>>, vector<16xf32>,
        tpu.vector_store %arg28[%swap3A_668, %swap3A_669], %get3A_667 {strides = array<i32>} : memref<128x144xf32, #tpu.memory_space<vmem>>, vector<16xf32>,
        %sub3A_671 = arith.constant 1 : i32
        %sub3A_672 = arith.subi %squeeze3A, %sub3A_671 : i32
        %get3A_673 = arith.index_cast %sub3A_672 : i32 to index
        %get3A_674 = arith.constant 96 : index
        %get3A_675 = tpu.vector_load %arg17[%get3A_673, %get3A_674] {strides = array<i32>} : memref<3x128xf32, #tpu.memory_space<vmem>>, vector<16xf32>,
        %swap3A_676 = arith.index_cast %scan3A_605 : i32 to index
        %swap3A_677 = arith.constant 96 : index
        %swap3A_678 = tpu.vector_load %arg28[%swap3A_676, %swap3A_677] {strides = array<i32>} : memref<128x144xf32, #tpu.memory_space<vmem>>, vector<16xf32>,
        tpu.vector_store %arg28[%swap3A_676, %swap3A_677], %get3A_675 {strides = array<i32>} : memref<128x144xf32, #tpu.memory_space<vmem>>, vector<16xf32>,
        %sub3A_679 = arith.constant 1 : i32
        %sub3A_680 = arith.subi %squeeze3A, %sub3A_679 : i32
        %get3A_681 = arith.index_cast %sub3A_680 : i32 to index
        %get3A_682 = arith.constant 112 : index
        %get3A_683 = tpu.vector_load %arg17[%get3A_681, %get3A_682] {strides = array<i32>} : memref<3x128xf32, #tpu.memory_space<vmem>>, vector<16xf32>,
        %swap3A_684 = arith.index_cast %scan3A_605 : i32 to index
        %swap3A_685 = arith.constant 112 : index
        %swap3A_686 = tpu.vector_load %arg28[%swap3A_684, %swap3A_685] {strides = array<i32>} : memref<128x144xf32, #tpu.memory_space<vmem>>, vector<16xf32>,
        tpu.vector_store %arg28[%swap3A_684, %swap3A_685], %get3A_683 {strides = array<i32>} : memref<128x144xf32, #tpu.memory_space<vmem>>, vector<16xf32>,
      } else {
      }
      %swap3A_620 = arith.index_cast %scan3A_605 : i32 to index
      %swap3A_621 = arith.constant 128 : index
      %swap3A_622 = tpu.vector_load %arg28[%swap3A_620, %swap3A_621] {strides = array<i32>} : memref<128x144xf32, #tpu.memory_space<vmem>>, vector<16xf32>,
      tpu.vector_store %arg28[%swap3A_620, %swap3A_621], %select_n3A {strides = array<i32>} : memref<128x144xf32, #tpu.memory_space<vmem>>, vector<16xf32>,
    }
    %scan3A_250 = arith.constant 64 : i32
    %dma_start3A_251 = arith.constant 0 : i32
    %dma_start3A_252 = arith.constant 0 : i32
    %dma_start3A_253 = tpu.memref_slice %arg28[%dma_start3A_251, %dma_start3A_252] : memref<128x144xf32, #tpu.memory_space<vmem>> -> memref<64x144xf32, #tpu.memory_space<vmem>>
    %dma_start3A_254 = arith.constant 0 : i32
    %dma_start3A_255 = arith.constant 0 : i32
    %dma_start3A_256 = tpu.memref_slice %arg11[%arg0, %dma_start3A_254, %dma_start3A_255] : memref<2x4096x144xf32, #tpu.memory_space<hbm>> -> memref<1x4096x144xf32, #tpu.memory_space<hbm>>
    %dma_start3A_257 = tpu.memref_squeeze %dma_start3A_256 : memref<1x4096x144xf32, #tpu.memory_space<hbm>> -> memref<4096x144xf32, #tpu.memory_space<hbm>>
    %dma_start3A_258 = arith.constant 0 : i32
    %dma_start3A_259 = tpu.memref_slice %dma_start3A_257[%add3A_184, %dma_start3A_258] : memref<4096x144xf32, #tpu.memory_space<hbm>> -> memref<64x144xf32, #tpu.memory_space<hbm>>
    %dma_start3A_260 = arith.constant 0 : i32
    %dma_start3A_261 = arith.constant 0 : i32
    %dma_start3A_262 = tpu.memref_slice %arg11[%arg0, %dma_start3A_260, %dma_start3A_261] : memref<2x4096x144xf32, #tpu.memory_space<hbm>> -> memref<1x4096x144xf32, #tpu.memory_space<hbm>>
    %dma_start3A_263 = tpu.memref_squeeze %dma_start3A_262 : memref<1x4096x144xf32, #tpu.memory_space<hbm>> -> memref<4096x144xf32, #tpu.memory_space<hbm>>
    %dma_start3A_264 = arith.constant 0 : i32
    %dma_start3A_265 = tpu.memref_slice %dma_start3A_263[%add3A_184, %dma_start3A_264] : memref<4096x144xf32, #tpu.memory_space<hbm>> -> memref<64x144xf32, #tpu.memory_space<hbm>>
    %dma_start3A_266 = arith.constant 0 : i32
    %dma_start3A_267 = arith.constant 0 : i32
    %dma_start3A_268 = tpu.memref_slice %arg28[%dma_start3A_266, %dma_start3A_267] : memref<128x144xf32, #tpu.memory_space<vmem>> -> memref<64x144xf32, #tpu.memory_space<vmem>>
    tpu.enqueue_dma source(%dma_start3A_268 : memref<64x144xf32, #tpu.memory_space<vmem>>) target(%dma_start3A_265 : memref<64x144xf32, #tpu.memory_space<hbm>>) target_semaphore(%arg31 : memref<!tpu.dma_semaphore, #tpu.memory_space<semaphore_mem>>)
    %eq3A_269 = arith.constant 0 : i32
    %eq3A_270 = arith.cmpi eq, %arg0, %eq3A_269 : i32
    %lt3A_271 = arith.constant 1024 : i32
    %lt3A_272 = arith.cmpi slt, %add3A_184, %lt3A_271 : i32
    %and3A_273 = arith.andi %eq3A_270, %lt3A_272 : i1
    %convert_element_type3A_274 = arith.extui %and3A_273 : i1 to i32
    %cond3A_275 = arith.constant 0 : i32
    %cond3A_276 = arith.cmpi ne, %convert_element_type3A_274, %cond3A_275 : i32
    scf.if %cond3A_276 {
      "tpu.region"() ({
        %run_scoped3A = tpu.sem_alloc : memref<!tpu.dma_semaphore, #tpu.memory_space<semaphore_mem>>
        %dma_start3A_605 = arith.constant 128 : i32
        %dma_start3A_606 = tpu.memref_slice %arg14[%dma_start3A_605] : memref<272xi32, #tpu.memory_space<vmem>> -> memref<64xi32, #tpu.memory_space<vmem>>
        %dma_start3A_607 = tpu.memref_slice %arg12[%add3A_184] : memref<1024xi32, #tpu.memory_space<hbm>> -> memref<64xi32, #tpu.memory_space<hbm>>
        %dma_start3A_608 = tpu.memref_slice %arg12[%add3A_184] : memref<1024xi32, #tpu.memory_space<hbm>> -> memref<64xi32, #tpu.memory_space<hbm>>
        %dma_start3A_609 = arith.constant 128 : i32
        %dma_start3A_610 = tpu.memref_slice %arg14[%dma_start3A_609] : memref<272xi32, #tpu.memory_space<vmem>> -> memref<64xi32, #tpu.memory_space<vmem>>
        tpu.enqueue_dma source(%dma_start3A_610 : memref<64xi32, #tpu.memory_space<vmem>>) target(%dma_start3A_608 : memref<64xi32, #tpu.memory_space<hbm>>) target_semaphore(%run_scoped3A : memref<!tpu.dma_semaphore, #tpu.memory_space<semaphore_mem>>)
        %dma_wait3A_611 = arith.constant 128 : i32
        %dma_wait3A_612 = tpu.memref_slice %arg14[%dma_wait3A_611] : memref<272xi32, #tpu.memory_space<vmem>> -> memref<64xi32, #tpu.memory_space<vmem>>
        %dma_wait3A_613 = tpu.memref_slice %arg12[%add3A_184] : memref<1024xi32, #tpu.memory_space<hbm>> -> memref<64xi32, #tpu.memory_space<hbm>>
        %dma_wait3A_614 = tpu.memref_slice %arg12[%add3A_184] : memref<1024xi32, #tpu.memory_space<hbm>> -> memref<64xi32, #tpu.memory_space<hbm>>
        %dma_wait3A_615 = arith.constant 128 : i32
        %dma_wait3A_616 = tpu.memref_slice %arg14[%dma_wait3A_615] : memref<272xi32, #tpu.memory_space<vmem>> -> memref<64xi32, #tpu.memory_space<vmem>>
        tpu.wait_dma2 semaphore(%run_scoped3A : memref<!tpu.dma_semaphore, #tpu.memory_space<semaphore_mem>>) src(%dma_wait3A_616 : memref<64xi32, #tpu.memory_space<vmem>>) dst(%dma_wait3A_614 : memref<64xi32, #tpu.memory_space<hbm>>)
        tpu.yield
      }) : () -> ()
    } else {
    }
    %mul3A_277 = arith.constant 256 : i32
    %mul3A_278 = arith.muli %arg1, %mul3A_277 : i32
    %add3A_279 = arith.constant 192 : i32
    %add3A_280 = arith.addi %mul3A_278, %add3A_279 : i32
    %dma_wait3A_281 = arith.constant 0 : i32
    %dma_wait3A_282 = tpu.memref_slice %arg14[%dma_wait3A_281] : memref<272xi32, #tpu.memory_space<vmem>> -> memref<64xi32, #tpu.memory_space<vmem>>
    %dma_wait3A_283 = arith.constant 0 : i32
    %dma_wait3A_284 = tpu.memref_slice %arg13[%dma_wait3A_283] : memref<256xi32, #tpu.memory_space<vmem>> -> memref<64xi32, #tpu.memory_space<vmem>>
    %dma_wait3A_285 = arith.constant 0 : i32
    %dma_wait3A_286 = tpu.memref_slice %arg8[%dma_wait3A_285] : memref<40000xi32, #tpu.memory_space<hbm>> -> memref<40000xi32, #tpu.memory_space<hbm>>
    tpu.wait_indirect_dma semaphore(%arg33 : memref<!tpu.dma_semaphore, #tpu.memory_space<semaphore_mem>>) src(%dma_wait3A_286 : memref<40000xi32, #tpu.memory_space<hbm>>) dst(%dma_wait3A_282 : memref<64xi32, #tpu.memory_space<vmem>>)
    %dma_wait3A_287 = arith.constant 0 : i32
    %dma_wait3A_288 = tpu.memref_slice %arg14[%dma_wait3A_287] : memref<272xi32, #tpu.memory_space<vmem>> -> memref<64xi32, #tpu.memory_space<vmem>>
    %dma_wait3A_289 = arith.constant 0 : i32
    %dma_wait3A_290 = tpu.memref_slice %arg13[%dma_wait3A_289] : memref<256xi32, #tpu.memory_space<vmem>> -> memref<64xi32, #tpu.memory_space<vmem>>
    %dma_wait3A_291 = arith.constant 0 : i32
    %dma_wait3A_292 = tpu.memref_slice %arg8[%dma_wait3A_291] : memref<40000xi32, #tpu.memory_space<hbm>> -> memref<40000xi32, #tpu.memory_space<hbm>>
    tpu.wait_indirect_dma semaphore(%arg33 : memref<!tpu.dma_semaphore, #tpu.memory_space<semaphore_mem>>) src(%dma_wait3A_292 : memref<40000xi32, #tpu.memory_space<hbm>>) dst(%dma_wait3A_288 : memref<64xi32, #tpu.memory_space<vmem>>)
    %scan3A_293 = arith.constant 0 : i32
    %scan3A_294 = arith.constant 0 : i32
    %scan3A_295 = arith.constant 4 : i32
    %scan3A_296 = arith.addi %scan3A_294, %scan3A_295 : i32
    %scan3A_297 = arith.constant 1 : i32
    scf.for %scan3A_605 = %scan3A_294 to %scan3A_296 step %scan3A_297  : i32 {
      %mul3A_606 = arith.constant 16 : i32
      %mul3A_607 = arith.muli %scan3A_605, %mul3A_606 : i32
      %add3A_608 = arith.constant 192 : i32
      %add3A_609 = arith.addi %add3A_608, %mul3A_607 : i32
      %get3A_610 = arith.index_cast %add3A_609 : i32 to index
      %get3A_611 = tpu.vector_load %arg15[%get3A_610] {strides = array<i32>} : memref<256xi32, #tpu.memory_space<vmem>>, vector<16xi32>,
      %jit3A_612 = arith.constant 0 : i32
      %jit3A_613 = arith.constant 19999 : i32
      %max3A = vector.broadcast %jit3A_612 : i32 to vector<16xi32>
      %max3A_614 = arith.maxsi %max3A, %get3A_611 : vector<16xi32>
      %min3A_615 = vector.broadcast %jit3A_613 : i32 to vector<16xi32>
      %min3A_616 = arith.minsi %min3A_615, %max3A_614 : vector<16xi32>
      %mul3A_617 = arith.constant 16 : i32
      %mul3A_618 = arith.muli %scan3A_605, %mul3A_617 : i32
      %swap3A_619 = arith.index_cast %mul3A_618 : i32 to index
      %swap3A_620 = tpu.vector_load %arg16[%swap3A_619] {strides = array<i32>} : memref<128xi32, #tpu.memory_space<vmem>>, vector<16xi32>,
      tpu.vector_store %arg16[%swap3A_619], %min3A_616 {strides = array<i32>} : memref<128xi32, #tpu.memory_space<vmem>>, vector<16xi32>,
    }
    %scan3A_298 = arith.constant 4 : i32
    %dma_start3A_299 = arith.constant 0 : i32
    %dma_start3A_300 = tpu.memref_slice %arg16[%dma_start3A_299] : memref<128xi32, #tpu.memory_space<vmem>> -> memref<64xi32, #tpu.memory_space<vmem>>
    %dma_start3A_301 = arith.constant 0 : i32
    %dma_start3A_302 = arith.constant 0 : i32
    %dma_start3A_303 = tpu.memref_slice %arg2[%dma_start3A_301, %dma_start3A_302] : memref<20000x128xf32, #tpu.memory_space<hbm>> -> memref<20000x128xf32, #tpu.memory_space<hbm>>
    tpu.enqueue_indirect_dma source(%dma_start3A_303 : memref<20000x128xf32, #tpu.memory_space<hbm>>) target(%arg18 : memref<64x128xf32, #tpu.memory_space<vmem>>) offsets(%dma_start3A_300 : memref<64xi32, #tpu.memory_space<vmem>>) semaphore(%arg30 : memref<!tpu.dma_semaphore, #tpu.memory_space<semaphore_mem>>)
    %dma_wait3A_304 = arith.constant 0 : i32
    %dma_wait3A_305 = tpu.memref_slice %arg16[%dma_wait3A_304] : memref<128xi32, #tpu.memory_space<vmem>> -> memref<64xi32, #tpu.memory_space<vmem>>
    %dma_wait3A_306 = arith.constant 0 : i32
    %dma_wait3A_307 = arith.constant 0 : i32
    %dma_wait3A_308 = tpu.memref_slice %arg2[%dma_wait3A_306, %dma_wait3A_307] : memref<20000x128xf32, #tpu.memory_space<hbm>> -> memref<20000x128xf32, #tpu.memory_space<hbm>>
    tpu.wait_indirect_dma semaphore(%arg30 : memref<!tpu.dma_semaphore, #tpu.memory_space<semaphore_mem>>) src(%dma_wait3A_308 : memref<20000x128xf32, #tpu.memory_space<hbm>>) dst(%arg18 : memref<64x128xf32, #tpu.memory_space<vmem>>)
    %dma_wait3A_309 = arith.constant 0 : i32
    %dma_wait3A_310 = arith.constant 0 : i32
    %dma_wait3A_311 = tpu.memref_slice %arg27[%dma_wait3A_309, %dma_wait3A_310] : memref<128x144xf32, #tpu.memory_space<vmem>> -> memref<64x144xf32, #tpu.memory_space<vmem>>
    %dma_wait3A_312 = arith.constant 0 : i32
    %dma_wait3A_313 = arith.constant 0 : i32
    %dma_wait3A_314 = tpu.memref_slice %arg11[%arg0, %dma_wait3A_312, %dma_wait3A_313] : memref<2x4096x144xf32, #tpu.memory_space<hbm>> -> memref<1x4096x144xf32, #tpu.memory_space<hbm>>
    %dma_wait3A_315 = tpu.memref_squeeze %dma_wait3A_314 : memref<1x4096x144xf32, #tpu.memory_space<hbm>> -> memref<4096x144xf32, #tpu.memory_space<hbm>>
    %dma_wait3A_316 = arith.constant 0 : i32
    %dma_wait3A_317 = arith.constant 0 : i32
    %dma_wait3A_318 = tpu.memref_slice %dma_wait3A_315[%dma_wait3A_316, %dma_wait3A_317] : memref<4096x144xf32, #tpu.memory_space<hbm>> -> memref<64x144xf32, #tpu.memory_space<hbm>>
    %dma_wait3A_319 = arith.constant 0 : i32
    %dma_wait3A_320 = arith.constant 0 : i32
    %dma_wait3A_321 = tpu.memref_slice %arg11[%arg0, %dma_wait3A_319, %dma_wait3A_320] : memref<2x4096x144xf32, #tpu.memory_space<hbm>> -> memref<1x4096x144xf32, #tpu.memory_space<hbm>>
    %dma_wait3A_322 = tpu.memref_squeeze %dma_wait3A_321 : memref<1x4096x144xf32, #tpu.memory_space<hbm>> -> memref<4096x144xf32, #tpu.memory_space<hbm>>
    %dma_wait3A_323 = arith.constant 0 : i32
    %dma_wait3A_324 = arith.constant 0 : i32
    %dma_wait3A_325 = tpu.memref_slice %dma_wait3A_322[%dma_wait3A_323, %dma_wait3A_324] : memref<4096x144xf32, #tpu.memory_space<hbm>> -> memref<64x144xf32, #tpu.memory_space<hbm>>
    %dma_wait3A_326 = arith.constant 0 : i32
    %dma_wait3A_327 = arith.constant 0 : i32
    %dma_wait3A_328 = tpu.memref_slice %arg27[%dma_wait3A_326, %dma_wait3A_327] : memref<128x144xf32, #tpu.memory_space<vmem>> -> memref<64x144xf32, #tpu.memory_space<vmem>>
    tpu.wait_dma2 semaphore(%arg31 : memref<!tpu.dma_semaphore, #tpu.memory_space<semaphore_mem>>) src(%dma_wait3A_328 : memref<64x144xf32, #tpu.memory_space<vmem>>) dst(%dma_wait3A_325 : memref<64x144xf32, #tpu.memory_space<hbm>>)
    %scan3A_329 = arith.constant 0 : i32
    %scan3A_330 = arith.constant 0 : i32
    %scan3A_331 = arith.constant 64 : i32
    %scan3A_332 = arith.addi %scan3A_330, %scan3A_331 : i32
    %scan3A_333 = arith.constant 1 : i32
    scf.for %scan3A_605 = %scan3A_330 to %scan3A_332 step %scan3A_333  : i32 {
      %add3A_606 = arith.constant 192 : i32
      %add3A_607 = arith.addi %add3A_606, %scan3A_605 : i32
      %get3A_608 = arith.index_cast %add3A_607 : i32 to index
      %get3A_609 = tpu.vector_load %arg14[%get3A_608] {strides = array<i32>} : memref<272xi32, #tpu.memory_space<vmem>>, vector<16xi32>,
      %slice3A = vector.extract_strided_slice %get3A_609 {offsets = [0], sizes = [1], strides = [1]} : vector<16xi32> to vector<1xi32>
      %squeeze3A = vector.extract %slice3A[0] : i32 from vector<1xi32>
      %eq3A_610 = arith.constant 0 : i32
      %eq3A_611 = arith.cmpi eq, %squeeze3A, %eq3A_610 : i32
      %convert_element_type3A_612 = arith.extui %eq3A_611 : i1 to i32
      %cond3A_613 = arith.constant 0 : i32
      %cond3A_614 = arith.cmpi ne, %convert_element_type3A_612, %cond3A_613 : i32
      scf.if %cond3A_614 {
        %get3A_623 = arith.index_cast %scan3A_605 : i32 to index
        %get3A_624 = arith.constant 0 : index
        %get3A_625 = tpu.vector_load %arg18[%get3A_623, %get3A_624] {strides = array<i32>} : memref<64x128xf32, #tpu.memory_space<vmem>>, vector<16xf32>,
        %swap3A_626 = arith.index_cast %scan3A_605 : i32 to index
        %swap3A_627 = arith.constant 0 : index
        %swap3A_628 = tpu.vector_load %arg27[%swap3A_626, %swap3A_627] {strides = array<i32>} : memref<128x144xf32, #tpu.memory_space<vmem>>, vector<16xf32>,
        tpu.vector_store %arg27[%swap3A_626, %swap3A_627], %get3A_625 {strides = array<i32>} : memref<128x144xf32, #tpu.memory_space<vmem>>, vector<16xf32>,
        %get3A_629 = arith.index_cast %scan3A_605 : i32 to index
        %get3A_630 = arith.constant 16 : index
        %get3A_631 = tpu.vector_load %arg18[%get3A_629, %get3A_630] {strides = array<i32>} : memref<64x128xf32, #tpu.memory_space<vmem>>, vector<16xf32>,
        %swap3A_632 = arith.index_cast %scan3A_605 : i32 to index
        %swap3A_633 = arith.constant 16 : index
        %swap3A_634 = tpu.vector_load %arg27[%swap3A_632, %swap3A_633] {strides = array<i32>} : memref<128x144xf32, #tpu.memory_space<vmem>>, vector<16xf32>,
        tpu.vector_store %arg27[%swap3A_632, %swap3A_633], %get3A_631 {strides = array<i32>} : memref<128x144xf32, #tpu.memory_space<vmem>>, vector<16xf32>,
        %get3A_635 = arith.index_cast %scan3A_605 : i32 to index
        %get3A_636 = arith.constant 32 : index
        %get3A_637 = tpu.vector_load %arg18[%get3A_635, %get3A_636] {strides = array<i32>} : memref<64x128xf32, #tpu.memory_space<vmem>>, vector<16xf32>,
        %swap3A_638 = arith.index_cast %scan3A_605 : i32 to index
        %swap3A_639 = arith.constant 32 : index
        %swap3A_640 = tpu.vector_load %arg27[%swap3A_638, %swap3A_639] {strides = array<i32>} : memref<128x144xf32, #tpu.memory_space<vmem>>, vector<16xf32>,
        tpu.vector_store %arg27[%swap3A_638, %swap3A_639], %get3A_637 {strides = array<i32>} : memref<128x144xf32, #tpu.memory_space<vmem>>, vector<16xf32>,
        %get3A_641 = arith.index_cast %scan3A_605 : i32 to index
        %get3A_642 = arith.constant 48 : index
        %get3A_643 = tpu.vector_load %arg18[%get3A_641, %get3A_642] {strides = array<i32>} : memref<64x128xf32, #tpu.memory_space<vmem>>, vector<16xf32>,
        %swap3A_644 = arith.index_cast %scan3A_605 : i32 to index
        %swap3A_645 = arith.constant 48 : index
        %swap3A_646 = tpu.vector_load %arg27[%swap3A_644, %swap3A_645] {strides = array<i32>} : memref<128x144xf32, #tpu.memory_space<vmem>>, vector<16xf32>,
        tpu.vector_store %arg27[%swap3A_644, %swap3A_645], %get3A_643 {strides = array<i32>} : memref<128x144xf32, #tpu.memory_space<vmem>>, vector<16xf32>,
        %get3A_647 = arith.index_cast %scan3A_605 : i32 to index
        %get3A_648 = arith.constant 64 : index
        %get3A_649 = tpu.vector_load %arg18[%get3A_647, %get3A_648] {strides = array<i32>} : memref<64x128xf32, #tpu.memory_space<vmem>>, vector<16xf32>,
        %swap3A_650 = arith.index_cast %scan3A_605 : i32 to index
        %swap3A_651 = arith.constant 64 : index
        %swap3A_652 = tpu.vector_load %arg27[%swap3A_650, %swap3A_651] {strides = array<i32>} : memref<128x144xf32, #tpu.memory_space<vmem>>, vector<16xf32>,
        tpu.vector_store %arg27[%swap3A_650, %swap3A_651], %get3A_649 {strides = array<i32>} : memref<128x144xf32, #tpu.memory_space<vmem>>, vector<16xf32>,
        %get3A_653 = arith.index_cast %scan3A_605 : i32 to index
        %get3A_654 = arith.constant 80 : index
        %get3A_655 = tpu.vector_load %arg18[%get3A_653, %get3A_654] {strides = array<i32>} : memref<64x128xf32, #tpu.memory_space<vmem>>, vector<16xf32>,
        %swap3A_656 = arith.index_cast %scan3A_605 : i32 to index
        %swap3A_657 = arith.constant 80 : index
        %swap3A_658 = tpu.vector_load %arg27[%swap3A_656, %swap3A_657] {strides = array<i32>} : memref<128x144xf32, #tpu.memory_space<vmem>>, vector<16xf32>,
        tpu.vector_store %arg27[%swap3A_656, %swap3A_657], %get3A_655 {strides = array<i32>} : memref<128x144xf32, #tpu.memory_space<vmem>>, vector<16xf32>,
        %get3A_659 = arith.index_cast %scan3A_605 : i32 to index
        %get3A_660 = arith.constant 96 : index
        %get3A_661 = tpu.vector_load %arg18[%get3A_659, %get3A_660] {strides = array<i32>} : memref<64x128xf32, #tpu.memory_space<vmem>>, vector<16xf32>,
        %swap3A_662 = arith.index_cast %scan3A_605 : i32 to index
        %swap3A_663 = arith.constant 96 : index
        %swap3A_664 = tpu.vector_load %arg27[%swap3A_662, %swap3A_663] {strides = array<i32>} : memref<128x144xf32, #tpu.memory_space<vmem>>, vector<16xf32>,
        tpu.vector_store %arg27[%swap3A_662, %swap3A_663], %get3A_661 {strides = array<i32>} : memref<128x144xf32, #tpu.memory_space<vmem>>, vector<16xf32>,
        %get3A_665 = arith.index_cast %scan3A_605 : i32 to index
        %get3A_666 = arith.constant 112 : index
        %get3A_667 = tpu.vector_load %arg18[%get3A_665, %get3A_666] {strides = array<i32>} : memref<64x128xf32, #tpu.memory_space<vmem>>, vector<16xf32>,
        %swap3A_668 = arith.index_cast %scan3A_605 : i32 to index
        %swap3A_669 = arith.constant 112 : index
        %swap3A_670 = tpu.vector_load %arg27[%swap3A_668, %swap3A_669] {strides = array<i32>} : memref<128x144xf32, #tpu.memory_space<vmem>>, vector<16xf32>,
        tpu.vector_store %arg27[%swap3A_668, %swap3A_669], %get3A_667 {strides = array<i32>} : memref<128x144xf32, #tpu.memory_space<vmem>>, vector<16xf32>,
      } else {
      }
      %ne3A_615 = arith.constant 0 : i32
      %ne3A_616 = arith.cmpi ne, %squeeze3A, %ne3A_615 : i32
      %convert_element_type3A_617 = arith.extui %ne3A_616 : i1 to i32
      %cond3A_618 = arith.constant 0 : i32
      %cond3A_619 = arith.cmpi ne, %convert_element_type3A_617, %cond3A_618 : i32
      scf.if %cond3A_619 {
        %sub3A_623 = arith.constant 1 : i32
        %sub3A_624 = arith.subi %squeeze3A, %sub3A_623 : i32
        %get3A_625 = arith.index_cast %sub3A_624 : i32 to index
        %get3A_626 = arith.constant 0 : index
        %get3A_627 = tpu.vector_load %arg17[%get3A_625, %get3A_626] {strides = array<i32>} : memref<3x128xf32, #tpu.memory_space<vmem>>, vector<16xf32>,
        %swap3A_628 = arith.index_cast %scan3A_605 : i32 to index
        %swap3A_629 = arith.constant 0 : index
        %swap3A_630 = tpu.vector_load %arg27[%swap3A_628, %swap3A_629] {strides = array<i32>} : memref<128x144xf32, #tpu.memory_space<vmem>>, vector<16xf32>,
        tpu.vector_store %arg27[%swap3A_628, %swap3A_629], %get3A_627 {strides = array<i32>} : memref<128x144xf32, #tpu.memory_space<vmem>>, vector<16xf32>,
        %sub3A_631 = arith.constant 1 : i32
        %sub3A_632 = arith.subi %squeeze3A, %sub3A_631 : i32
        %get3A_633 = arith.index_cast %sub3A_632 : i32 to index
        %get3A_634 = arith.constant 16 : index
        %get3A_635 = tpu.vector_load %arg17[%get3A_633, %get3A_634] {strides = array<i32>} : memref<3x128xf32, #tpu.memory_space<vmem>>, vector<16xf32>,
        %swap3A_636 = arith.index_cast %scan3A_605 : i32 to index
        %swap3A_637 = arith.constant 16 : index
        %swap3A_638 = tpu.vector_load %arg27[%swap3A_636, %swap3A_637] {strides = array<i32>} : memref<128x144xf32, #tpu.memory_space<vmem>>, vector<16xf32>,
        tpu.vector_store %arg27[%swap3A_636, %swap3A_637], %get3A_635 {strides = array<i32>} : memref<128x144xf32, #tpu.memory_space<vmem>>, vector<16xf32>,
        %sub3A_639 = arith.constant 1 : i32
        %sub3A_640 = arith.subi %squeeze3A, %sub3A_639 : i32
        %get3A_641 = arith.index_cast %sub3A_640 : i32 to index
        %get3A_642 = arith.constant 32 : index
        %get3A_643 = tpu.vector_load %arg17[%get3A_641, %get3A_642] {strides = array<i32>} : memref<3x128xf32, #tpu.memory_space<vmem>>, vector<16xf32>,
        %swap3A_644 = arith.index_cast %scan3A_605 : i32 to index
        %swap3A_645 = arith.constant 32 : index
        %swap3A_646 = tpu.vector_load %arg27[%swap3A_644, %swap3A_645] {strides = array<i32>} : memref<128x144xf32, #tpu.memory_space<vmem>>, vector<16xf32>,
        tpu.vector_store %arg27[%swap3A_644, %swap3A_645], %get3A_643 {strides = array<i32>} : memref<128x144xf32, #tpu.memory_space<vmem>>, vector<16xf32>,
        %sub3A_647 = arith.constant 1 : i32
        %sub3A_648 = arith.subi %squeeze3A, %sub3A_647 : i32
        %get3A_649 = arith.index_cast %sub3A_648 : i32 to index
        %get3A_650 = arith.constant 48 : index
        %get3A_651 = tpu.vector_load %arg17[%get3A_649, %get3A_650] {strides = array<i32>} : memref<3x128xf32, #tpu.memory_space<vmem>>, vector<16xf32>,
        %swap3A_652 = arith.index_cast %scan3A_605 : i32 to index
        %swap3A_653 = arith.constant 48 : index
        %swap3A_654 = tpu.vector_load %arg27[%swap3A_652, %swap3A_653] {strides = array<i32>} : memref<128x144xf32, #tpu.memory_space<vmem>>, vector<16xf32>,
        tpu.vector_store %arg27[%swap3A_652, %swap3A_653], %get3A_651 {strides = array<i32>} : memref<128x144xf32, #tpu.memory_space<vmem>>, vector<16xf32>,
        %sub3A_655 = arith.constant 1 : i32
        %sub3A_656 = arith.subi %squeeze3A, %sub3A_655 : i32
        %get3A_657 = arith.index_cast %sub3A_656 : i32 to index
        %get3A_658 = arith.constant 64 : index
        %get3A_659 = tpu.vector_load %arg17[%get3A_657, %get3A_658] {strides = array<i32>} : memref<3x128xf32, #tpu.memory_space<vmem>>, vector<16xf32>,
        %swap3A_660 = arith.index_cast %scan3A_605 : i32 to index
        %swap3A_661 = arith.constant 64 : index
        %swap3A_662 = tpu.vector_load %arg27[%swap3A_660, %swap3A_661] {strides = array<i32>} : memref<128x144xf32, #tpu.memory_space<vmem>>, vector<16xf32>,
        tpu.vector_store %arg27[%swap3A_660, %swap3A_661], %get3A_659 {strides = array<i32>} : memref<128x144xf32, #tpu.memory_space<vmem>>, vector<16xf32>,
        %sub3A_663 = arith.constant 1 : i32
        %sub3A_664 = arith.subi %squeeze3A, %sub3A_663 : i32
        %get3A_665 = arith.index_cast %sub3A_664 : i32 to index
        %get3A_666 = arith.constant 80 : index
        %get3A_667 = tpu.vector_load %arg17[%get3A_665, %get3A_666] {strides = array<i32>} : memref<3x128xf32, #tpu.memory_space<vmem>>, vector<16xf32>,
        %swap3A_668 = arith.index_cast %scan3A_605 : i32 to index
        %swap3A_669 = arith.constant 80 : index
        %swap3A_670 = tpu.vector_load %arg27[%swap3A_668, %swap3A_669] {strides = array<i32>} : memref<128x144xf32, #tpu.memory_space<vmem>>, vector<16xf32>,
        tpu.vector_store %arg27[%swap3A_668, %swap3A_669], %get3A_667 {strides = array<i32>} : memref<128x144xf32, #tpu.memory_space<vmem>>, vector<16xf32>,
        %sub3A_671 = arith.constant 1 : i32
        %sub3A_672 = arith.subi %squeeze3A, %sub3A_671 : i32
        %get3A_673 = arith.index_cast %sub3A_672 : i32 to index
        %get3A_674 = arith.constant 96 : index
        %get3A_675 = tpu.vector_load %arg17[%get3A_673, %get3A_674] {strides = array<i32>} : memref<3x128xf32, #tpu.memory_space<vmem>>, vector<16xf32>,
        %swap3A_676 = arith.index_cast %scan3A_605 : i32 to index
        %swap3A_677 = arith.constant 96 : index
        %swap3A_678 = tpu.vector_load %arg27[%swap3A_676, %swap3A_677] {strides = array<i32>} : memref<128x144xf32, #tpu.memory_space<vmem>>, vector<16xf32>,
        tpu.vector_store %arg27[%swap3A_676, %swap3A_677], %get3A_675 {strides = array<i32>} : memref<128x144xf32, #tpu.memory_space<vmem>>, vector<16xf32>,
        %sub3A_679 = arith.constant 1 : i32
        %sub3A_680 = arith.subi %squeeze3A, %sub3A_679 : i32
        %get3A_681 = arith.index_cast %sub3A_680 : i32 to index
        %get3A_682 = arith.constant 112 : index
        %get3A_683 = tpu.vector_load %arg17[%get3A_681, %get3A_682] {strides = array<i32>} : memref<3x128xf32, #tpu.memory_space<vmem>>, vector<16xf32>,
        %swap3A_684 = arith.index_cast %scan3A_605 : i32 to index
        %swap3A_685 = arith.constant 112 : index
        %swap3A_686 = tpu.vector_load %arg27[%swap3A_684, %swap3A_685] {strides = array<i32>} : memref<128x144xf32, #tpu.memory_space<vmem>>, vector<16xf32>,
        tpu.vector_store %arg27[%swap3A_684, %swap3A_685], %get3A_683 {strides = array<i32>} : memref<128x144xf32, #tpu.memory_space<vmem>>, vector<16xf32>,
      } else {
      }
      %swap3A_620 = arith.index_cast %scan3A_605 : i32 to index
      %swap3A_621 = arith.constant 128 : index
      %swap3A_622 = tpu.vector_load %arg27[%swap3A_620, %swap3A_621] {strides = array<i32>} : memref<128x144xf32, #tpu.memory_space<vmem>>, vector<16xf32>,
      tpu.vector_store %arg27[%swap3A_620, %swap3A_621], %select_n3A {strides = array<i32>} : memref<128x144xf32, #tpu.memory_space<vmem>>, vector<16xf32>,
    }
    %scan3A_334 = arith.constant 64 : i32
    %dma_start3A_335 = arith.constant 0 : i32
    %dma_start3A_336 = arith.constant 0 : i32
    %dma_start3A_337 = tpu.memref_slice %arg27[%dma_start3A_335, %dma_start3A_336] : memref<128x144xf32, #tpu.memory_space<vmem>> -> memref<64x144xf32, #tpu.memory_space<vmem>>
    %dma_start3A_338 = arith.constant 0 : i32
    %dma_start3A_339 = arith.constant 0 : i32
    %dma_start3A_340 = tpu.memref_slice %arg11[%arg0, %dma_start3A_338, %dma_start3A_339] : memref<2x4096x144xf32, #tpu.memory_space<hbm>> -> memref<1x4096x144xf32, #tpu.memory_space<hbm>>
    %dma_start3A_341 = tpu.memref_squeeze %dma_start3A_340 : memref<1x4096x144xf32, #tpu.memory_space<hbm>> -> memref<4096x144xf32, #tpu.memory_space<hbm>>
    %dma_start3A_342 = arith.constant 0 : i32
    %dma_start3A_343 = tpu.memref_slice %dma_start3A_341[%add3A_280, %dma_start3A_342] : memref<4096x144xf32, #tpu.memory_space<hbm>> -> memref<64x144xf32, #tpu.memory_space<hbm>>
    %dma_start3A_344 = arith.constant 0 : i32
    %dma_start3A_345 = arith.constant 0 : i32
    %dma_start3A_346 = tpu.memref_slice %arg11[%arg0, %dma_start3A_344, %dma_start3A_345] : memref<2x4096x144xf32, #tpu.memory_space<hbm>> -> memref<1x4096x144xf32, #tpu.memory_space<hbm>>
    %dma_start3A_347 = tpu.memref_squeeze %dma_start3A_346 : memref<1x4096x144xf32, #tpu.memory_space<hbm>> -> memref<4096x144xf32, #tpu.memory_space<hbm>>
    %dma_start3A_348 = arith.constant 0 : i32
    %dma_start3A_349 = tpu.memref_slice %dma_start3A_347[%add3A_280, %dma_start3A_348] : memref<4096x144xf32, #tpu.memory_space<hbm>> -> memref<64x144xf32, #tpu.memory_space<hbm>>
    %dma_start3A_350 = arith.constant 0 : i32
    %dma_start3A_351 = arith.constant 0 : i32
    %dma_start3A_352 = tpu.memref_slice %arg27[%dma_start3A_350, %dma_start3A_351] : memref<128x144xf32, #tpu.memory_space<vmem>> -> memref<64x144xf32, #tpu.memory_space<vmem>>
    tpu.enqueue_dma source(%dma_start3A_352 : memref<64x144xf32, #tpu.memory_space<vmem>>) target(%dma_start3A_349 : memref<64x144xf32, #tpu.memory_space<hbm>>) target_semaphore(%arg31 : memref<!tpu.dma_semaphore, #tpu.memory_space<semaphore_mem>>)
    %eq3A_353 = arith.constant 0 : i32
    %eq3A_354 = arith.cmpi eq, %arg0, %eq3A_353 : i32
    %lt3A_355 = arith.constant 1024 : i32
    %lt3A_356 = arith.cmpi slt, %add3A_280, %lt3A_355 : i32
    %and3A_357 = arith.andi %eq3A_354, %lt3A_356 : i1
    %convert_element_type3A_358 = arith.extui %and3A_357 : i1 to i32
    %cond3A_359 = arith.constant 0 : i32
    %cond3A_360 = arith.cmpi ne, %convert_element_type3A_358, %cond3A_359 : i32
    scf.if %cond3A_360 {
      "tpu.region"() ({
        %run_scoped3A = tpu.sem_alloc : memref<!tpu.dma_semaphore, #tpu.memory_space<semaphore_mem>>
        %dma_start3A_605 = arith.constant 192 : i32
        %dma_start3A_606 = tpu.memref_slice %arg14[%dma_start3A_605] : memref<272xi32, #tpu.memory_space<vmem>> -> memref<64xi32, #tpu.memory_space<vmem>>
        %dma_start3A_607 = tpu.memref_slice %arg12[%add3A_280] : memref<1024xi32, #tpu.memory_space<hbm>> -> memref<64xi32, #tpu.memory_space<hbm>>
        %dma_start3A_608 = tpu.memref_slice %arg12[%add3A_280] : memref<1024xi32, #tpu.memory_space<hbm>> -> memref<64xi32, #tpu.memory_space<hbm>>
        %dma_start3A_609 = arith.constant 192 : i32
        %dma_start3A_610 = tpu.memref_slice %arg14[%dma_start3A_609] : memref<272xi32, #tpu.memory_space<vmem>> -> memref<64xi32, #tpu.memory_space<vmem>>
        tpu.enqueue_dma source(%dma_start3A_610 : memref<64xi32, #tpu.memory_space<vmem>>) target(%dma_start3A_608 : memref<64xi32, #tpu.memory_space<hbm>>) target_semaphore(%run_scoped3A : memref<!tpu.dma_semaphore, #tpu.memory_space<semaphore_mem>>)
        %dma_wait3A_611 = arith.constant 192 : i32
        %dma_wait3A_612 = tpu.memref_slice %arg14[%dma_wait3A_611] : memref<272xi32, #tpu.memory_space<vmem>> -> memref<64xi32, #tpu.memory_space<vmem>>
        %dma_wait3A_613 = tpu.memref_slice %arg12[%add3A_280] : memref<1024xi32, #tpu.memory_space<hbm>> -> memref<64xi32, #tpu.memory_space<hbm>>
        %dma_wait3A_614 = tpu.memref_slice %arg12[%add3A_280] : memref<1024xi32, #tpu.memory_space<hbm>> -> memref<64xi32, #tpu.memory_space<hbm>>
        %dma_wait3A_615 = arith.constant 192 : i32
        %dma_wait3A_616 = tpu.memref_slice %arg14[%dma_wait3A_615] : memref<272xi32, #tpu.memory_space<vmem>> -> memref<64xi32, #tpu.memory_space<vmem>>
        tpu.wait_dma2 semaphore(%run_scoped3A : memref<!tpu.dma_semaphore, #tpu.memory_space<semaphore_mem>>) src(%dma_wait3A_616 : memref<64xi32, #tpu.memory_space<vmem>>) dst(%dma_wait3A_614 : memref<64xi32, #tpu.memory_space<hbm>>)
        tpu.yield
      }) : () -> ()
    } else {
    }
    %dma_wait3A_361 = arith.constant 0 : i32
    %dma_wait3A_362 = arith.constant 0 : i32
    %dma_wait3A_363 = tpu.memref_slice %arg27[%dma_wait3A_361, %dma_wait3A_362] : memref<128x144xf32, #tpu.memory_space<vmem>> -> memref<64x144xf32, #tpu.memory_space<vmem>>
    %dma_wait3A_364 = arith.constant 0 : i32
    %dma_wait3A_365 = arith.constant 0 : i32
    %dma_wait3A_366 = tpu.memref_slice %arg11[%arg0, %dma_wait3A_364, %dma_wait3A_365] : memref<2x4096x144xf32, #tpu.memory_space<hbm>> -> memref<1x4096x144xf32, #tpu.memory_space<hbm>>
    %dma_wait3A_367 = tpu.memref_squeeze %dma_wait3A_366 : memref<1x4096x144xf32, #tpu.memory_space<hbm>> -> memref<4096x144xf32, #tpu.memory_space<hbm>>
    %dma_wait3A_368 = arith.constant 0 : i32
    %dma_wait3A_369 = arith.constant 0 : i32
    %dma_wait3A_370 = tpu.memref_slice %dma_wait3A_367[%dma_wait3A_368, %dma_wait3A_369] : memref<4096x144xf32, #tpu.memory_space<hbm>> -> memref<64x144xf32, #tpu.memory_space<hbm>>
    %dma_wait3A_371 = arith.constant 0 : i32
    %dma_wait3A_372 = arith.constant 0 : i32
    %dma_wait3A_373 = tpu.memref_slice %arg11[%arg0, %dma_wait3A_371, %dma_wait3A_372] : memref<2x4096x144xf32, #tpu.memory_space<hbm>> -> memref<1x4096x144xf32, #tpu.memory_space<hbm>>
    %dma_wait3A_374 = tpu.memref_squeeze %dma_wait3A_373 : memref<1x4096x144xf32, #tpu.memory_space<hbm>> -> memref<4096x144xf32, #tpu.memory_space<hbm>>
    %dma_wait3A_375 = arith.constant 0 : i32
    %dma_wait3A_376 = arith.constant 0 : i32
    %dma_wait3A_377 = tpu.memref_slice %dma_wait3A_374[%dma_wait3A_375, %dma_wait3A_376] : memref<4096x144xf32, #tpu.memory_space<hbm>> -> memref<64x144xf32, #tpu.memory_space<hbm>>
    %dma_wait3A_378 = arith.constant 0 : i32
    %dma_wait3A_379 = arith.constant 0 : i32
    %dma_wait3A_380 = tpu.memref_slice %arg27[%dma_wait3A_378, %dma_wait3A_379] : memref<128x144xf32, #tpu.memory_space<vmem>> -> memref<64x144xf32, #tpu.memory_space<vmem>>
    tpu.wait_dma2 semaphore(%arg31 : memref<!tpu.dma_semaphore, #tpu.memory_space<semaphore_mem>>) src(%dma_wait3A_380 : memref<64x144xf32, #tpu.memory_space<vmem>>) dst(%dma_wait3A_377 : memref<64x144xf32, #tpu.memory_space<hbm>>)
    %dma_wait3A_381 = arith.constant 0 : i32
    %dma_wait3A_382 = arith.constant 0 : i32
    %dma_wait3A_383 = tpu.memref_slice %arg27[%dma_wait3A_381, %dma_wait3A_382] : memref<128x144xf32, #tpu.memory_space<vmem>> -> memref<64x144xf32, #tpu.memory_space<vmem>>
    %dma_wait3A_384 = arith.constant 0 : i32
    %dma_wait3A_385 = arith.constant 0 : i32
    %dma_wait3A_386 = tpu.memref_slice %arg11[%arg0, %dma_wait3A_384, %dma_wait3A_385] : memref<2x4096x144xf32, #tpu.memory_space<hbm>> -> memref<1x4096x144xf32, #tpu.memory_space<hbm>>
    %dma_wait3A_387 = tpu.memref_squeeze %dma_wait3A_386 : memref<1x4096x144xf32, #tpu.memory_space<hbm>> -> memref<4096x144xf32, #tpu.memory_space<hbm>>
    %dma_wait3A_388 = arith.constant 0 : i32
    %dma_wait3A_389 = arith.constant 0 : i32
    %dma_wait3A_390 = tpu.memref_slice %dma_wait3A_387[%dma_wait3A_388, %dma_wait3A_389] : memref<4096x144xf32, #tpu.memory_space<hbm>> -> memref<64x144xf32, #tpu.memory_space<hbm>>
    %dma_wait3A_391 = arith.constant 0 : i32
    %dma_wait3A_392 = arith.constant 0 : i32
    %dma_wait3A_393 = tpu.memref_slice %arg11[%arg0, %dma_wait3A_391, %dma_wait3A_392] : memref<2x4096x144xf32, #tpu.memory_space<hbm>> -> memref<1x4096x144xf32, #tpu.memory_space<hbm>>
    %dma_wait3A_394 = tpu.memref_squeeze %dma_wait3A_393 : memref<1x4096x144xf32, #tpu.memory_space<hbm>> -> memref<4096x144xf32, #tpu.memory_space<hbm>>
    %dma_wait3A_395 = arith.constant 0 : i32
    %dma_wait3A_396 = arith.constant 0 : i32
    %dma_wait3A_397 = tpu.memref_slice %dma_wait3A_394[%dma_wait3A_395, %dma_wait3A_396] : memref<4096x144xf32, #tpu.memory_space<hbm>> -> memref<64x144xf32, #tpu.memory_space<hbm>>
    %dma_wait3A_398 = arith.constant 0 : i32
    %dma_wait3A_399 = arith.constant 0 : i32
    %dma_wait3A_400 = tpu.memref_slice %arg27[%dma_wait3A_398, %dma_wait3A_399] : memref<128x144xf32, #tpu.memory_space<vmem>> -> memref<64x144xf32, #tpu.memory_space<vmem>>
    tpu.wait_dma2 semaphore(%arg31 : memref<!tpu.dma_semaphore, #tpu.memory_space<semaphore_mem>>) src(%dma_wait3A_400 : memref<64x144xf32, #tpu.memory_space<vmem>>) dst(%dma_wait3A_397 : memref<64x144xf32, #tpu.memory_space<hbm>>)
    %barrier3A = arith.constant 0 : index
    tpu.barrier barrier_id(%barrier3A)
    %mul3A_401 = arith.constant 8192 : i32
    %mul3A_402 = arith.muli %add3A, %mul3A_401 : i32
    %add3A_403 = arith.constant 0 : i32
    %add3A_404 = arith.addi %mul3A_402, %add3A_403 : i32
    %dma_start3A_405 = tpu.memref_slice %arg4[%add3A_404] : memref<262144xi32, #tpu.memory_space<hbm>> -> memref<512xi32, #tpu.memory_space<hbm>>
    %dma_start3A_406 = tpu.memref_slice %arg4[%add3A_404] : memref<262144xi32, #tpu.memory_space<hbm>> -> memref<512xi32, #tpu.memory_space<hbm>>
    tpu.enqueue_dma source(%dma_start3A_406 : memref<512xi32, #tpu.memory_space<hbm>>) target(%arg19 : memref<512xi32, #tpu.memory_space<vmem>>) target_semaphore(%arg32 : memref<!tpu.dma_semaphore, #tpu.memory_space<semaphore_mem>>)
    %dma_start3A_407 = tpu.memref_slice %arg5[%add3A_404] : memref<262144xi32, #tpu.memory_space<hbm>> -> memref<512xi32, #tpu.memory_space<hbm>>
    %dma_start3A_408 = tpu.memref_slice %arg5[%add3A_404] : memref<262144xi32, #tpu.memory_space<hbm>> -> memref<512xi32, #tpu.memory_space<hbm>>
    tpu.enqueue_dma source(%dma_start3A_408 : memref<512xi32, #tpu.memory_space<hbm>>) target(%arg20 : memref<512xi32, #tpu.memory_space<vmem>>) target_semaphore(%arg32 : memref<!tpu.dma_semaphore, #tpu.memory_space<semaphore_mem>>)
    %dma_start3A_409 = tpu.memref_slice %arg6[%add3A_404] : memref<262144xi32, #tpu.memory_space<hbm>> -> memref<512xi32, #tpu.memory_space<hbm>>
    %dma_start3A_410 = tpu.memref_slice %arg6[%add3A_404] : memref<262144xi32, #tpu.memory_space<hbm>> -> memref<512xi32, #tpu.memory_space<hbm>>
    tpu.enqueue_dma source(%dma_start3A_410 : memref<512xi32, #tpu.memory_space<hbm>>) target(%arg21 : memref<512xi32, #tpu.memory_space<vmem>>) target_semaphore(%arg32 : memref<!tpu.dma_semaphore, #tpu.memory_space<semaphore_mem>>)
    %scan3A_411 = arith.constant 0 : i32
    %scan3A_412 = arith.constant 0 : i32
    %scan3A_413 = arith.constant 8 : i32
    %scan3A_414 = arith.addi %scan3A_412, %scan3A_413 : i32
    %scan3A_415 = arith.constant 1 : i32
    %scan3A_416 = scf.for %scan3A_605 = %scan3A_412 to %scan3A_414 step %scan3A_415 iter_args(%scan3A_606 = %scan3A_411) -> (i32)  : i32 {
      %mul3A_607 = arith.constant 2 : i32
      %mul3A_608 = arith.muli %mul3A_607, %scan3A_605 : i32
      %add3A_609 = arith.constant 0 : i32
      %add3A_610 = arith.addi %mul3A_608, %add3A_609 : i32
      %dma_wait3A_611 = arith.constant 0 : i32
      %dma_wait3A_612 = tpu.memref_slice %arg4[%dma_wait3A_611] : memref<262144xi32, #tpu.memory_space<hbm>> -> memref<512xi32, #tpu.memory_space<hbm>>
      %dma_wait3A_613 = arith.constant 0 : i32
      %dma_wait3A_614 = tpu.memref_slice %arg4[%dma_wait3A_613] : memref<262144xi32, #tpu.memory_space<hbm>> -> memref<512xi32, #tpu.memory_space<hbm>>
      tpu.wait_dma2 semaphore(%arg32 : memref<!tpu.dma_semaphore, #tpu.memory_space<semaphore_mem>>) src(%dma_wait3A_614 : memref<512xi32, #tpu.memory_space<hbm>>) dst(%arg19 : memref<512xi32, #tpu.memory_space<vmem>>)
      %dma_wait3A_615 = arith.constant 0 : i32
      %dma_wait3A_616 = tpu.memref_slice %arg4[%dma_wait3A_615] : memref<262144xi32, #tpu.memory_space<hbm>> -> memref<512xi32, #tpu.memory_space<hbm>>
      %dma_wait3A_617 = arith.constant 0 : i32
      %dma_wait3A_618 = tpu.memref_slice %arg4[%dma_wait3A_617] : memref<262144xi32, #tpu.memory_space<hbm>> -> memref<512xi32, #tpu.memory_space<hbm>>
      tpu.wait_dma2 semaphore(%arg32 : memref<!tpu.dma_semaphore, #tpu.memory_space<semaphore_mem>>) src(%dma_wait3A_618 : memref<512xi32, #tpu.memory_space<hbm>>) dst(%arg20 : memref<512xi32, #tpu.memory_space<vmem>>)
      %dma_wait3A_619 = arith.constant 0 : i32
      %dma_wait3A_620 = tpu.memref_slice %arg4[%dma_wait3A_619] : memref<262144xi32, #tpu.memory_space<hbm>> -> memref<512xi32, #tpu.memory_space<hbm>>
      %dma_wait3A_621 = arith.constant 0 : i32
      %dma_wait3A_622 = tpu.memref_slice %arg4[%dma_wait3A_621] : memref<262144xi32, #tpu.memory_space<hbm>> -> memref<512xi32, #tpu.memory_space<hbm>>
      tpu.wait_dma2 semaphore(%arg32 : memref<!tpu.dma_semaphore, #tpu.memory_space<semaphore_mem>>) src(%dma_wait3A_622 : memref<512xi32, #tpu.memory_space<hbm>>) dst(%arg21 : memref<512xi32, #tpu.memory_space<vmem>>)
      %add3A_623 = arith.constant 1 : i32
      %add3A_624 = arith.addi %add3A_610, %add3A_623 : i32
      %lt3A_625 = arith.constant 16 : i32
      %lt3A_626 = arith.cmpi slt, %add3A_624, %lt3A_625 : i32
      %convert_element_type3A_627 = arith.extui %lt3A_626 : i1 to i32
      %cond3A_628 = arith.constant 0 : i32
      %cond3A_629 = arith.cmpi ne, %convert_element_type3A_627, %cond3A_628 : i32
      scf.if %cond3A_629 {
        %add3A_665 = arith.constant 1 : i32
        %add3A_666 = arith.addi %add3A_610, %add3A_665 : i32
        %mul3A_667 = arith.constant 8192 : i32
        %mul3A_668 = arith.muli %add3A, %mul3A_667 : i32
        %mul3A_669 = arith.constant 512 : i32
        %mul3A_670 = arith.muli %add3A_666, %mul3A_669 : i32
        %add3A_671 = arith.addi %mul3A_668, %mul3A_670 : i32
        %dma_start3A_672 = tpu.memref_slice %arg4[%add3A_671] : memref<262144xi32, #tpu.memory_space<hbm>> -> memref<512xi32, #tpu.memory_space<hbm>>
        %dma_start3A_673 = tpu.memref_slice %arg4[%add3A_671] : memref<262144xi32, #tpu.memory_space<hbm>> -> memref<512xi32, #tpu.memory_space<hbm>>
        tpu.enqueue_dma source(%dma_start3A_673 : memref<512xi32, #tpu.memory_space<hbm>>) target(%arg22 : memref<512xi32, #tpu.memory_space<vmem>>) target_semaphore(%arg33 : memref<!tpu.dma_semaphore, #tpu.memory_space<semaphore_mem>>)
        %dma_start3A_674 = tpu.memref_slice %arg5[%add3A_671] : memref<262144xi32, #tpu.memory_space<hbm>> -> memref<512xi32, #tpu.memory_space<hbm>>
        %dma_start3A_675 = tpu.memref_slice %arg5[%add3A_671] : memref<262144xi32, #tpu.memory_space<hbm>> -> memref<512xi32, #tpu.memory_space<hbm>>
        tpu.enqueue_dma source(%dma_start3A_675 : memref<512xi32, #tpu.memory_space<hbm>>) target(%arg23 : memref<512xi32, #tpu.memory_space<vmem>>) target_semaphore(%arg33 : memref<!tpu.dma_semaphore, #tpu.memory_space<semaphore_mem>>)
        %dma_start3A_676 = tpu.memref_slice %arg6[%add3A_671] : memref<262144xi32, #tpu.memory_space<hbm>> -> memref<512xi32, #tpu.memory_space<hbm>>
        %dma_start3A_677 = tpu.memref_slice %arg6[%add3A_671] : memref<262144xi32, #tpu.memory_space<hbm>> -> memref<512xi32, #tpu.memory_space<hbm>>
        tpu.enqueue_dma source(%dma_start3A_677 : memref<512xi32, #tpu.memory_space<hbm>>) target(%arg24 : memref<512xi32, #tpu.memory_space<vmem>>) target_semaphore(%arg33 : memref<!tpu.dma_semaphore, #tpu.memory_space<semaphore_mem>>)
      } else {
      }
      %scan3A_630 = arith.constant 0 : i32
      %scan3A_631 = arith.constant 32 : i32
      %scan3A_632 = arith.addi %scan3A_630, %scan3A_631 : i32
      %scan3A_633 = arith.constant 1 : i32
      %scan3A_634 = scf.for %scan3A_665 = %scan3A_630 to %scan3A_632 step %scan3A_633 iter_args(%scan3A_666 = %scan3A_606) -> (i32)  : i32 {
        %mul3A_667 = arith.constant 16 : i32
        %mul3A_668 = arith.muli %scan3A_665, %mul3A_667 : i32
        %get3A_669 = arith.index_cast %mul3A_668 : i32 to index
        %get3A_670 = tpu.vector_load %arg20[%get3A_669] {strides = array<i32>} : memref<512xi32, #tpu.memory_space<vmem>>, vector<16xi32>,
        %mul3A_671 = arith.constant 16 : i32
        %mul3A_672 = arith.muli %scan3A_665, %mul3A_671 : i32
        %get3A_673 = arith.index_cast %mul3A_672 : i32 to index
        %get3A_674 = tpu.vector_load %arg21[%get3A_673] {strides = array<i32>} : memref<512xi32, #tpu.memory_space<vmem>>, vector<16xi32>,
        %mul3A_675 = arith.constant 16 : i32
        %mul3A_676 = arith.muli %scan3A_665, %mul3A_675 : i32
        %get3A_677 = arith.index_cast %mul3A_676 : i32 to index
        %get3A_678 = tpu.vector_load %arg19[%get3A_677] {strides = array<i32>} : memref<512xi32, #tpu.memory_space<vmem>>, vector<16xi32>,
        %lt3A_679 = arith.constant 1000 : i32
        %lt3A_680 = vector.broadcast %lt3A_679 : i32 to vector<16xi32>
        %lt3A_681 = arith.cmpi slt, %get3A_670, %lt3A_680 : vector<16xi32>
        %mul3A_682 = arith.constant 1000 : i32
        %mul3A_683 = vector.broadcast %mul3A_682 : i32 to vector<16xi32>
        %mul3A_684 = arith.muli %get3A_674, %mul3A_683 : vector<16xi32>
        %add3A_685 = arith.addi %mul3A_684, %get3A_670 : vector<16xi32>
        %shift_left3A_686 = arith.constant 15 : i32
        %shift_left3A_687 = vector.broadcast %shift_left3A_686 : i32 to vector<16xi32>
        %shift_left3A_688 = arith.shli %add3A_685, %shift_left3A_687 : vector<16xi32>
        %or3A = arith.ori %shift_left3A_688, %get3A_678 : vector<16xi32>
        %swap3A_689 = arith.index_cast %scan3A_666 : i32 to index
        %swap3A_690 = tpu.vector_load %arg25[%swap3A_689] masked %lt3A_681 {strides = array<i32>} : memref<8192xi32, #tpu.memory_space<vmem>>, vector<16xi32>, vector<16xi1>
        tpu.vector_store %arg25[%swap3A_689], %or3A masked %lt3A_681 {strides = array<i32>} : memref<8192xi32, #tpu.memory_space<vmem>>, vector<16xi32>, vector<16xi1>
        %all_reduce_population_count3A = tpu.all_reduce %lt3A_681 {dim = 0 : i64, kind = #tpu.reduction_kind<sum>} : vector<16xi1> -> vector<16xi32>
        %slice3A = vector.extract_strided_slice %all_reduce_population_count3A {offsets = [0], sizes = [1], strides = [1]} : vector<16xi32> to vector<1xi32>
        %squeeze3A = vector.extract %slice3A[0] : i32 from vector<1xi32>
        %add3A_691 = arith.addi %scan3A_666, %squeeze3A : i32
        scf.yield %add3A_691 : i32
      }
      %scan3A_635 = arith.constant 32 : i32
      %mul3A_636 = arith.constant 2 : i32
      %mul3A_637 = arith.muli %mul3A_636, %scan3A_605 : i32
      %add3A_638 = arith.constant 1 : i32
      %add3A_639 = arith.addi %mul3A_637, %add3A_638 : i32
      %dma_wait3A_640 = arith.constant 0 : i32
      %dma_wait3A_641 = tpu.memref_slice %arg4[%dma_wait3A_640] : memref<262144xi32, #tpu.memory_space<hbm>> -> memref<512xi32, #tpu.memory_space<hbm>>
      %dma_wait3A_642 = arith.constant 0 : i32
      %dma_wait3A_643 = tpu.memref_slice %arg4[%dma_wait3A_642] : memref<262144xi32, #tpu.memory_space<hbm>> -> memref<512xi32, #tpu.memory_space<hbm>>
      tpu.wait_dma2 semaphore(%arg33 : memref<!tpu.dma_semaphore, #tpu.memory_space<semaphore_mem>>) src(%dma_wait3A_643 : memref<512xi32, #tpu.memory_space<hbm>>) dst(%arg22 : memref<512xi32, #tpu.memory_space<vmem>>)
      %dma_wait3A_644 = arith.constant 0 : i32
      %dma_wait3A_645 = tpu.memref_slice %arg4[%dma_wait3A_644] : memref<262144xi32, #tpu.memory_space<hbm>> -> memref<512xi32, #tpu.memory_space<hbm>>
      %dma_wait3A_646 = arith.constant 0 : i32
      %dma_wait3A_647 = tpu.memref_slice %arg4[%dma_wait3A_646] : memref<262144xi32, #tpu.memory_space<hbm>> -> memref<512xi32, #tpu.memory_space<hbm>>
      tpu.wait_dma2 semaphore(%arg33 : memref<!tpu.dma_semaphore, #tpu.memory_space<semaphore_mem>>) src(%dma_wait3A_647 : memref<512xi32, #tpu.memory_space<hbm>>) dst(%arg23 : memref<512xi32, #tpu.memory_space<vmem>>)
      %dma_wait3A_648 = arith.constant 0 : i32
      %dma_wait3A_649 = tpu.memref_slice %arg4[%dma_wait3A_648] : memref<262144xi32, #tpu.memory_space<hbm>> -> memref<512xi32, #tpu.memory_space<hbm>>
      %dma_wait3A_650 = arith.constant 0 : i32
      %dma_wait3A_651 = tpu.memref_slice %arg4[%dma_wait3A_650] : memref<262144xi32, #tpu.memory_space<hbm>> -> memref<512xi32, #tpu.memory_space<hbm>>
      tpu.wait_dma2 semaphore(%arg33 : memref<!tpu.dma_semaphore, #tpu.memory_space<semaphore_mem>>) src(%dma_wait3A_651 : memref<512xi32, #tpu.memory_space<hbm>>) dst(%arg24 : memref<512xi32, #tpu.memory_space<vmem>>)
      %add3A_652 = arith.constant 1 : i32
      %add3A_653 = arith.addi %add3A_639, %add3A_652 : i32
      %lt3A_654 = arith.constant 16 : i32
      %lt3A_655 = arith.cmpi slt, %add3A_653, %lt3A_654 : i32
      %convert_element_type3A_656 = arith.extui %lt3A_655 : i1 to i32
      %cond3A_657 = arith.constant 0 : i32
      %cond3A_658 = arith.cmpi ne, %convert_element_type3A_656, %cond3A_657 : i32
      scf.if %cond3A_658 {
        %add3A_665 = arith.constant 1 : i32
        %add3A_666 = arith.addi %add3A_639, %add3A_665 : i32
        %mul3A_667 = arith.constant 8192 : i32
        %mul3A_668 = arith.muli %add3A, %mul3A_667 : i32
        %mul3A_669 = arith.constant 512 : i32
        %mul3A_670 = arith.muli %add3A_666, %mul3A_669 : i32
        %add3A_671 = arith.addi %mul3A_668, %mul3A_670 : i32
        %dma_start3A_672 = tpu.memref_slice %arg4[%add3A_671] : memref<262144xi32, #tpu.memory_space<hbm>> -> memref<512xi32, #tpu.memory_space<hbm>>
        %dma_start3A_673 = tpu.memref_slice %arg4[%add3A_671] : memref<262144xi32, #tpu.memory_space<hbm>> -> memref<512xi32, #tpu.memory_space<hbm>>
        tpu.enqueue_dma source(%dma_start3A_673 : memref<512xi32, #tpu.memory_space<hbm>>) target(%arg19 : memref<512xi32, #tpu.memory_space<vmem>>) target_semaphore(%arg32 : memref<!tpu.dma_semaphore, #tpu.memory_space<semaphore_mem>>)
        %dma_start3A_674 = tpu.memref_slice %arg5[%add3A_671] : memref<262144xi32, #tpu.memory_space<hbm>> -> memref<512xi32, #tpu.memory_space<hbm>>
        %dma_start3A_675 = tpu.memref_slice %arg5[%add3A_671] : memref<262144xi32, #tpu.memory_space<hbm>> -> memref<512xi32, #tpu.memory_space<hbm>>
        tpu.enqueue_dma source(%dma_start3A_675 : memref<512xi32, #tpu.memory_space<hbm>>) target(%arg20 : memref<512xi32, #tpu.memory_space<vmem>>) target_semaphore(%arg32 : memref<!tpu.dma_semaphore, #tpu.memory_space<semaphore_mem>>)
        %dma_start3A_676 = tpu.memref_slice %arg6[%add3A_671] : memref<262144xi32, #tpu.memory_space<hbm>> -> memref<512xi32, #tpu.memory_space<hbm>>
        %dma_start3A_677 = tpu.memref_slice %arg6[%add3A_671] : memref<262144xi32, #tpu.memory_space<hbm>> -> memref<512xi32, #tpu.memory_space<hbm>>
        tpu.enqueue_dma source(%dma_start3A_677 : memref<512xi32, #tpu.memory_space<hbm>>) target(%arg21 : memref<512xi32, #tpu.memory_space<vmem>>) target_semaphore(%arg32 : memref<!tpu.dma_semaphore, #tpu.memory_space<semaphore_mem>>)
      } else {
      }
      %scan3A_659 = arith.constant 0 : i32
      %scan3A_660 = arith.constant 32 : i32
      %scan3A_661 = arith.addi %scan3A_659, %scan3A_660 : i32
      %scan3A_662 = arith.constant 1 : i32
      %scan3A_663 = scf.for %scan3A_665 = %scan3A_659 to %scan3A_661 step %scan3A_662 iter_args(%scan3A_666 = %scan3A_634) -> (i32)  : i32 {
        %mul3A_667 = arith.constant 16 : i32
        %mul3A_668 = arith.muli %scan3A_665, %mul3A_667 : i32
        %get3A_669 = arith.index_cast %mul3A_668 : i32 to index
        %get3A_670 = tpu.vector_load %arg23[%get3A_669] {strides = array<i32>} : memref<512xi32, #tpu.memory_space<vmem>>, vector<16xi32>,
        %mul3A_671 = arith.constant 16 : i32
        %mul3A_672 = arith.muli %scan3A_665, %mul3A_671 : i32
        %get3A_673 = arith.index_cast %mul3A_672 : i32 to index
        %get3A_674 = tpu.vector_load %arg24[%get3A_673] {strides = array<i32>} : memref<512xi32, #tpu.memory_space<vmem>>, vector<16xi32>,
        %mul3A_675 = arith.constant 16 : i32
        %mul3A_676 = arith.muli %scan3A_665, %mul3A_675 : i32
        %get3A_677 = arith.index_cast %mul3A_676 : i32 to index
        %get3A_678 = tpu.vector_load %arg22[%get3A_677] {strides = array<i32>} : memref<512xi32, #tpu.memory_space<vmem>>, vector<16xi32>,
        %lt3A_679 = arith.constant 1000 : i32
        %lt3A_680 = vector.broadcast %lt3A_679 : i32 to vector<16xi32>
        %lt3A_681 = arith.cmpi slt, %get3A_670, %lt3A_680 : vector<16xi32>
        %mul3A_682 = arith.constant 1000 : i32
        %mul3A_683 = vector.broadcast %mul3A_682 : i32 to vector<16xi32>
        %mul3A_684 = arith.muli %get3A_674, %mul3A_683 : vector<16xi32>
        %add3A_685 = arith.addi %mul3A_684, %get3A_670 : vector<16xi32>
        %shift_left3A_686 = arith.constant 15 : i32
        %shift_left3A_687 = vector.broadcast %shift_left3A_686 : i32 to vector<16xi32>
        %shift_left3A_688 = arith.shli %add3A_685, %shift_left3A_687 : vector<16xi32>
        %or3A = arith.ori %shift_left3A_688, %get3A_678 : vector<16xi32>
        %swap3A_689 = arith.index_cast %scan3A_666 : i32 to index
        %swap3A_690 = tpu.vector_load %arg25[%swap3A_689] masked %lt3A_681 {strides = array<i32>} : memref<8192xi32, #tpu.memory_space<vmem>>, vector<16xi32>, vector<16xi1>
        tpu.vector_store %arg25[%swap3A_689], %or3A masked %lt3A_681 {strides = array<i32>} : memref<8192xi32, #tpu.memory_space<vmem>>, vector<16xi32>, vector<16xi1>
        %all_reduce_population_count3A = tpu.all_reduce %lt3A_681 {dim = 0 : i64, kind = #tpu.reduction_kind<sum>} : vector<16xi1> -> vector<16xi32>
        %slice3A = vector.extract_strided_slice %all_reduce_population_count3A {offsets = [0], sizes = [1], strides = [1]} : vector<16xi32> to vector<1xi32>
        %squeeze3A = vector.extract %slice3A[0] : i32 from vector<1xi32>
        %add3A_691 = arith.addi %scan3A_666, %squeeze3A : i32
        scf.yield %add3A_691 : i32
      }
      %scan3A_664 = arith.constant 32 : i32
      scf.yield %scan3A_663 : i32
    }
    %scan3A_417 = arith.constant 8 : i32
    %add3A_418 = arith.constant 128 : i32
    %add3A_419 = arith.addi %scan3A_416, %add3A_418 : i32
    %sub3A = arith.constant 1 : i32
    %sub3A_420 = arith.subi %add3A_419, %sub3A : i32
    %jit3A = arith.constant 128 : i32
    %div3A = arith.divsi %sub3A_420, %jit3A : i32
    %sign3A = arith.constant 0 : i32
    %sign3A_421 = arith.cmpi sgt, %sub3A_420, %sign3A : i32
    %sign3A_422 = arith.extui %sign3A_421 : i1 to i32
    %sign3A_423 = arith.constant 0 : i32
    %sign3A_424 = arith.cmpi slt, %sub3A_420, %sign3A_423 : i32
    %sign3A_425 = arith.extui %sign3A_424 : i1 to i32
    %sign3A_426 = arith.subi %sign3A_422, %sign3A_425 : i32
    %sign3A_427 = arith.constant 0 : i32
    %sign3A_428 = arith.cmpi sgt, %jit3A, %sign3A_427 : i32
    %sign3A_429 = arith.extui %sign3A_428 : i1 to i32
    %sign3A_430 = arith.constant 0 : i32
    %sign3A_431 = arith.cmpi slt, %jit3A, %sign3A_430 : i32
    %sign3A_432 = arith.extui %sign3A_431 : i1 to i32
    %sign3A_433 = arith.subi %sign3A_429, %sign3A_432 : i32
    %ne3A = arith.cmpi ne, %sign3A_426, %sign3A_433 : i32
    %rem3A = arith.remsi %sub3A_420, %jit3A : i32
    %ne3A_434 = arith.constant 0 : i32
    %ne3A_435 = arith.cmpi ne, %rem3A, %ne3A_434 : i32
    %and3A_436 = arith.andi %ne3A, %ne3A_435 : i1
    %sub3A_437 = arith.constant 1 : i32
    %sub3A_438 = arith.subi %div3A, %sub3A_437 : i32
    %select_n3A_439 = arith.select %and3A_436, %sub3A_438, %div3A : i32
    %add3A_440 = arith.constant 7008 : i32
    %add3A_441 = arith.addi %add3A_440, %arg1 : i32
    %shift_left3A = arith.constant 15 : i32
    %shift_left3A_442 = arith.shli %add3A_441, %shift_left3A : i32
    %broadcast_in_dim3A_443 = vector.broadcast %shift_left3A_442 : i32 to vector<16xi32>
    %iota3A_444 = tpu.iota {dimensions = array<i32: 0>} : vector<16xi32>
    %add3A_445 = arith.constant 0 : i32
    %add3A_446 = arith.addi %scan3A_416, %add3A_445 : i32
    %min3A = arith.constant 8176 : i32
    %min3A_447 = arith.minsi %add3A_446, %min3A : i32
    %get3A = arith.index_cast %min3A_447 : i32 to index
    %get3A_448 = tpu.vector_load %arg25[%get3A] {strides = array<i32>} : memref<8192xi32, #tpu.memory_space<vmem>>, vector<16xi32>,
    %add3A_449 = vector.broadcast %min3A_447 : i32 to vector<16xi32>
    %add3A_450 = arith.addi %add3A_449, %iota3A_444 : vector<16xi32>
    %lt3A_451 = vector.broadcast %scan3A_416 : i32 to vector<16xi32>
    %lt3A_452 = arith.cmpi slt, %add3A_450, %lt3A_451 : vector<16xi32>
    %select_n3A_453 = arith.select %lt3A_452, %get3A_448, %broadcast_in_dim3A_443 : vector<16xi1>, vector<16xi32>
    %swap3A = arith.index_cast %min3A_447 : i32 to index
    %swap3A_454 = tpu.vector_load %arg25[%swap3A] {strides = array<i32>} : memref<8192xi32, #tpu.memory_space<vmem>>, vector<16xi32>,
    tpu.vector_store %arg25[%swap3A], %select_n3A_453 {strides = array<i32>} : memref<8192xi32, #tpu.memory_space<vmem>>, vector<16xi32>,
    %add3A_455 = arith.constant 16 : i32
    %add3A_456 = arith.addi %scan3A_416, %add3A_455 : i32
    %min3A_457 = arith.constant 8176 : i32
    %min3A_458 = arith.minsi %add3A_456, %min3A_457 : i32
    %get3A_459 = arith.index_cast %min3A_458 : i32 to index
    %get3A_460 = tpu.vector_load %arg25[%get3A_459] {strides = array<i32>} : memref<8192xi32, #tpu.memory_space<vmem>>, vector<16xi32>,
    %add3A_461 = vector.broadcast %min3A_458 : i32 to vector<16xi32>
    %add3A_462 = arith.addi %add3A_461, %iota3A_444 : vector<16xi32>
    %lt3A_463 = vector.broadcast %scan3A_416 : i32 to vector<16xi32>
    %lt3A_464 = arith.cmpi slt, %add3A_462, %lt3A_463 : vector<16xi32>
    %select_n3A_465 = arith.select %lt3A_464, %get3A_460, %broadcast_in_dim3A_443 : vector<16xi1>, vector<16xi32>
    %swap3A_466 = arith.index_cast %min3A_458 : i32 to index
    %swap3A_467 = tpu.vector_load %arg25[%swap3A_466] {strides = array<i32>} : memref<8192xi32, #tpu.memory_space<vmem>>, vector<16xi32>,
    tpu.vector_store %arg25[%swap3A_466], %select_n3A_465 {strides = array<i32>} : memref<8192xi32, #tpu.memory_space<vmem>>, vector<16xi32>,
    %add3A_468 = arith.constant 32 : i32
    %add3A_469 = arith.addi %scan3A_416, %add3A_468 : i32
    %min3A_470 = arith.constant 8176 : i32
    %min3A_471 = arith.minsi %add3A_469, %min3A_470 : i32
    %get3A_472 = arith.index_cast %min3A_471 : i32 to index
    %get3A_473 = tpu.vector_load %arg25[%get3A_472] {strides = array<i32>} : memref<8192xi32, #tpu.memory_space<vmem>>, vector<16xi32>,
    %add3A_474 = vector.broadcast %min3A_471 : i32 to vector<16xi32>
    %add3A_475 = arith.addi %add3A_474, %iota3A_444 : vector<16xi32>
    %lt3A_476 = vector.broadcast %scan3A_416 : i32 to vector<16xi32>
    %lt3A_477 = arith.cmpi slt, %add3A_475, %lt3A_476 : vector<16xi32>
    %select_n3A_478 = arith.select %lt3A_477, %get3A_473, %broadcast_in_dim3A_443 : vector<16xi1>, vector<16xi32>
    %swap3A_479 = arith.index_cast %min3A_471 : i32 to index
    %swap3A_480 = tpu.vector_load %arg25[%swap3A_479] {strides = array<i32>} : memref<8192xi32, #tpu.memory_space<vmem>>, vector<16xi32>,
    tpu.vector_store %arg25[%swap3A_479], %select_n3A_478 {strides = array<i32>} : memref<8192xi32, #tpu.memory_space<vmem>>, vector<16xi32>,
    %add3A_481 = arith.constant 48 : i32
    %add3A_482 = arith.addi %scan3A_416, %add3A_481 : i32
    %min3A_483 = arith.constant 8176 : i32
    %min3A_484 = arith.minsi %add3A_482, %min3A_483 : i32
    %get3A_485 = arith.index_cast %min3A_484 : i32 to index
    %get3A_486 = tpu.vector_load %arg25[%get3A_485] {strides = array<i32>} : memref<8192xi32, #tpu.memory_space<vmem>>, vector<16xi32>,
    %add3A_487 = vector.broadcast %min3A_484 : i32 to vector<16xi32>
    %add3A_488 = arith.addi %add3A_487, %iota3A_444 : vector<16xi32>
    %lt3A_489 = vector.broadcast %scan3A_416 : i32 to vector<16xi32>
    %lt3A_490 = arith.cmpi slt, %add3A_488, %lt3A_489 : vector<16xi32>
    %select_n3A_491 = arith.select %lt3A_490, %get3A_486, %broadcast_in_dim3A_443 : vector<16xi1>, vector<16xi32>
    %swap3A_492 = arith.index_cast %min3A_484 : i32 to index
    %swap3A_493 = tpu.vector_load %arg25[%swap3A_492] {strides = array<i32>} : memref<8192xi32, #tpu.memory_space<vmem>>, vector<16xi32>,
    tpu.vector_store %arg25[%swap3A_492], %select_n3A_491 {strides = array<i32>} : memref<8192xi32, #tpu.memory_space<vmem>>, vector<16xi32>,
    %add3A_494 = arith.constant 64 : i32
    %add3A_495 = arith.addi %scan3A_416, %add3A_494 : i32
    %min3A_496 = arith.constant 8176 : i32
    %min3A_497 = arith.minsi %add3A_495, %min3A_496 : i32
    %get3A_498 = arith.index_cast %min3A_497 : i32 to index
    %get3A_499 = tpu.vector_load %arg25[%get3A_498] {strides = array<i32>} : memref<8192xi32, #tpu.memory_space<vmem>>, vector<16xi32>,
    %add3A_500 = vector.broadcast %min3A_497 : i32 to vector<16xi32>
    %add3A_501 = arith.addi %add3A_500, %iota3A_444 : vector<16xi32>
    %lt3A_502 = vector.broadcast %scan3A_416 : i32 to vector<16xi32>
    %lt3A_503 = arith.cmpi slt, %add3A_501, %lt3A_502 : vector<16xi32>
    %select_n3A_504 = arith.select %lt3A_503, %get3A_499, %broadcast_in_dim3A_443 : vector<16xi1>, vector<16xi32>
    %swap3A_505 = arith.index_cast %min3A_497 : i32 to index
    %swap3A_506 = tpu.vector_load %arg25[%swap3A_505] {strides = array<i32>} : memref<8192xi32, #tpu.memory_space<vmem>>, vector<16xi32>,
    tpu.vector_store %arg25[%swap3A_505], %select_n3A_504 {strides = array<i32>} : memref<8192xi32, #tpu.memory_space<vmem>>, vector<16xi32>,
    %add3A_507 = arith.constant 80 : i32
    %add3A_508 = arith.addi %scan3A_416, %add3A_507 : i32
    %min3A_509 = arith.constant 8176 : i32
    %min3A_510 = arith.minsi %add3A_508, %min3A_509 : i32
    %get3A_511 = arith.index_cast %min3A_510 : i32 to index
    %get3A_512 = tpu.vector_load %arg25[%get3A_511] {strides = array<i32>} : memref<8192xi32, #tpu.memory_space<vmem>>, vector<16xi32>,
    %add3A_513 = vector.broadcast %min3A_510 : i32 to vector<16xi32>
    %add3A_514 = arith.addi %add3A_513, %iota3A_444 : vector<16xi32>
    %lt3A_515 = vector.broadcast %scan3A_416 : i32 to vector<16xi32>
    %lt3A_516 = arith.cmpi slt, %add3A_514, %lt3A_515 : vector<16xi32>
    %select_n3A_517 = arith.select %lt3A_516, %get3A_512, %broadcast_in_dim3A_443 : vector<16xi1>, vector<16xi32>
    %swap3A_518 = arith.index_cast %min3A_510 : i32 to index
    %swap3A_519 = tpu.vector_load %arg25[%swap3A_518] {strides = array<i32>} : memref<8192xi32, #tpu.memory_space<vmem>>, vector<16xi32>,
    tpu.vector_store %arg25[%swap3A_518], %select_n3A_517 {strides = array<i32>} : memref<8192xi32, #tpu.memory_space<vmem>>, vector<16xi32>,
    %add3A_520 = arith.constant 96 : i32
    %add3A_521 = arith.addi %scan3A_416, %add3A_520 : i32
    %min3A_522 = arith.constant 8176 : i32
    %min3A_523 = arith.minsi %add3A_521, %min3A_522 : i32
    %get3A_524 = arith.index_cast %min3A_523 : i32 to index
    %get3A_525 = tpu.vector_load %arg25[%get3A_524] {strides = array<i32>} : memref<8192xi32, #tpu.memory_space<vmem>>, vector<16xi32>,
    %add3A_526 = vector.broadcast %min3A_523 : i32 to vector<16xi32>
    %add3A_527 = arith.addi %add3A_526, %iota3A_444 : vector<16xi32>
    %lt3A_528 = vector.broadcast %scan3A_416 : i32 to vector<16xi32>
    %lt3A_529 = arith.cmpi slt, %add3A_527, %lt3A_528 : vector<16xi32>
    %select_n3A_530 = arith.select %lt3A_529, %get3A_525, %broadcast_in_dim3A_443 : vector<16xi1>, vector<16xi32>
    %swap3A_531 = arith.index_cast %min3A_523 : i32 to index
    %swap3A_532 = tpu.vector_load %arg25[%swap3A_531] {strides = array<i32>} : memref<8192xi32, #tpu.memory_space<vmem>>, vector<16xi32>,
    tpu.vector_store %arg25[%swap3A_531], %select_n3A_530 {strides = array<i32>} : memref<8192xi32, #tpu.memory_space<vmem>>, vector<16xi32>,
    %add3A_533 = arith.constant 112 : i32
    %add3A_534 = arith.addi %scan3A_416, %add3A_533 : i32
    %min3A_535 = arith.constant 8176 : i32
    %min3A_536 = arith.minsi %add3A_534, %min3A_535 : i32
    %get3A_537 = arith.index_cast %min3A_536 : i32 to index
    %get3A_538 = tpu.vector_load %arg25[%get3A_537] {strides = array<i32>} : memref<8192xi32, #tpu.memory_space<vmem>>, vector<16xi32>,
    %add3A_539 = vector.broadcast %min3A_536 : i32 to vector<16xi32>
    %add3A_540 = arith.addi %add3A_539, %iota3A_444 : vector<16xi32>
    %lt3A_541 = vector.broadcast %scan3A_416 : i32 to vector<16xi32>
    %lt3A_542 = arith.cmpi slt, %add3A_540, %lt3A_541 : vector<16xi32>
    %select_n3A_543 = arith.select %lt3A_542, %get3A_538, %broadcast_in_dim3A_443 : vector<16xi1>, vector<16xi32>
    %swap3A_544 = arith.index_cast %min3A_536 : i32 to index
    %swap3A_545 = tpu.vector_load %arg25[%swap3A_544] {strides = array<i32>} : memref<8192xi32, #tpu.memory_space<vmem>>, vector<16xi32>,
    tpu.vector_store %arg25[%swap3A_544], %select_n3A_543 {strides = array<i32>} : memref<8192xi32, #tpu.memory_space<vmem>>, vector<16xi32>,
    %mul3A_546 = arith.constant 8 : i32
    %mul3A_547 = arith.muli %select_n3A_439, %mul3A_546 : i32
    %while3A = arith.constant 0 : i32
    %while3A_548 = arith.constant 0 : i32
    %while3A_549 = arith.subi %mul3A_547, %while3A_548 : i32
    %while3A_550 = arith.addi %while3A_548, %while3A_549 : i32
    %while3A_551 = arith.constant 1 : i32
    %while3A_552 = arith.divsi %while3A_549, %while3A_551 : i32
    %while3A_553 = arith.muli %while3A_552, %while3A_551 : i32
    %while3A_554 = arith.addi %while3A_548, %while3A_553 : i32
    %while3A_555 = arith.constant 1 : i32
    scf.for %while3A_605 = %while3A_548 to %while3A_554 step %while3A_555  : i32 {
      %mul3A_606 = arith.constant 16 : i32
      %mul3A_607 = arith.muli %while3A_605, %mul3A_606 : i32
      %get3A_608 = arith.index_cast %mul3A_607 : i32 to index
      %get3A_609 = tpu.vector_load %arg25[%get3A_608] {strides = array<i32>} : memref<8192xi32, #tpu.memory_space<vmem>>, vector<16xi32>,
      %jit3A_610 = arith.constant 8 : i32
      %div3A_611 = arith.divsi %while3A_605, %jit3A_610 : i32
      %sign3A_612 = arith.constant 0 : i32
      %sign3A_613 = arith.cmpi sgt, %while3A_605, %sign3A_612 : i32
      %sign3A_614 = arith.extui %sign3A_613 : i1 to i32
      %sign3A_615 = arith.constant 0 : i32
      %sign3A_616 = arith.cmpi slt, %while3A_605, %sign3A_615 : i32
      %sign3A_617 = arith.extui %sign3A_616 : i1 to i32
      %sign3A_618 = arith.subi %sign3A_614, %sign3A_617 : i32
      %sign3A_619 = arith.constant 0 : i32
      %sign3A_620 = arith.cmpi sgt, %jit3A_610, %sign3A_619 : i32
      %sign3A_621 = arith.extui %sign3A_620 : i1 to i32
      %sign3A_622 = arith.constant 0 : i32
      %sign3A_623 = arith.cmpi slt, %jit3A_610, %sign3A_622 : i32
      %sign3A_624 = arith.extui %sign3A_623 : i1 to i32
      %sign3A_625 = arith.subi %sign3A_621, %sign3A_624 : i32
      %ne3A_626 = arith.cmpi ne, %sign3A_618, %sign3A_625 : i32
      %rem3A_627 = arith.remsi %while3A_605, %jit3A_610 : i32
      %ne3A_628 = arith.constant 0 : i32
      %ne3A_629 = arith.cmpi ne, %rem3A_627, %ne3A_628 : i32
      %and3A_630 = arith.andi %ne3A_626, %ne3A_629 : i1
      %sub3A_631 = arith.constant 1 : i32
      %sub3A_632 = arith.subi %div3A_611, %sub3A_631 : i32
      %select_n3A_633 = arith.select %and3A_630, %sub3A_632, %div3A_611 : i32
      %jit3A_634 = arith.constant 8 : i32
      %eq3A_635 = arith.constant 0 : i32
      %eq3A_636 = arith.cmpi eq, %jit3A_634, %eq3A_635 : i32
      %jit3A_637 = arith.constant 1 : i32
      %select_n3A_638 = arith.select %eq3A_636, %jit3A_637, %jit3A_634 : i32
      %rem3A_639 = arith.remsi %while3A_605, %select_n3A_638 : i32
      %ne3A_640 = arith.constant 0 : i32
      %ne3A_641 = arith.cmpi ne, %rem3A_639, %ne3A_640 : i32
      %lt3A_642 = arith.constant 0 : i32
      %lt3A_643 = arith.cmpi slt, %rem3A_639, %lt3A_642 : i32
      %lt3A_644 = arith.constant 0 : i32
      %lt3A_645 = arith.cmpi slt, %select_n3A_638, %lt3A_644 : i32
      %ne3A_646 = arith.xori %lt3A_643, %lt3A_645 : i1
      %and3A_647 = arith.andi %ne3A_646, %ne3A_641 : i1
      %add3A_648 = arith.addi %rem3A_639, %select_n3A_638 : i32
      %select_n3A_649 = arith.select %and3A_647, %add3A_648, %rem3A_639 : i32
      %mul3A_650 = arith.constant 16 : i32
      %mul3A_651 = arith.muli %select_n3A_649, %mul3A_650 : i32
      %shift_right_arithmetic3A = arith.constant 15 : i32
      %shift_right_arithmetic3A_652 = vector.broadcast %shift_right_arithmetic3A : i32 to vector<16xi32>
      %shift_right_arithmetic3A_653 = arith.shrsi %get3A_609, %shift_right_arithmetic3A_652 : vector<16xi32>
      %swap3A_654 = arith.index_cast %select_n3A_633 : i32 to index
      %swap3A_655 = arith.index_cast %mul3A_651 : i32 to index
      %swap3A_656 = tpu.vector_load %arg26[%swap3A_654, %swap3A_655] {strides = array<i32>} : memref<64x128xi32, #tpu.memory_space<vmem>>, vector<16xi32>,
      tpu.vector_store %arg26[%swap3A_654, %swap3A_655], %shift_right_arithmetic3A_653 {strides = array<i32>} : memref<64x128xi32, #tpu.memory_space<vmem>>, vector<16xi32>,
      %and3A_657 = arith.constant 32767 : i32
      %and3A_658 = vector.broadcast %and3A_657 : i32 to vector<16xi32>
      %and3A_659 = arith.andi %get3A_609, %and3A_658 : vector<16xi32>
      %mul3A_660 = arith.constant 16 : i32
      %mul3A_661 = arith.muli %while3A_605, %mul3A_660 : i32
      %swap3A_662 = arith.index_cast %mul3A_661 : i32 to index
      %swap3A_663 = tpu.vector_load %arg25[%swap3A_662] {strides = array<i32>} : memref<8192xi32, #tpu.memory_space<vmem>>, vector<16xi32>,
      tpu.vector_store %arg25[%swap3A_662], %and3A_659 {strides = array<i32>} : memref<8192xi32, #tpu.memory_space<vmem>>, vector<16xi32>,
    }
    %while3A_556 = arith.constant 1 : i32
    scf.for %while3A_605 = %while3A_554 to %while3A_550 step %while3A_556  : i32 {
      %mul3A_606 = arith.constant 16 : i32
      %mul3A_607 = arith.muli %while3A_605, %mul3A_606 : i32
      %get3A_608 = arith.index_cast %mul3A_607 : i32 to index
      %get3A_609 = tpu.vector_load %arg25[%get3A_608] {strides = array<i32>} : memref<8192xi32, #tpu.memory_space<vmem>>, vector<16xi32>,
      %jit3A_610 = arith.constant 8 : i32
      %div3A_611 = arith.divsi %while3A_605, %jit3A_610 : i32
      %sign3A_612 = arith.constant 0 : i32
      %sign3A_613 = arith.cmpi sgt, %while3A_605, %sign3A_612 : i32
      %sign3A_614 = arith.extui %sign3A_613 : i1 to i32
      %sign3A_615 = arith.constant 0 : i32
      %sign3A_616 = arith.cmpi slt, %while3A_605, %sign3A_615 : i32
      %sign3A_617 = arith.extui %sign3A_616 : i1 to i32
      %sign3A_618 = arith.subi %sign3A_614, %sign3A_617 : i32
      %sign3A_619 = arith.constant 0 : i32
      %sign3A_620 = arith.cmpi sgt, %jit3A_610, %sign3A_619 : i32
      %sign3A_621 = arith.extui %sign3A_620 : i1 to i32
      %sign3A_622 = arith.constant 0 : i32
      %sign3A_623 = arith.cmpi slt, %jit3A_610, %sign3A_622 : i32
      %sign3A_624 = arith.extui %sign3A_623 : i1 to i32
      %sign3A_625 = arith.subi %sign3A_621, %sign3A_624 : i32
      %ne3A_626 = arith.cmpi ne, %sign3A_618, %sign3A_625 : i32
      %rem3A_627 = arith.remsi %while3A_605, %jit3A_610 : i32
      %ne3A_628 = arith.constant 0 : i32
      %ne3A_629 = arith.cmpi ne, %rem3A_627, %ne3A_628 : i32
      %and3A_630 = arith.andi %ne3A_626, %ne3A_629 : i1
      %sub3A_631 = arith.constant 1 : i32
      %sub3A_632 = arith.subi %div3A_611, %sub3A_631 : i32
      %select_n3A_633 = arith.select %and3A_630, %sub3A_632, %div3A_611 : i32
      %jit3A_634 = arith.constant 8 : i32
      %eq3A_635 = arith.constant 0 : i32
      %eq3A_636 = arith.cmpi eq, %jit3A_634, %eq3A_635 : i32
      %jit3A_637 = arith.constant 1 : i32
      %select_n3A_638 = arith.select %eq3A_636, %jit3A_637, %jit3A_634 : i32
      %rem3A_639 = arith.remsi %while3A_605, %select_n3A_638 : i32
      %ne3A_640 = arith.constant 0 : i32
      %ne3A_641 = arith.cmpi ne, %rem3A_639, %ne3A_640 : i32
      %lt3A_642 = arith.constant 0 : i32
      %lt3A_643 = arith.cmpi slt, %rem3A_639, %lt3A_642 : i32
      %lt3A_644 = arith.constant 0 : i32
      %lt3A_645 = arith.cmpi slt, %select_n3A_638, %lt3A_644 : i32
      %ne3A_646 = arith.xori %lt3A_643, %lt3A_645 : i1
      %and3A_647 = arith.andi %ne3A_646, %ne3A_641 : i1
      %add3A_648 = arith.addi %rem3A_639, %select_n3A_638 : i32
      %select_n3A_649 = arith.select %and3A_647, %add3A_648, %rem3A_639 : i32
      %mul3A_650 = arith.constant 16 : i32
      %mul3A_651 = arith.muli %select_n3A_649, %mul3A_650 : i32
      %shift_right_arithmetic3A = arith.constant 15 : i32
      %shift_right_arithmetic3A_652 = vector.broadcast %shift_right_arithmetic3A : i32 to vector<16xi32>
      %shift_right_arithmetic3A_653 = arith.shrsi %get3A_609, %shift_right_arithmetic3A_652 : vector<16xi32>
      %swap3A_654 = arith.index_cast %select_n3A_633 : i32 to index
      %swap3A_655 = arith.index_cast %mul3A_651 : i32 to index
      %swap3A_656 = tpu.vector_load %arg26[%swap3A_654, %swap3A_655] {strides = array<i32>} : memref<64x128xi32, #tpu.memory_space<vmem>>, vector<16xi32>,
      tpu.vector_store %arg26[%swap3A_654, %swap3A_655], %shift_right_arithmetic3A_653 {strides = array<i32>} : memref<64x128xi32, #tpu.memory_space<vmem>>, vector<16xi32>,
      %and3A_657 = arith.constant 32767 : i32
      %and3A_658 = vector.broadcast %and3A_657 : i32 to vector<16xi32>
      %and3A_659 = arith.andi %get3A_609, %and3A_658 : vector<16xi32>
      %mul3A_660 = arith.constant 16 : i32
      %mul3A_661 = arith.muli %while3A_605, %mul3A_660 : i32
      %swap3A_662 = arith.index_cast %mul3A_661 : i32 to index
      %swap3A_663 = tpu.vector_load %arg25[%swap3A_662] {strides = array<i32>} : memref<8192xi32, #tpu.memory_space<vmem>>, vector<16xi32>,
      tpu.vector_store %arg25[%swap3A_662], %and3A_659 {strides = array<i32>} : memref<8192xi32, #tpu.memory_space<vmem>>, vector<16xi32>,
    }
    %gt3A = arith.constant 0 : i32
    %gt3A_557 = arith.cmpi sgt, %select_n3A_439, %gt3A : i32
    %convert_element_type3A_558 = arith.extui %gt3A_557 : i1 to i32
    %cond3A_559 = arith.constant 0 : i32
    %cond3A_560 = arith.cmpi ne, %convert_element_type3A_558, %cond3A_559 : i32
    scf.if %cond3A_560 {
      %dma_start3A_605 = arith.constant 0 : i32
      %dma_start3A_606 = tpu.memref_slice %arg25[%dma_start3A_605] : memref<8192xi32, #tpu.memory_space<vmem>> -> memref<128xi32, #tpu.memory_space<vmem>>
      %dma_start3A_607 = arith.constant 0 : i32
      %dma_start3A_608 = arith.constant 0 : i32
      %dma_start3A_609 = tpu.memref_slice %arg11[%arg0, %dma_start3A_607, %dma_start3A_608] : memref<2x4096x144xf32, #tpu.memory_space<hbm>> -> memref<1x4096x144xf32, #tpu.memory_space<hbm>>
      %dma_start3A_610 = tpu.memref_squeeze %dma_start3A_609 : memref<1x4096x144xf32, #tpu.memory_space<hbm>> -> memref<4096x144xf32, #tpu.memory_space<hbm>>
      %dma_start3A_611 = arith.constant 0 : i32
      %dma_start3A_612 = arith.constant 0 : i32
      %dma_start3A_613 = tpu.memref_slice %dma_start3A_610[%dma_start3A_611, %dma_start3A_612] : memref<4096x144xf32, #tpu.memory_space<hbm>> -> memref<4096x144xf32, #tpu.memory_space<hbm>>
      tpu.enqueue_indirect_dma source(%dma_start3A_613 : memref<4096x144xf32, #tpu.memory_space<hbm>>) target(%arg27 : memref<128x144xf32, #tpu.memory_space<vmem>>) offsets(%dma_start3A_606 : memref<128xi32, #tpu.memory_space<vmem>>) semaphore(%arg30 : memref<!tpu.dma_semaphore, #tpu.memory_space<semaphore_mem>>)
    } else {
    }
    %add3A_561 = arith.constant 1 : i32
    %add3A_562 = arith.addi %select_n3A_439, %add3A_561 : i32
    %jit3A_563 = arith.constant 2 : i32
    %div3A_564 = arith.divsi %add3A_562, %jit3A_563 : i32
    %sign3A_565 = arith.constant 0 : i32
    %sign3A_566 = arith.cmpi sgt, %add3A_562, %sign3A_565 : i32
    %sign3A_567 = arith.extui %sign3A_566 : i1 to i32
    %sign3A_568 = arith.constant 0 : i32
    %sign3A_569 = arith.cmpi slt, %add3A_562, %sign3A_568 : i32
    %sign3A_570 = arith.extui %sign3A_569 : i1 to i32
    %sign3A_571 = arith.subi %sign3A_567, %sign3A_570 : i32
    %sign3A_572 = arith.constant 0 : i32
    %sign3A_573 = arith.cmpi sgt, %jit3A_563, %sign3A_572 : i32
    %sign3A_574 = arith.extui %sign3A_573 : i1 to i32
    %sign3A_575 = arith.constant 0 : i32
    %sign3A_576 = arith.cmpi slt, %jit3A_563, %sign3A_575 : i32
    %sign3A_577 = arith.extui %sign3A_576 : i1 to i32
    %sign3A_578 = arith.subi %sign3A_574, %sign3A_577 : i32
    %ne3A_579 = arith.cmpi ne, %sign3A_571, %sign3A_578 : i32
    %rem3A_580 = arith.remsi %add3A_562, %jit3A_563 : i32
    %ne3A_581 = arith.constant 0 : i32
    %ne3A_582 = arith.cmpi ne, %rem3A_580, %ne3A_581 : i32
    %and3A_583 = arith.andi %ne3A_579, %ne3A_582 : i1
    %sub3A_584 = arith.constant 1 : i32
    %sub3A_585 = arith.subi %div3A_564, %sub3A_584 : i32
    %select_n3A_586 = arith.select %and3A_583, %sub3A_585, %div3A_564 : i32
    %while3A_587 = arith.constant 0 : i32
    %while3A_588 = arith.constant 0 : i32
    %while3A_589 = arith.subi %select_n3A_586, %while3A_588 : i32
    %while3A_590 = arith.addi %while3A_588, %while3A_589 : i32
    %while3A_591 = arith.constant 1 : i32
    %while3A_592 = arith.divsi %while3A_589, %while3A_591 : i32
    %while3A_593 = arith.muli %while3A_592, %while3A_591 : i32
    %while3A_594 = arith.addi %while3A_588, %while3A_593 : i32
    %while3A_595 = arith.constant 1 : i32
    scf.for %while3A_605 = %while3A_588 to %while3A_594 step %while3A_595  : i32 {
      %mul3A_606 = arith.constant 2 : i32
      %mul3A_607 = arith.muli %mul3A_606, %while3A_605 : i32
      %add3A_608 = arith.constant 0 : i32
      %add3A_609 = arith.addi %mul3A_607, %add3A_608 : i32
      %lt3A_610 = arith.cmpi slt, %add3A_609, %select_n3A_439 : i32
      %convert_element_type3A_611 = arith.extui %lt3A_610 : i1 to i32
      %cond3A_612 = arith.constant 0 : i32
      %cond3A_613 = arith.cmpi ne, %convert_element_type3A_611, %cond3A_612 : i32
      scf.if %cond3A_613 {
        %dma_wait3A_622 = arith.constant 0 : i32
        %dma_wait3A_623 = tpu.memref_slice %arg25[%dma_wait3A_622] : memref<8192xi32, #tpu.memory_space<vmem>> -> memref<128xi32, #tpu.memory_space<vmem>>
        %dma_wait3A_624 = arith.constant 0 : i32
        %dma_wait3A_625 = arith.constant 0 : i32
        %dma_wait3A_626 = tpu.memref_slice %arg11[%arg0, %dma_wait3A_624, %dma_wait3A_625] : memref<2x4096x144xf32, #tpu.memory_space<hbm>> -> memref<1x4096x144xf32, #tpu.memory_space<hbm>>
        %dma_wait3A_627 = tpu.memref_squeeze %dma_wait3A_626 : memref<1x4096x144xf32, #tpu.memory_space<hbm>> -> memref<4096x144xf32, #tpu.memory_space<hbm>>
        %dma_wait3A_628 = arith.constant 0 : i32
        %dma_wait3A_629 = arith.constant 0 : i32
        %dma_wait3A_630 = tpu.memref_slice %dma_wait3A_627[%dma_wait3A_628, %dma_wait3A_629] : memref<4096x144xf32, #tpu.memory_space<hbm>> -> memref<4096x144xf32, #tpu.memory_space<hbm>>
        tpu.wait_indirect_dma semaphore(%arg30 : memref<!tpu.dma_semaphore, #tpu.memory_space<semaphore_mem>>) src(%dma_wait3A_630 : memref<4096x144xf32, #tpu.memory_space<hbm>>) dst(%arg27 : memref<128x144xf32, #tpu.memory_space<vmem>>)
        %ge3A = arith.constant 1 : i32
        %ge3A_631 = arith.cmpi sge, %add3A_609, %ge3A : i32
        %convert_element_type3A_632 = arith.extui %ge3A_631 : i1 to i32
        %cond3A_633 = arith.constant 0 : i32
        %cond3A_634 = arith.cmpi ne, %convert_element_type3A_632, %cond3A_633 : i32
        scf.if %cond3A_634 {
          %dma_wait3A_647 = arith.constant 0 : i32
          %dma_wait3A_648 = arith.constant 0 : i32
          %dma_wait3A_649 = tpu.memref_slice %arg26[%dma_wait3A_647, %dma_wait3A_648] : memref<64x128xi32, #tpu.memory_space<vmem>> -> memref<1x128xi32, #tpu.memory_space<vmem>>
          %dma_wait3A_650 = tpu.memref_squeeze %dma_wait3A_649 : memref<1x128xi32, #tpu.memory_space<vmem>> -> memref<128xi32, #tpu.memory_space<vmem>>
          %dma_wait3A_651 = arith.constant 0 : i32
          %dma_wait3A_652 = arith.constant 0 : i32
          %dma_wait3A_653 = tpu.memref_slice %arg29[%dma_wait3A_651, %dma_wait3A_652] : memref<7040x144xf32, #tpu.memory_space<vmem_shared>> -> memref<7040x144xf32, #tpu.memory_space<vmem_shared>>
          tpu.wait_indirect_dma semaphore(%arg31 : memref<!tpu.dma_semaphore, #tpu.memory_space<semaphore_mem>>) src(%arg27 : memref<128x144xf32, #tpu.memory_space<vmem>>) dst(%dma_wait3A_653 : memref<7040x144xf32, #tpu.memory_space<vmem_shared>>)
        } else {
        }
        %add3A_635 = arith.constant 1 : i32
        %add3A_636 = arith.addi %add3A_609, %add3A_635 : i32
        %lt3A_637 = arith.cmpi slt, %add3A_636, %select_n3A_439 : i32
        %convert_element_type3A_638 = arith.extui %lt3A_637 : i1 to i32
        %cond3A_639 = arith.constant 0 : i32
        %cond3A_640 = arith.cmpi ne, %convert_element_type3A_638, %cond3A_639 : i32
        scf.if %cond3A_640 {
          %add3A_647 = arith.constant 1 : i32
          %add3A_648 = arith.addi %add3A_609, %add3A_647 : i32
          %mul3A_649 = arith.constant 128 : i32
          %mul3A_650 = arith.muli %add3A_648, %mul3A_649 : i32
          %dma_start3A_651 = tpu.memref_slice %arg25[%mul3A_650] : memref<8192xi32, #tpu.memory_space<vmem>> -> memref<128xi32, #tpu.memory_space<vmem>>
          %dma_start3A_652 = arith.constant 0 : i32
          %dma_start3A_653 = arith.constant 0 : i32
          %dma_start3A_654 = tpu.memref_slice %arg11[%arg0, %dma_start3A_652, %dma_start3A_653] : memref<2x4096x144xf32, #tpu.memory_space<hbm>> -> memref<1x4096x144xf32, #tpu.memory_space<hbm>>
          %dma_start3A_655 = tpu.memref_squeeze %dma_start3A_654 : memref<1x4096x144xf32, #tpu.memory_space<hbm>> -> memref<4096x144xf32, #tpu.memory_space<hbm>>
          %dma_start3A_656 = arith.constant 0 : i32
          %dma_start3A_657 = arith.constant 0 : i32
          %dma_start3A_658 = tpu.memref_slice %dma_start3A_655[%dma_start3A_656, %dma_start3A_657] : memref<4096x144xf32, #tpu.memory_space<hbm>> -> memref<4096x144xf32, #tpu.memory_space<hbm>>
          tpu.enqueue_indirect_dma source(%dma_start3A_658 : memref<4096x144xf32, #tpu.memory_space<hbm>>) target(%arg28 : memref<128x144xf32, #tpu.memory_space<vmem>>) offsets(%dma_start3A_651 : memref<128xi32, #tpu.memory_space<vmem>>) semaphore(%arg30 : memref<!tpu.dma_semaphore, #tpu.memory_space<semaphore_mem>>)
        } else {
        }
        %dma_start3A_641 = arith.constant 0 : i32
        %dma_start3A_642 = tpu.memref_slice %arg26[%add3A_609, %dma_start3A_641] : memref<64x128xi32, #tpu.memory_space<vmem>> -> memref<1x128xi32, #tpu.memory_space<vmem>>
        %dma_start3A_643 = tpu.memref_squeeze %dma_start3A_642 : memref<1x128xi32, #tpu.memory_space<vmem>> -> memref<128xi32, #tpu.memory_space<vmem>>
        %dma_start3A_644 = arith.constant 0 : i32
        %dma_start3A_645 = arith.constant 0 : i32
        %dma_start3A_646 = tpu.memref_slice %arg29[%dma_start3A_644, %dma_start3A_645] : memref<7040x144xf32, #tpu.memory_space<vmem_shared>> -> memref<7040x144xf32, #tpu.memory_space<vmem_shared>>
        tpu.enqueue_indirect_dma source(%arg27 : memref<128x144xf32, #tpu.memory_space<vmem>>) target(%dma_start3A_646 : memref<7040x144xf32, #tpu.memory_space<vmem_shared>>) offsets(%dma_start3A_643 : memref<128xi32, #tpu.memory_space<vmem>>) semaphore(%arg31 : memref<!tpu.dma_semaphore, #tpu.memory_space<semaphore_mem>>) {add = true}
      } else {
      }
      %mul3A_614 = arith.constant 2 : i32
      %mul3A_615 = arith.muli %mul3A_614, %while3A_605 : i32
      %add3A_616 = arith.constant 1 : i32
      %add3A_617 = arith.addi %mul3A_615, %add3A_616 : i32
      %lt3A_618 = arith.cmpi slt, %add3A_617, %select_n3A_439 : i32
      %convert_element_type3A_619 = arith.extui %lt3A_618 : i1 to i32
      %cond3A_620 = arith.constant 0 : i32
      %cond3A_621 = arith.cmpi ne, %convert_element_type3A_619, %cond3A_620 : i32
      scf.if %cond3A_621 {
        %dma_wait3A_622 = arith.constant 0 : i32
        %dma_wait3A_623 = tpu.memref_slice %arg25[%dma_wait3A_622] : memref<8192xi32, #tpu.memory_space<vmem>> -> memref<128xi32, #tpu.memory_space<vmem>>
        %dma_wait3A_624 = arith.constant 0 : i32
        %dma_wait3A_625 = arith.constant 0 : i32
        %dma_wait3A_626 = tpu.memref_slice %arg11[%arg0, %dma_wait3A_624, %dma_wait3A_625] : memref<2x4096x144xf32, #tpu.memory_space<hbm>> -> memref<1x4096x144xf32, #tpu.memory_space<hbm>>
        %dma_wait3A_627 = tpu.memref_squeeze %dma_wait3A_626 : memref<1x4096x144xf32, #tpu.memory_space<hbm>> -> memref<4096x144xf32, #tpu.memory_space<hbm>>
        %dma_wait3A_628 = arith.constant 0 : i32
        %dma_wait3A_629 = arith.constant 0 : i32
        %dma_wait3A_630 = tpu.memref_slice %dma_wait3A_627[%dma_wait3A_628, %dma_wait3A_629] : memref<4096x144xf32, #tpu.memory_space<hbm>> -> memref<4096x144xf32, #tpu.memory_space<hbm>>
        tpu.wait_indirect_dma semaphore(%arg30 : memref<!tpu.dma_semaphore, #tpu.memory_space<semaphore_mem>>) src(%dma_wait3A_630 : memref<4096x144xf32, #tpu.memory_space<hbm>>) dst(%arg28 : memref<128x144xf32, #tpu.memory_space<vmem>>)
        %ge3A = arith.constant 1 : i32
        %ge3A_631 = arith.cmpi sge, %add3A_617, %ge3A : i32
        %convert_element_type3A_632 = arith.extui %ge3A_631 : i1 to i32
        %cond3A_633 = arith.constant 0 : i32
        %cond3A_634 = arith.cmpi ne, %convert_element_type3A_632, %cond3A_633 : i32
        scf.if %cond3A_634 {
          %dma_wait3A_647 = arith.constant 0 : i32
          %dma_wait3A_648 = arith.constant 0 : i32
          %dma_wait3A_649 = tpu.memref_slice %arg26[%dma_wait3A_647, %dma_wait3A_648] : memref<64x128xi32, #tpu.memory_space<vmem>> -> memref<1x128xi32, #tpu.memory_space<vmem>>
          %dma_wait3A_650 = tpu.memref_squeeze %dma_wait3A_649 : memref<1x128xi32, #tpu.memory_space<vmem>> -> memref<128xi32, #tpu.memory_space<vmem>>
          %dma_wait3A_651 = arith.constant 0 : i32
          %dma_wait3A_652 = arith.constant 0 : i32
          %dma_wait3A_653 = tpu.memref_slice %arg29[%dma_wait3A_651, %dma_wait3A_652] : memref<7040x144xf32, #tpu.memory_space<vmem_shared>> -> memref<7040x144xf32, #tpu.memory_space<vmem_shared>>
          tpu.wait_indirect_dma semaphore(%arg31 : memref<!tpu.dma_semaphore, #tpu.memory_space<semaphore_mem>>) src(%arg27 : memref<128x144xf32, #tpu.memory_space<vmem>>) dst(%dma_wait3A_653 : memref<7040x144xf32, #tpu.memory_space<vmem_shared>>)
        } else {
        }
        %add3A_635 = arith.constant 1 : i32
        %add3A_636 = arith.addi %add3A_617, %add3A_635 : i32
        %lt3A_637 = arith.cmpi slt, %add3A_636, %select_n3A_439 : i32
        %convert_element_type3A_638 = arith.extui %lt3A_637 : i1 to i32
        %cond3A_639 = arith.constant 0 : i32
        %cond3A_640 = arith.cmpi ne, %convert_element_type3A_638, %cond3A_639 : i32
        scf.if %cond3A_640 {
          %add3A_647 = arith.constant 1 : i32
          %add3A_648 = arith.addi %add3A_617, %add3A_647 : i32
          %mul3A_649 = arith.constant 128 : i32
          %mul3A_650 = arith.muli %add3A_648, %mul3A_649 : i32
          %dma_start3A_651 = tpu.memref_slice %arg25[%mul3A_650] : memref<8192xi32, #tpu.memory_space<vmem>> -> memref<128xi32, #tpu.memory_space<vmem>>
          %dma_start3A_652 = arith.constant 0 : i32
          %dma_start3A_653 = arith.constant 0 : i32
          %dma_start3A_654 = tpu.memref_slice %arg11[%arg0, %dma_start3A_652, %dma_start3A_653] : memref<2x4096x144xf32, #tpu.memory_space<hbm>> -> memref<1x4096x144xf32, #tpu.memory_space<hbm>>
          %dma_start3A_655 = tpu.memref_squeeze %dma_start3A_654 : memref<1x4096x144xf32, #tpu.memory_space<hbm>> -> memref<4096x144xf32, #tpu.memory_space<hbm>>
          %dma_start3A_656 = arith.constant 0 : i32
          %dma_start3A_657 = arith.constant 0 : i32
          %dma_start3A_658 = tpu.memref_slice %dma_start3A_655[%dma_start3A_656, %dma_start3A_657] : memref<4096x144xf32, #tpu.memory_space<hbm>> -> memref<4096x144xf32, #tpu.memory_space<hbm>>
          tpu.enqueue_indirect_dma source(%dma_start3A_658 : memref<4096x144xf32, #tpu.memory_space<hbm>>) target(%arg27 : memref<128x144xf32, #tpu.memory_space<vmem>>) offsets(%dma_start3A_651 : memref<128xi32, #tpu.memory_space<vmem>>) semaphore(%arg30 : memref<!tpu.dma_semaphore, #tpu.memory_space<semaphore_mem>>)
        } else {
        }
        %dma_start3A_641 = arith.constant 0 : i32
        %dma_start3A_642 = tpu.memref_slice %arg26[%add3A_617, %dma_start3A_641] : memref<64x128xi32, #tpu.memory_space<vmem>> -> memref<1x128xi32, #tpu.memory_space<vmem>>
        %dma_start3A_643 = tpu.memref_squeeze %dma_start3A_642 : memref<1x128xi32, #tpu.memory_space<vmem>> -> memref<128xi32, #tpu.memory_space<vmem>>
        %dma_start3A_644 = arith.constant 0 : i32
        %dma_start3A_645 = arith.constant 0 : i32
        %dma_start3A_646 = tpu.memref_slice %arg29[%dma_start3A_644, %dma_start3A_645] : memref<7040x144xf32, #tpu.memory_space<vmem_shared>> -> memref<7040x144xf32, #tpu.memory_space<vmem_shared>>
        tpu.enqueue_indirect_dma source(%arg28 : memref<128x144xf32, #tpu.memory_space<vmem>>) target(%dma_start3A_646 : memref<7040x144xf32, #tpu.memory_space<vmem_shared>>) offsets(%dma_start3A_643 : memref<128xi32, #tpu.memory_space<vmem>>) semaphore(%arg31 : memref<!tpu.dma_semaphore, #tpu.memory_space<semaphore_mem>>) {add = true}
      } else {
      }
    }
    %while3A_596 = arith.constant 1 : i32
    scf.for %while3A_605 = %while3A_594 to %while3A_590 step %while3A_596  : i32 {
      %mul3A_606 = arith.constant 2 : i32
      %mul3A_607 = arith.muli %mul3A_606, %while3A_605 : i32
      %add3A_608 = arith.constant 0 : i32
      %add3A_609 = arith.addi %mul3A_607, %add3A_608 : i32
      %lt3A_610 = arith.cmpi slt, %add3A_609, %select_n3A_439 : i32
      %convert_element_type3A_611 = arith.extui %lt3A_610 : i1 to i32
      %cond3A_612 = arith.constant 0 : i32
      %cond3A_613 = arith.cmpi ne, %convert_element_type3A_611, %cond3A_612 : i32
      scf.if %cond3A_613 {
        %dma_wait3A_622 = arith.constant 0 : i32
        %dma_wait3A_623 = tpu.memref_slice %arg25[%dma_wait3A_622] : memref<8192xi32, #tpu.memory_space<vmem>> -> memref<128xi32, #tpu.memory_space<vmem>>
        %dma_wait3A_624 = arith.constant 0 : i32
        %dma_wait3A_625 = arith.constant 0 : i32
        %dma_wait3A_626 = tpu.memref_slice %arg11[%arg0, %dma_wait3A_624, %dma_wait3A_625] : memref<2x4096x144xf32, #tpu.memory_space<hbm>> -> memref<1x4096x144xf32, #tpu.memory_space<hbm>>
        %dma_wait3A_627 = tpu.memref_squeeze %dma_wait3A_626 : memref<1x4096x144xf32, #tpu.memory_space<hbm>> -> memref<4096x144xf32, #tpu.memory_space<hbm>>
        %dma_wait3A_628 = arith.constant 0 : i32
        %dma_wait3A_629 = arith.constant 0 : i32
        %dma_wait3A_630 = tpu.memref_slice %dma_wait3A_627[%dma_wait3A_628, %dma_wait3A_629] : memref<4096x144xf32, #tpu.memory_space<hbm>> -> memref<4096x144xf32, #tpu.memory_space<hbm>>
        tpu.wait_indirect_dma semaphore(%arg30 : memref<!tpu.dma_semaphore, #tpu.memory_space<semaphore_mem>>) src(%dma_wait3A_630 : memref<4096x144xf32, #tpu.memory_space<hbm>>) dst(%arg27 : memref<128x144xf32, #tpu.memory_space<vmem>>)
        %ge3A = arith.constant 1 : i32
        %ge3A_631 = arith.cmpi sge, %add3A_609, %ge3A : i32
        %convert_element_type3A_632 = arith.extui %ge3A_631 : i1 to i32
        %cond3A_633 = arith.constant 0 : i32
        %cond3A_634 = arith.cmpi ne, %convert_element_type3A_632, %cond3A_633 : i32
        scf.if %cond3A_634 {
          %dma_wait3A_647 = arith.constant 0 : i32
          %dma_wait3A_648 = arith.constant 0 : i32
          %dma_wait3A_649 = tpu.memref_slice %arg26[%dma_wait3A_647, %dma_wait3A_648] : memref<64x128xi32, #tpu.memory_space<vmem>> -> memref<1x128xi32, #tpu.memory_space<vmem>>
          %dma_wait3A_650 = tpu.memref_squeeze %dma_wait3A_649 : memref<1x128xi32, #tpu.memory_space<vmem>> -> memref<128xi32, #tpu.memory_space<vmem>>
          %dma_wait3A_651 = arith.constant 0 : i32
          %dma_wait3A_652 = arith.constant 0 : i32
          %dma_wait3A_653 = tpu.memref_slice %arg29[%dma_wait3A_651, %dma_wait3A_652] : memref<7040x144xf32, #tpu.memory_space<vmem_shared>> -> memref<7040x144xf32, #tpu.memory_space<vmem_shared>>
          tpu.wait_indirect_dma semaphore(%arg31 : memref<!tpu.dma_semaphore, #tpu.memory_space<semaphore_mem>>) src(%arg27 : memref<128x144xf32, #tpu.memory_space<vmem>>) dst(%dma_wait3A_653 : memref<7040x144xf32, #tpu.memory_space<vmem_shared>>)
        } else {
        }
        %add3A_635 = arith.constant 1 : i32
        %add3A_636 = arith.addi %add3A_609, %add3A_635 : i32
        %lt3A_637 = arith.cmpi slt, %add3A_636, %select_n3A_439 : i32
        %convert_element_type3A_638 = arith.extui %lt3A_637 : i1 to i32
        %cond3A_639 = arith.constant 0 : i32
        %cond3A_640 = arith.cmpi ne, %convert_element_type3A_638, %cond3A_639 : i32
        scf.if %cond3A_640 {
          %add3A_647 = arith.constant 1 : i32
          %add3A_648 = arith.addi %add3A_609, %add3A_647 : i32
          %mul3A_649 = arith.constant 128 : i32
          %mul3A_650 = arith.muli %add3A_648, %mul3A_649 : i32
          %dma_start3A_651 = tpu.memref_slice %arg25[%mul3A_650] : memref<8192xi32, #tpu.memory_space<vmem>> -> memref<128xi32, #tpu.memory_space<vmem>>
          %dma_start3A_652 = arith.constant 0 : i32
          %dma_start3A_653 = arith.constant 0 : i32
          %dma_start3A_654 = tpu.memref_slice %arg11[%arg0, %dma_start3A_652, %dma_start3A_653] : memref<2x4096x144xf32, #tpu.memory_space<hbm>> -> memref<1x4096x144xf32, #tpu.memory_space<hbm>>
          %dma_start3A_655 = tpu.memref_squeeze %dma_start3A_654 : memref<1x4096x144xf32, #tpu.memory_space<hbm>> -> memref<4096x144xf32, #tpu.memory_space<hbm>>
          %dma_start3A_656 = arith.constant 0 : i32
          %dma_start3A_657 = arith.constant 0 : i32
          %dma_start3A_658 = tpu.memref_slice %dma_start3A_655[%dma_start3A_656, %dma_start3A_657] : memref<4096x144xf32, #tpu.memory_space<hbm>> -> memref<4096x144xf32, #tpu.memory_space<hbm>>
          tpu.enqueue_indirect_dma source(%dma_start3A_658 : memref<4096x144xf32, #tpu.memory_space<hbm>>) target(%arg28 : memref<128x144xf32, #tpu.memory_space<vmem>>) offsets(%dma_start3A_651 : memref<128xi32, #tpu.memory_space<vmem>>) semaphore(%arg30 : memref<!tpu.dma_semaphore, #tpu.memory_space<semaphore_mem>>)
        } else {
        }
        %dma_start3A_641 = arith.constant 0 : i32
        %dma_start3A_642 = tpu.memref_slice %arg26[%add3A_609, %dma_start3A_641] : memref<64x128xi32, #tpu.memory_space<vmem>> -> memref<1x128xi32, #tpu.memory_space<vmem>>
        %dma_start3A_643 = tpu.memref_squeeze %dma_start3A_642 : memref<1x128xi32, #tpu.memory_space<vmem>> -> memref<128xi32, #tpu.memory_space<vmem>>
        %dma_start3A_644 = arith.constant 0 : i32
        %dma_start3A_645 = arith.constant 0 : i32
        %dma_start3A_646 = tpu.memref_slice %arg29[%dma_start3A_644, %dma_start3A_645] : memref<7040x144xf32, #tpu.memory_space<vmem_shared>> -> memref<7040x144xf32, #tpu.memory_space<vmem_shared>>
        tpu.enqueue_indirect_dma source(%arg27 : memref<128x144xf32, #tpu.memory_space<vmem>>) target(%dma_start3A_646 : memref<7040x144xf32, #tpu.memory_space<vmem_shared>>) offsets(%dma_start3A_643 : memref<128xi32, #tpu.memory_space<vmem>>) semaphore(%arg31 : memref<!tpu.dma_semaphore, #tpu.memory_space<semaphore_mem>>) {add = true}
      } else {
      }
      %mul3A_614 = arith.constant 2 : i32
      %mul3A_615 = arith.muli %mul3A_614, %while3A_605 : i32
      %add3A_616 = arith.constant 1 : i32
      %add3A_617 = arith.addi %mul3A_615, %add3A_616 : i32
      %lt3A_618 = arith.cmpi slt, %add3A_617, %select_n3A_439 : i32
      %convert_element_type3A_619 = arith.extui %lt3A_618 : i1 to i32
      %cond3A_620 = arith.constant 0 : i32
      %cond3A_621 = arith.cmpi ne, %convert_element_type3A_619, %cond3A_620 : i32
      scf.if %cond3A_621 {
        %dma_wait3A_622 = arith.constant 0 : i32
        %dma_wait3A_623 = tpu.memref_slice %arg25[%dma_wait3A_622] : memref<8192xi32, #tpu.memory_space<vmem>> -> memref<128xi32, #tpu.memory_space<vmem>>
        %dma_wait3A_624 = arith.constant 0 : i32
        %dma_wait3A_625 = arith.constant 0 : i32
        %dma_wait3A_626 = tpu.memref_slice %arg11[%arg0, %dma_wait3A_624, %dma_wait3A_625] : memref<2x4096x144xf32, #tpu.memory_space<hbm>> -> memref<1x4096x144xf32, #tpu.memory_space<hbm>>
        %dma_wait3A_627 = tpu.memref_squeeze %dma_wait3A_626 : memref<1x4096x144xf32, #tpu.memory_space<hbm>> -> memref<4096x144xf32, #tpu.memory_space<hbm>>
        %dma_wait3A_628 = arith.constant 0 : i32
        %dma_wait3A_629 = arith.constant 0 : i32
        %dma_wait3A_630 = tpu.memref_slice %dma_wait3A_627[%dma_wait3A_628, %dma_wait3A_629] : memref<4096x144xf32, #tpu.memory_space<hbm>> -> memref<4096x144xf32, #tpu.memory_space<hbm>>
        tpu.wait_indirect_dma semaphore(%arg30 : memref<!tpu.dma_semaphore, #tpu.memory_space<semaphore_mem>>) src(%dma_wait3A_630 : memref<4096x144xf32, #tpu.memory_space<hbm>>) dst(%arg28 : memref<128x144xf32, #tpu.memory_space<vmem>>)
        %ge3A = arith.constant 1 : i32
        %ge3A_631 = arith.cmpi sge, %add3A_617, %ge3A : i32
        %convert_element_type3A_632 = arith.extui %ge3A_631 : i1 to i32
        %cond3A_633 = arith.constant 0 : i32
        %cond3A_634 = arith.cmpi ne, %convert_element_type3A_632, %cond3A_633 : i32
        scf.if %cond3A_634 {
          %dma_wait3A_647 = arith.constant 0 : i32
          %dma_wait3A_648 = arith.constant 0 : i32
          %dma_wait3A_649 = tpu.memref_slice %arg26[%dma_wait3A_647, %dma_wait3A_648] : memref<64x128xi32, #tpu.memory_space<vmem>> -> memref<1x128xi32, #tpu.memory_space<vmem>>
          %dma_wait3A_650 = tpu.memref_squeeze %dma_wait3A_649 : memref<1x128xi32, #tpu.memory_space<vmem>> -> memref<128xi32, #tpu.memory_space<vmem>>
          %dma_wait3A_651 = arith.constant 0 : i32
          %dma_wait3A_652 = arith.constant 0 : i32
          %dma_wait3A_653 = tpu.memref_slice %arg29[%dma_wait3A_651, %dma_wait3A_652] : memref<7040x144xf32, #tpu.memory_space<vmem_shared>> -> memref<7040x144xf32, #tpu.memory_space<vmem_shared>>
          tpu.wait_indirect_dma semaphore(%arg31 : memref<!tpu.dma_semaphore, #tpu.memory_space<semaphore_mem>>) src(%arg27 : memref<128x144xf32, #tpu.memory_space<vmem>>) dst(%dma_wait3A_653 : memref<7040x144xf32, #tpu.memory_space<vmem_shared>>)
        } else {
        }
        %add3A_635 = arith.constant 1 : i32
        %add3A_636 = arith.addi %add3A_617, %add3A_635 : i32
        %lt3A_637 = arith.cmpi slt, %add3A_636, %select_n3A_439 : i32
        %convert_element_type3A_638 = arith.extui %lt3A_637 : i1 to i32
        %cond3A_639 = arith.constant 0 : i32
        %cond3A_640 = arith.cmpi ne, %convert_element_type3A_638, %cond3A_639 : i32
        scf.if %cond3A_640 {
          %add3A_647 = arith.constant 1 : i32
          %add3A_648 = arith.addi %add3A_617, %add3A_647 : i32
          %mul3A_649 = arith.constant 128 : i32
          %mul3A_650 = arith.muli %add3A_648, %mul3A_649 : i32
          %dma_start3A_651 = tpu.memref_slice %arg25[%mul3A_650] : memref<8192xi32, #tpu.memory_space<vmem>> -> memref<128xi32, #tpu.memory_space<vmem>>
          %dma_start3A_652 = arith.constant 0 : i32
          %dma_start3A_653 = arith.constant 0 : i32
          %dma_start3A_654 = tpu.memref_slice %arg11[%arg0, %dma_start3A_652, %dma_start3A_653] : memref<2x4096x144xf32, #tpu.memory_space<hbm>> -> memref<1x4096x144xf32, #tpu.memory_space<hbm>>
          %dma_start3A_655 = tpu.memref_squeeze %dma_start3A_654 : memref<1x4096x144xf32, #tpu.memory_space<hbm>> -> memref<4096x144xf32, #tpu.memory_space<hbm>>
          %dma_start3A_656 = arith.constant 0 : i32
          %dma_start3A_657 = arith.constant 0 : i32
          %dma_start3A_658 = tpu.memref_slice %dma_start3A_655[%dma_start3A_656, %dma_start3A_657] : memref<4096x144xf32, #tpu.memory_space<hbm>> -> memref<4096x144xf32, #tpu.memory_space<hbm>>
          tpu.enqueue_indirect_dma source(%dma_start3A_658 : memref<4096x144xf32, #tpu.memory_space<hbm>>) target(%arg27 : memref<128x144xf32, #tpu.memory_space<vmem>>) offsets(%dma_start3A_651 : memref<128xi32, #tpu.memory_space<vmem>>) semaphore(%arg30 : memref<!tpu.dma_semaphore, #tpu.memory_space<semaphore_mem>>)
        } else {
        }
        %dma_start3A_641 = arith.constant 0 : i32
        %dma_start3A_642 = tpu.memref_slice %arg26[%add3A_617, %dma_start3A_641] : memref<64x128xi32, #tpu.memory_space<vmem>> -> memref<1x128xi32, #tpu.memory_space<vmem>>
        %dma_start3A_643 = tpu.memref_squeeze %dma_start3A_642 : memref<1x128xi32, #tpu.memory_space<vmem>> -> memref<128xi32, #tpu.memory_space<vmem>>
        %dma_start3A_644 = arith.constant 0 : i32
        %dma_start3A_645 = arith.constant 0 : i32
        %dma_start3A_646 = tpu.memref_slice %arg29[%dma_start3A_644, %dma_start3A_645] : memref<7040x144xf32, #tpu.memory_space<vmem_shared>> -> memref<7040x144xf32, #tpu.memory_space<vmem_shared>>
        tpu.enqueue_indirect_dma source(%arg28 : memref<128x144xf32, #tpu.memory_space<vmem>>) target(%dma_start3A_646 : memref<7040x144xf32, #tpu.memory_space<vmem_shared>>) offsets(%dma_start3A_643 : memref<128xi32, #tpu.memory_space<vmem>>) semaphore(%arg31 : memref<!tpu.dma_semaphore, #tpu.memory_space<semaphore_mem>>) {add = true}
      } else {
      }
    }
    %gt3A_597 = arith.constant 0 : i32
    %gt3A_598 = arith.cmpi sgt, %select_n3A_439, %gt3A_597 : i32
    %convert_element_type3A_599 = arith.extui %gt3A_598 : i1 to i32
    %cond3A_600 = arith.constant 0 : i32
    %cond3A_601 = arith.cmpi ne, %convert_element_type3A_599, %cond3A_600 : i32
    scf.if %cond3A_601 {
      %dma_wait3A_605 = arith.constant 0 : i32
      %dma_wait3A_606 = arith.constant 0 : i32
      %dma_wait3A_607 = tpu.memref_slice %arg26[%dma_wait3A_605, %dma_wait3A_606] : memref<64x128xi32, #tpu.memory_space<vmem>> -> memref<1x128xi32, #tpu.memory_space<vmem>>
      %dma_wait3A_608 = tpu.memref_squeeze %dma_wait3A_607 : memref<1x128xi32, #tpu.memory_space<vmem>> -> memref<128xi32, #tpu.memory_space<vmem>>
      %dma_wait3A_609 = arith.constant 0 : i32
      %dma_wait3A_610 = arith.constant 0 : i32
      %dma_wait3A_611 = tpu.memref_slice %arg29[%dma_wait3A_609, %dma_wait3A_610] : memref<7040x144xf32, #tpu.memory_space<vmem_shared>> -> memref<7040x144xf32, #tpu.memory_space<vmem_shared>>
      tpu.wait_indirect_dma semaphore(%arg31 : memref<!tpu.dma_semaphore, #tpu.memory_space<semaphore_mem>>) src(%arg27 : memref<128x144xf32, #tpu.memory_space<vmem>>) dst(%dma_wait3A_611 : memref<7040x144xf32, #tpu.memory_space<vmem_shared>>)
    } else {
    }
    %barrier3A_602 = arith.constant 0 : index
    tpu.barrier barrier_id(%barrier3A_602)
    %mul3A_603 = arith.constant 440 : i32
    %mul3A_604 = arith.muli %arg1, %mul3A_603 : i32
    "tpu.region"() ({
      %run_scoped3A = tpu.sem_alloc : memref<!tpu.dma_semaphore, #tpu.memory_space<semaphore_mem>>
      %dma_start3A_605 = arith.constant 0 : i32
      %dma_start3A_606 = arith.constant 0 : i32
      %dma_start3A_607 = tpu.memref_slice %arg10[%arg0, %dma_start3A_605, %dma_start3A_606] : memref<2x7040x144xf32, #tpu.memory_space<hbm>> -> memref<1x7040x144xf32, #tpu.memory_space<hbm>>
      %dma_start3A_608 = tpu.memref_squeeze %dma_start3A_607 : memref<1x7040x144xf32, #tpu.memory_space<hbm>> -> memref<7040x144xf32, #tpu.memory_space<hbm>>
      %dma_start3A_609 = arith.constant 0 : i32
      %dma_start3A_610 = tpu.memref_slice %dma_start3A_608[%mul3A_604, %dma_start3A_609] : memref<7040x144xf32, #tpu.memory_space<hbm>> -> memref<440x144xf32, #tpu.memory_space<hbm>>
      %dma_start3A_611 = arith.constant 0 : i32
      %dma_start3A_612 = tpu.memref_slice %arg29[%mul3A_604, %dma_start3A_611] : memref<7040x144xf32, #tpu.memory_space<vmem_shared>> -> memref<440x144xf32, #tpu.memory_space<vmem_shared>>
      tpu.enqueue_dma source(%dma_start3A_612 : memref<440x144xf32, #tpu.memory_space<vmem_shared>>) target(%dma_start3A_610 : memref<440x144xf32, #tpu.memory_space<hbm>>) target_semaphore(%run_scoped3A : memref<!tpu.dma_semaphore, #tpu.memory_space<semaphore_mem>>)
      %dma_wait3A_613 = arith.constant 0 : i32
      %dma_wait3A_614 = arith.constant 0 : i32
      %dma_wait3A_615 = tpu.memref_slice %arg10[%arg0, %dma_wait3A_613, %dma_wait3A_614] : memref<2x7040x144xf32, #tpu.memory_space<hbm>> -> memref<1x7040x144xf32, #tpu.memory_space<hbm>>
      %dma_wait3A_616 = tpu.memref_squeeze %dma_wait3A_615 : memref<1x7040x144xf32, #tpu.memory_space<hbm>> -> memref<7040x144xf32, #tpu.memory_space<hbm>>
      %dma_wait3A_617 = arith.constant 0 : i32
      %dma_wait3A_618 = tpu.memref_slice %dma_wait3A_616[%mul3A_604, %dma_wait3A_617] : memref<7040x144xf32, #tpu.memory_space<hbm>> -> memref<440x144xf32, #tpu.memory_space<hbm>>
      %dma_wait3A_619 = arith.constant 0 : i32
      %dma_wait3A_620 = tpu.memref_slice %arg29[%mul3A_604, %dma_wait3A_619] : memref<7040x144xf32, #tpu.memory_space<vmem_shared>> -> memref<440x144xf32, #tpu.memory_space<vmem_shared>>
      tpu.wait_dma2 semaphore(%run_scoped3A : memref<!tpu.dma_semaphore, #tpu.memory_space<semaphore_mem>>) src(%dma_wait3A_620 : memref<440x144xf32, #tpu.memory_space<vmem_shared>>) dst(%dma_wait3A_618 : memref<440x144xf32, #tpu.memory_space<hbm>>)
      tpu.yield
    }) : () -> ()
    return
  }
}

#map = affine_map<(d0, d1) -> (0, 0)>
#map1 = affine_map<(d0, d1) -> (0)>
#map2 = affine_map<(d0, d1) -> (0, 0, 0)>
module attributes {stable_mosaic.version = 14 : i64} {
  func.func @_agg_kernel(%arg0: i32, %arg1: i32, %arg2: memref<1000x144xf32, #tpu.memory_space<hbm>>, %arg3: memref<65536xi32, #tpu.memory_space<hbm>>, %arg4: memref<65536xi32, #tpu.memory_space<hbm>>, %arg5: memref<65536xi32, #tpu.memory_space<hbm>>, %arg6: memref<2x7040x144xf32, #tpu.memory_space<hbm>>, %arg7: memref<512xi32, #tpu.memory_space<vmem>>, %arg8: memref<512xi32, #tpu.memory_space<vmem>>, %arg9: memref<512xi32, #tpu.memory_space<vmem>>, %arg10: memref<512xi32, #tpu.memory_space<vmem>>, %arg11: memref<512xi32, #tpu.memory_space<vmem>>, %arg12: memref<512xi32, #tpu.memory_space<vmem>>, %arg13: memref<2048xi32, #tpu.memory_space<vmem>>, %arg14: memref<16x128xi32, #tpu.memory_space<vmem>>, %arg15: memref<128x144xf32, #tpu.memory_space<vmem>>, %arg16: memref<128x144xf32, #tpu.memory_space<vmem>>, %arg17: memref<7040x144xf32, #tpu.memory_space<vmem_shared>>, %arg18: memref<!tpu.dma_semaphore, #tpu.memory_space<semaphore_mem>>, %arg19: memref<!tpu.dma_semaphore, #tpu.memory_space<semaphore_mem>>, %arg20: memref<!tpu.dma_semaphore, #tpu.memory_space<semaphore_mem>>, %arg21: memref<!tpu.dma_semaphore, #tpu.memory_space<semaphore_mem>>) attributes {dimension_semantics = [#tpu.dimension_semantics<core_parallel>, #tpu.dimension_semantics<subcore_parallel>], iteration_bounds = array<i64: 2, 16>, scalar_prefetch = 0 : i64, scratch_operands = 15 : i64, tpu.core_type = #tpu.core_type<sc_vector_subcore>, window_params = [{transform_indices = #map}, {transform_indices = #map1}, {transform_indices = #map1}, {transform_indices = #map1}, {transform_indices = #map2}]} {
    %mul3A = arith.constant 2 : i32
    %mul3A_0 = arith.muli %arg1, %mul3A : i32
    %add3A = arith.addi %mul3A_0, %arg0 : i32
    %scan3A = arith.constant 0 : i32
    %scan3A_1 = arith.constant 0 : i32
    %scan3A_2 = arith.constant 128 : i32
    %scan3A_3 = arith.addi %scan3A_1, %scan3A_2 : i32
    %scan3A_4 = arith.constant 1 : i32
    scf.for %scan3A_212 = %scan3A_1 to %scan3A_3 step %scan3A_4  : i32 {
      %broadcast_in_dim3A_213 = arith.constant 0.000000e+00 : f32
      %broadcast_in_dim3A_214 = vector.broadcast %broadcast_in_dim3A_213 : f32 to vector<16xf32>
      %swap3A_215 = arith.index_cast %scan3A_212 : i32 to index
      %swap3A_216 = arith.constant 0 : index
      %swap3A_217 = tpu.vector_load %arg15[%swap3A_215, %swap3A_216] {strides = array<i32>} : memref<128x144xf32, #tpu.memory_space<vmem>>, vector<16xf32>,
      tpu.vector_store %arg15[%swap3A_215, %swap3A_216], %broadcast_in_dim3A_214 {strides = array<i32>} : memref<128x144xf32, #tpu.memory_space<vmem>>, vector<16xf32>,
      %broadcast_in_dim3A_218 = arith.constant 0.000000e+00 : f32
      %broadcast_in_dim3A_219 = vector.broadcast %broadcast_in_dim3A_218 : f32 to vector<16xf32>
      %swap3A_220 = arith.index_cast %scan3A_212 : i32 to index
      %swap3A_221 = arith.constant 16 : index
      %swap3A_222 = tpu.vector_load %arg15[%swap3A_220, %swap3A_221] {strides = array<i32>} : memref<128x144xf32, #tpu.memory_space<vmem>>, vector<16xf32>,
      tpu.vector_store %arg15[%swap3A_220, %swap3A_221], %broadcast_in_dim3A_219 {strides = array<i32>} : memref<128x144xf32, #tpu.memory_space<vmem>>, vector<16xf32>,
      %broadcast_in_dim3A_223 = arith.constant 0.000000e+00 : f32
      %broadcast_in_dim3A_224 = vector.broadcast %broadcast_in_dim3A_223 : f32 to vector<16xf32>
      %swap3A_225 = arith.index_cast %scan3A_212 : i32 to index
      %swap3A_226 = arith.constant 32 : index
      %swap3A_227 = tpu.vector_load %arg15[%swap3A_225, %swap3A_226] {strides = array<i32>} : memref<128x144xf32, #tpu.memory_space<vmem>>, vector<16xf32>,
      tpu.vector_store %arg15[%swap3A_225, %swap3A_226], %broadcast_in_dim3A_224 {strides = array<i32>} : memref<128x144xf32, #tpu.memory_space<vmem>>, vector<16xf32>,
      %broadcast_in_dim3A_228 = arith.constant 0.000000e+00 : f32
      %broadcast_in_dim3A_229 = vector.broadcast %broadcast_in_dim3A_228 : f32 to vector<16xf32>
      %swap3A_230 = arith.index_cast %scan3A_212 : i32 to index
      %swap3A_231 = arith.constant 48 : index
      %swap3A_232 = tpu.vector_load %arg15[%swap3A_230, %swap3A_231] {strides = array<i32>} : memref<128x144xf32, #tpu.memory_space<vmem>>, vector<16xf32>,
      tpu.vector_store %arg15[%swap3A_230, %swap3A_231], %broadcast_in_dim3A_229 {strides = array<i32>} : memref<128x144xf32, #tpu.memory_space<vmem>>, vector<16xf32>,
      %broadcast_in_dim3A_233 = arith.constant 0.000000e+00 : f32
      %broadcast_in_dim3A_234 = vector.broadcast %broadcast_in_dim3A_233 : f32 to vector<16xf32>
      %swap3A_235 = arith.index_cast %scan3A_212 : i32 to index
      %swap3A_236 = arith.constant 64 : index
      %swap3A_237 = tpu.vector_load %arg15[%swap3A_235, %swap3A_236] {strides = array<i32>} : memref<128x144xf32, #tpu.memory_space<vmem>>, vector<16xf32>,
      tpu.vector_store %arg15[%swap3A_235, %swap3A_236], %broadcast_in_dim3A_234 {strides = array<i32>} : memref<128x144xf32, #tpu.memory_space<vmem>>, vector<16xf32>,
      %broadcast_in_dim3A_238 = arith.constant 0.000000e+00 : f32
      %broadcast_in_dim3A_239 = vector.broadcast %broadcast_in_dim3A_238 : f32 to vector<16xf32>
      %swap3A_240 = arith.index_cast %scan3A_212 : i32 to index
      %swap3A_241 = arith.constant 80 : index
      %swap3A_242 = tpu.vector_load %arg15[%swap3A_240, %swap3A_241] {strides = array<i32>} : memref<128x144xf32, #tpu.memory_space<vmem>>, vector<16xf32>,
      tpu.vector_store %arg15[%swap3A_240, %swap3A_241], %broadcast_in_dim3A_239 {strides = array<i32>} : memref<128x144xf32, #tpu.memory_space<vmem>>, vector<16xf32>,
      %broadcast_in_dim3A_243 = arith.constant 0.000000e+00 : f32
      %broadcast_in_dim3A_244 = vector.broadcast %broadcast_in_dim3A_243 : f32 to vector<16xf32>
      %swap3A_245 = arith.index_cast %scan3A_212 : i32 to index
      %swap3A_246 = arith.constant 96 : index
      %swap3A_247 = tpu.vector_load %arg15[%swap3A_245, %swap3A_246] {strides = array<i32>} : memref<128x144xf32, #tpu.memory_space<vmem>>, vector<16xf32>,
      tpu.vector_store %arg15[%swap3A_245, %swap3A_246], %broadcast_in_dim3A_244 {strides = array<i32>} : memref<128x144xf32, #tpu.memory_space<vmem>>, vector<16xf32>,
      %broadcast_in_dim3A_248 = arith.constant 0.000000e+00 : f32
      %broadcast_in_dim3A_249 = vector.broadcast %broadcast_in_dim3A_248 : f32 to vector<16xf32>
      %swap3A_250 = arith.index_cast %scan3A_212 : i32 to index
      %swap3A_251 = arith.constant 112 : index
      %swap3A_252 = tpu.vector_load %arg15[%swap3A_250, %swap3A_251] {strides = array<i32>} : memref<128x144xf32, #tpu.memory_space<vmem>>, vector<16xf32>,
      tpu.vector_store %arg15[%swap3A_250, %swap3A_251], %broadcast_in_dim3A_249 {strides = array<i32>} : memref<128x144xf32, #tpu.memory_space<vmem>>, vector<16xf32>,
      %broadcast_in_dim3A_253 = arith.constant 0.000000e+00 : f32
      %broadcast_in_dim3A_254 = vector.broadcast %broadcast_in_dim3A_253 : f32 to vector<16xf32>
      %swap3A_255 = arith.index_cast %scan3A_212 : i32 to index
      %swap3A_256 = arith.constant 128 : index
      %swap3A_257 = tpu.vector_load %arg15[%swap3A_255, %swap3A_256] {strides = array<i32>} : memref<128x144xf32, #tpu.memory_space<vmem>>, vector<16xf32>,
      tpu.vector_store %arg15[%swap3A_255, %swap3A_256], %broadcast_in_dim3A_254 {strides = array<i32>} : memref<128x144xf32, #tpu.memory_space<vmem>>, vector<16xf32>,
    }
    %scan3A_5 = arith.constant 128 : i32
    %mul3A_6 = arith.constant 440 : i32
    %mul3A_7 = arith.muli %arg1, %mul3A_6 : i32
    %add3A_8 = arith.constant 0 : i32
    %add3A_9 = arith.addi %mul3A_7, %add3A_8 : i32
    "tpu.region"() ({
      %run_scoped3A = tpu.sem_alloc : memref<!tpu.dma_semaphore, #tpu.memory_space<semaphore_mem>>
      %dma_start3A_212 = arith.constant 0 : i32
      %dma_start3A_213 = tpu.memref_slice %arg17[%add3A_9, %dma_start3A_212] : memref<7040x144xf32, #tpu.memory_space<vmem_shared>> -> memref<128x144xf32, #tpu.memory_space<vmem_shared>>
      %dma_start3A_214 = arith.constant 0 : i32
      %dma_start3A_215 = tpu.memref_slice %arg17[%add3A_9, %dma_start3A_214] : memref<7040x144xf32, #tpu.memory_space<vmem_shared>> -> memref<128x144xf32, #tpu.memory_space<vmem_shared>>
      tpu.enqueue_dma source(%arg15 : memref<128x144xf32, #tpu.memory_space<vmem>>) target(%dma_start3A_215 : memref<128x144xf32, #tpu.memory_space<vmem_shared>>) target_semaphore(%run_scoped3A : memref<!tpu.dma_semaphore, #tpu.memory_space<semaphore_mem>>)
      %dma_wait3A = arith.constant 0 : i32
      %dma_wait3A_216 = tpu.memref_slice %arg17[%add3A_9, %dma_wait3A] : memref<7040x144xf32, #tpu.memory_space<vmem_shared>> -> memref<128x144xf32, #tpu.memory_space<vmem_shared>>
      %dma_wait3A_217 = arith.constant 0 : i32
      %dma_wait3A_218 = tpu.memref_slice %arg17[%add3A_9, %dma_wait3A_217] : memref<7040x144xf32, #tpu.memory_space<vmem_shared>> -> memref<128x144xf32, #tpu.memory_space<vmem_shared>>
      tpu.wait_dma2 semaphore(%run_scoped3A : memref<!tpu.dma_semaphore, #tpu.memory_space<semaphore_mem>>) src(%arg15 : memref<128x144xf32, #tpu.memory_space<vmem>>) dst(%dma_wait3A_218 : memref<128x144xf32, #tpu.memory_space<vmem_shared>>)
      tpu.yield
    }) : () -> ()
    %add3A_10 = arith.constant 128 : i32
    %add3A_11 = arith.addi %mul3A_7, %add3A_10 : i32
    "tpu.region"() ({
      %run_scoped3A = tpu.sem_alloc : memref<!tpu.dma_semaphore, #tpu.memory_space<semaphore_mem>>
      %dma_start3A_212 = arith.constant 0 : i32
      %dma_start3A_213 = tpu.memref_slice %arg17[%add3A_11, %dma_start3A_212] : memref<7040x144xf32, #tpu.memory_space<vmem_shared>> -> memref<128x144xf32, #tpu.memory_space<vmem_shared>>
      %dma_start3A_214 = arith.constant 0 : i32
      %dma_start3A_215 = tpu.memref_slice %arg17[%add3A_11, %dma_start3A_214] : memref<7040x144xf32, #tpu.memory_space<vmem_shared>> -> memref<128x144xf32, #tpu.memory_space<vmem_shared>>
      tpu.enqueue_dma source(%arg15 : memref<128x144xf32, #tpu.memory_space<vmem>>) target(%dma_start3A_215 : memref<128x144xf32, #tpu.memory_space<vmem_shared>>) target_semaphore(%run_scoped3A : memref<!tpu.dma_semaphore, #tpu.memory_space<semaphore_mem>>)
      %dma_wait3A = arith.constant 0 : i32
      %dma_wait3A_216 = tpu.memref_slice %arg17[%add3A_11, %dma_wait3A] : memref<7040x144xf32, #tpu.memory_space<vmem_shared>> -> memref<128x144xf32, #tpu.memory_space<vmem_shared>>
      %dma_wait3A_217 = arith.constant 0 : i32
      %dma_wait3A_218 = tpu.memref_slice %arg17[%add3A_11, %dma_wait3A_217] : memref<7040x144xf32, #tpu.memory_space<vmem_shared>> -> memref<128x144xf32, #tpu.memory_space<vmem_shared>>
      tpu.wait_dma2 semaphore(%run_scoped3A : memref<!tpu.dma_semaphore, #tpu.memory_space<semaphore_mem>>) src(%arg15 : memref<128x144xf32, #tpu.memory_space<vmem>>) dst(%dma_wait3A_218 : memref<128x144xf32, #tpu.memory_space<vmem_shared>>)
      tpu.yield
    }) : () -> ()
    %add3A_12 = arith.constant 256 : i32
    %add3A_13 = arith.addi %mul3A_7, %add3A_12 : i32
    "tpu.region"() ({
      %run_scoped3A = tpu.sem_alloc : memref<!tpu.dma_semaphore, #tpu.memory_space<semaphore_mem>>
      %dma_start3A_212 = arith.constant 0 : i32
      %dma_start3A_213 = tpu.memref_slice %arg17[%add3A_13, %dma_start3A_212] : memref<7040x144xf32, #tpu.memory_space<vmem_shared>> -> memref<128x144xf32, #tpu.memory_space<vmem_shared>>
      %dma_start3A_214 = arith.constant 0 : i32
      %dma_start3A_215 = tpu.memref_slice %arg17[%add3A_13, %dma_start3A_214] : memref<7040x144xf32, #tpu.memory_space<vmem_shared>> -> memref<128x144xf32, #tpu.memory_space<vmem_shared>>
      tpu.enqueue_dma source(%arg15 : memref<128x144xf32, #tpu.memory_space<vmem>>) target(%dma_start3A_215 : memref<128x144xf32, #tpu.memory_space<vmem_shared>>) target_semaphore(%run_scoped3A : memref<!tpu.dma_semaphore, #tpu.memory_space<semaphore_mem>>)
      %dma_wait3A = arith.constant 0 : i32
      %dma_wait3A_216 = tpu.memref_slice %arg17[%add3A_13, %dma_wait3A] : memref<7040x144xf32, #tpu.memory_space<vmem_shared>> -> memref<128x144xf32, #tpu.memory_space<vmem_shared>>
      %dma_wait3A_217 = arith.constant 0 : i32
      %dma_wait3A_218 = tpu.memref_slice %arg17[%add3A_13, %dma_wait3A_217] : memref<7040x144xf32, #tpu.memory_space<vmem_shared>> -> memref<128x144xf32, #tpu.memory_space<vmem_shared>>
      tpu.wait_dma2 semaphore(%run_scoped3A : memref<!tpu.dma_semaphore, #tpu.memory_space<semaphore_mem>>) src(%arg15 : memref<128x144xf32, #tpu.memory_space<vmem>>) dst(%dma_wait3A_218 : memref<128x144xf32, #tpu.memory_space<vmem_shared>>)
      tpu.yield
    }) : () -> ()
    %add3A_14 = arith.constant 384 : i32
    %add3A_15 = arith.addi %mul3A_7, %add3A_14 : i32
    "tpu.region"() ({
      %run_scoped3A = tpu.sem_alloc : memref<!tpu.dma_semaphore, #tpu.memory_space<semaphore_mem>>
      %dma_start3A_212 = arith.constant 0 : i32
      %dma_start3A_213 = arith.constant 0 : i32
      %dma_start3A_214 = tpu.memref_slice %arg15[%dma_start3A_212, %dma_start3A_213] : memref<128x144xf32, #tpu.memory_space<vmem>> -> memref<56x144xf32, #tpu.memory_space<vmem>>
      %dma_start3A_215 = arith.constant 0 : i32
      %dma_start3A_216 = tpu.memref_slice %arg17[%add3A_15, %dma_start3A_215] : memref<7040x144xf32, #tpu.memory_space<vmem_shared>> -> memref<56x144xf32, #tpu.memory_space<vmem_shared>>
      %dma_start3A_217 = arith.constant 0 : i32
      %dma_start3A_218 = tpu.memref_slice %arg17[%add3A_15, %dma_start3A_217] : memref<7040x144xf32, #tpu.memory_space<vmem_shared>> -> memref<56x144xf32, #tpu.memory_space<vmem_shared>>
      %dma_start3A_219 = arith.constant 0 : i32
      %dma_start3A_220 = arith.constant 0 : i32
      %dma_start3A_221 = tpu.memref_slice %arg15[%dma_start3A_219, %dma_start3A_220] : memref<128x144xf32, #tpu.memory_space<vmem>> -> memref<56x144xf32, #tpu.memory_space<vmem>>
      tpu.enqueue_dma source(%dma_start3A_221 : memref<56x144xf32, #tpu.memory_space<vmem>>) target(%dma_start3A_218 : memref<56x144xf32, #tpu.memory_space<vmem_shared>>) target_semaphore(%run_scoped3A : memref<!tpu.dma_semaphore, #tpu.memory_space<semaphore_mem>>)
      %dma_wait3A = arith.constant 0 : i32
      %dma_wait3A_222 = arith.constant 0 : i32
      %dma_wait3A_223 = tpu.memref_slice %arg15[%dma_wait3A, %dma_wait3A_222] : memref<128x144xf32, #tpu.memory_space<vmem>> -> memref<56x144xf32, #tpu.memory_space<vmem>>
      %dma_wait3A_224 = arith.constant 0 : i32
      %dma_wait3A_225 = tpu.memref_slice %arg17[%add3A_15, %dma_wait3A_224] : memref<7040x144xf32, #tpu.memory_space<vmem_shared>> -> memref<56x144xf32, #tpu.memory_space<vmem_shared>>
      %dma_wait3A_226 = arith.constant 0 : i32
      %dma_wait3A_227 = tpu.memref_slice %arg17[%add3A_15, %dma_wait3A_226] : memref<7040x144xf32, #tpu.memory_space<vmem_shared>> -> memref<56x144xf32, #tpu.memory_space<vmem_shared>>
      %dma_wait3A_228 = arith.constant 0 : i32
      %dma_wait3A_229 = arith.constant 0 : i32
      %dma_wait3A_230 = tpu.memref_slice %arg15[%dma_wait3A_228, %dma_wait3A_229] : memref<128x144xf32, #tpu.memory_space<vmem>> -> memref<56x144xf32, #tpu.memory_space<vmem>>
      tpu.wait_dma2 semaphore(%run_scoped3A : memref<!tpu.dma_semaphore, #tpu.memory_space<semaphore_mem>>) src(%dma_wait3A_230 : memref<56x144xf32, #tpu.memory_space<vmem>>) dst(%dma_wait3A_227 : memref<56x144xf32, #tpu.memory_space<vmem_shared>>)
      tpu.yield
    }) : () -> ()
    %barrier3A = arith.constant 0 : index
    tpu.barrier barrier_id(%barrier3A)
    %mul3A_16 = arith.constant 2048 : i32
    %mul3A_17 = arith.muli %add3A, %mul3A_16 : i32
    %add3A_18 = arith.constant 0 : i32
    %add3A_19 = arith.addi %mul3A_17, %add3A_18 : i32
    %dma_start3A = tpu.memref_slice %arg3[%add3A_19] : memref<65536xi32, #tpu.memory_space<hbm>> -> memref<512xi32, #tpu.memory_space<hbm>>
    %dma_start3A_20 = tpu.memref_slice %arg3[%add3A_19] : memref<65536xi32, #tpu.memory_space<hbm>> -> memref<512xi32, #tpu.memory_space<hbm>>
    tpu.enqueue_dma source(%dma_start3A_20 : memref<512xi32, #tpu.memory_space<hbm>>) target(%arg7 : memref<512xi32, #tpu.memory_space<vmem>>) target_semaphore(%arg20 : memref<!tpu.dma_semaphore, #tpu.memory_space<semaphore_mem>>)
    %dma_start3A_21 = tpu.memref_slice %arg4[%add3A_19] : memref<65536xi32, #tpu.memory_space<hbm>> -> memref<512xi32, #tpu.memory_space<hbm>>
    %dma_start3A_22 = tpu.memref_slice %arg4[%add3A_19] : memref<65536xi32, #tpu.memory_space<hbm>> -> memref<512xi32, #tpu.memory_space<hbm>>
    tpu.enqueue_dma source(%dma_start3A_22 : memref<512xi32, #tpu.memory_space<hbm>>) target(%arg8 : memref<512xi32, #tpu.memory_space<vmem>>) target_semaphore(%arg20 : memref<!tpu.dma_semaphore, #tpu.memory_space<semaphore_mem>>)
    %dma_start3A_23 = tpu.memref_slice %arg5[%add3A_19] : memref<65536xi32, #tpu.memory_space<hbm>> -> memref<512xi32, #tpu.memory_space<hbm>>
    %dma_start3A_24 = tpu.memref_slice %arg5[%add3A_19] : memref<65536xi32, #tpu.memory_space<hbm>> -> memref<512xi32, #tpu.memory_space<hbm>>
    tpu.enqueue_dma source(%dma_start3A_24 : memref<512xi32, #tpu.memory_space<hbm>>) target(%arg9 : memref<512xi32, #tpu.memory_space<vmem>>) target_semaphore(%arg20 : memref<!tpu.dma_semaphore, #tpu.memory_space<semaphore_mem>>)
    %scan3A_25 = arith.constant 0 : i32
    %scan3A_26 = arith.constant 0 : i32
    %scan3A_27 = arith.constant 2 : i32
    %scan3A_28 = arith.addi %scan3A_26, %scan3A_27 : i32
    %scan3A_29 = arith.constant 1 : i32
    %scan3A_30 = scf.for %scan3A_212 = %scan3A_26 to %scan3A_28 step %scan3A_29 iter_args(%scan3A_213 = %scan3A_25) -> (i32)  : i32 {
      %mul3A_214 = arith.constant 2 : i32
      %mul3A_215 = arith.muli %mul3A_214, %scan3A_212 : i32
      %add3A_216 = arith.constant 0 : i32
      %add3A_217 = arith.addi %mul3A_215, %add3A_216 : i32
      %dma_wait3A = arith.constant 0 : i32
      %dma_wait3A_218 = tpu.memref_slice %arg3[%dma_wait3A] : memref<65536xi32, #tpu.memory_space<hbm>> -> memref<512xi32, #tpu.memory_space<hbm>>
      %dma_wait3A_219 = arith.constant 0 : i32
      %dma_wait3A_220 = tpu.memref_slice %arg3[%dma_wait3A_219] : memref<65536xi32, #tpu.memory_space<hbm>> -> memref<512xi32, #tpu.memory_space<hbm>>
      tpu.wait_dma2 semaphore(%arg20 : memref<!tpu.dma_semaphore, #tpu.memory_space<semaphore_mem>>) src(%dma_wait3A_220 : memref<512xi32, #tpu.memory_space<hbm>>) dst(%arg7 : memref<512xi32, #tpu.memory_space<vmem>>)
      %dma_wait3A_221 = arith.constant 0 : i32
      %dma_wait3A_222 = tpu.memref_slice %arg3[%dma_wait3A_221] : memref<65536xi32, #tpu.memory_space<hbm>> -> memref<512xi32, #tpu.memory_space<hbm>>
      %dma_wait3A_223 = arith.constant 0 : i32
      %dma_wait3A_224 = tpu.memref_slice %arg3[%dma_wait3A_223] : memref<65536xi32, #tpu.memory_space<hbm>> -> memref<512xi32, #tpu.memory_space<hbm>>
      tpu.wait_dma2 semaphore(%arg20 : memref<!tpu.dma_semaphore, #tpu.memory_space<semaphore_mem>>) src(%dma_wait3A_224 : memref<512xi32, #tpu.memory_space<hbm>>) dst(%arg8 : memref<512xi32, #tpu.memory_space<vmem>>)
      %dma_wait3A_225 = arith.constant 0 : i32
      %dma_wait3A_226 = tpu.memref_slice %arg3[%dma_wait3A_225] : memref<65536xi32, #tpu.memory_space<hbm>> -> memref<512xi32, #tpu.memory_space<hbm>>
      %dma_wait3A_227 = arith.constant 0 : i32
      %dma_wait3A_228 = tpu.memref_slice %arg3[%dma_wait3A_227] : memref<65536xi32, #tpu.memory_space<hbm>> -> memref<512xi32, #tpu.memory_space<hbm>>
      tpu.wait_dma2 semaphore(%arg20 : memref<!tpu.dma_semaphore, #tpu.memory_space<semaphore_mem>>) src(%dma_wait3A_228 : memref<512xi32, #tpu.memory_space<hbm>>) dst(%arg9 : memref<512xi32, #tpu.memory_space<vmem>>)
      %add3A_229 = arith.constant 1 : i32
      %add3A_230 = arith.addi %add3A_217, %add3A_229 : i32
      %lt3A_231 = arith.constant 4 : i32
      %lt3A_232 = arith.cmpi slt, %add3A_230, %lt3A_231 : i32
      %convert_element_type3A_233 = arith.extui %lt3A_232 : i1 to i32
      %cond3A_234 = arith.constant 0 : i32
      %cond3A_235 = arith.cmpi ne, %convert_element_type3A_233, %cond3A_234 : i32
      scf.if %cond3A_235 {
        %add3A_271 = arith.constant 1 : i32
        %add3A_272 = arith.addi %add3A_217, %add3A_271 : i32
        %mul3A_273 = arith.constant 2048 : i32
        %mul3A_274 = arith.muli %add3A, %mul3A_273 : i32
        %mul3A_275 = arith.constant 512 : i32
        %mul3A_276 = arith.muli %add3A_272, %mul3A_275 : i32
        %add3A_277 = arith.addi %mul3A_274, %mul3A_276 : i32
        %dma_start3A_278 = tpu.memref_slice %arg3[%add3A_277] : memref<65536xi32, #tpu.memory_space<hbm>> -> memref<512xi32, #tpu.memory_space<hbm>>
        %dma_start3A_279 = tpu.memref_slice %arg3[%add3A_277] : memref<65536xi32, #tpu.memory_space<hbm>> -> memref<512xi32, #tpu.memory_space<hbm>>
        tpu.enqueue_dma source(%dma_start3A_279 : memref<512xi32, #tpu.memory_space<hbm>>) target(%arg10 : memref<512xi32, #tpu.memory_space<vmem>>) target_semaphore(%arg21 : memref<!tpu.dma_semaphore, #tpu.memory_space<semaphore_mem>>)
        %dma_start3A_280 = tpu.memref_slice %arg4[%add3A_277] : memref<65536xi32, #tpu.memory_space<hbm>> -> memref<512xi32, #tpu.memory_space<hbm>>
        %dma_start3A_281 = tpu.memref_slice %arg4[%add3A_277] : memref<65536xi32, #tpu.memory_space<hbm>> -> memref<512xi32, #tpu.memory_space<hbm>>
        tpu.enqueue_dma source(%dma_start3A_281 : memref<512xi32, #tpu.memory_space<hbm>>) target(%arg11 : memref<512xi32, #tpu.memory_space<vmem>>) target_semaphore(%arg21 : memref<!tpu.dma_semaphore, #tpu.memory_space<semaphore_mem>>)
        %dma_start3A_282 = tpu.memref_slice %arg5[%add3A_277] : memref<65536xi32, #tpu.memory_space<hbm>> -> memref<512xi32, #tpu.memory_space<hbm>>
        %dma_start3A_283 = tpu.memref_slice %arg5[%add3A_277] : memref<65536xi32, #tpu.memory_space<hbm>> -> memref<512xi32, #tpu.memory_space<hbm>>
        tpu.enqueue_dma source(%dma_start3A_283 : memref<512xi32, #tpu.memory_space<hbm>>) target(%arg12 : memref<512xi32, #tpu.memory_space<vmem>>) target_semaphore(%arg21 : memref<!tpu.dma_semaphore, #tpu.memory_space<semaphore_mem>>)
      } else {
      }
      %scan3A_236 = arith.constant 0 : i32
      %scan3A_237 = arith.constant 32 : i32
      %scan3A_238 = arith.addi %scan3A_236, %scan3A_237 : i32
      %scan3A_239 = arith.constant 1 : i32
      %scan3A_240 = scf.for %scan3A_271 = %scan3A_236 to %scan3A_238 step %scan3A_239 iter_args(%scan3A_272 = %scan3A_213) -> (i32)  : i32 {
        %mul3A_273 = arith.constant 16 : i32
        %mul3A_274 = arith.muli %scan3A_271, %mul3A_273 : i32
        %get3A_275 = arith.index_cast %mul3A_274 : i32 to index
        %get3A_276 = tpu.vector_load %arg8[%get3A_275] {strides = array<i32>} : memref<512xi32, #tpu.memory_space<vmem>>, vector<16xi32>,
        %mul3A_277 = arith.constant 16 : i32
        %mul3A_278 = arith.muli %scan3A_271, %mul3A_277 : i32
        %get3A_279 = arith.index_cast %mul3A_278 : i32 to index
        %get3A_280 = tpu.vector_load %arg9[%get3A_279] {strides = array<i32>} : memref<512xi32, #tpu.memory_space<vmem>>, vector<16xi32>,
        %mul3A_281 = arith.constant 16 : i32
        %mul3A_282 = arith.muli %scan3A_271, %mul3A_281 : i32
        %get3A_283 = arith.index_cast %mul3A_282 : i32 to index
        %get3A_284 = tpu.vector_load %arg7[%get3A_283] {strides = array<i32>} : memref<512xi32, #tpu.memory_space<vmem>>, vector<16xi32>,
        %lt3A_285 = arith.constant 1000 : i32
        %lt3A_286 = vector.broadcast %lt3A_285 : i32 to vector<16xi32>
        %lt3A_287 = arith.cmpi slt, %get3A_276, %lt3A_286 : vector<16xi32>
        %mul3A_288 = arith.constant 1000 : i32
        %mul3A_289 = vector.broadcast %mul3A_288 : i32 to vector<16xi32>
        %mul3A_290 = arith.muli %get3A_280, %mul3A_289 : vector<16xi32>
        %add3A_291 = arith.addi %mul3A_290, %get3A_276 : vector<16xi32>
        %shift_left3A_292 = arith.constant 15 : i32
        %shift_left3A_293 = vector.broadcast %shift_left3A_292 : i32 to vector<16xi32>
        %shift_left3A_294 = arith.shli %add3A_291, %shift_left3A_293 : vector<16xi32>
        %or3A = arith.ori %shift_left3A_294, %get3A_284 : vector<16xi32>
        %swap3A_295 = arith.index_cast %scan3A_272 : i32 to index
        %swap3A_296 = tpu.vector_load %arg13[%swap3A_295] masked %lt3A_287 {strides = array<i32>} : memref<2048xi32, #tpu.memory_space<vmem>>, vector<16xi32>, vector<16xi1>
        tpu.vector_store %arg13[%swap3A_295], %or3A masked %lt3A_287 {strides = array<i32>} : memref<2048xi32, #tpu.memory_space<vmem>>, vector<16xi32>, vector<16xi1>
        %all_reduce_population_count3A = tpu.all_reduce %lt3A_287 {dim = 0 : i64, kind = #tpu.reduction_kind<sum>} : vector<16xi1> -> vector<16xi32>
        %slice3A = vector.extract_strided_slice %all_reduce_population_count3A {offsets = [0], sizes = [1], strides = [1]} : vector<16xi32> to vector<1xi32>
        %squeeze3A = vector.extract %slice3A[0] : i32 from vector<1xi32>
        %add3A_297 = arith.addi %scan3A_272, %squeeze3A : i32
        scf.yield %add3A_297 : i32
      }
      %scan3A_241 = arith.constant 32 : i32
      %mul3A_242 = arith.constant 2 : i32
      %mul3A_243 = arith.muli %mul3A_242, %scan3A_212 : i32
      %add3A_244 = arith.constant 1 : i32
      %add3A_245 = arith.addi %mul3A_243, %add3A_244 : i32
      %dma_wait3A_246 = arith.constant 0 : i32
      %dma_wait3A_247 = tpu.memref_slice %arg3[%dma_wait3A_246] : memref<65536xi32, #tpu.memory_space<hbm>> -> memref<512xi32, #tpu.memory_space<hbm>>
      %dma_wait3A_248 = arith.constant 0 : i32
      %dma_wait3A_249 = tpu.memref_slice %arg3[%dma_wait3A_248] : memref<65536xi32, #tpu.memory_space<hbm>> -> memref<512xi32, #tpu.memory_space<hbm>>
      tpu.wait_dma2 semaphore(%arg21 : memref<!tpu.dma_semaphore, #tpu.memory_space<semaphore_mem>>) src(%dma_wait3A_249 : memref<512xi32, #tpu.memory_space<hbm>>) dst(%arg10 : memref<512xi32, #tpu.memory_space<vmem>>)
      %dma_wait3A_250 = arith.constant 0 : i32
      %dma_wait3A_251 = tpu.memref_slice %arg3[%dma_wait3A_250] : memref<65536xi32, #tpu.memory_space<hbm>> -> memref<512xi32, #tpu.memory_space<hbm>>
      %dma_wait3A_252 = arith.constant 0 : i32
      %dma_wait3A_253 = tpu.memref_slice %arg3[%dma_wait3A_252] : memref<65536xi32, #tpu.memory_space<hbm>> -> memref<512xi32, #tpu.memory_space<hbm>>
      tpu.wait_dma2 semaphore(%arg21 : memref<!tpu.dma_semaphore, #tpu.memory_space<semaphore_mem>>) src(%dma_wait3A_253 : memref<512xi32, #tpu.memory_space<hbm>>) dst(%arg11 : memref<512xi32, #tpu.memory_space<vmem>>)
      %dma_wait3A_254 = arith.constant 0 : i32
      %dma_wait3A_255 = tpu.memref_slice %arg3[%dma_wait3A_254] : memref<65536xi32, #tpu.memory_space<hbm>> -> memref<512xi32, #tpu.memory_space<hbm>>
      %dma_wait3A_256 = arith.constant 0 : i32
      %dma_wait3A_257 = tpu.memref_slice %arg3[%dma_wait3A_256] : memref<65536xi32, #tpu.memory_space<hbm>> -> memref<512xi32, #tpu.memory_space<hbm>>
      tpu.wait_dma2 semaphore(%arg21 : memref<!tpu.dma_semaphore, #tpu.memory_space<semaphore_mem>>) src(%dma_wait3A_257 : memref<512xi32, #tpu.memory_space<hbm>>) dst(%arg12 : memref<512xi32, #tpu.memory_space<vmem>>)
      %add3A_258 = arith.constant 1 : i32
      %add3A_259 = arith.addi %add3A_245, %add3A_258 : i32
      %lt3A_260 = arith.constant 4 : i32
      %lt3A_261 = arith.cmpi slt, %add3A_259, %lt3A_260 : i32
      %convert_element_type3A_262 = arith.extui %lt3A_261 : i1 to i32
      %cond3A_263 = arith.constant 0 : i32
      %cond3A_264 = arith.cmpi ne, %convert_element_type3A_262, %cond3A_263 : i32
      scf.if %cond3A_264 {
        %add3A_271 = arith.constant 1 : i32
        %add3A_272 = arith.addi %add3A_245, %add3A_271 : i32
        %mul3A_273 = arith.constant 2048 : i32
        %mul3A_274 = arith.muli %add3A, %mul3A_273 : i32
        %mul3A_275 = arith.constant 512 : i32
        %mul3A_276 = arith.muli %add3A_272, %mul3A_275 : i32
        %add3A_277 = arith.addi %mul3A_274, %mul3A_276 : i32
        %dma_start3A_278 = tpu.memref_slice %arg3[%add3A_277] : memref<65536xi32, #tpu.memory_space<hbm>> -> memref<512xi32, #tpu.memory_space<hbm>>
        %dma_start3A_279 = tpu.memref_slice %arg3[%add3A_277] : memref<65536xi32, #tpu.memory_space<hbm>> -> memref<512xi32, #tpu.memory_space<hbm>>
        tpu.enqueue_dma source(%dma_start3A_279 : memref<512xi32, #tpu.memory_space<hbm>>) target(%arg7 : memref<512xi32, #tpu.memory_space<vmem>>) target_semaphore(%arg20 : memref<!tpu.dma_semaphore, #tpu.memory_space<semaphore_mem>>)
        %dma_start3A_280 = tpu.memref_slice %arg4[%add3A_277] : memref<65536xi32, #tpu.memory_space<hbm>> -> memref<512xi32, #tpu.memory_space<hbm>>
        %dma_start3A_281 = tpu.memref_slice %arg4[%add3A_277] : memref<65536xi32, #tpu.memory_space<hbm>> -> memref<512xi32, #tpu.memory_space<hbm>>
        tpu.enqueue_dma source(%dma_start3A_281 : memref<512xi32, #tpu.memory_space<hbm>>) target(%arg8 : memref<512xi32, #tpu.memory_space<vmem>>) target_semaphore(%arg20 : memref<!tpu.dma_semaphore, #tpu.memory_space<semaphore_mem>>)
        %dma_start3A_282 = tpu.memref_slice %arg5[%add3A_277] : memref<65536xi32, #tpu.memory_space<hbm>> -> memref<512xi32, #tpu.memory_space<hbm>>
        %dma_start3A_283 = tpu.memref_slice %arg5[%add3A_277] : memref<65536xi32, #tpu.memory_space<hbm>> -> memref<512xi32, #tpu.memory_space<hbm>>
        tpu.enqueue_dma source(%dma_start3A_283 : memref<512xi32, #tpu.memory_space<hbm>>) target(%arg9 : memref<512xi32, #tpu.memory_space<vmem>>) target_semaphore(%arg20 : memref<!tpu.dma_semaphore, #tpu.memory_space<semaphore_mem>>)
      } else {
      }
      %scan3A_265 = arith.constant 0 : i32
      %scan3A_266 = arith.constant 32 : i32
      %scan3A_267 = arith.addi %scan3A_265, %scan3A_266 : i32
      %scan3A_268 = arith.constant 1 : i32
      %scan3A_269 = scf.for %scan3A_271 = %scan3A_265 to %scan3A_267 step %scan3A_268 iter_args(%scan3A_272 = %scan3A_240) -> (i32)  : i32 {
        %mul3A_273 = arith.constant 16 : i32
        %mul3A_274 = arith.muli %scan3A_271, %mul3A_273 : i32
        %get3A_275 = arith.index_cast %mul3A_274 : i32 to index
        %get3A_276 = tpu.vector_load %arg11[%get3A_275] {strides = array<i32>} : memref<512xi32, #tpu.memory_space<vmem>>, vector<16xi32>,
        %mul3A_277 = arith.constant 16 : i32
        %mul3A_278 = arith.muli %scan3A_271, %mul3A_277 : i32
        %get3A_279 = arith.index_cast %mul3A_278 : i32 to index
        %get3A_280 = tpu.vector_load %arg12[%get3A_279] {strides = array<i32>} : memref<512xi32, #tpu.memory_space<vmem>>, vector<16xi32>,
        %mul3A_281 = arith.constant 16 : i32
        %mul3A_282 = arith.muli %scan3A_271, %mul3A_281 : i32
        %get3A_283 = arith.index_cast %mul3A_282 : i32 to index
        %get3A_284 = tpu.vector_load %arg10[%get3A_283] {strides = array<i32>} : memref<512xi32, #tpu.memory_space<vmem>>, vector<16xi32>,
        %lt3A_285 = arith.constant 1000 : i32
        %lt3A_286 = vector.broadcast %lt3A_285 : i32 to vector<16xi32>
        %lt3A_287 = arith.cmpi slt, %get3A_276, %lt3A_286 : vector<16xi32>
        %mul3A_288 = arith.constant 1000 : i32
        %mul3A_289 = vector.broadcast %mul3A_288 : i32 to vector<16xi32>
        %mul3A_290 = arith.muli %get3A_280, %mul3A_289 : vector<16xi32>
        %add3A_291 = arith.addi %mul3A_290, %get3A_276 : vector<16xi32>
        %shift_left3A_292 = arith.constant 15 : i32
        %shift_left3A_293 = vector.broadcast %shift_left3A_292 : i32 to vector<16xi32>
        %shift_left3A_294 = arith.shli %add3A_291, %shift_left3A_293 : vector<16xi32>
        %or3A = arith.ori %shift_left3A_294, %get3A_284 : vector<16xi32>
        %swap3A_295 = arith.index_cast %scan3A_272 : i32 to index
        %swap3A_296 = tpu.vector_load %arg13[%swap3A_295] masked %lt3A_287 {strides = array<i32>} : memref<2048xi32, #tpu.memory_space<vmem>>, vector<16xi32>, vector<16xi1>
        tpu.vector_store %arg13[%swap3A_295], %or3A masked %lt3A_287 {strides = array<i32>} : memref<2048xi32, #tpu.memory_space<vmem>>, vector<16xi32>, vector<16xi1>
        %all_reduce_population_count3A = tpu.all_reduce %lt3A_287 {dim = 0 : i64, kind = #tpu.reduction_kind<sum>} : vector<16xi1> -> vector<16xi32>
        %slice3A = vector.extract_strided_slice %all_reduce_population_count3A {offsets = [0], sizes = [1], strides = [1]} : vector<16xi32> to vector<1xi32>
        %squeeze3A = vector.extract %slice3A[0] : i32 from vector<1xi32>
        %add3A_297 = arith.addi %scan3A_272, %squeeze3A : i32
        scf.yield %add3A_297 : i32
      }
      %scan3A_270 = arith.constant 32 : i32
      scf.yield %scan3A_269 : i32
    }
    %scan3A_31 = arith.constant 2 : i32
    %add3A_32 = arith.constant 128 : i32
    %add3A_33 = arith.addi %scan3A_30, %add3A_32 : i32
    %sub3A = arith.constant 1 : i32
    %sub3A_34 = arith.subi %add3A_33, %sub3A : i32
    %jit3A = arith.constant 128 : i32
    %div3A = arith.divsi %sub3A_34, %jit3A : i32
    %sign3A = arith.constant 0 : i32
    %sign3A_35 = arith.cmpi sgt, %sub3A_34, %sign3A : i32
    %sign3A_36 = arith.extui %sign3A_35 : i1 to i32
    %sign3A_37 = arith.constant 0 : i32
    %sign3A_38 = arith.cmpi slt, %sub3A_34, %sign3A_37 : i32
    %sign3A_39 = arith.extui %sign3A_38 : i1 to i32
    %sign3A_40 = arith.subi %sign3A_36, %sign3A_39 : i32
    %sign3A_41 = arith.constant 0 : i32
    %sign3A_42 = arith.cmpi sgt, %jit3A, %sign3A_41 : i32
    %sign3A_43 = arith.extui %sign3A_42 : i1 to i32
    %sign3A_44 = arith.constant 0 : i32
    %sign3A_45 = arith.cmpi slt, %jit3A, %sign3A_44 : i32
    %sign3A_46 = arith.extui %sign3A_45 : i1 to i32
    %sign3A_47 = arith.subi %sign3A_43, %sign3A_46 : i32
    %ne3A = arith.cmpi ne, %sign3A_40, %sign3A_47 : i32
    %rem3A = arith.remsi %sub3A_34, %jit3A : i32
    %ne3A_48 = arith.constant 0 : i32
    %ne3A_49 = arith.cmpi ne, %rem3A, %ne3A_48 : i32
    %and3A = arith.andi %ne3A, %ne3A_49 : i1
    %sub3A_50 = arith.constant 1 : i32
    %sub3A_51 = arith.subi %div3A, %sub3A_50 : i32
    %select_n3A = arith.select %and3A, %sub3A_51, %div3A : i32
    %add3A_52 = arith.constant 7008 : i32
    %add3A_53 = arith.addi %add3A_52, %arg1 : i32
    %shift_left3A = arith.constant 15 : i32
    %shift_left3A_54 = arith.shli %add3A_53, %shift_left3A : i32
    %broadcast_in_dim3A = vector.broadcast %shift_left3A_54 : i32 to vector<16xi32>
    %iota3A = tpu.iota {dimensions = array<i32: 0>} : vector<16xi32>
    %add3A_55 = arith.constant 0 : i32
    %add3A_56 = arith.addi %scan3A_30, %add3A_55 : i32
    %min3A = arith.constant 2032 : i32
    %min3A_57 = arith.minsi %add3A_56, %min3A : i32
    %get3A = arith.index_cast %min3A_57 : i32 to index
    %get3A_58 = tpu.vector_load %arg13[%get3A] {strides = array<i32>} : memref<2048xi32, #tpu.memory_space<vmem>>, vector<16xi32>,
    %add3A_59 = vector.broadcast %min3A_57 : i32 to vector<16xi32>
    %add3A_60 = arith.addi %add3A_59, %iota3A : vector<16xi32>
    %lt3A = vector.broadcast %scan3A_30 : i32 to vector<16xi32>
    %lt3A_61 = arith.cmpi slt, %add3A_60, %lt3A : vector<16xi32>
    %select_n3A_62 = arith.select %lt3A_61, %get3A_58, %broadcast_in_dim3A : vector<16xi1>, vector<16xi32>
    %swap3A = arith.index_cast %min3A_57 : i32 to index
    %swap3A_63 = tpu.vector_load %arg13[%swap3A] {strides = array<i32>} : memref<2048xi32, #tpu.memory_space<vmem>>, vector<16xi32>,
    tpu.vector_store %arg13[%swap3A], %select_n3A_62 {strides = array<i32>} : memref<2048xi32, #tpu.memory_space<vmem>>, vector<16xi32>,
    %add3A_64 = arith.constant 16 : i32
    %add3A_65 = arith.addi %scan3A_30, %add3A_64 : i32
    %min3A_66 = arith.constant 2032 : i32
    %min3A_67 = arith.minsi %add3A_65, %min3A_66 : i32
    %get3A_68 = arith.index_cast %min3A_67 : i32 to index
    %get3A_69 = tpu.vector_load %arg13[%get3A_68] {strides = array<i32>} : memref<2048xi32, #tpu.memory_space<vmem>>, vector<16xi32>,
    %add3A_70 = vector.broadcast %min3A_67 : i32 to vector<16xi32>
    %add3A_71 = arith.addi %add3A_70, %iota3A : vector<16xi32>
    %lt3A_72 = vector.broadcast %scan3A_30 : i32 to vector<16xi32>
    %lt3A_73 = arith.cmpi slt, %add3A_71, %lt3A_72 : vector<16xi32>
    %select_n3A_74 = arith.select %lt3A_73, %get3A_69, %broadcast_in_dim3A : vector<16xi1>, vector<16xi32>
    %swap3A_75 = arith.index_cast %min3A_67 : i32 to index
    %swap3A_76 = tpu.vector_load %arg13[%swap3A_75] {strides = array<i32>} : memref<2048xi32, #tpu.memory_space<vmem>>, vector<16xi32>,
    tpu.vector_store %arg13[%swap3A_75], %select_n3A_74 {strides = array<i32>} : memref<2048xi32, #tpu.memory_space<vmem>>, vector<16xi32>,
    %add3A_77 = arith.constant 32 : i32
    %add3A_78 = arith.addi %scan3A_30, %add3A_77 : i32
    %min3A_79 = arith.constant 2032 : i32
    %min3A_80 = arith.minsi %add3A_78, %min3A_79 : i32
    %get3A_81 = arith.index_cast %min3A_80 : i32 to index
    %get3A_82 = tpu.vector_load %arg13[%get3A_81] {strides = array<i32>} : memref<2048xi32, #tpu.memory_space<vmem>>, vector<16xi32>,
    %add3A_83 = vector.broadcast %min3A_80 : i32 to vector<16xi32>
    %add3A_84 = arith.addi %add3A_83, %iota3A : vector<16xi32>
    %lt3A_85 = vector.broadcast %scan3A_30 : i32 to vector<16xi32>
    %lt3A_86 = arith.cmpi slt, %add3A_84, %lt3A_85 : vector<16xi32>
    %select_n3A_87 = arith.select %lt3A_86, %get3A_82, %broadcast_in_dim3A : vector<16xi1>, vector<16xi32>
    %swap3A_88 = arith.index_cast %min3A_80 : i32 to index
    %swap3A_89 = tpu.vector_load %arg13[%swap3A_88] {strides = array<i32>} : memref<2048xi32, #tpu.memory_space<vmem>>, vector<16xi32>,
    tpu.vector_store %arg13[%swap3A_88], %select_n3A_87 {strides = array<i32>} : memref<2048xi32, #tpu.memory_space<vmem>>, vector<16xi32>,
    %add3A_90 = arith.constant 48 : i32
    %add3A_91 = arith.addi %scan3A_30, %add3A_90 : i32
    %min3A_92 = arith.constant 2032 : i32
    %min3A_93 = arith.minsi %add3A_91, %min3A_92 : i32
    %get3A_94 = arith.index_cast %min3A_93 : i32 to index
    %get3A_95 = tpu.vector_load %arg13[%get3A_94] {strides = array<i32>} : memref<2048xi32, #tpu.memory_space<vmem>>, vector<16xi32>,
    %add3A_96 = vector.broadcast %min3A_93 : i32 to vector<16xi32>
    %add3A_97 = arith.addi %add3A_96, %iota3A : vector<16xi32>
    %lt3A_98 = vector.broadcast %scan3A_30 : i32 to vector<16xi32>
    %lt3A_99 = arith.cmpi slt, %add3A_97, %lt3A_98 : vector<16xi32>
    %select_n3A_100 = arith.select %lt3A_99, %get3A_95, %broadcast_in_dim3A : vector<16xi1>, vector<16xi32>
    %swap3A_101 = arith.index_cast %min3A_93 : i32 to index
    %swap3A_102 = tpu.vector_load %arg13[%swap3A_101] {strides = array<i32>} : memref<2048xi32, #tpu.memory_space<vmem>>, vector<16xi32>,
    tpu.vector_store %arg13[%swap3A_101], %select_n3A_100 {strides = array<i32>} : memref<2048xi32, #tpu.memory_space<vmem>>, vector<16xi32>,
    %add3A_103 = arith.constant 64 : i32
    %add3A_104 = arith.addi %scan3A_30, %add3A_103 : i32
    %min3A_105 = arith.constant 2032 : i32
    %min3A_106 = arith.minsi %add3A_104, %min3A_105 : i32
    %get3A_107 = arith.index_cast %min3A_106 : i32 to index
    %get3A_108 = tpu.vector_load %arg13[%get3A_107] {strides = array<i32>} : memref<2048xi32, #tpu.memory_space<vmem>>, vector<16xi32>,
    %add3A_109 = vector.broadcast %min3A_106 : i32 to vector<16xi32>
    %add3A_110 = arith.addi %add3A_109, %iota3A : vector<16xi32>
    %lt3A_111 = vector.broadcast %scan3A_30 : i32 to vector<16xi32>
    %lt3A_112 = arith.cmpi slt, %add3A_110, %lt3A_111 : vector<16xi32>
    %select_n3A_113 = arith.select %lt3A_112, %get3A_108, %broadcast_in_dim3A : vector<16xi1>, vector<16xi32>
    %swap3A_114 = arith.index_cast %min3A_106 : i32 to index
    %swap3A_115 = tpu.vector_load %arg13[%swap3A_114] {strides = array<i32>} : memref<2048xi32, #tpu.memory_space<vmem>>, vector<16xi32>,
    tpu.vector_store %arg13[%swap3A_114], %select_n3A_113 {strides = array<i32>} : memref<2048xi32, #tpu.memory_space<vmem>>, vector<16xi32>,
    %add3A_116 = arith.constant 80 : i32
    %add3A_117 = arith.addi %scan3A_30, %add3A_116 : i32
    %min3A_118 = arith.constant 2032 : i32
    %min3A_119 = arith.minsi %add3A_117, %min3A_118 : i32
    %get3A_120 = arith.index_cast %min3A_119 : i32 to index
    %get3A_121 = tpu.vector_load %arg13[%get3A_120] {strides = array<i32>} : memref<2048xi32, #tpu.memory_space<vmem>>, vector<16xi32>,
    %add3A_122 = vector.broadcast %min3A_119 : i32 to vector<16xi32>
    %add3A_123 = arith.addi %add3A_122, %iota3A : vector<16xi32>
    %lt3A_124 = vector.broadcast %scan3A_30 : i32 to vector<16xi32>
    %lt3A_125 = arith.cmpi slt, %add3A_123, %lt3A_124 : vector<16xi32>
    %select_n3A_126 = arith.select %lt3A_125, %get3A_121, %broadcast_in_dim3A : vector<16xi1>, vector<16xi32>
    %swap3A_127 = arith.index_cast %min3A_119 : i32 to index
    %swap3A_128 = tpu.vector_load %arg13[%swap3A_127] {strides = array<i32>} : memref<2048xi32, #tpu.memory_space<vmem>>, vector<16xi32>,
    tpu.vector_store %arg13[%swap3A_127], %select_n3A_126 {strides = array<i32>} : memref<2048xi32, #tpu.memory_space<vmem>>, vector<16xi32>,
    %add3A_129 = arith.constant 96 : i32
    %add3A_130 = arith.addi %scan3A_30, %add3A_129 : i32
    %min3A_131 = arith.constant 2032 : i32
    %min3A_132 = arith.minsi %add3A_130, %min3A_131 : i32
    %get3A_133 = arith.index_cast %min3A_132 : i32 to index
    %get3A_134 = tpu.vector_load %arg13[%get3A_133] {strides = array<i32>} : memref<2048xi32, #tpu.memory_space<vmem>>, vector<16xi32>,
    %add3A_135 = vector.broadcast %min3A_132 : i32 to vector<16xi32>
    %add3A_136 = arith.addi %add3A_135, %iota3A : vector<16xi32>
    %lt3A_137 = vector.broadcast %scan3A_30 : i32 to vector<16xi32>
    %lt3A_138 = arith.cmpi slt, %add3A_136, %lt3A_137 : vector<16xi32>
    %select_n3A_139 = arith.select %lt3A_138, %get3A_134, %broadcast_in_dim3A : vector<16xi1>, vector<16xi32>
    %swap3A_140 = arith.index_cast %min3A_132 : i32 to index
    %swap3A_141 = tpu.vector_load %arg13[%swap3A_140] {strides = array<i32>} : memref<2048xi32, #tpu.memory_space<vmem>>, vector<16xi32>,
    tpu.vector_store %arg13[%swap3A_140], %select_n3A_139 {strides = array<i32>} : memref<2048xi32, #tpu.memory_space<vmem>>, vector<16xi32>,
    %add3A_142 = arith.constant 112 : i32
    %add3A_143 = arith.addi %scan3A_30, %add3A_142 : i32
    %min3A_144 = arith.constant 2032 : i32
    %min3A_145 = arith.minsi %add3A_143, %min3A_144 : i32
    %get3A_146 = arith.index_cast %min3A_145 : i32 to index
    %get3A_147 = tpu.vector_load %arg13[%get3A_146] {strides = array<i32>} : memref<2048xi32, #tpu.memory_space<vmem>>, vector<16xi32>,
    %add3A_148 = vector.broadcast %min3A_145 : i32 to vector<16xi32>
    %add3A_149 = arith.addi %add3A_148, %iota3A : vector<16xi32>
    %lt3A_150 = vector.broadcast %scan3A_30 : i32 to vector<16xi32>
    %lt3A_151 = arith.cmpi slt, %add3A_149, %lt3A_150 : vector<16xi32>
    %select_n3A_152 = arith.select %lt3A_151, %get3A_147, %broadcast_in_dim3A : vector<16xi1>, vector<16xi32>
    %swap3A_153 = arith.index_cast %min3A_145 : i32 to index
    %swap3A_154 = tpu.vector_load %arg13[%swap3A_153] {strides = array<i32>} : memref<2048xi32, #tpu.memory_space<vmem>>, vector<16xi32>,
    tpu.vector_store %arg13[%swap3A_153], %select_n3A_152 {strides = array<i32>} : memref<2048xi32, #tpu.memory_space<vmem>>, vector<16xi32>,
    %mul3A_155 = arith.constant 8 : i32
    %mul3A_156 = arith.muli %select_n3A, %mul3A_155 : i32
    %while3A = arith.constant 0 : i32
    %while3A_157 = arith.constant 0 : i32
    %while3A_158 = arith.subi %mul3A_156, %while3A_157 : i32
    %while3A_159 = arith.addi %while3A_157, %while3A_158 : i32
    %while3A_160 = arith.constant 1 : i32
    %while3A_161 = arith.divsi %while3A_158, %while3A_160 : i32
    %while3A_162 = arith.muli %while3A_161, %while3A_160 : i32
    %while3A_163 = arith.addi %while3A_157, %while3A_162 : i32
    %while3A_164 = arith.constant 1 : i32
    scf.for %while3A_212 = %while3A_157 to %while3A_163 step %while3A_164  : i32 {
      %mul3A_213 = arith.constant 16 : i32
      %mul3A_214 = arith.muli %while3A_212, %mul3A_213 : i32
      %get3A_215 = arith.index_cast %mul3A_214 : i32 to index
      %get3A_216 = tpu.vector_load %arg13[%get3A_215] {strides = array<i32>} : memref<2048xi32, #tpu.memory_space<vmem>>, vector<16xi32>,
      %jit3A_217 = arith.constant 8 : i32
      %div3A_218 = arith.divsi %while3A_212, %jit3A_217 : i32
      %sign3A_219 = arith.constant 0 : i32
      %sign3A_220 = arith.cmpi sgt, %while3A_212, %sign3A_219 : i32
      %sign3A_221 = arith.extui %sign3A_220 : i1 to i32
      %sign3A_222 = arith.constant 0 : i32
      %sign3A_223 = arith.cmpi slt, %while3A_212, %sign3A_222 : i32
      %sign3A_224 = arith.extui %sign3A_223 : i1 to i32
      %sign3A_225 = arith.subi %sign3A_221, %sign3A_224 : i32
      %sign3A_226 = arith.constant 0 : i32
      %sign3A_227 = arith.cmpi sgt, %jit3A_217, %sign3A_226 : i32
      %sign3A_228 = arith.extui %sign3A_227 : i1 to i32
      %sign3A_229 = arith.constant 0 : i32
      %sign3A_230 = arith.cmpi slt, %jit3A_217, %sign3A_229 : i32
      %sign3A_231 = arith.extui %sign3A_230 : i1 to i32
      %sign3A_232 = arith.subi %sign3A_228, %sign3A_231 : i32
      %ne3A_233 = arith.cmpi ne, %sign3A_225, %sign3A_232 : i32
      %rem3A_234 = arith.remsi %while3A_212, %jit3A_217 : i32
      %ne3A_235 = arith.constant 0 : i32
      %ne3A_236 = arith.cmpi ne, %rem3A_234, %ne3A_235 : i32
      %and3A_237 = arith.andi %ne3A_233, %ne3A_236 : i1
      %sub3A_238 = arith.constant 1 : i32
      %sub3A_239 = arith.subi %div3A_218, %sub3A_238 : i32
      %select_n3A_240 = arith.select %and3A_237, %sub3A_239, %div3A_218 : i32
      %jit3A_241 = arith.constant 8 : i32
      %eq3A = arith.constant 0 : i32
      %eq3A_242 = arith.cmpi eq, %jit3A_241, %eq3A : i32
      %jit3A_243 = arith.constant 1 : i32
      %select_n3A_244 = arith.select %eq3A_242, %jit3A_243, %jit3A_241 : i32
      %rem3A_245 = arith.remsi %while3A_212, %select_n3A_244 : i32
      %ne3A_246 = arith.constant 0 : i32
      %ne3A_247 = arith.cmpi ne, %rem3A_245, %ne3A_246 : i32
      %lt3A_248 = arith.constant 0 : i32
      %lt3A_249 = arith.cmpi slt, %rem3A_245, %lt3A_248 : i32
      %lt3A_250 = arith.constant 0 : i32
      %lt3A_251 = arith.cmpi slt, %select_n3A_244, %lt3A_250 : i32
      %ne3A_252 = arith.xori %lt3A_249, %lt3A_251 : i1
      %and3A_253 = arith.andi %ne3A_252, %ne3A_247 : i1
      %add3A_254 = arith.addi %rem3A_245, %select_n3A_244 : i32
      %select_n3A_255 = arith.select %and3A_253, %add3A_254, %rem3A_245 : i32
      %mul3A_256 = arith.constant 16 : i32
      %mul3A_257 = arith.muli %select_n3A_255, %mul3A_256 : i32
      %shift_right_arithmetic3A = arith.constant 15 : i32
      %shift_right_arithmetic3A_258 = vector.broadcast %shift_right_arithmetic3A : i32 to vector<16xi32>
      %shift_right_arithmetic3A_259 = arith.shrsi %get3A_216, %shift_right_arithmetic3A_258 : vector<16xi32>
      %swap3A_260 = arith.index_cast %select_n3A_240 : i32 to index
      %swap3A_261 = arith.index_cast %mul3A_257 : i32 to index
      %swap3A_262 = tpu.vector_load %arg14[%swap3A_260, %swap3A_261] {strides = array<i32>} : memref<16x128xi32, #tpu.memory_space<vmem>>, vector<16xi32>,
      tpu.vector_store %arg14[%swap3A_260, %swap3A_261], %shift_right_arithmetic3A_259 {strides = array<i32>} : memref<16x128xi32, #tpu.memory_space<vmem>>, vector<16xi32>,
      %and3A_263 = arith.constant 32767 : i32
      %and3A_264 = vector.broadcast %and3A_263 : i32 to vector<16xi32>
      %and3A_265 = arith.andi %get3A_216, %and3A_264 : vector<16xi32>
      %mul3A_266 = arith.constant 16 : i32
      %mul3A_267 = arith.muli %while3A_212, %mul3A_266 : i32
      %swap3A_268 = arith.index_cast %mul3A_267 : i32 to index
      %swap3A_269 = tpu.vector_load %arg13[%swap3A_268] {strides = array<i32>} : memref<2048xi32, #tpu.memory_space<vmem>>, vector<16xi32>,
      tpu.vector_store %arg13[%swap3A_268], %and3A_265 {strides = array<i32>} : memref<2048xi32, #tpu.memory_space<vmem>>, vector<16xi32>,
    }
    %while3A_165 = arith.constant 1 : i32
    scf.for %while3A_212 = %while3A_163 to %while3A_159 step %while3A_165  : i32 {
      %mul3A_213 = arith.constant 16 : i32
      %mul3A_214 = arith.muli %while3A_212, %mul3A_213 : i32
      %get3A_215 = arith.index_cast %mul3A_214 : i32 to index
      %get3A_216 = tpu.vector_load %arg13[%get3A_215] {strides = array<i32>} : memref<2048xi32, #tpu.memory_space<vmem>>, vector<16xi32>,
      %jit3A_217 = arith.constant 8 : i32
      %div3A_218 = arith.divsi %while3A_212, %jit3A_217 : i32
      %sign3A_219 = arith.constant 0 : i32
      %sign3A_220 = arith.cmpi sgt, %while3A_212, %sign3A_219 : i32
      %sign3A_221 = arith.extui %sign3A_220 : i1 to i32
      %sign3A_222 = arith.constant 0 : i32
      %sign3A_223 = arith.cmpi slt, %while3A_212, %sign3A_222 : i32
      %sign3A_224 = arith.extui %sign3A_223 : i1 to i32
      %sign3A_225 = arith.subi %sign3A_221, %sign3A_224 : i32
      %sign3A_226 = arith.constant 0 : i32
      %sign3A_227 = arith.cmpi sgt, %jit3A_217, %sign3A_226 : i32
      %sign3A_228 = arith.extui %sign3A_227 : i1 to i32
      %sign3A_229 = arith.constant 0 : i32
      %sign3A_230 = arith.cmpi slt, %jit3A_217, %sign3A_229 : i32
      %sign3A_231 = arith.extui %sign3A_230 : i1 to i32
      %sign3A_232 = arith.subi %sign3A_228, %sign3A_231 : i32
      %ne3A_233 = arith.cmpi ne, %sign3A_225, %sign3A_232 : i32
      %rem3A_234 = arith.remsi %while3A_212, %jit3A_217 : i32
      %ne3A_235 = arith.constant 0 : i32
      %ne3A_236 = arith.cmpi ne, %rem3A_234, %ne3A_235 : i32
      %and3A_237 = arith.andi %ne3A_233, %ne3A_236 : i1
      %sub3A_238 = arith.constant 1 : i32
      %sub3A_239 = arith.subi %div3A_218, %sub3A_238 : i32
      %select_n3A_240 = arith.select %and3A_237, %sub3A_239, %div3A_218 : i32
      %jit3A_241 = arith.constant 8 : i32
      %eq3A = arith.constant 0 : i32
      %eq3A_242 = arith.cmpi eq, %jit3A_241, %eq3A : i32
      %jit3A_243 = arith.constant 1 : i32
      %select_n3A_244 = arith.select %eq3A_242, %jit3A_243, %jit3A_241 : i32
      %rem3A_245 = arith.remsi %while3A_212, %select_n3A_244 : i32
      %ne3A_246 = arith.constant 0 : i32
      %ne3A_247 = arith.cmpi ne, %rem3A_245, %ne3A_246 : i32
      %lt3A_248 = arith.constant 0 : i32
      %lt3A_249 = arith.cmpi slt, %rem3A_245, %lt3A_248 : i32
      %lt3A_250 = arith.constant 0 : i32
      %lt3A_251 = arith.cmpi slt, %select_n3A_244, %lt3A_250 : i32
      %ne3A_252 = arith.xori %lt3A_249, %lt3A_251 : i1
      %and3A_253 = arith.andi %ne3A_252, %ne3A_247 : i1
      %add3A_254 = arith.addi %rem3A_245, %select_n3A_244 : i32
      %select_n3A_255 = arith.select %and3A_253, %add3A_254, %rem3A_245 : i32
      %mul3A_256 = arith.constant 16 : i32
      %mul3A_257 = arith.muli %select_n3A_255, %mul3A_256 : i32
      %shift_right_arithmetic3A = arith.constant 15 : i32
      %shift_right_arithmetic3A_258 = vector.broadcast %shift_right_arithmetic3A : i32 to vector<16xi32>
      %shift_right_arithmetic3A_259 = arith.shrsi %get3A_216, %shift_right_arithmetic3A_258 : vector<16xi32>
      %swap3A_260 = arith.index_cast %select_n3A_240 : i32 to index
      %swap3A_261 = arith.index_cast %mul3A_257 : i32 to index
      %swap3A_262 = tpu.vector_load %arg14[%swap3A_260, %swap3A_261] {strides = array<i32>} : memref<16x128xi32, #tpu.memory_space<vmem>>, vector<16xi32>,
      tpu.vector_store %arg14[%swap3A_260, %swap3A_261], %shift_right_arithmetic3A_259 {strides = array<i32>} : memref<16x128xi32, #tpu.memory_space<vmem>>, vector<16xi32>,
      %and3A_263 = arith.constant 32767 : i32
      %and3A_264 = vector.broadcast %and3A_263 : i32 to vector<16xi32>
      %and3A_265 = arith.andi %get3A_216, %and3A_264 : vector<16xi32>
      %mul3A_266 = arith.constant 16 : i32
      %mul3A_267 = arith.muli %while3A_212, %mul3A_266 : i32
      %swap3A_268 = arith.index_cast %mul3A_267 : i32 to index
      %swap3A_269 = tpu.vector_load %arg13[%swap3A_268] {strides = array<i32>} : memref<2048xi32, #tpu.memory_space<vmem>>, vector<16xi32>,
      tpu.vector_store %arg13[%swap3A_268], %and3A_265 {strides = array<i32>} : memref<2048xi32, #tpu.memory_space<vmem>>, vector<16xi32>,
    }
    %gt3A = arith.constant 0 : i32
    %gt3A_166 = arith.cmpi sgt, %select_n3A, %gt3A : i32
    %convert_element_type3A = arith.extui %gt3A_166 : i1 to i32
    %cond3A = arith.constant 0 : i32
    %cond3A_167 = arith.cmpi ne, %convert_element_type3A, %cond3A : i32
    scf.if %cond3A_167 {
      %dma_start3A_212 = arith.constant 0 : i32
      %dma_start3A_213 = tpu.memref_slice %arg13[%dma_start3A_212] : memref<2048xi32, #tpu.memory_space<vmem>> -> memref<128xi32, #tpu.memory_space<vmem>>
      %dma_start3A_214 = arith.constant 0 : i32
      %dma_start3A_215 = arith.constant 0 : i32
      %dma_start3A_216 = tpu.memref_slice %arg2[%dma_start3A_214, %dma_start3A_215] : memref<1000x144xf32, #tpu.memory_space<hbm>> -> memref<1000x144xf32, #tpu.memory_space<hbm>>
      tpu.enqueue_indirect_dma source(%dma_start3A_216 : memref<1000x144xf32, #tpu.memory_space<hbm>>) target(%arg15 : memref<128x144xf32, #tpu.memory_space<vmem>>) offsets(%dma_start3A_213 : memref<128xi32, #tpu.memory_space<vmem>>) semaphore(%arg18 : memref<!tpu.dma_semaphore, #tpu.memory_space<semaphore_mem>>)
    } else {
    }
    %add3A_168 = arith.constant 1 : i32
    %add3A_169 = arith.addi %select_n3A, %add3A_168 : i32
    %jit3A_170 = arith.constant 2 : i32
    %div3A_171 = arith.divsi %add3A_169, %jit3A_170 : i32
    %sign3A_172 = arith.constant 0 : i32
    %sign3A_173 = arith.cmpi sgt, %add3A_169, %sign3A_172 : i32
    %sign3A_174 = arith.extui %sign3A_173 : i1 to i32
    %sign3A_175 = arith.constant 0 : i32
    %sign3A_176 = arith.cmpi slt, %add3A_169, %sign3A_175 : i32
    %sign3A_177 = arith.extui %sign3A_176 : i1 to i32
    %sign3A_178 = arith.subi %sign3A_174, %sign3A_177 : i32
    %sign3A_179 = arith.constant 0 : i32
    %sign3A_180 = arith.cmpi sgt, %jit3A_170, %sign3A_179 : i32
    %sign3A_181 = arith.extui %sign3A_180 : i1 to i32
    %sign3A_182 = arith.constant 0 : i32
    %sign3A_183 = arith.cmpi slt, %jit3A_170, %sign3A_182 : i32
    %sign3A_184 = arith.extui %sign3A_183 : i1 to i32
    %sign3A_185 = arith.subi %sign3A_181, %sign3A_184 : i32
    %ne3A_186 = arith.cmpi ne, %sign3A_178, %sign3A_185 : i32
    %rem3A_187 = arith.remsi %add3A_169, %jit3A_170 : i32
    %ne3A_188 = arith.constant 0 : i32
    %ne3A_189 = arith.cmpi ne, %rem3A_187, %ne3A_188 : i32
    %and3A_190 = arith.andi %ne3A_186, %ne3A_189 : i1
    %sub3A_191 = arith.constant 1 : i32
    %sub3A_192 = arith.subi %div3A_171, %sub3A_191 : i32
    %select_n3A_193 = arith.select %and3A_190, %sub3A_192, %div3A_171 : i32
    %while3A_194 = arith.constant 0 : i32
    %while3A_195 = arith.constant 0 : i32
    %while3A_196 = arith.subi %select_n3A_193, %while3A_195 : i32
    %while3A_197 = arith.addi %while3A_195, %while3A_196 : i32
    %while3A_198 = arith.constant 1 : i32
    %while3A_199 = arith.divsi %while3A_196, %while3A_198 : i32
    %while3A_200 = arith.muli %while3A_199, %while3A_198 : i32
    %while3A_201 = arith.addi %while3A_195, %while3A_200 : i32
    %while3A_202 = arith.constant 1 : i32
    scf.for %while3A_212 = %while3A_195 to %while3A_201 step %while3A_202  : i32 {
      %mul3A_213 = arith.constant 2 : i32
      %mul3A_214 = arith.muli %mul3A_213, %while3A_212 : i32
      %add3A_215 = arith.constant 0 : i32
      %add3A_216 = arith.addi %mul3A_214, %add3A_215 : i32
      %lt3A_217 = arith.cmpi slt, %add3A_216, %select_n3A : i32
      %convert_element_type3A_218 = arith.extui %lt3A_217 : i1 to i32
      %cond3A_219 = arith.constant 0 : i32
      %cond3A_220 = arith.cmpi ne, %convert_element_type3A_218, %cond3A_219 : i32
      scf.if %cond3A_220 {
        %dma_wait3A = arith.constant 0 : i32
        %dma_wait3A_229 = tpu.memref_slice %arg13[%dma_wait3A] : memref<2048xi32, #tpu.memory_space<vmem>> -> memref<128xi32, #tpu.memory_space<vmem>>
        %dma_wait3A_230 = arith.constant 0 : i32
        %dma_wait3A_231 = arith.constant 0 : i32
        %dma_wait3A_232 = tpu.memref_slice %arg2[%dma_wait3A_230, %dma_wait3A_231] : memref<1000x144xf32, #tpu.memory_space<hbm>> -> memref<1000x144xf32, #tpu.memory_space<hbm>>
        tpu.wait_indirect_dma semaphore(%arg18 : memref<!tpu.dma_semaphore, #tpu.memory_space<semaphore_mem>>) src(%dma_wait3A_232 : memref<1000x144xf32, #tpu.memory_space<hbm>>) dst(%arg15 : memref<128x144xf32, #tpu.memory_space<vmem>>)
        %ge3A = arith.constant 1 : i32
        %ge3A_233 = arith.cmpi sge, %add3A_216, %ge3A : i32
        %convert_element_type3A_234 = arith.extui %ge3A_233 : i1 to i32
        %cond3A_235 = arith.constant 0 : i32
        %cond3A_236 = arith.cmpi ne, %convert_element_type3A_234, %cond3A_235 : i32
        scf.if %cond3A_236 {
          %dma_wait3A_249 = arith.constant 0 : i32
          %dma_wait3A_250 = arith.constant 0 : i32
          %dma_wait3A_251 = tpu.memref_slice %arg14[%dma_wait3A_249, %dma_wait3A_250] : memref<16x128xi32, #tpu.memory_space<vmem>> -> memref<1x128xi32, #tpu.memory_space<vmem>>
          %dma_wait3A_252 = tpu.memref_squeeze %dma_wait3A_251 : memref<1x128xi32, #tpu.memory_space<vmem>> -> memref<128xi32, #tpu.memory_space<vmem>>
          %dma_wait3A_253 = arith.constant 0 : i32
          %dma_wait3A_254 = arith.constant 0 : i32
          %dma_wait3A_255 = tpu.memref_slice %arg17[%dma_wait3A_253, %dma_wait3A_254] : memref<7040x144xf32, #tpu.memory_space<vmem_shared>> -> memref<7040x144xf32, #tpu.memory_space<vmem_shared>>
          tpu.wait_indirect_dma semaphore(%arg19 : memref<!tpu.dma_semaphore, #tpu.memory_space<semaphore_mem>>) src(%arg15 : memref<128x144xf32, #tpu.memory_space<vmem>>) dst(%dma_wait3A_255 : memref<7040x144xf32, #tpu.memory_space<vmem_shared>>)
        } else {
        }
        %add3A_237 = arith.constant 1 : i32
        %add3A_238 = arith.addi %add3A_216, %add3A_237 : i32
        %lt3A_239 = arith.cmpi slt, %add3A_238, %select_n3A : i32
        %convert_element_type3A_240 = arith.extui %lt3A_239 : i1 to i32
        %cond3A_241 = arith.constant 0 : i32
        %cond3A_242 = arith.cmpi ne, %convert_element_type3A_240, %cond3A_241 : i32
        scf.if %cond3A_242 {
          %add3A_249 = arith.constant 1 : i32
          %add3A_250 = arith.addi %add3A_216, %add3A_249 : i32
          %mul3A_251 = arith.constant 128 : i32
          %mul3A_252 = arith.muli %add3A_250, %mul3A_251 : i32
          %dma_start3A_253 = tpu.memref_slice %arg13[%mul3A_252] : memref<2048xi32, #tpu.memory_space<vmem>> -> memref<128xi32, #tpu.memory_space<vmem>>
          %dma_start3A_254 = arith.constant 0 : i32
          %dma_start3A_255 = arith.constant 0 : i32
          %dma_start3A_256 = tpu.memref_slice %arg2[%dma_start3A_254, %dma_start3A_255] : memref<1000x144xf32, #tpu.memory_space<hbm>> -> memref<1000x144xf32, #tpu.memory_space<hbm>>
          tpu.enqueue_indirect_dma source(%dma_start3A_256 : memref<1000x144xf32, #tpu.memory_space<hbm>>) target(%arg16 : memref<128x144xf32, #tpu.memory_space<vmem>>) offsets(%dma_start3A_253 : memref<128xi32, #tpu.memory_space<vmem>>) semaphore(%arg18 : memref<!tpu.dma_semaphore, #tpu.memory_space<semaphore_mem>>)
        } else {
        }
        %dma_start3A_243 = arith.constant 0 : i32
        %dma_start3A_244 = tpu.memref_slice %arg14[%add3A_216, %dma_start3A_243] : memref<16x128xi32, #tpu.memory_space<vmem>> -> memref<1x128xi32, #tpu.memory_space<vmem>>
        %dma_start3A_245 = tpu.memref_squeeze %dma_start3A_244 : memref<1x128xi32, #tpu.memory_space<vmem>> -> memref<128xi32, #tpu.memory_space<vmem>>
        %dma_start3A_246 = arith.constant 0 : i32
        %dma_start3A_247 = arith.constant 0 : i32
        %dma_start3A_248 = tpu.memref_slice %arg17[%dma_start3A_246, %dma_start3A_247] : memref<7040x144xf32, #tpu.memory_space<vmem_shared>> -> memref<7040x144xf32, #tpu.memory_space<vmem_shared>>
        tpu.enqueue_indirect_dma source(%arg15 : memref<128x144xf32, #tpu.memory_space<vmem>>) target(%dma_start3A_248 : memref<7040x144xf32, #tpu.memory_space<vmem_shared>>) offsets(%dma_start3A_245 : memref<128xi32, #tpu.memory_space<vmem>>) semaphore(%arg19 : memref<!tpu.dma_semaphore, #tpu.memory_space<semaphore_mem>>) {add = true}
      } else {
      }
      %mul3A_221 = arith.constant 2 : i32
      %mul3A_222 = arith.muli %mul3A_221, %while3A_212 : i32
      %add3A_223 = arith.constant 1 : i32
      %add3A_224 = arith.addi %mul3A_222, %add3A_223 : i32
      %lt3A_225 = arith.cmpi slt, %add3A_224, %select_n3A : i32
      %convert_element_type3A_226 = arith.extui %lt3A_225 : i1 to i32
      %cond3A_227 = arith.constant 0 : i32
      %cond3A_228 = arith.cmpi ne, %convert_element_type3A_226, %cond3A_227 : i32
      scf.if %cond3A_228 {
        %dma_wait3A = arith.constant 0 : i32
        %dma_wait3A_229 = tpu.memref_slice %arg13[%dma_wait3A] : memref<2048xi32, #tpu.memory_space<vmem>> -> memref<128xi32, #tpu.memory_space<vmem>>
        %dma_wait3A_230 = arith.constant 0 : i32
        %dma_wait3A_231 = arith.constant 0 : i32
        %dma_wait3A_232 = tpu.memref_slice %arg2[%dma_wait3A_230, %dma_wait3A_231] : memref<1000x144xf32, #tpu.memory_space<hbm>> -> memref<1000x144xf32, #tpu.memory_space<hbm>>
        tpu.wait_indirect_dma semaphore(%arg18 : memref<!tpu.dma_semaphore, #tpu.memory_space<semaphore_mem>>) src(%dma_wait3A_232 : memref<1000x144xf32, #tpu.memory_space<hbm>>) dst(%arg16 : memref<128x144xf32, #tpu.memory_space<vmem>>)
        %ge3A = arith.constant 1 : i32
        %ge3A_233 = arith.cmpi sge, %add3A_224, %ge3A : i32
        %convert_element_type3A_234 = arith.extui %ge3A_233 : i1 to i32
        %cond3A_235 = arith.constant 0 : i32
        %cond3A_236 = arith.cmpi ne, %convert_element_type3A_234, %cond3A_235 : i32
        scf.if %cond3A_236 {
          %dma_wait3A_249 = arith.constant 0 : i32
          %dma_wait3A_250 = arith.constant 0 : i32
          %dma_wait3A_251 = tpu.memref_slice %arg14[%dma_wait3A_249, %dma_wait3A_250] : memref<16x128xi32, #tpu.memory_space<vmem>> -> memref<1x128xi32, #tpu.memory_space<vmem>>
          %dma_wait3A_252 = tpu.memref_squeeze %dma_wait3A_251 : memref<1x128xi32, #tpu.memory_space<vmem>> -> memref<128xi32, #tpu.memory_space<vmem>>
          %dma_wait3A_253 = arith.constant 0 : i32
          %dma_wait3A_254 = arith.constant 0 : i32
          %dma_wait3A_255 = tpu.memref_slice %arg17[%dma_wait3A_253, %dma_wait3A_254] : memref<7040x144xf32, #tpu.memory_space<vmem_shared>> -> memref<7040x144xf32, #tpu.memory_space<vmem_shared>>
          tpu.wait_indirect_dma semaphore(%arg19 : memref<!tpu.dma_semaphore, #tpu.memory_space<semaphore_mem>>) src(%arg15 : memref<128x144xf32, #tpu.memory_space<vmem>>) dst(%dma_wait3A_255 : memref<7040x144xf32, #tpu.memory_space<vmem_shared>>)
        } else {
        }
        %add3A_237 = arith.constant 1 : i32
        %add3A_238 = arith.addi %add3A_224, %add3A_237 : i32
        %lt3A_239 = arith.cmpi slt, %add3A_238, %select_n3A : i32
        %convert_element_type3A_240 = arith.extui %lt3A_239 : i1 to i32
        %cond3A_241 = arith.constant 0 : i32
        %cond3A_242 = arith.cmpi ne, %convert_element_type3A_240, %cond3A_241 : i32
        scf.if %cond3A_242 {
          %add3A_249 = arith.constant 1 : i32
          %add3A_250 = arith.addi %add3A_224, %add3A_249 : i32
          %mul3A_251 = arith.constant 128 : i32
          %mul3A_252 = arith.muli %add3A_250, %mul3A_251 : i32
          %dma_start3A_253 = tpu.memref_slice %arg13[%mul3A_252] : memref<2048xi32, #tpu.memory_space<vmem>> -> memref<128xi32, #tpu.memory_space<vmem>>
          %dma_start3A_254 = arith.constant 0 : i32
          %dma_start3A_255 = arith.constant 0 : i32
          %dma_start3A_256 = tpu.memref_slice %arg2[%dma_start3A_254, %dma_start3A_255] : memref<1000x144xf32, #tpu.memory_space<hbm>> -> memref<1000x144xf32, #tpu.memory_space<hbm>>
          tpu.enqueue_indirect_dma source(%dma_start3A_256 : memref<1000x144xf32, #tpu.memory_space<hbm>>) target(%arg15 : memref<128x144xf32, #tpu.memory_space<vmem>>) offsets(%dma_start3A_253 : memref<128xi32, #tpu.memory_space<vmem>>) semaphore(%arg18 : memref<!tpu.dma_semaphore, #tpu.memory_space<semaphore_mem>>)
        } else {
        }
        %dma_start3A_243 = arith.constant 0 : i32
        %dma_start3A_244 = tpu.memref_slice %arg14[%add3A_224, %dma_start3A_243] : memref<16x128xi32, #tpu.memory_space<vmem>> -> memref<1x128xi32, #tpu.memory_space<vmem>>
        %dma_start3A_245 = tpu.memref_squeeze %dma_start3A_244 : memref<1x128xi32, #tpu.memory_space<vmem>> -> memref<128xi32, #tpu.memory_space<vmem>>
        %dma_start3A_246 = arith.constant 0 : i32
        %dma_start3A_247 = arith.constant 0 : i32
        %dma_start3A_248 = tpu.memref_slice %arg17[%dma_start3A_246, %dma_start3A_247] : memref<7040x144xf32, #tpu.memory_space<vmem_shared>> -> memref<7040x144xf32, #tpu.memory_space<vmem_shared>>
        tpu.enqueue_indirect_dma source(%arg16 : memref<128x144xf32, #tpu.memory_space<vmem>>) target(%dma_start3A_248 : memref<7040x144xf32, #tpu.memory_space<vmem_shared>>) offsets(%dma_start3A_245 : memref<128xi32, #tpu.memory_space<vmem>>) semaphore(%arg19 : memref<!tpu.dma_semaphore, #tpu.memory_space<semaphore_mem>>) {add = true}
      } else {
      }
    }
    %while3A_203 = arith.constant 1 : i32
    scf.for %while3A_212 = %while3A_201 to %while3A_197 step %while3A_203  : i32 {
      %mul3A_213 = arith.constant 2 : i32
      %mul3A_214 = arith.muli %mul3A_213, %while3A_212 : i32
      %add3A_215 = arith.constant 0 : i32
      %add3A_216 = arith.addi %mul3A_214, %add3A_215 : i32
      %lt3A_217 = arith.cmpi slt, %add3A_216, %select_n3A : i32
      %convert_element_type3A_218 = arith.extui %lt3A_217 : i1 to i32
      %cond3A_219 = arith.constant 0 : i32
      %cond3A_220 = arith.cmpi ne, %convert_element_type3A_218, %cond3A_219 : i32
      scf.if %cond3A_220 {
        %dma_wait3A = arith.constant 0 : i32
        %dma_wait3A_229 = tpu.memref_slice %arg13[%dma_wait3A] : memref<2048xi32, #tpu.memory_space<vmem>> -> memref<128xi32, #tpu.memory_space<vmem>>
        %dma_wait3A_230 = arith.constant 0 : i32
        %dma_wait3A_231 = arith.constant 0 : i32
        %dma_wait3A_232 = tpu.memref_slice %arg2[%dma_wait3A_230, %dma_wait3A_231] : memref<1000x144xf32, #tpu.memory_space<hbm>> -> memref<1000x144xf32, #tpu.memory_space<hbm>>
        tpu.wait_indirect_dma semaphore(%arg18 : memref<!tpu.dma_semaphore, #tpu.memory_space<semaphore_mem>>) src(%dma_wait3A_232 : memref<1000x144xf32, #tpu.memory_space<hbm>>) dst(%arg15 : memref<128x144xf32, #tpu.memory_space<vmem>>)
        %ge3A = arith.constant 1 : i32
        %ge3A_233 = arith.cmpi sge, %add3A_216, %ge3A : i32
        %convert_element_type3A_234 = arith.extui %ge3A_233 : i1 to i32
        %cond3A_235 = arith.constant 0 : i32
        %cond3A_236 = arith.cmpi ne, %convert_element_type3A_234, %cond3A_235 : i32
        scf.if %cond3A_236 {
          %dma_wait3A_249 = arith.constant 0 : i32
          %dma_wait3A_250 = arith.constant 0 : i32
          %dma_wait3A_251 = tpu.memref_slice %arg14[%dma_wait3A_249, %dma_wait3A_250] : memref<16x128xi32, #tpu.memory_space<vmem>> -> memref<1x128xi32, #tpu.memory_space<vmem>>
          %dma_wait3A_252 = tpu.memref_squeeze %dma_wait3A_251 : memref<1x128xi32, #tpu.memory_space<vmem>> -> memref<128xi32, #tpu.memory_space<vmem>>
          %dma_wait3A_253 = arith.constant 0 : i32
          %dma_wait3A_254 = arith.constant 0 : i32
          %dma_wait3A_255 = tpu.memref_slice %arg17[%dma_wait3A_253, %dma_wait3A_254] : memref<7040x144xf32, #tpu.memory_space<vmem_shared>> -> memref<7040x144xf32, #tpu.memory_space<vmem_shared>>
          tpu.wait_indirect_dma semaphore(%arg19 : memref<!tpu.dma_semaphore, #tpu.memory_space<semaphore_mem>>) src(%arg15 : memref<128x144xf32, #tpu.memory_space<vmem>>) dst(%dma_wait3A_255 : memref<7040x144xf32, #tpu.memory_space<vmem_shared>>)
        } else {
        }
        %add3A_237 = arith.constant 1 : i32
        %add3A_238 = arith.addi %add3A_216, %add3A_237 : i32
        %lt3A_239 = arith.cmpi slt, %add3A_238, %select_n3A : i32
        %convert_element_type3A_240 = arith.extui %lt3A_239 : i1 to i32
        %cond3A_241 = arith.constant 0 : i32
        %cond3A_242 = arith.cmpi ne, %convert_element_type3A_240, %cond3A_241 : i32
        scf.if %cond3A_242 {
          %add3A_249 = arith.constant 1 : i32
          %add3A_250 = arith.addi %add3A_216, %add3A_249 : i32
          %mul3A_251 = arith.constant 128 : i32
          %mul3A_252 = arith.muli %add3A_250, %mul3A_251 : i32
          %dma_start3A_253 = tpu.memref_slice %arg13[%mul3A_252] : memref<2048xi32, #tpu.memory_space<vmem>> -> memref<128xi32, #tpu.memory_space<vmem>>
          %dma_start3A_254 = arith.constant 0 : i32
          %dma_start3A_255 = arith.constant 0 : i32
          %dma_start3A_256 = tpu.memref_slice %arg2[%dma_start3A_254, %dma_start3A_255] : memref<1000x144xf32, #tpu.memory_space<hbm>> -> memref<1000x144xf32, #tpu.memory_space<hbm>>
          tpu.enqueue_indirect_dma source(%dma_start3A_256 : memref<1000x144xf32, #tpu.memory_space<hbm>>) target(%arg16 : memref<128x144xf32, #tpu.memory_space<vmem>>) offsets(%dma_start3A_253 : memref<128xi32, #tpu.memory_space<vmem>>) semaphore(%arg18 : memref<!tpu.dma_semaphore, #tpu.memory_space<semaphore_mem>>)
        } else {
        }
        %dma_start3A_243 = arith.constant 0 : i32
        %dma_start3A_244 = tpu.memref_slice %arg14[%add3A_216, %dma_start3A_243] : memref<16x128xi32, #tpu.memory_space<vmem>> -> memref<1x128xi32, #tpu.memory_space<vmem>>
        %dma_start3A_245 = tpu.memref_squeeze %dma_start3A_244 : memref<1x128xi32, #tpu.memory_space<vmem>> -> memref<128xi32, #tpu.memory_space<vmem>>
        %dma_start3A_246 = arith.constant 0 : i32
        %dma_start3A_247 = arith.constant 0 : i32
        %dma_start3A_248 = tpu.memref_slice %arg17[%dma_start3A_246, %dma_start3A_247] : memref<7040x144xf32, #tpu.memory_space<vmem_shared>> -> memref<7040x144xf32, #tpu.memory_space<vmem_shared>>
        tpu.enqueue_indirect_dma source(%arg15 : memref<128x144xf32, #tpu.memory_space<vmem>>) target(%dma_start3A_248 : memref<7040x144xf32, #tpu.memory_space<vmem_shared>>) offsets(%dma_start3A_245 : memref<128xi32, #tpu.memory_space<vmem>>) semaphore(%arg19 : memref<!tpu.dma_semaphore, #tpu.memory_space<semaphore_mem>>) {add = true}
      } else {
      }
      %mul3A_221 = arith.constant 2 : i32
      %mul3A_222 = arith.muli %mul3A_221, %while3A_212 : i32
      %add3A_223 = arith.constant 1 : i32
      %add3A_224 = arith.addi %mul3A_222, %add3A_223 : i32
      %lt3A_225 = arith.cmpi slt, %add3A_224, %select_n3A : i32
      %convert_element_type3A_226 = arith.extui %lt3A_225 : i1 to i32
      %cond3A_227 = arith.constant 0 : i32
      %cond3A_228 = arith.cmpi ne, %convert_element_type3A_226, %cond3A_227 : i32
      scf.if %cond3A_228 {
        %dma_wait3A = arith.constant 0 : i32
        %dma_wait3A_229 = tpu.memref_slice %arg13[%dma_wait3A] : memref<2048xi32, #tpu.memory_space<vmem>> -> memref<128xi32, #tpu.memory_space<vmem>>
        %dma_wait3A_230 = arith.constant 0 : i32
        %dma_wait3A_231 = arith.constant 0 : i32
        %dma_wait3A_232 = tpu.memref_slice %arg2[%dma_wait3A_230, %dma_wait3A_231] : memref<1000x144xf32, #tpu.memory_space<hbm>> -> memref<1000x144xf32, #tpu.memory_space<hbm>>
        tpu.wait_indirect_dma semaphore(%arg18 : memref<!tpu.dma_semaphore, #tpu.memory_space<semaphore_mem>>) src(%dma_wait3A_232 : memref<1000x144xf32, #tpu.memory_space<hbm>>) dst(%arg16 : memref<128x144xf32, #tpu.memory_space<vmem>>)
        %ge3A = arith.constant 1 : i32
        %ge3A_233 = arith.cmpi sge, %add3A_224, %ge3A : i32
        %convert_element_type3A_234 = arith.extui %ge3A_233 : i1 to i32
        %cond3A_235 = arith.constant 0 : i32
        %cond3A_236 = arith.cmpi ne, %convert_element_type3A_234, %cond3A_235 : i32
        scf.if %cond3A_236 {
          %dma_wait3A_249 = arith.constant 0 : i32
          %dma_wait3A_250 = arith.constant 0 : i32
          %dma_wait3A_251 = tpu.memref_slice %arg14[%dma_wait3A_249, %dma_wait3A_250] : memref<16x128xi32, #tpu.memory_space<vmem>> -> memref<1x128xi32, #tpu.memory_space<vmem>>
          %dma_wait3A_252 = tpu.memref_squeeze %dma_wait3A_251 : memref<1x128xi32, #tpu.memory_space<vmem>> -> memref<128xi32, #tpu.memory_space<vmem>>
          %dma_wait3A_253 = arith.constant 0 : i32
          %dma_wait3A_254 = arith.constant 0 : i32
          %dma_wait3A_255 = tpu.memref_slice %arg17[%dma_wait3A_253, %dma_wait3A_254] : memref<7040x144xf32, #tpu.memory_space<vmem_shared>> -> memref<7040x144xf32, #tpu.memory_space<vmem_shared>>
          tpu.wait_indirect_dma semaphore(%arg19 : memref<!tpu.dma_semaphore, #tpu.memory_space<semaphore_mem>>) src(%arg15 : memref<128x144xf32, #tpu.memory_space<vmem>>) dst(%dma_wait3A_255 : memref<7040x144xf32, #tpu.memory_space<vmem_shared>>)
        } else {
        }
        %add3A_237 = arith.constant 1 : i32
        %add3A_238 = arith.addi %add3A_224, %add3A_237 : i32
        %lt3A_239 = arith.cmpi slt, %add3A_238, %select_n3A : i32
        %convert_element_type3A_240 = arith.extui %lt3A_239 : i1 to i32
        %cond3A_241 = arith.constant 0 : i32
        %cond3A_242 = arith.cmpi ne, %convert_element_type3A_240, %cond3A_241 : i32
        scf.if %cond3A_242 {
          %add3A_249 = arith.constant 1 : i32
          %add3A_250 = arith.addi %add3A_224, %add3A_249 : i32
          %mul3A_251 = arith.constant 128 : i32
          %mul3A_252 = arith.muli %add3A_250, %mul3A_251 : i32
          %dma_start3A_253 = tpu.memref_slice %arg13[%mul3A_252] : memref<2048xi32, #tpu.memory_space<vmem>> -> memref<128xi32, #tpu.memory_space<vmem>>
          %dma_start3A_254 = arith.constant 0 : i32
          %dma_start3A_255 = arith.constant 0 : i32
          %dma_start3A_256 = tpu.memref_slice %arg2[%dma_start3A_254, %dma_start3A_255] : memref<1000x144xf32, #tpu.memory_space<hbm>> -> memref<1000x144xf32, #tpu.memory_space<hbm>>
          tpu.enqueue_indirect_dma source(%dma_start3A_256 : memref<1000x144xf32, #tpu.memory_space<hbm>>) target(%arg15 : memref<128x144xf32, #tpu.memory_space<vmem>>) offsets(%dma_start3A_253 : memref<128xi32, #tpu.memory_space<vmem>>) semaphore(%arg18 : memref<!tpu.dma_semaphore, #tpu.memory_space<semaphore_mem>>)
        } else {
        }
        %dma_start3A_243 = arith.constant 0 : i32
        %dma_start3A_244 = tpu.memref_slice %arg14[%add3A_224, %dma_start3A_243] : memref<16x128xi32, #tpu.memory_space<vmem>> -> memref<1x128xi32, #tpu.memory_space<vmem>>
        %dma_start3A_245 = tpu.memref_squeeze %dma_start3A_244 : memref<1x128xi32, #tpu.memory_space<vmem>> -> memref<128xi32, #tpu.memory_space<vmem>>
        %dma_start3A_246 = arith.constant 0 : i32
        %dma_start3A_247 = arith.constant 0 : i32
        %dma_start3A_248 = tpu.memref_slice %arg17[%dma_start3A_246, %dma_start3A_247] : memref<7040x144xf32, #tpu.memory_space<vmem_shared>> -> memref<7040x144xf32, #tpu.memory_space<vmem_shared>>
        tpu.enqueue_indirect_dma source(%arg16 : memref<128x144xf32, #tpu.memory_space<vmem>>) target(%dma_start3A_248 : memref<7040x144xf32, #tpu.memory_space<vmem_shared>>) offsets(%dma_start3A_245 : memref<128xi32, #tpu.memory_space<vmem>>) semaphore(%arg19 : memref<!tpu.dma_semaphore, #tpu.memory_space<semaphore_mem>>) {add = true}
      } else {
      }
    }
    %gt3A_204 = arith.constant 0 : i32
    %gt3A_205 = arith.cmpi sgt, %select_n3A, %gt3A_204 : i32
    %convert_element_type3A_206 = arith.extui %gt3A_205 : i1 to i32
    %cond3A_207 = arith.constant 0 : i32
    %cond3A_208 = arith.cmpi ne, %convert_element_type3A_206, %cond3A_207 : i32
    scf.if %cond3A_208 {
      %dma_wait3A = arith.constant 0 : i32
      %dma_wait3A_212 = arith.constant 0 : i32
      %dma_wait3A_213 = tpu.memref_slice %arg14[%dma_wait3A, %dma_wait3A_212] : memref<16x128xi32, #tpu.memory_space<vmem>> -> memref<1x128xi32, #tpu.memory_space<vmem>>
      %dma_wait3A_214 = tpu.memref_squeeze %dma_wait3A_213 : memref<1x128xi32, #tpu.memory_space<vmem>> -> memref<128xi32, #tpu.memory_space<vmem>>
      %dma_wait3A_215 = arith.constant 0 : i32
      %dma_wait3A_216 = arith.constant 0 : i32
      %dma_wait3A_217 = tpu.memref_slice %arg17[%dma_wait3A_215, %dma_wait3A_216] : memref<7040x144xf32, #tpu.memory_space<vmem_shared>> -> memref<7040x144xf32, #tpu.memory_space<vmem_shared>>
      tpu.wait_indirect_dma semaphore(%arg19 : memref<!tpu.dma_semaphore, #tpu.memory_space<semaphore_mem>>) src(%arg15 : memref<128x144xf32, #tpu.memory_space<vmem>>) dst(%dma_wait3A_217 : memref<7040x144xf32, #tpu.memory_space<vmem_shared>>)
    } else {
    }
    %barrier3A_209 = arith.constant 0 : index
    tpu.barrier barrier_id(%barrier3A_209)
    %mul3A_210 = arith.constant 440 : i32
    %mul3A_211 = arith.muli %arg1, %mul3A_210 : i32
    "tpu.region"() ({
      %run_scoped3A = tpu.sem_alloc : memref<!tpu.dma_semaphore, #tpu.memory_space<semaphore_mem>>
      %dma_start3A_212 = arith.constant 0 : i32
      %dma_start3A_213 = arith.constant 0 : i32
      %dma_start3A_214 = tpu.memref_slice %arg6[%arg0, %dma_start3A_212, %dma_start3A_213] : memref<2x7040x144xf32, #tpu.memory_space<hbm>> -> memref<1x7040x144xf32, #tpu.memory_space<hbm>>
      %dma_start3A_215 = tpu.memref_squeeze %dma_start3A_214 : memref<1x7040x144xf32, #tpu.memory_space<hbm>> -> memref<7040x144xf32, #tpu.memory_space<hbm>>
      %dma_start3A_216 = arith.constant 0 : i32
      %dma_start3A_217 = tpu.memref_slice %dma_start3A_215[%mul3A_211, %dma_start3A_216] : memref<7040x144xf32, #tpu.memory_space<hbm>> -> memref<440x144xf32, #tpu.memory_space<hbm>>
      %dma_start3A_218 = arith.constant 0 : i32
      %dma_start3A_219 = tpu.memref_slice %arg17[%mul3A_211, %dma_start3A_218] : memref<7040x144xf32, #tpu.memory_space<vmem_shared>> -> memref<440x144xf32, #tpu.memory_space<vmem_shared>>
      tpu.enqueue_dma source(%dma_start3A_219 : memref<440x144xf32, #tpu.memory_space<vmem_shared>>) target(%dma_start3A_217 : memref<440x144xf32, #tpu.memory_space<hbm>>) target_semaphore(%run_scoped3A : memref<!tpu.dma_semaphore, #tpu.memory_space<semaphore_mem>>)
      %dma_wait3A = arith.constant 0 : i32
      %dma_wait3A_220 = arith.constant 0 : i32
      %dma_wait3A_221 = tpu.memref_slice %arg6[%arg0, %dma_wait3A, %dma_wait3A_220] : memref<2x7040x144xf32, #tpu.memory_space<hbm>> -> memref<1x7040x144xf32, #tpu.memory_space<hbm>>
      %dma_wait3A_222 = tpu.memref_squeeze %dma_wait3A_221 : memref<1x7040x144xf32, #tpu.memory_space<hbm>> -> memref<7040x144xf32, #tpu.memory_space<hbm>>
      %dma_wait3A_223 = arith.constant 0 : i32
      %dma_wait3A_224 = tpu.memref_slice %dma_wait3A_222[%mul3A_211, %dma_wait3A_223] : memref<7040x144xf32, #tpu.memory_space<hbm>> -> memref<440x144xf32, #tpu.memory_space<hbm>>
      %dma_wait3A_225 = arith.constant 0 : i32
      %dma_wait3A_226 = tpu.memref_slice %arg17[%mul3A_211, %dma_wait3A_225] : memref<7040x144xf32, #tpu.memory_space<vmem_shared>> -> memref<440x144xf32, #tpu.memory_space<vmem_shared>>
      tpu.wait_dma2 semaphore(%run_scoped3A : memref<!tpu.dma_semaphore, #tpu.memory_space<semaphore_mem>>) src(%dma_wait3A_226 : memref<440x144xf32, #tpu.memory_space<vmem_shared>>) dst(%dma_wait3A_224 : memref<440x144xf32, #tpu.memory_space<hbm>>)
      tpu.yield
    }) : () -> ()
    return
  }
}

module attributes {stable_mosaic.version = 14 : i64} {
  func.func @_dense0_kernel(%arg0: memref<2x7040x144xf32, #tpu.memory_space<vmem>>, %arg1: memref<1000x144xf32, #tpu.memory_space<vmem>>, %arg2: memref<1000x1xi32, #tpu.memory_space<vmem>>, %arg3: memref<7x128x128xf32, #tpu.memory_space<vmem>>, %arg4: memref<4x128x128xf32, #tpu.memory_space<vmem>>, %arg5: memref<4x128xf32, #tpu.memory_space<vmem>>, %arg6: memref<1000x144xf32, #tpu.memory_space<vmem>>) attributes {dimension_semantics = [], scalar_prefetch = 0 : i64, scratch_operands = 0 : i64, tpu.core_type = #tpu.core_type<tc>} {
    %get3A = arith.constant 0 : index
    %get3A_0 = arith.constant 0 : index
    %get3A_1 = arith.constant 0 : index
    %get3A_2 = vector.load %arg0[%get3A, %get3A_0, %get3A_1] : memref<2x7040x144xf32, #tpu.memory_space<vmem>>, vector<1x7040x144xf32>
    %get3A_3 = vector.shape_cast %get3A_2 : vector<1x7040x144xf32> to vector<7040x144xf32>
    %get3A_4 = arith.constant 1 : index
    %get3A_5 = arith.constant 0 : index
    %get3A_6 = arith.constant 0 : index
    %get3A_7 = vector.load %arg0[%get3A_4, %get3A_5, %get3A_6] : memref<2x7040x144xf32, #tpu.memory_space<vmem>>, vector<1x7040x144xf32>
    %get3A_8 = vector.shape_cast %get3A_7 : vector<1x7040x144xf32> to vector<7040x144xf32>
    %add3A = arith.addf %get3A_3, %get3A_8 : vector<7040x144xf32>
    %slice3A = vector.extract_strided_slice %add3A {offsets = [0, 0], sizes = [7000, 128], strides = [1, 1]} : vector<7040x144xf32> to vector<7000x128xf32>
    %slice3A_9 = vector.extract_strided_slice %add3A {offsets = [0, 128], sizes = [7000, 1], strides = [1, 1]} : vector<7040x144xf32> to vector<7000x1xf32>
    %max3A = arith.constant 1.000000e+00 : f32
    %max3A_10 = vector.broadcast %max3A : f32 to vector<7000x1xf32>
    %max3A_11 = arith.maximumf %slice3A_9, %max3A_10 : vector<7000x1xf32>
    %div3A = vector.broadcast %max3A_11 : vector<7000x1xf32> to vector<7000x128xf32>
    %div3A_12 = arith.divf %slice3A, %div3A : vector<7000x128xf32>
    %broadcast_in_dim3A = arith.constant 0.000000e+00 : f32
    %broadcast_in_dim3A_13 = vector.broadcast %broadcast_in_dim3A : f32 to vector<1000x128xf32>
    %slice3A_14 = vector.extract_strided_slice %div3A_12 {offsets = [0, 0], sizes = [1000, 128], strides = [1, 1]} : vector<7000x128xf32> to vector<1000x128xf32>
    %get3A_15 = arith.constant 0 : index
    %get3A_16 = arith.constant 0 : index
    %get3A_17 = arith.constant 0 : index
    %get3A_18 = vector.load %arg3[%get3A_15, %get3A_16, %get3A_17] : memref<7x128x128xf32, #tpu.memory_space<vmem>>, vector<1x128x128xf32>
    %get3A_19 = vector.shape_cast %get3A_18 : vector<1x128x128xf32> to vector<128x128xf32>
    %transpose3A = tpu.transpose %get3A_19, [1, 0] : vector<128x128xf32> -> vector<128x128xf32>
    %dot_general3A = arith.constant dense<0.000000e+00> : vector<1000x128xf32>
    %dot_general3A_20 = tpu.matmul %slice3A_14, %transpose3A, %dot_general3A {dimension_numbers = #tpu.dot_dimension_numbers<[1], [0], [0], [1], [0, 0, 1, 1], [], []>, transpose_lhs_hint = false} : vector<1000x128xf32>, vector<128x128xf32>, vector<1000x128xf32> -> vector<1000x128xf32>
    %add3A_21 = arith.addf %broadcast_in_dim3A_13, %dot_general3A_20 : vector<1000x128xf32>
    %slice3A_22 = vector.extract_strided_slice %div3A_12 {offsets = [1000, 0], sizes = [1000, 128], strides = [1, 1]} : vector<7000x128xf32> to vector<1000x128xf32>
    %get3A_23 = arith.constant 1 : index
    %get3A_24 = arith.constant 0 : index
    %get3A_25 = arith.constant 0 : index
    %get3A_26 = vector.load %arg3[%get3A_23, %get3A_24, %get3A_25] : memref<7x128x128xf32, #tpu.memory_space<vmem>>, vector<1x128x128xf32>
    %get3A_27 = vector.shape_cast %get3A_26 : vector<1x128x128xf32> to vector<128x128xf32>
    %transpose3A_28 = tpu.transpose %get3A_27, [1, 0] : vector<128x128xf32> -> vector<128x128xf32>
    %dot_general3A_29 = arith.constant dense<0.000000e+00> : vector<1000x128xf32>
    %dot_general3A_30 = tpu.matmul %slice3A_22, %transpose3A_28, %dot_general3A_29 {dimension_numbers = #tpu.dot_dimension_numbers<[1], [0], [0], [1], [0, 0, 1, 1], [], []>, transpose_lhs_hint = false} : vector<1000x128xf32>, vector<128x128xf32>, vector<1000x128xf32> -> vector<1000x128xf32>
    %add3A_31 = arith.addf %add3A_21, %dot_general3A_30 : vector<1000x128xf32>
    %slice3A_32 = vector.extract_strided_slice %div3A_12 {offsets = [2000, 0], sizes = [1000, 128], strides = [1, 1]} : vector<7000x128xf32> to vector<1000x128xf32>
    %get3A_33 = arith.constant 2 : index
    %get3A_34 = arith.constant 0 : index
    %get3A_35 = arith.constant 0 : index
    %get3A_36 = vector.load %arg3[%get3A_33, %get3A_34, %get3A_35] : memref<7x128x128xf32, #tpu.memory_space<vmem>>, vector<1x128x128xf32>
    %get3A_37 = vector.shape_cast %get3A_36 : vector<1x128x128xf32> to vector<128x128xf32>
    %transpose3A_38 = tpu.transpose %get3A_37, [1, 0] : vector<128x128xf32> -> vector<128x128xf32>
    %dot_general3A_39 = arith.constant dense<0.000000e+00> : vector<1000x128xf32>
    %dot_general3A_40 = tpu.matmul %slice3A_32, %transpose3A_38, %dot_general3A_39 {dimension_numbers = #tpu.dot_dimension_numbers<[1], [0], [0], [1], [0, 0, 1, 1], [], []>, transpose_lhs_hint = false} : vector<1000x128xf32>, vector<128x128xf32>, vector<1000x128xf32> -> vector<1000x128xf32>
    %add3A_41 = arith.addf %add3A_31, %dot_general3A_40 : vector<1000x128xf32>
    %slice3A_42 = vector.extract_strided_slice %div3A_12 {offsets = [3000, 0], sizes = [1000, 128], strides = [1, 1]} : vector<7000x128xf32> to vector<1000x128xf32>
    %get3A_43 = arith.constant 3 : index
    %get3A_44 = arith.constant 0 : index
    %get3A_45 = arith.constant 0 : index
    %get3A_46 = vector.load %arg3[%get3A_43, %get3A_44, %get3A_45] : memref<7x128x128xf32, #tpu.memory_space<vmem>>, vector<1x128x128xf32>
    %get3A_47 = vector.shape_cast %get3A_46 : vector<1x128x128xf32> to vector<128x128xf32>
    %transpose3A_48 = tpu.transpose %get3A_47, [1, 0] : vector<128x128xf32> -> vector<128x128xf32>
    %dot_general3A_49 = arith.constant dense<0.000000e+00> : vector<1000x128xf32>
    %dot_general3A_50 = tpu.matmul %slice3A_42, %transpose3A_48, %dot_general3A_49 {dimension_numbers = #tpu.dot_dimension_numbers<[1], [0], [0], [1], [0, 0, 1, 1], [], []>, transpose_lhs_hint = false} : vector<1000x128xf32>, vector<128x128xf32>, vector<1000x128xf32> -> vector<1000x128xf32>
    %add3A_51 = arith.addf %add3A_41, %dot_general3A_50 : vector<1000x128xf32>
    %slice3A_52 = vector.extract_strided_slice %div3A_12 {offsets = [4000, 0], sizes = [1000, 128], strides = [1, 1]} : vector<7000x128xf32> to vector<1000x128xf32>
    %get3A_53 = arith.constant 4 : index
    %get3A_54 = arith.constant 0 : index
    %get3A_55 = arith.constant 0 : index
    %get3A_56 = vector.load %arg3[%get3A_53, %get3A_54, %get3A_55] : memref<7x128x128xf32, #tpu.memory_space<vmem>>, vector<1x128x128xf32>
    %get3A_57 = vector.shape_cast %get3A_56 : vector<1x128x128xf32> to vector<128x128xf32>
    %transpose3A_58 = tpu.transpose %get3A_57, [1, 0] : vector<128x128xf32> -> vector<128x128xf32>
    %dot_general3A_59 = arith.constant dense<0.000000e+00> : vector<1000x128xf32>
    %dot_general3A_60 = tpu.matmul %slice3A_52, %transpose3A_58, %dot_general3A_59 {dimension_numbers = #tpu.dot_dimension_numbers<[1], [0], [0], [1], [0, 0, 1, 1], [], []>, transpose_lhs_hint = false} : vector<1000x128xf32>, vector<128x128xf32>, vector<1000x128xf32> -> vector<1000x128xf32>
    %add3A_61 = arith.addf %add3A_51, %dot_general3A_60 : vector<1000x128xf32>
    %slice3A_62 = vector.extract_strided_slice %div3A_12 {offsets = [5000, 0], sizes = [1000, 128], strides = [1, 1]} : vector<7000x128xf32> to vector<1000x128xf32>
    %get3A_63 = arith.constant 5 : index
    %get3A_64 = arith.constant 0 : index
    %get3A_65 = arith.constant 0 : index
    %get3A_66 = vector.load %arg3[%get3A_63, %get3A_64, %get3A_65] : memref<7x128x128xf32, #tpu.memory_space<vmem>>, vector<1x128x128xf32>
    %get3A_67 = vector.shape_cast %get3A_66 : vector<1x128x128xf32> to vector<128x128xf32>
    %transpose3A_68 = tpu.transpose %get3A_67, [1, 0] : vector<128x128xf32> -> vector<128x128xf32>
    %dot_general3A_69 = arith.constant dense<0.000000e+00> : vector<1000x128xf32>
    %dot_general3A_70 = tpu.matmul %slice3A_62, %transpose3A_68, %dot_general3A_69 {dimension_numbers = #tpu.dot_dimension_numbers<[1], [0], [0], [1], [0, 0, 1, 1], [], []>, transpose_lhs_hint = false} : vector<1000x128xf32>, vector<128x128xf32>, vector<1000x128xf32> -> vector<1000x128xf32>
    %add3A_71 = arith.addf %add3A_61, %dot_general3A_70 : vector<1000x128xf32>
    %slice3A_72 = vector.extract_strided_slice %div3A_12 {offsets = [6000, 0], sizes = [1000, 128], strides = [1, 1]} : vector<7000x128xf32> to vector<1000x128xf32>
    %get3A_73 = arith.constant 6 : index
    %get3A_74 = arith.constant 0 : index
    %get3A_75 = arith.constant 0 : index
    %get3A_76 = vector.load %arg3[%get3A_73, %get3A_74, %get3A_75] : memref<7x128x128xf32, #tpu.memory_space<vmem>>, vector<1x128x128xf32>
    %get3A_77 = vector.shape_cast %get3A_76 : vector<1x128x128xf32> to vector<128x128xf32>
    %transpose3A_78 = tpu.transpose %get3A_77, [1, 0] : vector<128x128xf32> -> vector<128x128xf32>
    %dot_general3A_79 = arith.constant dense<0.000000e+00> : vector<1000x128xf32>
    %dot_general3A_80 = tpu.matmul %slice3A_72, %transpose3A_78, %dot_general3A_79 {dimension_numbers = #tpu.dot_dimension_numbers<[1], [0], [0], [1], [0, 0, 1, 1], [], []>, transpose_lhs_hint = false} : vector<1000x128xf32>, vector<128x128xf32>, vector<1000x128xf32> -> vector<1000x128xf32>
    %add3A_81 = arith.addf %add3A_71, %dot_general3A_80 : vector<1000x128xf32>
    %get3A_82 = arith.constant 0 : index
    %get3A_83 = arith.constant 0 : index
    %get3A_84 = vector.load %arg1[%get3A_82, %get3A_83] : memref<1000x144xf32, #tpu.memory_space<vmem>>, vector<1000x128xf32>
    %get3A_85 = arith.constant 0 : index
    %get3A_86 = arith.constant 0 : index
    %get3A_87 = vector.load %arg2[%get3A_85, %get3A_86] : memref<1000x1xi32, #tpu.memory_space<vmem>>, vector<1000x1xi32>
    %get3A_88 = arith.constant 0 : index
    %get3A_89 = arith.constant 0 : index
    %get3A_90 = arith.constant 0 : index
    %get3A_91 = vector.load %arg4[%get3A_88, %get3A_89, %get3A_90] : memref<4x128x128xf32, #tpu.memory_space<vmem>>, vector<1x128x128xf32>
    %get3A_92 = vector.shape_cast %get3A_91 : vector<1x128x128xf32> to vector<128x128xf32>
    %transpose3A_93 = tpu.transpose %get3A_92, [1, 0] : vector<128x128xf32> -> vector<128x128xf32>
    %dot_general3A_94 = arith.constant dense<0.000000e+00> : vector<1000x128xf32>
    %dot_general3A_95 = tpu.matmul %get3A_84, %transpose3A_93, %dot_general3A_94 {dimension_numbers = #tpu.dot_dimension_numbers<[1], [0], [0], [1], [0, 0, 1, 1], [], []>, transpose_lhs_hint = false} : vector<1000x128xf32>, vector<128x128xf32>, vector<1000x128xf32> -> vector<1000x128xf32>
    %get3A_96 = arith.constant 0 : index
    %get3A_97 = arith.constant 0 : index
    %get3A_98 = vector.load %arg5[%get3A_96, %get3A_97] : memref<4x128xf32, #tpu.memory_space<vmem>>, vector<1x128xf32>
    %get3A_99 = vector.shape_cast %get3A_98 : vector<1x128xf32> to vector<128xf32>
    %broadcast_in_dim3A_100 = vector.shape_cast %get3A_99 : vector<128xf32> to vector<1x128xf32>
    %add3A_101 = vector.broadcast %broadcast_in_dim3A_100 : vector<1x128xf32> to vector<1000x128xf32>
    %add3A_102 = arith.addf %dot_general3A_95, %add3A_101 : vector<1000x128xf32>
    %eq3A = arith.constant 0 : i32
    %eq3A_103 = vector.broadcast %eq3A : i32 to vector<1000x1xi32>
    %eq3A_104 = arith.cmpi eq, %get3A_87, %eq3A_103 : vector<1000x1xi32>
    %jit3A = arith.constant 0.000000e+00 : f32
    %broadcast_in_dim3A_105 = vector.shape_cast %eq3A_104 : vector<1000x1xi1> to vector<1000x1xi1>
    %broadcast_in_dim3A_106 = vector.broadcast %broadcast_in_dim3A_105 : vector<1000x1xi1> to vector<1000x128xi1>
    %broadcast_in_dim3A_107 = vector.broadcast %jit3A : f32 to vector<1000x128xf32>
    %select_n3A = arith.select %broadcast_in_dim3A_106, %add3A_102, %broadcast_in_dim3A_107 : vector<1000x128xi1>, vector<1000x128xf32>
    %add3A_108 = arith.addf %add3A_81, %select_n3A : vector<1000x128xf32>
    %get3A_109 = arith.constant 1 : index
    %get3A_110 = arith.constant 0 : index
    %get3A_111 = arith.constant 0 : index
    %get3A_112 = vector.load %arg4[%get3A_109, %get3A_110, %get3A_111] : memref<4x128x128xf32, #tpu.memory_space<vmem>>, vector<1x128x128xf32>
    %get3A_113 = vector.shape_cast %get3A_112 : vector<1x128x128xf32> to vector<128x128xf32>
    %transpose3A_114 = tpu.transpose %get3A_113, [1, 0] : vector<128x128xf32> -> vector<128x128xf32>
    %dot_general3A_115 = arith.constant dense<0.000000e+00> : vector<1000x128xf32>
    %dot_general3A_116 = tpu.matmul %get3A_84, %transpose3A_114, %dot_general3A_115 {dimension_numbers = #tpu.dot_dimension_numbers<[1], [0], [0], [1], [0, 0, 1, 1], [], []>, transpose_lhs_hint = false} : vector<1000x128xf32>, vector<128x128xf32>, vector<1000x128xf32> -> vector<1000x128xf32>
    %get3A_117 = arith.constant 1 : index
    %get3A_118 = arith.constant 0 : index
    %get3A_119 = vector.load %arg5[%get3A_117, %get3A_118] : memref<4x128xf32, #tpu.memory_space<vmem>>, vector<1x128xf32>
    %get3A_120 = vector.shape_cast %get3A_119 : vector<1x128xf32> to vector<128xf32>
    %broadcast_in_dim3A_121 = vector.shape_cast %get3A_120 : vector<128xf32> to vector<1x128xf32>
    %add3A_122 = vector.broadcast %broadcast_in_dim3A_121 : vector<1x128xf32> to vector<1000x128xf32>
    %add3A_123 = arith.addf %dot_general3A_116, %add3A_122 : vector<1000x128xf32>
    %eq3A_124 = arith.constant 1 : i32
    %eq3A_125 = vector.broadcast %eq3A_124 : i32 to vector<1000x1xi32>
    %eq3A_126 = arith.cmpi eq, %get3A_87, %eq3A_125 : vector<1000x1xi32>
    %jit3A_127 = arith.constant 0.000000e+00 : f32
    %broadcast_in_dim3A_128 = vector.shape_cast %eq3A_126 : vector<1000x1xi1> to vector<1000x1xi1>
    %broadcast_in_dim3A_129 = vector.broadcast %broadcast_in_dim3A_128 : vector<1000x1xi1> to vector<1000x128xi1>
    %broadcast_in_dim3A_130 = vector.broadcast %jit3A_127 : f32 to vector<1000x128xf32>
    %select_n3A_131 = arith.select %broadcast_in_dim3A_129, %add3A_123, %broadcast_in_dim3A_130 : vector<1000x128xi1>, vector<1000x128xf32>
    %add3A_132 = arith.addf %add3A_108, %select_n3A_131 : vector<1000x128xf32>
    %get3A_133 = arith.constant 2 : index
    %get3A_134 = arith.constant 0 : index
    %get3A_135 = arith.constant 0 : index
    %get3A_136 = vector.load %arg4[%get3A_133, %get3A_134, %get3A_135] : memref<4x128x128xf32, #tpu.memory_space<vmem>>, vector<1x128x128xf32>
    %get3A_137 = vector.shape_cast %get3A_136 : vector<1x128x128xf32> to vector<128x128xf32>
    %transpose3A_138 = tpu.transpose %get3A_137, [1, 0] : vector<128x128xf32> -> vector<128x128xf32>
    %dot_general3A_139 = arith.constant dense<0.000000e+00> : vector<1000x128xf32>
    %dot_general3A_140 = tpu.matmul %get3A_84, %transpose3A_138, %dot_general3A_139 {dimension_numbers = #tpu.dot_dimension_numbers<[1], [0], [0], [1], [0, 0, 1, 1], [], []>, transpose_lhs_hint = false} : vector<1000x128xf32>, vector<128x128xf32>, vector<1000x128xf32> -> vector<1000x128xf32>
    %get3A_141 = arith.constant 2 : index
    %get3A_142 = arith.constant 0 : index
    %get3A_143 = vector.load %arg5[%get3A_141, %get3A_142] : memref<4x128xf32, #tpu.memory_space<vmem>>, vector<1x128xf32>
    %get3A_144 = vector.shape_cast %get3A_143 : vector<1x128xf32> to vector<128xf32>
    %broadcast_in_dim3A_145 = vector.shape_cast %get3A_144 : vector<128xf32> to vector<1x128xf32>
    %add3A_146 = vector.broadcast %broadcast_in_dim3A_145 : vector<1x128xf32> to vector<1000x128xf32>
    %add3A_147 = arith.addf %dot_general3A_140, %add3A_146 : vector<1000x128xf32>
    %eq3A_148 = arith.constant 2 : i32
    %eq3A_149 = vector.broadcast %eq3A_148 : i32 to vector<1000x1xi32>
    %eq3A_150 = arith.cmpi eq, %get3A_87, %eq3A_149 : vector<1000x1xi32>
    %jit3A_151 = arith.constant 0.000000e+00 : f32
    %broadcast_in_dim3A_152 = vector.shape_cast %eq3A_150 : vector<1000x1xi1> to vector<1000x1xi1>
    %broadcast_in_dim3A_153 = vector.broadcast %broadcast_in_dim3A_152 : vector<1000x1xi1> to vector<1000x128xi1>
    %broadcast_in_dim3A_154 = vector.broadcast %jit3A_151 : f32 to vector<1000x128xf32>
    %select_n3A_155 = arith.select %broadcast_in_dim3A_153, %add3A_147, %broadcast_in_dim3A_154 : vector<1000x128xi1>, vector<1000x128xf32>
    %add3A_156 = arith.addf %add3A_132, %select_n3A_155 : vector<1000x128xf32>
    %get3A_157 = arith.constant 3 : index
    %get3A_158 = arith.constant 0 : index
    %get3A_159 = arith.constant 0 : index
    %get3A_160 = vector.load %arg4[%get3A_157, %get3A_158, %get3A_159] : memref<4x128x128xf32, #tpu.memory_space<vmem>>, vector<1x128x128xf32>
    %get3A_161 = vector.shape_cast %get3A_160 : vector<1x128x128xf32> to vector<128x128xf32>
    %transpose3A_162 = tpu.transpose %get3A_161, [1, 0] : vector<128x128xf32> -> vector<128x128xf32>
    %dot_general3A_163 = arith.constant dense<0.000000e+00> : vector<1000x128xf32>
    %dot_general3A_164 = tpu.matmul %get3A_84, %transpose3A_162, %dot_general3A_163 {dimension_numbers = #tpu.dot_dimension_numbers<[1], [0], [0], [1], [0, 0, 1, 1], [], []>, transpose_lhs_hint = false} : vector<1000x128xf32>, vector<128x128xf32>, vector<1000x128xf32> -> vector<1000x128xf32>
    %get3A_165 = arith.constant 3 : index
    %get3A_166 = arith.constant 0 : index
    %get3A_167 = vector.load %arg5[%get3A_165, %get3A_166] : memref<4x128xf32, #tpu.memory_space<vmem>>, vector<1x128xf32>
    %get3A_168 = vector.shape_cast %get3A_167 : vector<1x128xf32> to vector<128xf32>
    %broadcast_in_dim3A_169 = vector.shape_cast %get3A_168 : vector<128xf32> to vector<1x128xf32>
    %add3A_170 = vector.broadcast %broadcast_in_dim3A_169 : vector<1x128xf32> to vector<1000x128xf32>
    %add3A_171 = arith.addf %dot_general3A_164, %add3A_170 : vector<1000x128xf32>
    %eq3A_172 = arith.constant 3 : i32
    %eq3A_173 = vector.broadcast %eq3A_172 : i32 to vector<1000x1xi32>
    %eq3A_174 = arith.cmpi eq, %get3A_87, %eq3A_173 : vector<1000x1xi32>
    %jit3A_175 = arith.constant 0.000000e+00 : f32
    %broadcast_in_dim3A_176 = vector.shape_cast %eq3A_174 : vector<1000x1xi1> to vector<1000x1xi1>
    %broadcast_in_dim3A_177 = vector.broadcast %broadcast_in_dim3A_176 : vector<1000x1xi1> to vector<1000x128xi1>
    %broadcast_in_dim3A_178 = vector.broadcast %jit3A_175 : f32 to vector<1000x128xf32>
    %select_n3A_179 = arith.select %broadcast_in_dim3A_177, %add3A_171, %broadcast_in_dim3A_178 : vector<1000x128xi1>, vector<1000x128xf32>
    %add3A_180 = arith.addf %add3A_156, %select_n3A_179 : vector<1000x128xf32>
    %max3A_181 = arith.constant 0.000000e+00 : f32
    %max3A_182 = vector.broadcast %max3A_181 : f32 to vector<1000x128xf32>
    %max3A_183 = arith.maximumf %add3A_180, %max3A_182 : vector<1000x128xf32>
    %swap3A = arith.constant 0 : index
    %swap3A_184 = arith.constant 0 : index
    %swap3A_185 = vector.load %arg6[%swap3A, %swap3A_184] : memref<1000x144xf32, #tpu.memory_space<vmem>>, vector<1000x128xf32>
    tpu.vector_store %arg6[%swap3A, %swap3A_184], %max3A_183 {strides = array<i32>} : memref<1000x144xf32, #tpu.memory_space<vmem>>, vector<1000x128xf32>,
    %iota3A = tpu.iota {dimensions = array<i32: 1>} : vector<1000x16xi32>
    %eq3A_186 = arith.constant 0 : i32
    %eq3A_187 = vector.broadcast %eq3A_186 : i32 to vector<1000x16xi32>
    %eq3A_188 = arith.cmpi eq, %iota3A, %eq3A_187 : vector<1000x16xi32>
    %jit3A_189 = arith.constant 1.000000e+00 : f32
    %jit3A_190 = arith.constant 0.000000e+00 : f32
    %broadcast_in_dim3A_191 = vector.broadcast %jit3A_189 : f32 to vector<1000x16xf32>
    %broadcast_in_dim3A_192 = vector.broadcast %jit3A_190 : f32 to vector<1000x16xf32>
    %select_n3A_193 = arith.select %eq3A_188, %broadcast_in_dim3A_191, %broadcast_in_dim3A_192 : vector<1000x16xi1>, vector<1000x16xf32>
    %swap3A_194 = arith.constant 0 : index
    %swap3A_195 = arith.constant 128 : index
    %swap3A_196 = vector.load %arg6[%swap3A_194, %swap3A_195] : memref<1000x144xf32, #tpu.memory_space<vmem>>, vector<1000x16xf32>
    tpu.vector_store %arg6[%swap3A_194, %swap3A_195], %select_n3A_193 {strides = array<i32>} : memref<1000x144xf32, #tpu.memory_space<vmem>>, vector<1000x16xf32>,
    return
  }
}

module attributes {stable_mosaic.version = 14 : i64} {
  func.func @_dense1_kernel(%arg0: memref<2x7040x144xf32, #tpu.memory_space<vmem>>, %arg1: memref<1000x144xf32, #tpu.memory_space<vmem>>, %arg2: memref<1000x1xi32, #tpu.memory_space<vmem>>, %arg3: memref<7x349x128xf32, #tpu.memory_space<vmem>>, %arg4: memref<4x349x128xf32, #tpu.memory_space<vmem>>, %arg5: memref<4x349xf32, #tpu.memory_space<vmem>>, %arg6: memref<1000x349xf32, #tpu.memory_space<vmem>>) attributes {dimension_semantics = [], scalar_prefetch = 0 : i64, scratch_operands = 0 : i64, tpu.core_type = #tpu.core_type<tc>} {
    %get3A = arith.constant 0 : index
    %get3A_0 = arith.constant 0 : index
    %get3A_1 = arith.constant 0 : index
    %get3A_2 = vector.load %arg0[%get3A, %get3A_0, %get3A_1] : memref<2x7040x144xf32, #tpu.memory_space<vmem>>, vector<1x7040x144xf32>
    %get3A_3 = vector.shape_cast %get3A_2 : vector<1x7040x144xf32> to vector<7040x144xf32>
    %get3A_4 = arith.constant 1 : index
    %get3A_5 = arith.constant 0 : index
    %get3A_6 = arith.constant 0 : index
    %get3A_7 = vector.load %arg0[%get3A_4, %get3A_5, %get3A_6] : memref<2x7040x144xf32, #tpu.memory_space<vmem>>, vector<1x7040x144xf32>
    %get3A_8 = vector.shape_cast %get3A_7 : vector<1x7040x144xf32> to vector<7040x144xf32>
    %add3A = arith.addf %get3A_3, %get3A_8 : vector<7040x144xf32>
    %slice3A = vector.extract_strided_slice %add3A {offsets = [0, 0], sizes = [7000, 128], strides = [1, 1]} : vector<7040x144xf32> to vector<7000x128xf32>
    %slice3A_9 = vector.extract_strided_slice %add3A {offsets = [0, 128], sizes = [7000, 1], strides = [1, 1]} : vector<7040x144xf32> to vector<7000x1xf32>
    %max3A = arith.constant 1.000000e+00 : f32
    %max3A_10 = vector.broadcast %max3A : f32 to vector<7000x1xf32>
    %max3A_11 = arith.maximumf %slice3A_9, %max3A_10 : vector<7000x1xf32>
    %div3A = vector.broadcast %max3A_11 : vector<7000x1xf32> to vector<7000x128xf32>
    %div3A_12 = arith.divf %slice3A, %div3A : vector<7000x128xf32>
    %broadcast_in_dim3A = arith.constant 0.000000e+00 : f32
    %broadcast_in_dim3A_13 = vector.broadcast %broadcast_in_dim3A : f32 to vector<1000x349xf32>
    %slice3A_14 = vector.extract_strided_slice %div3A_12 {offsets = [0, 0], sizes = [1000, 128], strides = [1, 1]} : vector<7000x128xf32> to vector<1000x128xf32>
    %get3A_15 = arith.constant 0 : index
    %get3A_16 = arith.constant 0 : index
    %get3A_17 = arith.constant 0 : index
    %get3A_18 = vector.load %arg3[%get3A_15, %get3A_16, %get3A_17] : memref<7x349x128xf32, #tpu.memory_space<vmem>>, vector<1x349x128xf32>
    %get3A_19 = vector.shape_cast %get3A_18 : vector<1x349x128xf32> to vector<349x128xf32>
    %transpose3A = tpu.transpose %get3A_19, [1, 0] : vector<349x128xf32> -> vector<128x349xf32>
    %dot_general3A = arith.constant dense<0.000000e+00> : vector<1000x349xf32>
    %dot_general3A_20 = tpu.matmul %slice3A_14, %transpose3A, %dot_general3A {dimension_numbers = #tpu.dot_dimension_numbers<[1], [0], [0], [1], [0, 0, 1, 1], [], []>, transpose_lhs_hint = false} : vector<1000x128xf32>, vector<128x349xf32>, vector<1000x349xf32> -> vector<1000x349xf32>
    %add3A_21 = arith.addf %broadcast_in_dim3A_13, %dot_general3A_20 : vector<1000x349xf32>
    %slice3A_22 = vector.extract_strided_slice %div3A_12 {offsets = [1000, 0], sizes = [1000, 128], strides = [1, 1]} : vector<7000x128xf32> to vector<1000x128xf32>
    %get3A_23 = arith.constant 1 : index
    %get3A_24 = arith.constant 0 : index
    %get3A_25 = arith.constant 0 : index
    %get3A_26 = vector.load %arg3[%get3A_23, %get3A_24, %get3A_25] : memref<7x349x128xf32, #tpu.memory_space<vmem>>, vector<1x349x128xf32>
    %get3A_27 = vector.shape_cast %get3A_26 : vector<1x349x128xf32> to vector<349x128xf32>
    %transpose3A_28 = tpu.transpose %get3A_27, [1, 0] : vector<349x128xf32> -> vector<128x349xf32>
    %dot_general3A_29 = arith.constant dense<0.000000e+00> : vector<1000x349xf32>
    %dot_general3A_30 = tpu.matmul %slice3A_22, %transpose3A_28, %dot_general3A_29 {dimension_numbers = #tpu.dot_dimension_numbers<[1], [0], [0], [1], [0, 0, 1, 1], [], []>, transpose_lhs_hint = false} : vector<1000x128xf32>, vector<128x349xf32>, vector<1000x349xf32> -> vector<1000x349xf32>
    %add3A_31 = arith.addf %add3A_21, %dot_general3A_30 : vector<1000x349xf32>
    %slice3A_32 = vector.extract_strided_slice %div3A_12 {offsets = [2000, 0], sizes = [1000, 128], strides = [1, 1]} : vector<7000x128xf32> to vector<1000x128xf32>
    %get3A_33 = arith.constant 2 : index
    %get3A_34 = arith.constant 0 : index
    %get3A_35 = arith.constant 0 : index
    %get3A_36 = vector.load %arg3[%get3A_33, %get3A_34, %get3A_35] : memref<7x349x128xf32, #tpu.memory_space<vmem>>, vector<1x349x128xf32>
    %get3A_37 = vector.shape_cast %get3A_36 : vector<1x349x128xf32> to vector<349x128xf32>
    %transpose3A_38 = tpu.transpose %get3A_37, [1, 0] : vector<349x128xf32> -> vector<128x349xf32>
    %dot_general3A_39 = arith.constant dense<0.000000e+00> : vector<1000x349xf32>
    %dot_general3A_40 = tpu.matmul %slice3A_32, %transpose3A_38, %dot_general3A_39 {dimension_numbers = #tpu.dot_dimension_numbers<[1], [0], [0], [1], [0, 0, 1, 1], [], []>, transpose_lhs_hint = false} : vector<1000x128xf32>, vector<128x349xf32>, vector<1000x349xf32> -> vector<1000x349xf32>
    %add3A_41 = arith.addf %add3A_31, %dot_general3A_40 : vector<1000x349xf32>
    %slice3A_42 = vector.extract_strided_slice %div3A_12 {offsets = [3000, 0], sizes = [1000, 128], strides = [1, 1]} : vector<7000x128xf32> to vector<1000x128xf32>
    %get3A_43 = arith.constant 3 : index
    %get3A_44 = arith.constant 0 : index
    %get3A_45 = arith.constant 0 : index
    %get3A_46 = vector.load %arg3[%get3A_43, %get3A_44, %get3A_45] : memref<7x349x128xf32, #tpu.memory_space<vmem>>, vector<1x349x128xf32>
    %get3A_47 = vector.shape_cast %get3A_46 : vector<1x349x128xf32> to vector<349x128xf32>
    %transpose3A_48 = tpu.transpose %get3A_47, [1, 0] : vector<349x128xf32> -> vector<128x349xf32>
    %dot_general3A_49 = arith.constant dense<0.000000e+00> : vector<1000x349xf32>
    %dot_general3A_50 = tpu.matmul %slice3A_42, %transpose3A_48, %dot_general3A_49 {dimension_numbers = #tpu.dot_dimension_numbers<[1], [0], [0], [1], [0, 0, 1, 1], [], []>, transpose_lhs_hint = false} : vector<1000x128xf32>, vector<128x349xf32>, vector<1000x349xf32> -> vector<1000x349xf32>
    %add3A_51 = arith.addf %add3A_41, %dot_general3A_50 : vector<1000x349xf32>
    %slice3A_52 = vector.extract_strided_slice %div3A_12 {offsets = [4000, 0], sizes = [1000, 128], strides = [1, 1]} : vector<7000x128xf32> to vector<1000x128xf32>
    %get3A_53 = arith.constant 4 : index
    %get3A_54 = arith.constant 0 : index
    %get3A_55 = arith.constant 0 : index
    %get3A_56 = vector.load %arg3[%get3A_53, %get3A_54, %get3A_55] : memref<7x349x128xf32, #tpu.memory_space<vmem>>, vector<1x349x128xf32>
    %get3A_57 = vector.shape_cast %get3A_56 : vector<1x349x128xf32> to vector<349x128xf32>
    %transpose3A_58 = tpu.transpose %get3A_57, [1, 0] : vector<349x128xf32> -> vector<128x349xf32>
    %dot_general3A_59 = arith.constant dense<0.000000e+00> : vector<1000x349xf32>
    %dot_general3A_60 = tpu.matmul %slice3A_52, %transpose3A_58, %dot_general3A_59 {dimension_numbers = #tpu.dot_dimension_numbers<[1], [0], [0], [1], [0, 0, 1, 1], [], []>, transpose_lhs_hint = false} : vector<1000x128xf32>, vector<128x349xf32>, vector<1000x349xf32> -> vector<1000x349xf32>
    %add3A_61 = arith.addf %add3A_51, %dot_general3A_60 : vector<1000x349xf32>
    %slice3A_62 = vector.extract_strided_slice %div3A_12 {offsets = [5000, 0], sizes = [1000, 128], strides = [1, 1]} : vector<7000x128xf32> to vector<1000x128xf32>
    %get3A_63 = arith.constant 5 : index
    %get3A_64 = arith.constant 0 : index
    %get3A_65 = arith.constant 0 : index
    %get3A_66 = vector.load %arg3[%get3A_63, %get3A_64, %get3A_65] : memref<7x349x128xf32, #tpu.memory_space<vmem>>, vector<1x349x128xf32>
    %get3A_67 = vector.shape_cast %get3A_66 : vector<1x349x128xf32> to vector<349x128xf32>
    %transpose3A_68 = tpu.transpose %get3A_67, [1, 0] : vector<349x128xf32> -> vector<128x349xf32>
    %dot_general3A_69 = arith.constant dense<0.000000e+00> : vector<1000x349xf32>
    %dot_general3A_70 = tpu.matmul %slice3A_62, %transpose3A_68, %dot_general3A_69 {dimension_numbers = #tpu.dot_dimension_numbers<[1], [0], [0], [1], [0, 0, 1, 1], [], []>, transpose_lhs_hint = false} : vector<1000x128xf32>, vector<128x349xf32>, vector<1000x349xf32> -> vector<1000x349xf32>
    %add3A_71 = arith.addf %add3A_61, %dot_general3A_70 : vector<1000x349xf32>
    %slice3A_72 = vector.extract_strided_slice %div3A_12 {offsets = [6000, 0], sizes = [1000, 128], strides = [1, 1]} : vector<7000x128xf32> to vector<1000x128xf32>
    %get3A_73 = arith.constant 6 : index
    %get3A_74 = arith.constant 0 : index
    %get3A_75 = arith.constant 0 : index
    %get3A_76 = vector.load %arg3[%get3A_73, %get3A_74, %get3A_75] : memref<7x349x128xf32, #tpu.memory_space<vmem>>, vector<1x349x128xf32>
    %get3A_77 = vector.shape_cast %get3A_76 : vector<1x349x128xf32> to vector<349x128xf32>
    %transpose3A_78 = tpu.transpose %get3A_77, [1, 0] : vector<349x128xf32> -> vector<128x349xf32>
    %dot_general3A_79 = arith.constant dense<0.000000e+00> : vector<1000x349xf32>
    %dot_general3A_80 = tpu.matmul %slice3A_72, %transpose3A_78, %dot_general3A_79 {dimension_numbers = #tpu.dot_dimension_numbers<[1], [0], [0], [1], [0, 0, 1, 1], [], []>, transpose_lhs_hint = false} : vector<1000x128xf32>, vector<128x349xf32>, vector<1000x349xf32> -> vector<1000x349xf32>
    %add3A_81 = arith.addf %add3A_71, %dot_general3A_80 : vector<1000x349xf32>
    %get3A_82 = arith.constant 0 : index
    %get3A_83 = arith.constant 0 : index
    %get3A_84 = vector.load %arg1[%get3A_82, %get3A_83] : memref<1000x144xf32, #tpu.memory_space<vmem>>, vector<1000x128xf32>
    %get3A_85 = arith.constant 0 : index
    %get3A_86 = arith.constant 0 : index
    %get3A_87 = vector.load %arg2[%get3A_85, %get3A_86] : memref<1000x1xi32, #tpu.memory_space<vmem>>, vector<1000x1xi32>
    %get3A_88 = arith.constant 0 : index
    %get3A_89 = arith.constant 0 : index
    %get3A_90 = arith.constant 0 : index
    %get3A_91 = vector.load %arg4[%get3A_88, %get3A_89, %get3A_90] : memref<4x349x128xf32, #tpu.memory_space<vmem>>, vector<1x349x128xf32>
    %get3A_92 = vector.shape_cast %get3A_91 : vector<1x349x128xf32> to vector<349x128xf32>
    %transpose3A_93 = tpu.transpose %get3A_92, [1, 0] : vector<349x128xf32> -> vector<128x349xf32>
    %dot_general3A_94 = arith.constant dense<0.000000e+00> : vector<1000x349xf32>
    %dot_general3A_95 = tpu.matmul %get3A_84, %transpose3A_93, %dot_general3A_94 {dimension_numbers = #tpu.dot_dimension_numbers<[1], [0], [0], [1], [0, 0, 1, 1], [], []>, transpose_lhs_hint = false} : vector<1000x128xf32>, vector<128x349xf32>, vector<1000x349xf32> -> vector<1000x349xf32>
    %get3A_96 = arith.constant 0 : index
    %get3A_97 = arith.constant 0 : index
    %get3A_98 = vector.load %arg5[%get3A_96, %get3A_97] : memref<4x349xf32, #tpu.memory_space<vmem>>, vector<1x349xf32>
    %get3A_99 = vector.shape_cast %get3A_98 : vector<1x349xf32> to vector<349xf32>
    %broadcast_in_dim3A_100 = vector.shape_cast %get3A_99 : vector<349xf32> to vector<1x349xf32>
    %add3A_101 = vector.broadcast %broadcast_in_dim3A_100 : vector<1x349xf32> to vector<1000x349xf32>
    %add3A_102 = arith.addf %dot_general3A_95, %add3A_101 : vector<1000x349xf32>
    %eq3A = arith.constant 0 : i32
    %eq3A_103 = vector.broadcast %eq3A : i32 to vector<1000x1xi32>
    %eq3A_104 = arith.cmpi eq, %get3A_87, %eq3A_103 : vector<1000x1xi32>
    %jit3A = arith.constant 0.000000e+00 : f32
    %broadcast_in_dim3A_105 = vector.shape_cast %eq3A_104 : vector<1000x1xi1> to vector<1000x1xi1>
    %broadcast_in_dim3A_106 = vector.broadcast %broadcast_in_dim3A_105 : vector<1000x1xi1> to vector<1000x349xi1>
    %broadcast_in_dim3A_107 = vector.broadcast %jit3A : f32 to vector<1000x349xf32>
    %select_n3A = arith.select %broadcast_in_dim3A_106, %add3A_102, %broadcast_in_dim3A_107 : vector<1000x349xi1>, vector<1000x349xf32>
    %add3A_108 = arith.addf %add3A_81, %select_n3A : vector<1000x349xf32>
    %get3A_109 = arith.constant 1 : index
    %get3A_110 = arith.constant 0 : index
    %get3A_111 = arith.constant 0 : index
    %get3A_112 = vector.load %arg4[%get3A_109, %get3A_110, %get3A_111] : memref<4x349x128xf32, #tpu.memory_space<vmem>>, vector<1x349x128xf32>
    %get3A_113 = vector.shape_cast %get3A_112 : vector<1x349x128xf32> to vector<349x128xf32>
    %transpose3A_114 = tpu.transpose %get3A_113, [1, 0] : vector<349x128xf32> -> vector<128x349xf32>
    %dot_general3A_115 = arith.constant dense<0.000000e+00> : vector<1000x349xf32>
    %dot_general3A_116 = tpu.matmul %get3A_84, %transpose3A_114, %dot_general3A_115 {dimension_numbers = #tpu.dot_dimension_numbers<[1], [0], [0], [1], [0, 0, 1, 1], [], []>, transpose_lhs_hint = false} : vector<1000x128xf32>, vector<128x349xf32>, vector<1000x349xf32> -> vector<1000x349xf32>
    %get3A_117 = arith.constant 1 : index
    %get3A_118 = arith.constant 0 : index
    %get3A_119 = vector.load %arg5[%get3A_117, %get3A_118] : memref<4x349xf32, #tpu.memory_space<vmem>>, vector<1x349xf32>
    %get3A_120 = vector.shape_cast %get3A_119 : vector<1x349xf32> to vector<349xf32>
    %broadcast_in_dim3A_121 = vector.shape_cast %get3A_120 : vector<349xf32> to vector<1x349xf32>
    %add3A_122 = vector.broadcast %broadcast_in_dim3A_121 : vector<1x349xf32> to vector<1000x349xf32>
    %add3A_123 = arith.addf %dot_general3A_116, %add3A_122 : vector<1000x349xf32>
    %eq3A_124 = arith.constant 1 : i32
    %eq3A_125 = vector.broadcast %eq3A_124 : i32 to vector<1000x1xi32>
    %eq3A_126 = arith.cmpi eq, %get3A_87, %eq3A_125 : vector<1000x1xi32>
    %jit3A_127 = arith.constant 0.000000e+00 : f32
    %broadcast_in_dim3A_128 = vector.shape_cast %eq3A_126 : vector<1000x1xi1> to vector<1000x1xi1>
    %broadcast_in_dim3A_129 = vector.broadcast %broadcast_in_dim3A_128 : vector<1000x1xi1> to vector<1000x349xi1>
    %broadcast_in_dim3A_130 = vector.broadcast %jit3A_127 : f32 to vector<1000x349xf32>
    %select_n3A_131 = arith.select %broadcast_in_dim3A_129, %add3A_123, %broadcast_in_dim3A_130 : vector<1000x349xi1>, vector<1000x349xf32>
    %add3A_132 = arith.addf %add3A_108, %select_n3A_131 : vector<1000x349xf32>
    %get3A_133 = arith.constant 2 : index
    %get3A_134 = arith.constant 0 : index
    %get3A_135 = arith.constant 0 : index
    %get3A_136 = vector.load %arg4[%get3A_133, %get3A_134, %get3A_135] : memref<4x349x128xf32, #tpu.memory_space<vmem>>, vector<1x349x128xf32>
    %get3A_137 = vector.shape_cast %get3A_136 : vector<1x349x128xf32> to vector<349x128xf32>
    %transpose3A_138 = tpu.transpose %get3A_137, [1, 0] : vector<349x128xf32> -> vector<128x349xf32>
    %dot_general3A_139 = arith.constant dense<0.000000e+00> : vector<1000x349xf32>
    %dot_general3A_140 = tpu.matmul %get3A_84, %transpose3A_138, %dot_general3A_139 {dimension_numbers = #tpu.dot_dimension_numbers<[1], [0], [0], [1], [0, 0, 1, 1], [], []>, transpose_lhs_hint = false} : vector<1000x128xf32>, vector<128x349xf32>, vector<1000x349xf32> -> vector<1000x349xf32>
    %get3A_141 = arith.constant 2 : index
    %get3A_142 = arith.constant 0 : index
    %get3A_143 = vector.load %arg5[%get3A_141, %get3A_142] : memref<4x349xf32, #tpu.memory_space<vmem>>, vector<1x349xf32>
    %get3A_144 = vector.shape_cast %get3A_143 : vector<1x349xf32> to vector<349xf32>
    %broadcast_in_dim3A_145 = vector.shape_cast %get3A_144 : vector<349xf32> to vector<1x349xf32>
    %add3A_146 = vector.broadcast %broadcast_in_dim3A_145 : vector<1x349xf32> to vector<1000x349xf32>
    %add3A_147 = arith.addf %dot_general3A_140, %add3A_146 : vector<1000x349xf32>
    %eq3A_148 = arith.constant 2 : i32
    %eq3A_149 = vector.broadcast %eq3A_148 : i32 to vector<1000x1xi32>
    %eq3A_150 = arith.cmpi eq, %get3A_87, %eq3A_149 : vector<1000x1xi32>
    %jit3A_151 = arith.constant 0.000000e+00 : f32
    %broadcast_in_dim3A_152 = vector.shape_cast %eq3A_150 : vector<1000x1xi1> to vector<1000x1xi1>
    %broadcast_in_dim3A_153 = vector.broadcast %broadcast_in_dim3A_152 : vector<1000x1xi1> to vector<1000x349xi1>
    %broadcast_in_dim3A_154 = vector.broadcast %jit3A_151 : f32 to vector<1000x349xf32>
    %select_n3A_155 = arith.select %broadcast_in_dim3A_153, %add3A_147, %broadcast_in_dim3A_154 : vector<1000x349xi1>, vector<1000x349xf32>
    %add3A_156 = arith.addf %add3A_132, %select_n3A_155 : vector<1000x349xf32>
    %get3A_157 = arith.constant 3 : index
    %get3A_158 = arith.constant 0 : index
    %get3A_159 = arith.constant 0 : index
    %get3A_160 = vector.load %arg4[%get3A_157, %get3A_158, %get3A_159] : memref<4x349x128xf32, #tpu.memory_space<vmem>>, vector<1x349x128xf32>
    %get3A_161 = vector.shape_cast %get3A_160 : vector<1x349x128xf32> to vector<349x128xf32>
    %transpose3A_162 = tpu.transpose %get3A_161, [1, 0] : vector<349x128xf32> -> vector<128x349xf32>
    %dot_general3A_163 = arith.constant dense<0.000000e+00> : vector<1000x349xf32>
    %dot_general3A_164 = tpu.matmul %get3A_84, %transpose3A_162, %dot_general3A_163 {dimension_numbers = #tpu.dot_dimension_numbers<[1], [0], [0], [1], [0, 0, 1, 1], [], []>, transpose_lhs_hint = false} : vector<1000x128xf32>, vector<128x349xf32>, vector<1000x349xf32> -> vector<1000x349xf32>
    %get3A_165 = arith.constant 3 : index
    %get3A_166 = arith.constant 0 : index
    %get3A_167 = vector.load %arg5[%get3A_165, %get3A_166] : memref<4x349xf32, #tpu.memory_space<vmem>>, vector<1x349xf32>
    %get3A_168 = vector.shape_cast %get3A_167 : vector<1x349xf32> to vector<349xf32>
    %broadcast_in_dim3A_169 = vector.shape_cast %get3A_168 : vector<349xf32> to vector<1x349xf32>
    %add3A_170 = vector.broadcast %broadcast_in_dim3A_169 : vector<1x349xf32> to vector<1000x349xf32>
    %add3A_171 = arith.addf %dot_general3A_164, %add3A_170 : vector<1000x349xf32>
    %eq3A_172 = arith.constant 3 : i32
    %eq3A_173 = vector.broadcast %eq3A_172 : i32 to vector<1000x1xi32>
    %eq3A_174 = arith.cmpi eq, %get3A_87, %eq3A_173 : vector<1000x1xi32>
    %jit3A_175 = arith.constant 0.000000e+00 : f32
    %broadcast_in_dim3A_176 = vector.shape_cast %eq3A_174 : vector<1000x1xi1> to vector<1000x1xi1>
    %broadcast_in_dim3A_177 = vector.broadcast %broadcast_in_dim3A_176 : vector<1000x1xi1> to vector<1000x349xi1>
    %broadcast_in_dim3A_178 = vector.broadcast %jit3A_175 : f32 to vector<1000x349xf32>
    %select_n3A_179 = arith.select %broadcast_in_dim3A_177, %add3A_171, %broadcast_in_dim3A_178 : vector<1000x349xi1>, vector<1000x349xf32>
    %add3A_180 = arith.addf %add3A_156, %select_n3A_179 : vector<1000x349xf32>
    %reduce_max3A = arith.constant dense<0xFF800000> : vector<1000xf32>
    %reduce_max3A_181 = vector.multi_reduction <maximumf>, %add3A_180, %reduce_max3A [1] : vector<1000x349xf32> to vector<1000xf32>
    %broadcast_in_dim3A_182 = vector.shape_cast %reduce_max3A_181 : vector<1000xf32> to vector<1000x1xf32>
    %sub3A = vector.broadcast %broadcast_in_dim3A_182 : vector<1000x1xf32> to vector<1000x349xf32>
    %sub3A_183 = arith.subf %add3A_180, %sub3A : vector<1000x349xf32>
    %exp3A = math.exp %sub3A_183 : vector<1000x349xf32>
    %reduce_sum3A = arith.constant dense<0.000000e+00> : vector<1000xf32>
    %reduce_sum3A_184 = vector.multi_reduction <add>, %exp3A, %reduce_sum3A [1] : vector<1000x349xf32> to vector<1000xf32>
    %broadcast_in_dim3A_185 = vector.shape_cast %reduce_sum3A_184 : vector<1000xf32> to vector<1000x1xf32>
    %log3A = math.log %broadcast_in_dim3A_185 : vector<1000x1xf32>
    %sub3A_186 = vector.broadcast %broadcast_in_dim3A_182 : vector<1000x1xf32> to vector<1000x349xf32>
    %sub3A_187 = arith.subf %add3A_180, %sub3A_186 : vector<1000x349xf32>
    %sub3A_188 = vector.broadcast %log3A : vector<1000x1xf32> to vector<1000x349xf32>
    %sub3A_189 = arith.subf %sub3A_187, %sub3A_188 : vector<1000x349xf32>
    %swap3A = arith.constant 0 : index
    %swap3A_190 = arith.constant 0 : index
    %swap3A_191 = vector.load %arg6[%swap3A, %swap3A_190] : memref<1000x349xf32, #tpu.memory_space<vmem>>, vector<1000x349xf32>
    tpu.vector_store %arg6[%swap3A, %swap3A_190], %sub3A_189 {strides = array<i32>} : memref<1000x349xf32, #tpu.memory_space<vmem>>, vector<1000x349xf32>,
    return
  }
}

</mosaic_0001>

<sc_bundles>
// kernel: kernel.6.cloned.1.call-start
scs
__scs_entry_jumppad:
0x0: {  	(pc) =	sbr.rel $0x88, $3  }
0x1: {  	(tag) =	ssettag $0x0;
	lr =	simm.s32 $0x1  }
0x2: {  	[smem:$0x3F92] =	sst lr;
	_ =	strace $0xD0000000  }
0x3: {  	_ = 	snop  }
0x4: {  	_ = 	snop  }
0x5: {  	_ = 	snop  }
0x6: {  	_ = 	snop  }
0x7: {  	_ = 	snop  }
__scs_overlays_trampoline_lowered:
0x8: {  	[smem:$0x3FA1] =	sst s0  }
0x9: {  	[smem:$0x3FA2] =	sst s1  }
0xa: {  	[smem:$0x3FA3] =	sst s2  }
0xb: {  	[smem:$0x3FA4] =	sst s3  }
0xc: {  	[smem:$0x3FA5] =	sst s4  }
0xd: {  	[smem:$0x3FA6] =	sst s5  }
0xe: {  	[smem:$0x3FA7] =	sst s6  }
0xf: {  	[smem:$0x3FA8] =	sst s7  }
0x10: {  	[smem:$0x3FA9] =	sst s8  }
0x11: {  	[smem:$0x3FAA] =	sst s9;
	s0 =	simm.s32 @!p0 $0x0  }
0x12: {  	s1 =	sld [smem:$0x3F90];
	s0 =	simm.s32 @p0 $0x1  }
0x13: {  	[smem:$0x3FAB] =	sst s0;
	s0 =	simm.s32 @!p1 $0x0  }
0x14: {  	s2 =	sld [smem:$0x3F8F];
	s0 =	simm.s32 @p1 $0x1  }
0x15: {  	[smem:$0x3FAC] =	sst s0;
	s0 =	simm.s32 @!p2 $0x0  }
0x16: {  	s3 =	sld [smem:$0x3FDB];
	s0 =	simm.s32 @p2 $0x1  }
0x17: {  	s4 =	simm.s32 $0x1BF5;
	[smem:$0x3FAE] =	sst s0  }
0x18: {  	s0 =	sld [smem:$0x3F91];
	_ =	swait.ge [sflag:s4], $0x0  }
0x19: {  	s7 =	sld [smem:$0x3F92]  }
0x1a: {  	s8 =	sadd.s32 $0xFFFFE003, lr  }
0x1b: {  	s9 =	sadd.s32 $0xFFFFFEF7, lr;
	s5 =	simm.s32 $0xFFFFFFFF;
	p2 =	slt.u32 s8, $0xFFFFF086  }
0x1c: {  	p1 =	slt.u32 s9, $0xF7A;
	s5 =	simm.s32 @!p2 $0x0  }
0x1d: {  	s5 =	simm.s32 @p1 $0x1;
	p0 =	seq.s32 s7, s2  }
0x1e: {  	s7 =	smul.u32 @!p0 $0xF7A, s2;
	p2 =	seq.s32 @!p0 s5, $0x0  }
0x1f: {  	s9 =	smul.u32 $0xF7A, s1;
	s8 =	simm.s32 @!p0 $0x1BF5;
	p2 =	por !p2, p0  }
0x20: {  	[sflag:s8] =	ssyncset.s32 @!p0 $0xFFFFF086;
	s6 =	sadd.s32 @!p0 s3, s7;
	s7 =	simm.s32 @!p0 $0x108  }
0x21: {  	s3 =	sadd.s32 s3, s9;
	s6 =	sadd.s32 @!p0 $0x88, s6;
	s7 =	simm.s32 @p2 $0x1082  }
0x22: {  	[simem:s7], [sflag:s8] =	dma.local @!p0 [hbm:s6], $0xF7A  }
0x23: {  	s9 =	sor.u32 $0xD0000000, s2;
	s6 =	simm.s32 $0x108;
	_ =	swait.ge @!p0 [sflag:s8], $0x0  }
0x24: {  	s3 =	sadd.s32 $0x88, s3;
	s6 =	simm.s32 @!p1 $0x1082;
	[sflag:s4] =	ssyncset.s32 $0xFFFFF086  }
0x25: {  	[simem:s6], [sflag:s4] =	dma.local [hbm:s3], $0xF7A  }
0x26: {  	[smem:$0x3F92] =	sst s1;
	(tag) =	ssettag s2;
	_ =	strace s9  }
0x27: {  	s1 =	sld [smem:$0x3FA2]  }
0x28: {  	s2 =	sld [smem:$0x3FA3]  }
0x29: {  	s4 =	sld [smem:$0x3FA5]  }
0x2a: {  	p0 =	seq.s32 s5, $0x0;
	s5 =	sld [smem:$0x3FA6]  }
0x2b: {  	s6 =	sld [smem:$0x3FA7]  }
0x2c: {  	s7 =	sld [smem:$0x3FA8]  }
0x2d: {  	s3 =	simm.s32 $0x108;
	s8 =	sld [smem:$0x3FA9]  }
0x2e: {  	s3 =	simm.s32 @!p0 $0x1082;
	s9 =	sld [smem:$0x3FAA]  }
0x2f: {  	lr =	sadd.s32 s0, s3;
	s0 =	sld [smem:$0x3FA1]  }
0x30: {  	s3 =	sld [smem:$0x3FA4]  }
0x31: {  	[smem:$0x3FAD] =	sst s10  }
0x32: {  	s10 =	sld [smem:$0x3FAB];
	_ =	sdelay $0x3  }
0x33: {  	p0 =	seq.s32 s10, $0x1;
	s10 =	sld [smem:$0x3FAD];
	_ =	sdelay $0x3  }
0x34: {  	[smem:$0x3FAD] =	sst s10  }
0x35: {  	s10 =	sld [smem:$0x3FAC];
	_ =	sdelay $0x3  }
0x36: {  	p1 =	seq.s32 s10, $0x1;
	s10 =	sld [smem:$0x3FAD];
	_ =	sdelay $0x3  }
0x37: {  	[smem:$0x3FAD] =	sst s10  }
0x38: {  	s10 =	sld [smem:$0x3FAE]  }
0x39: {  	_ = 	snop;
	(pc) =	sbr.ind lr, $3  }
0x3a: {  	_ = 	snop  }
0x3b: {  	_ = 	snop  }
0x3c: {  	p2 =	seq.s32 s10, $0x1;
	s10 =	sld [smem:$0x3FAD]  }
0x3d: {  	_ =	shalt  }
0x3e: {  	_ =	shalt  }
0x3f: {  	_ =	shalt  }
0x40: {  	_ =	shalt  }
0x41: {  	_ =	shalt  }
0x42: {  	_ =	shalt  }
0x43: {  	_ =	shalt  }
0x44: {  	_ =	shalt  }
0x45: {  	_ =	shalt  }
0x46: {  	_ =	shalt  }
0x47: {  	_ =	shalt  }
0x48: {  	_ =	shalt  }
0x49: {  	_ =	shalt  }
0x4a: {  	_ =	shalt  }
0x4b: {  	_ =	shalt  }
0x4c: {  	_ =	shalt  }
0x4d: {  	_ =	shalt  }
0x4e: {  	_ =	shalt  }
0x4f: {  	_ =	shalt  }
0x50: {  	_ =	shalt  }
0x51: {  	_ =	shalt  }
0x52: {  	_ =	shalt  }
0x53: {  	_ =	shalt  }
0x54: {  	_ =	shalt  }
0x55: {  	_ =	shalt  }
0x56: {  	_ =	shalt  }
0x57: {  	_ =	shalt  }
0x58: {  	_ =	shalt  }
0x59: {  	_ =	shalt  }
0x5a: {  	_ =	shalt  }
0x5b: {  	_ =	shalt  }
0x5c: {  	_ =	shalt  }
0x5d: {  	_ =	shalt  }
0x5e: {  	_ =	shalt  }
0x5f: {  	_ =	shalt  }
0x60: {  	_ =	shalt  }
0x61: {  	_ =	shalt  }
0x62: {  	_ =	shalt  }
0x63: {  	_ =	shalt  }
0x64: {  	_ =	shalt  }
0x65: {  	_ =	shalt  }
0x66: {  	_ =	shalt  }
0x67: {  	_ =	shalt  }
0x68: {  	_ =	shalt  }
0x69: {  	_ =	shalt  }
0x6a: {  	_ =	shalt  }
0x6b: {  	_ =	shalt  }
0x6c: {  	_ =	shalt  }
0x6d: {  	_ =	shalt  }
0x6e: {  	_ =	shalt  }
0x6f: {  	_ =	shalt  }
0x70: {  	_ =	shalt  }
0x71: {  	_ =	shalt  }
0x72: {  	_ =	shalt  }
0x73: {  	_ =	shalt  }
0x74: {  	_ =	shalt  }
0x75: {  	_ =	shalt  }
0x76: {  	_ =	shalt  }
0x77: {  	_ =	shalt  }
0x78: {  	_ =	shalt  }
0x79: {  	_ =	shalt  }
0x7a: {  	_ =	shalt  }
0x7b: {  	_ =	shalt  }
0x7c: {  	_ =	shalt  }
0x7d: {  	_ =	shalt  }
0x7e: {  	_ =	shalt  }
0x7f: {  	_ =	shalt  }
0x80: {  	_ =	shalt  }
0x81: {  	_ =	shalt  }
0x82: {  	_ =	shalt  }
0x83: {  	_ =	shalt  }
0x84: {  	_ =	shalt  }
0x85: {  	_ =	shalt  }
0x86: {  	_ =	shalt  }
0x87: {  	_ =	shalt  }
.Lfunc_end0:
.L_simem_size_0:
called_computation_lowered:
.L_overlay_start_0:
0x88: {  	s2 =	sld [smem:$0x3FD9]  }
0x89: {  	s3 =	sld [smem:$0x3FFE];
	_ =	sdelay $0x1  }
0x8a: {  	s1 =	srdreg.scid  }
0x8b: {  	s0 =	sand.u32 $0x1, s1  }
0x8c: {  	s17 =	sshll.u32 s0, $0xA;
	s2 =	sadd.s32 s3, s2  }
0x8d: {  	s2 =	sadd.s32 s2, s17  }
0x8e: {  	[smem:$0x3FB9] =	sst s2  }
0x8f: {  	_ = 	snop  }
0x90: {  	s2 =	sld [smem:$0x3FC9]  }
0x91: {  	s18 =	sld [smem:$0x3FC8]  }
0x92: {  	s4 =	sld [smem:$0x3FC3]  }
0x93: {  	s5 =	sld [smem:$0x3FC2]  }
0x94: {  	s6 =	sld [smem:$0x3FC1]  }
0x95: {  	s7 =	sld [smem:$0x3FD0];
	(tm) =	ssettm $0x1  }
0x96: {  	s8 =	sld [smem:$0x3FFB];
	_ =	sdelay $0x3  }
0x97: {  	_ =	strace s8  }
0x98: {  	s8 =	sld [smem:$0x3FFC];
	_ =	sdelay $0x3  }
0x99: {  	_ =	strace s8  }
0x9a: {  	s8 =	sld [smem:$0x3FFD];
	_ =	sdelay $0x3  }
0x9b: {  	_ =	strace s8  }
0x9c: {  	_ =	strace $0x8FFFFFFF  }
0x9d: {  	s19 =	sld [smem:$0x3FDB];
	_ =	sdelay $0x1  }
0x9e: {  	s9 =	simm.s32 $_scs_section_size  }
0x9f: {  	s10 =	simm.s32 $_size__tile_overlayer_lowered;
	s11 =	simm.s32 $_tile_overlayer_lowered  }
0xa0: {  	s22 =	simm.s32 $0x1BFF;
	s21 =	sshll.u32 s11, $0x1;
	s8 =	sadd.s32 s9, s19  }
0xa1: {  	s12 =	simm.s32 $0x0;
	s20 =	sshll.u32 s10, $0x1;
	s10 =	sadd.s32 s21, s8  }
0xa2: {  	[timem:s12], [sflag:s22] =	dma.local [hbm:s10], s20  }
0xa3: {  	_ =	swait.ge [sflag:s22], s20  }
0xa4: {  	s9 =	ssub.s32 $0x0, s20;
	[sflag:s22] =	ssyncset.done $0x0  }
0xa5: {  	[sflag:s22] =	ssyncadd.s32 s9;
	_ =	sdelay $0x1  }
0xa6: {  	s23 =	simm.s32 $0x1B8B  }
0xa7: {  	_ =	swait.ge [sflag:s23], $0x1  }
0xa8: {  	[sflag:s23] =	ssyncset.done $0x0  }
0xa9: {  	s25 =	simm.s32 $0x1B8E;
	s24 =	sld [smem:$0x3FFE];
	[sflag:s23] =	ssyncadd.s32 $0xFFFFFFFF  }
0xaa: {  	s26 =	simm.s32 $execute0_lowered;
	[smem:$0x3FD2] =	sst s25  }
0xab: {  	s10 =	sshll.u32 s26, $0x1;
	_ =	strace $0x80000046;
	[dreg:$0x1] =	wrdreg $0xFFFFFFFF  }
0xac: {  	s28 =	simm.s32 $_size_execute0_lowered;
	s8 =	sadd.s32 s8, s10;
	[dreg:$0x0] =	wrdreg $0x0  }
0xad: {  	s10 =	sshll.u32 s28, $0x1;
	[dreg:$0x2] =	wrdreg s8  }
0xae: {  	[dreg:$0x3] =	wrdreg s10  }
0xaf: {  	[dreg:$0x4] =	wrdreg $0xC0  }
0xb0: {  	_ =	task [dreg:s12], $0x5FFFF  }
0xb1: {  	[dreg:$0x1] =	wrdreg $0xFFFFFFFF  }
0xb2: {  	[dreg:$0x0] =	wrdreg $0x60  }
0xb3: {  	[dreg:$0x2] =	wrdreg s18  }
0xb4: {  	[dreg:$0x3] =	wrdreg s6  }
0xb5: {  	[dreg:$0x4] =	wrdreg s7  }
0xb6: {  	[dreg:$0x5] =	wrdreg s24  }
0xb7: {  	[dreg:$0x6] =	wrdreg s2  }
0xb8: {  	[dreg:$0x7] =	wrdreg s4  }
0xb9: {  	[dreg:$0x8] =	wrdreg s5  }
0xba: {  	[dreg:$0x9] =	wrdreg $0x101100  }
0xbb: {  	[dreg:$0xa] =	wrdreg $0x9  }
0xbc: {  	_ =	task.clear_ibuf [dreg:s12], $0xBFFFF;
	_ =	strace $0x90000046  }
0xbd: {  	s29 =	simm.s32 $0x9;
	_ =	strace $0x80000048  }
0xbe: {  	_ =	swait.ge [sflag:s29], $0x1  }
0xbf: {  	[sflag:s29] =	ssyncadd.s32 $0xFFFFFFFF  }
0xc0: {  	_ =	strace $0x90000048  }
0xc1: {  	_ =	sfence  }
0xc2: {  	s30 =	sld [smem:$0x0];
	_ =	sdelay $0x2  }
0xc3: {  	s31 =	sshll.u32 s1, $0xD;
	s1 =	sshrl.u32 s1, $0x2  }
0xc4: {  	s3 =	sand.u32 $0x4000, s31;
	s1 =	sadd.s32 s1, s30  }
0xc5: {  	s0 =	sor.u32 s3, s0;
	s1 =	sshll.u32 s1, $0x11  }
0xc6: {  	s0 =	sor.u32 s1, s0  }
0xc7: {  	s0 =	sadd.s32 $0x8F2B, s0  }
0xc8: {  	[sflag:s0] =	ssyncadd.remote.s32 $0x1  }
0xc9: {  	_ =	sfence.sel $0xFFFF  }
0xca: {  	[dreg:$0x0] =	wrdreg $0xFFFFFFFF;
	(pc) =	sbr.abs _section_cstart, $3  }
0xcb: {  	[dreg:$0x1] =	wrdreg $0xFFFFFFFF  }
0xcc: {  	_ =	task.clear_ibuf [dreg:s12], $0x2FFFF;
	_ =	strace $0x9FFFFFFF  }
0xcd: {  	(tm) =	ssettm $0x7FFFFFFF  }
tec
execute0_lowered:
.L_overlay_start_1:
0x0: {  	(tag) =	ssettag $0x1  }
0x1: {  	s17 =	rddreg [dreg:$0x0]  }
0x2: {  	s3 =	rddreg [dreg:$0x2]  }
0x3: {  	s0 =	rddreg [dreg:$0x3]  }
0x4: {  	s1 =	rddreg [dreg:$0x4]  }
0x5: {  	s16 =	rddreg [dreg:$0x5]  }
0x6: {  	s18 =	rddreg [dreg:$0x6]  }
0x7: {  	s6 =	rddreg [dreg:$0x7]  }
0x8: {  	s4 =	simm.s32 $0x0;
	s2 =	srdreg.scid;
	s19 =	stileid.u32  }
0x9: {  	[smem:$0x7FF] =	sst s4;
	s2 =	sand.u32 $0x1, s2;
	s8 =	smul.u32 $0x3DE00, s19  }
0xa: {  	s9 =	sadd.s32 $0x9800, s0;
	s10 =	sadd.s32 $0x1800, s0;
	s22 =	smul.u32 $0xF780, s19  }
0xb: {  	s12 =	sshll.u32 s19, $0x5;
	s13 =	sshll.u32 s19, $0x8;
	s29 =	sshll.u32 s19, $0xE  }
0xc: {  	p1 =	slt.u32 s19, $0x4;
	_ =	strace $0x80000047;
	s21 =	smul.u32 $0x1EF00, s2  }
0xd: {  	s5 =	smul.u32 $0x12000, s2;
	s7 =	ssub.s32 $0x2, s2;
	s1 =	sadd.s32 s1, s12  }
0xe: {  	p0 =	seq.s32 s2, $0x0;
	s24 =	sor.u32 $0x40, s13;
	s25 =	sor.u32 $0x80, s13  }
0xf: {  	s13 =	sor.u32 $0xC0, s13;
	s2 =	sshll.u32 s2, $0xD;
	s11 =	sshrl.u32 s7, $0x1  }
0x10: {  	s8 =	sshrl.u32 s8, $0x2;
	[dreg:$0x9] =	wrdreg s1;
	s14 =	sshrl.u32 s24, $0x3  }
0x11: {  	s15 =	sshrl.u32 s25, $0x3;
	s28 =	sshrl.u32 s13, $0x3;
	s31 =	sshrl.u32 s22, $0x3  }
0x12: {  	s20 =	sadd.s32 s22, s6;
	p0 =	por !p0, !p1;
	s4 =	sadd.s32 s21, s0  }
0x13: {  	s7 =	ssub.s32 s7, s11;
	s11 =	smov.u32 s18;
	s18 =	smul.u32 $0x12, s24  }
0x14: {  	s5 =	sadd.s32 s5, s0;
	s0 =	sadd.s32 $0x11800, s0;
	s21 =	smul.u32 $0x12, s25  }
0x15: {  	s8 =	sadd.s32 s8, s6;
	p3 =	por !p0, !p0;
	s25 =	smul.u32 $0x1200, s19  }
0x16: {  	[dreg:$0xe] =	wrdreg s20;
	s23 =	sadd.s32 s0, s12;
	s14 =	sadd.s32 s0, s14  }
0x17: {  	s26 =	sadd.s32 s0, s15;
	s15 =	simm.s32 $0x0;
	[dreg:$0xa] =	wrdreg s23  }
0x18: {  	s0 =	sadd.s32 s0, s28;
	s30 =	sadd.s32 $0x35A00, s4;
	[dreg:$0xb] =	wrdreg s14  }
0x19: {  	s4 =	sadd.s32 $0x9000, s8;
	s22 =	sadd.s32 $0x11A00, s5;
	[dreg:$0xc] =	wrdreg s26  }
0x1a: {  	s7 =	smax.u32 s7, $0x1;
	s12 =	simm.s32 $0x3;
	[dreg:$0xd] =	wrdreg s0  }
0x1b: {  	s14 =	smov.u32 s16;
	s16 =	sor.u32 s2, s29;
	s0 =	sadd.s32 s31, s30  }
0x1c: {  	s2 =	sadd.s32 $0x4800, s8;
	[dreg:$0x11] =	wrdreg s4;
	s8 =	sadd.s32 $0xD800, s8  }
0x1d: {  	s23 =	smul.u32 $0x12, s13;
	s13 =	smov.u32 s17;
	[dreg:$0x16] =	wrdreg s7  }
0x1e: {  	s29 =	sshll.u32 s19, $0xF;
	s5 =	sadd.s32 s25, s22;
	[dreg:$0xf] =	wrdreg s0  }
0x1f: {  	s30 =	sadd.s32 s21, s22;
	s19 =	simm.s32 $0x4;
	[dreg:$0x10] =	wrdreg s2  }
0x20: {  	s21 =	simm.s32 $0x2B10;
	s25 =	simm.s32 $0x0;
	[dreg:$0x12] =	wrdreg s8  }
0x21: {  	s24 =	sshrl.u32 s16, $0x3;
	[dreg:$0x17] =	wrdreg s5;
	s0 =	sadd.s32 s18, s22  }
0x22: {  	[dreg:$0x19] =	wrdreg s30;
	s2 =	sor.u32 $0x400, s16;
	s5 =	simm.s32 $0x7110  }
0x23: {  	s8 =	simm.s32 $0x5;
	s26 =	sadd.s32 s3, s24;
	[dreg:$0x18] =	wrdreg s0  }
.Ltmp0:
0x24: {  	s28 =	sadd.s32 s9, s24;
	[dreg:$0x13] =	wrdreg s26;
	(pc) =	sbr.rel .LBB2_1-.Ltmp0, $4  }
0x25: {  	s18 =	simm.s32 $0x2;
	s4 =	sadd.s32 s10, s24;
	[dreg:$0x14] =	wrdreg s28  }
0x26: {  	s31 =	sadd.s32 s23, s22;
	s0 =	simm.s32 @!p3 $0x0;
	[dreg:$0x15] =	wrdreg s4  }
0x27: {  	v0 =	vimm.f32 $0.0e+00;
	vm0 =	vcmask $0x300;
	s4 =	sor.u32 $0xDB00000, s29;
	[dreg:$0x1a] =	wrdreg s31;
	s0 =	simm.s32 @p3 $0x1  }
0x28: {  	v3 =	vlaneseq.u32;
	v2 =	vsel vm0, $0x3F800000, v0;
	s23 =	simm.s32 $0x2D10;
	s24 =	simm.s32 $0x2F10;
	v1 =	vmov s4;
	[smem:$0x7FD] =	sst s0  }
.LBB2_27:
0x29: {  	_ = 	snop  }
.LBB2_32:
0x2a: {  	p0 =	por p5, !p3  }
0x2b: {  	[tilespmem:s5], [sflag:$0x1] =	stream.indirect.gather @!p0 [hbm4b:s22+s7], $0x90, s17, s7, $0xb8;
	[tilespmem:$0x1F890] =	vst v63  }
0x2c: {  	p0 =	por p4, !p3  }
0x2d: {  	s5 =	simm.s32 @!p2 $0x1;
	s7 =	sadd.s32 @!p0 $0x80, s20  }
0x2e: {  	[spmem:s6] =	stream.indirect.scatter.add.f32 @!p0 [tilespmem:s0], [sflag:$0x2], $0x90, s7, s4, $0xb8;
	[tilespmem:$0x1F890] =	vst v63  }
0x2f: {  	_ =	swait.ge @!p2 [sflag:s5], $0x4800  }
0x30: {  	[sflag:s5] =	ssyncset.done @!p2 $0x0  }
0x31: {  	s0 =	sadd.s32 @!p2 $0xFFFFFFFF, s30;
	s4 =	simm.s32 @!p2 $0x2;
	[sflag:s5] =	ssyncadd.s32 @!p2 $0xFFFFB800  }
0x32: {  	p0 =	sge.s32 @!p2 s0, s26;
	_ =	swait.ge @!p2 [sflag:s4], $0x4800  }
0x33: {  	s31 =	sadd.s32 $0xFFFFFFFF, s30;
	p0 =	por p0, p2;
	[sflag:s4] =	ssyncset.done @!p2 $0x0  }
0x34: {  	s5 =	simm.s32 @!p0 $0xB910;
	[sflag:s4] =	ssyncadd.s32 @!p2 $0xFFFFB800;
	s4 =	simm.s32 @!p0 $0x80  }
0x35: {  	[tilespmem:s5], [sflag:$0x1] =	stream.indirect.gather @!p0 [hbm4b:s22+s4], $0x90, s28, s4, $0xb8;
	[tilespmem:$0x1F890] =	vst v63  }
0x36: {  	p0 =	sge.s32 s31, s26  }
0x37: {  	s4 =	simm.s32 @!p2 $0x80;
	s5 =	simm.s32 @!p2 $0x7110;
	s0 =	simm.s32 @!p0 $0x1  }
0x38: {  	[spmem:s6] =	stream.indirect.scatter.add.f32 @!p2 [tilespmem:s5], [sflag:$0x2], $0x90, s29, s4, $0xb8;
	[tilespmem:$0x1F890] =	vst v63  }
0x39: {  	_ =	swait.ge @!p0 [sflag:s0], $0x4800  }
0x3a: {  	[sflag:s0] =	ssyncset.done @!p0 $0x0  }
0x3b: {  	p1 =	sge.s32 @!p0 s30, s26;
	[sflag:s0] =	ssyncadd.s32 @!p0 $0xFFFFB800;
	s0 =	simm.s32 @!p0 $0x2  }
0x3c: {  	p1 =	por p1, p0;
	_ =	swait.ge @!p0 [sflag:s0], $0x4800  }
0x3d: {  	s4 =	simm.s32 @!p1 $0x7110;
	[sflag:s0] =	ssyncset.done @!p0 $0x0  }
0x3e: {  	s5 =	simm.s32 @!p1 $0x80;
	[sflag:s0] =	ssyncadd.s32 @!p0 $0xFFFFB800;
	s0 =	sadd.s32 @!p1 $0x80, s28  }
0x3f: {  	[tilespmem:s4], [sflag:$0x1] =	stream.indirect.gather @!p1 [hbm4b:s22+s5], $0x90, s0, s5, $0xb8;
	[tilespmem:$0x1F890] =	vst v63  }
0x40: {  	s0 =	simm.s32 @!p0 $0xB910;
	s4 =	simm.s32 @!p0 $0x80;
	s5 =	sadd.s32 @!p0 $0x80, s29  }
0x41: {  	[spmem:s6] =	stream.indirect.scatter.add.f32 @!p0 [tilespmem:s0], [sflag:$0x2], $0x90, s5, s4, $0xb8;
	[tilespmem:$0x1F890] =	vst v63  }
.LBB2_33:
0x42: {  	s0 =	sld [smem:$0x7FC];
	_ =	sdelay $0x2  }
0x43: {  	p0 =	seq.s32 s0, $0x1  }
0x44: {  	s0 =	simm.s32 @!p0 $0x2  }
0x45: {  	_ =	swait.ge @!p0 [sflag:s0], $0x4800  }
0x46: {  	[sflag:s0] =	ssyncset.done @!p0 $0x0  }
0x47: {  	[sflag:s0] =	ssyncadd.s32 @!p0 $0xFFFFB800  }
0x48: {  	s29 =	stileid.u32;
	[bflag:$0x0] =	sbarrier.arrive $0xFFFF  }
0x49: {  	s0 =	sshll.u32 s29, $0x6;
	s20 =	rddreg [dreg:$0xe]  }
0x4a: {  	s0 =	sor.u32 $0x1C05, s0;
	s1 =	rddreg [dreg:$0xf];
	s4 =	sshrl.u32 s20, $0x3  }
0x4b: {  	[hbm:s1], [sflag:s0] =	dma.local [spmem:s4], $0x1EF0  }
0x4c: {  	_ =	swait.ge [sflag:s8], $0x1EF0  }
0x4d: {  	s25 =	sadd.s32 $0x1, s25;
	s30 =	rddreg [dreg:$0x16]  }
0x4e: {  	p0 =	sne.s32 s25, s30  }
.Ltmp1:
0x4f: {  	_ = 	snop;
	(pc) =	sbr.rel @!p0 .LBB2_34-.Ltmp1, $3  }
0x50: {  	s31 =	sld [smem:$0x7FD];
	_ =	sdelay $0x1  }
0x51: {  	[sflag:s8] =	ssyncset.done $0x0  }
0x52: {  	s5 =	simm.s32 $0x7110;
	[sflag:s8] =	ssyncadd.s32 $0xFFFFE110;
	p3 =	seq.s32 s31, $0x1  }
.LBB2_1:
0x53: {  	s0 =	simm.s32 $0x0;
	s4 =	simm.s32 $0x240  }
.LBB2_2:
0x54: {  	p0 =	sne.s32 s4, $0x11DC0;
	[tilespmem:s0+$0x7190] =	vst v0  }
0x55: {  	[tilespmem:s0+$0x7110] =	vst v0  }
0x56: {  	[tilespmem:s0+$0x7120] =	vst v0  }
0x57: {  	[tilespmem:s0+$0x7130] =	vst v0  }
.Ltmp2:
0x58: {  	[tilespmem:s0+$0x7140] =	vst v0;
	(pc) =	sbr.rel @p0 .LBB2_2-.Ltmp2, $4  }
0x59: {  	[tilespmem:s0+$0x7150] =	vst v0  }
0x5a: {  	[tilespmem:s0+$0x7160] =	vst v0  }
0x5b: {  	[tilespmem:s0+$0x7170] =	vst v0  }
0x5c: {  	[tilespmem:s0+$0x7180] =	vst v0;
	s0 =	sshra.s32 s4, $0x2;
	s4 =	sadd.s32 $0x240, s4  }
0x5d: {  	[tilespmem:s0+$0x7190] =	vst v0  }
0x5e: {  	[tilespmem:s0+$0x7110] =	vst v0  }
0x5f: {  	[tilespmem:s0+$0x7120] =	vst v0  }
0x60: {  	[tilespmem:s0+$0x7130] =	vst v0  }
0x61: {  	[tilespmem:s0+$0x7140] =	vst v0  }
0x62: {  	[tilespmem:s0+$0x7150] =	vst v0  }
0x63: {  	[tilespmem:s0+$0x7160] =	vst v0  }
0x64: {  	[tilespmem:s0+$0x7170] =	vst v0  }
0x65: {  	[tilespmem:s0+$0x7180] =	vst v0  }
0x66: {  	[spmem:s20] =	stream.linear.scatter [tilespmem:s5], [sflag:$0x5], $0x4800, $0x38;
	[tilespmem:$0x1F890] =	vst v63  }
0x67: {  	_ =	swait.ge [sflag:s8], $0x4800  }
0x68: {  	[sflag:s8] =	ssyncset.done $0x0  }
0x69: {  	s7 =	rddreg [dreg:$0x10];
	[sflag:s8] =	ssyncadd.s32 $0xFFFFB800  }
0x6a: {  	[spmem:s7] =	stream.linear.scatter [tilespmem:s5], [sflag:$0x5], $0x4800, $0x38;
	[tilespmem:$0x1F890] =	vst v63  }
0x6b: {  	_ =	swait.ge [sflag:s8], $0x4800  }
0x6c: {  	[sflag:s8] =	ssyncset.done $0x0  }
0x6d: {  	s17 =	rddreg [dreg:$0x11];
	[sflag:s8] =	ssyncadd.s32 $0xFFFFB800  }
0x6e: {  	[spmem:s17] =	stream.linear.scatter [tilespmem:s5], [sflag:$0x5], $0x4800, $0x38;
	[tilespmem:$0x1F890] =	vst v63  }
0x6f: {  	_ =	swait.ge [sflag:s8], $0x4800  }
0x70: {  	[sflag:s8] =	ssyncset.done $0x0  }
0x71: {  	s20 =	rddreg [dreg:$0x12];
	[sflag:s8] =	ssyncadd.s32 $0xFFFFB800  }
0x72: {  	[spmem:s20] =	stream.linear.scatter [tilespmem:s5], [sflag:$0x5], $0x1F80, $0x38;
	[tilespmem:$0x1F890] =	vst v63  }
0x73: {  	_ =	swait.ge [sflag:s8], $0x1F80  }
0x74: {  	[sflag:s8] =	ssyncset.done $0x0  }
0x75: {  	[sflag:s8] =	ssyncadd.s32 $0xFFFFE080  }
0x76: {  	s26 =	simm.s32 $0x0;
	s4 =	simm.s32 $0x390;
	s1 =	rddreg [dreg:$0x1]  }
0x77: {  	[tilespmem:s4], [sflag:$0x5] =	stream.linear.gather [hbm4b:s1+s26], $0x180, $0x38;
	[tilespmem:$0x1F890] =	vst v63  }
0x78: {  	_ =	swait.ge [sflag:s8], $0x180  }
0x79: {  	[sflag:s8] =	ssyncset.done $0x0  }
0x7a: {  	s7 =	rddreg [dreg:$0x9];
	[sflag:s8] =	ssyncadd.s32 $0xFFFFFE80  }
0x7b: {  	[tilespmem:s26], [sflag:$0x5] =	stream.linear.gather [hbm4b:s7+s26], $0x100, $0x38;
	[tilespmem:$0x1F890] =	vst v63  }
0x7c: {  	_ =	swait.ge [sflag:s8], $0x100  }
0x7d: {  	[sflag:s8] =	ssyncset.done $0x0  }
0x7e: {  	s17 =	simm.s32 $0x100;
	s1 =	simm.s32 $0x40;
	[sflag:s8] =	ssyncadd.s32 $0xFFFFFF00  }
0x7f: {  	[tilespmem:s17], [sflag:$0x3] =	stream.indirect.gather [hbm4b:s14+s1], $0x1, s26, s1, $0xb8;
	[tilespmem:$0x1F890] =	vst v63  }
0x80: {  	s20 =	simm.s32 $0x210  }
0x81: {  	[tilespmem:s20], [sflag:$0x3] =	stream.indirect.gather [hbm4b:s11+s1], $0x1, s26, s1, $0xb8;
	[tilespmem:$0x1F890] =	vst v63  }
0x82: {  	_ =	swait.ge [sflag:s12], $0x40  }
0x83: {  	[sflag:s12] =	ssyncset.done $0x0  }
0x84: {  	[sflag:s12] =	ssyncadd.s32 $0xFFFFFFC0  }
0x85: {  	_ =	swait.ge [sflag:s12], $0x40  }
0x86: {  	[sflag:s12] =	ssyncset.done $0x0  }
0x87: {  	s26 =	simm.s32 $0x140;
	[sflag:s12] =	ssyncadd.s32 $0xFFFFFFC0  }
0x88: {  	[tilespmem:s26], [sflag:$0x4] =	stream.indirect.gather [hbm4b:s14+s1], $0x1, s1, s1, $0xb8;
	[tilespmem:$0x1F890] =	vst v63  }
0x89: {  	s4 =	simm.s32 $0x250  }
0x8a: {  	[tilespmem:s4], [sflag:$0x4] =	stream.indirect.gather [hbm4b:s11+s1], $0x1, s1, s1, $0xb8;
	[tilespmem:$0x1F890] =	vst v63  }
0x8b: {  	v4 =	vld [tilespmem:$0x210]  }
0x8c: {  	v5 =	vld [tilespmem:$0x220]  }
0x8d: {  	v6 =	vld [tilespmem:$0x230]  }
0x8e: {  	v7 =	vld [tilespmem:$0x240];
	_ =	sdelay $0x1  }
0x8f: {  	vm0 =	vgt.s32 v4, $0x0  }
0x90: {  	vm13 =	vgt.s32 v5, $0x0;
	v4 =	vnsel vm0, $0x0, v4  }
0x91: {  	vm14 =	vgt.s32 v6, $0x0;
	v5 =	vnsel vm13, $0x0, v5;
	v4 =	vmin.u32 v4, $0x4E1F  }
0x92: {  	vm15 =	vgt.s32 v7, $0x0;
	[tilespmem:$0x310] =	vst v4;
	v4 =	vmin.u32 v5, $0x4E1F;
	v5 =	vnsel vm14, $0x0, v6  }
0x93: {  	[tilespmem:$0x320] =	vst v4;
	v4 =	vnsel vm15, $0x0, v7;
	v5 =	vmin.u32 v5, $0x4E1F  }
0x94: {  	[tilespmem:$0x330] =	vst v5;
	v4 =	vmin.u32 v4, $0x4E1F  }
0x95: {  	s7 =	simm.s32 $0x310;
	s17 =	simm.s32 $0x510;
	s20 =	simm.s32 $0x1;
	[tilespmem:$0x340] =	vst v4  }
0x96: {  	[tilespmem:s17], [sflag:$0x1] =	stream.indirect.gather [hbm4b:s13+s1], $0x80, s7, s1, $0xb8;
	[tilespmem:$0x1F890] =	vst v63  }
0x97: {  	_ =	swait.ge [sflag:s20], $0x2000  }
0x98: {  	[sflag:s20] =	ssyncset.done $0x0  }
0x99: {  	s26 =	simm.s32 $0x0;
	[sflag:s20] =	ssyncadd.s32 $0xFFFFE000  }
0x9a: {  	v4 =	vld [tilespmem:s26+$0x100];
	_ =	sdelay $0x4  }
0x9b: {  	(v2sf) =	vpush v4, $0x0;
	_ =	sdelay $0xe  }
0x9c: {  	s0 =	spop (v2sf)  }
0x9d: {  	p1 =	sne.s32 s0, $0x0  }
0x9e: {  	s0 =	sshll.u32 @p1 s0, $0x9  }
0x9f: {  	s0 =	sshra.s32 @p1 s0, $0x2  }
0xa0: {  	v4 =	vld @p1 [tilespmem:s0+$0x310];
	_ =	sdelay $0x3  }
0xa1: {  	s29 =	simm.s32 $0xB950  }
0xa2: {  	[tilespmem:s29+$0xFFFFFFC0] =	vst @p1 v4  }
0xa3: {  	v4 =	vld @p1 [tilespmem:s0+$0x320];
	_ =	sdelay $0x4  }
0xa4: {  	[tilespmem:s29+$0xFFFFFFD0] =	vst @p1 v4  }
0xa5: {  	v4 =	vld @p1 [tilespmem:s0+$0x330];
	_ =	sdelay $0x4  }
0xa6: {  	[tilespmem:s29+$0xFFFFFFE0] =	vst @p1 v4  }
0xa7: {  	v4 =	vld @p1 [tilespmem:s0+$0x340];
	_ =	sdelay $0x4  }
0xa8: {  	[tilespmem:s29+$0xFFFFFFF0] =	vst @p1 v4  }
0xa9: {  	v4 =	vld @p1 [tilespmem:s0+$0x350];
	_ =	sdelay $0x4  }
0xaa: {  	[tilespmem:s29+$0x0] =	vst @p1 v4  }
0xab: {  	v4 =	vld @p1 [tilespmem:s0+$0x360];
	_ =	sdelay $0x4  }
0xac: {  	[tilespmem:s29+$0x10] =	vst @p1 v4  }
0xad: {  	v4 =	vld @p1 [tilespmem:s0+$0x370];
	_ =	sdelay $0x4  }
0xae: {  	s26 =	simm.s32 $0x580;
	[tilespmem:s29+$0x20] =	vst @p1 v4  }
0xaf: {  	v4 =	vld @!p1 [tilespmem:s26+$0xFFFFFF90];
	_ =	sdelay $0x4  }
0xb0: {  	[tilespmem:s29+$0xFFFFFFC0] =	vst @!p1 v4  }
0xb1: {  	v4 =	vld @!p1 [tilespmem:s26+$0xFFFFFFA0];
	_ =	sdelay $0x4  }
0xb2: {  	[tilespmem:s29+$0xFFFFFFD0] =	vst @!p1 v4  }
0xb3: {  	v4 =	vld @!p1 [tilespmem:s26+$0xFFFFFFB0];
	_ =	sdelay $0x4  }
0xb4: {  	[tilespmem:s29+$0xFFFFFFE0] =	vst @!p1 v4  }
0xb5: {  	v4 =	vld @!p1 [tilespmem:s26+$0xFFFFFFC0];
	_ =	sdelay $0x4  }
0xb6: {  	[tilespmem:s29+$0xFFFFFFF0] =	vst @!p1 v4  }
0xb7: {  	v4 =	vld @!p1 [tilespmem:s26+$0xFFFFFFD0];
	_ =	sdelay $0x4  }
0xb8: {  	[tilespmem:s29+$0x0] =	vst @!p1 v4  }
0xb9: {  	v4 =	vld @!p1 [tilespmem:s26+$0xFFFFFFE0];
	_ =	sdelay $0x4  }
0xba: {  	[tilespmem:s29+$0x10] =	vst @!p1 v4  }
0xbb: {  	v4 =	vld @!p1 [tilespmem:s26+$0xFFFFFFF0];
	_ =	sdelay $0x3  }
0xbc: {  	s4 =	simm.s32 $0x580;
	s0 =	sadd.s32 @p1 $0x380, s0  }
0xbd: {  	s4 =	smov.u32 @p1 s0;
	[tilespmem:s29+$0x20] =	vst @!p1 v4  }
0xbe: {  	v4 =	vld [tilespmem:s4+$0x0];
	_ =	sdelay $0x2  }
0xbf: {  	s31 =	simm.s32 $0x4;
	s30 =	simm.s32 $0x8;
	s28 =	simm.s32 $0xB9E0;
	[tilespmem:s29+$0x40] =	vst v2  }
.LBB2_4:
0xc0: {  	s0 =	sshra.s32 s31, $0x2;
	s26 =	sadd.s32 $0x80, s26  }
0xc1: {  	[tilespmem:s29+$0x30] =	vst v4;
	s31 =	smov.u32 s30;
	s30 =	sadd.s32 $0x4, s30;
	s29 =	smov.u32 s28  }
0xc2: {  	p1 =	sne.s32 s30, $0x100;
	v4 =	vld [tilespmem:s0+$0x100];
	_ =	sdelay $0x4  }
0xc3: {  	(v2sf) =	vpush v4, $0x0;
	_ =	sdelay $0xe  }
0xc4: {  	s0 =	spop (v2sf)  }
0xc5: {  	p2 =	sne.s32 s0, $0x0  }
0xc6: {  	s0 =	sshll.u32 @p2 s0, $0x9  }
0xc7: {  	s0 =	sshra.s32 @p2 s0, $0x2  }
0xc8: {  	s20 =	smov.u32 s26;
	v4 =	vld @p2 [tilespmem:s0+$0x310];
	s4 =	sadd.s32 @p2 $0x380, s0  }
0xc9: {  	s20 =	smov.u32 @p2 s4;
	_ =	sdelay $0x3  }
0xca: {  	[tilespmem:s28+$0xFFFFFFC0] =	vst @p2 v4  }
0xcb: {  	v4 =	vld @p2 [tilespmem:s0+$0x320];
	_ =	sdelay $0x4  }
0xcc: {  	[tilespmem:s28+$0xFFFFFFD0] =	vst @p2 v4  }
0xcd: {  	v4 =	vld @p2 [tilespmem:s0+$0x330];
	_ =	sdelay $0x4  }
0xce: {  	[tilespmem:s28+$0xFFFFFFE0] =	vst @p2 v4  }
0xcf: {  	v4 =	vld @p2 [tilespmem:s0+$0x340];
	_ =	sdelay $0x4  }
0xd0: {  	[tilespmem:s28+$0xFFFFFFF0] =	vst @p2 v4  }
0xd1: {  	v4 =	vld @p2 [tilespmem:s0+$0x350];
	_ =	sdelay $0x4  }
0xd2: {  	[tilespmem:s28+$0x0] =	vst @p2 v4  }
0xd3: {  	v4 =	vld @p2 [tilespmem:s0+$0x360];
	_ =	sdelay $0x4  }
0xd4: {  	[tilespmem:s28+$0x10] =	vst @p2 v4  }
0xd5: {  	v4 =	vld @p2 [tilespmem:s0+$0x370];
	_ =	sdelay $0x4  }
0xd6: {  	[tilespmem:s28+$0x20] =	vst @p2 v4  }
0xd7: {  	v4 =	vld @!p2 [tilespmem:s26+$0xFFFFFF90];
	_ =	sdelay $0x4  }
0xd8: {  	[tilespmem:s28+$0xFFFFFFC0] =	vst @!p2 v4  }
0xd9: {  	v4 =	vld @!p2 [tilespmem:s26+$0xFFFFFFA0];
	_ =	sdelay $0x4  }
0xda: {  	[tilespmem:s28+$0xFFFFFFD0] =	vst @!p2 v4  }
0xdb: {  	v4 =	vld @!p2 [tilespmem:s26+$0xFFFFFFB0];
	_ =	sdelay $0x4  }
0xdc: {  	[tilespmem:s28+$0xFFFFFFE0] =	vst @!p2 v4  }
0xdd: {  	v4 =	vld @!p2 [tilespmem:s26+$0xFFFFFFC0];
	_ =	sdelay $0x4  }
0xde: {  	[tilespmem:s28+$0xFFFFFFF0] =	vst @!p2 v4  }
0xdf: {  	v4 =	vld @!p2 [tilespmem:s26+$0xFFFFFFD0];
	_ =	sdelay $0x4  }
0xe0: {  	[tilespmem:s28+$0x0] =	vst @!p2 v4  }
0xe1: {  	v4 =	vld @!p2 [tilespmem:s26+$0xFFFFFFE0];
	_ =	sdelay $0x4  }
0xe2: {  	[tilespmem:s28+$0x10] =	vst @!p2 v4  }
0xe3: {  	v4 =	vld @!p2 [tilespmem:s26+$0xFFFFFFF0];
	_ =	sdelay $0x4  }
0xe4: {  	[tilespmem:s28+$0x20] =	vst @!p2 v4  }
.Ltmp3:
0xe5: {  	v4 =	vld [tilespmem:s20+$0x0];
	(pc) =	sbr.rel @p1 .LBB2_4-.Ltmp3, $2  }
0xe6: {  	[tilespmem:s28+$0x40] =	vst v2;
	_ =	sdelay $0x2  }
0xe7: {  	s28 =	sadd.s32 $0x90, s28  }
0xe8: {  	s0 =	sshra.s32 s31, $0x2;
	[tilespmem:s29+$0x30] =	vst v4  }
0xe9: {  	v4 =	vld [tilespmem:s0+$0x100];
	_ =	sdelay $0x4  }
0xea: {  	(v2sf) =	vpush v4, $0x0;
	_ =	sdelay $0xe  }
0xeb: {  	s0 =	spop (v2sf)  }
0xec: {  	p1 =	sne.s32 s0, $0x0  }
0xed: {  	s0 =	sshll.u32 @p1 s0, $0x9  }
0xee: {  	s0 =	sshra.s32 @p1 s0, $0x2  }
0xef: {  	v4 =	vld @p1 [tilespmem:s0+$0x310];
	_ =	sdelay $0x4  }
0xf0: {  	[tilespmem:s28+$0xFFFFFFC0] =	vst @p1 v4  }
0xf1: {  	v4 =	vld @p1 [tilespmem:s0+$0x320];
	_ =	sdelay $0x4  }
0xf2: {  	[tilespmem:s28+$0xFFFFFFD0] =	vst @p1 v4  }
0xf3: {  	v4 =	vld @p1 [tilespmem:s0+$0x330];
	_ =	sdelay $0x4  }
0xf4: {  	[tilespmem:s28+$0xFFFFFFE0] =	vst @p1 v4  }
0xf5: {  	v4 =	vld @p1 [tilespmem:s0+$0x340];
	_ =	sdelay $0x4  }
0xf6: {  	[tilespmem:s28+$0xFFFFFFF0] =	vst @p1 v4  }
0xf7: {  	v4 =	vld @p1 [tilespmem:s0+$0x350];
	_ =	sdelay $0x4  }
0xf8: {  	[tilespmem:s28+$0x0] =	vst @p1 v4  }
0xf9: {  	v4 =	vld @p1 [tilespmem:s0+$0x360];
	_ =	sdelay $0x4  }
0xfa: {  	[tilespmem:s28+$0x10] =	vst @p1 v4  }
0xfb: {  	v4 =	vld @p1 [tilespmem:s0+$0x370];
	_ =	sdelay $0x4  }
0xfc: {  	s4 =	sadd.s32 $0x80, s26;
	[tilespmem:s28+$0x20] =	vst @p1 v4  }
0xfd: {  	v4 =	vld @!p1 [tilespmem:s4+$0xFFFFFF90];
	_ =	sdelay $0x4  }
0xfe: {  	[tilespmem:s28+$0xFFFFFFC0] =	vst @!p1 v4  }
0xff: {  	v4 =	vld @!p1 [tilespmem:s4+$0xFFFFFFA0];
	_ =	sdelay $0x4  }
0x100: {  	[tilespmem:s28+$0xFFFFFFD0] =	vst @!p1 v4  }
0x101: {  	v4 =	vld @!p1 [tilespmem:s4+$0xFFFFFFB0];
	_ =	sdelay $0x4  }
0x102: {  	[tilespmem:s28+$0xFFFFFFE0] =	vst @!p1 v4  }
0x103: {  	v4 =	vld @!p1 [tilespmem:s4+$0xFFFFFFC0];
	_ =	sdelay $0x4  }
0x104: {  	[tilespmem:s28+$0xFFFFFFF0] =	vst @!p1 v4  }
0x105: {  	v4 =	vld @!p1 [tilespmem:s4+$0xFFFFFFD0];
	_ =	sdelay $0x4  }
0x106: {  	[tilespmem:s28+$0x0] =	vst @!p1 v4  }
0x107: {  	v4 =	vld @!p1 [tilespmem:s4+$0xFFFFFFE0];
	_ =	sdelay $0x4  }
0x108: {  	[tilespmem:s28+$0x10] =	vst @!p1 v4  }
0x109: {  	v4 =	vld @!p1 [tilespmem:s4+$0xFFFFFFF0];
	_ =	sdelay $0x3  }
0x10a: {  	s0 =	sadd.s32 @p1 $0x380, s0  }
0x10b: {  	s4 =	smov.u32 @p1 s0;
	[tilespmem:s28+$0x20] =	vst @!p1 v4  }
0x10c: {  	v4 =	vld [tilespmem:s4+$0x0];
	_ =	sdelay $0x3  }
0x10d: {  	[tilespmem:s28+$0x40] =	vst v2  }
0x10e: {  	s7 =	rddreg [dreg:$0x17];
	s1 =	simm.s32 $0xB910;
	[tilespmem:s28+$0x30] =	vst v4  }
0x10f: {  	[hbm4b:s7+s15] =	stream.linear.scatter [tilespmem:s1], [sflag:$0x2], $0x2400, $0x38;
	[tilespmem:$0x1F890] =	vst v63  }
0x110: {  	s0 =	simm.s32 @p3 $0x0;
	s4 =	simm.s32 @p3 $0x100;
	s1 =	rddreg [dreg:$0xa]  }
0x111: {  	[hbm4b:s1+s0] =	stream.linear.scatter @p3 [tilespmem:s4], [sflag:$0x5], $0x40, $0x38;
	[tilespmem:$0x1F890] =	vst v63  }
0x112: {  	s0 =	simm.s32 @p3 $0x5  }
0x113: {  	_ =	swait.ge @p3 [sflag:s0], $0x40  }
0x114: {  	[sflag:s0] =	ssyncset.done @p3 $0x0  }
0x115: {  	[sflag:s0] =	ssyncadd.s32 @p3 $0xFFFFFFC0  }
0x116: {  	_ =	swait.ge [sflag:s19], $0x40  }
0x117: {  	[sflag:s19] =	ssyncset.done $0x0  }
0x118: {  	[sflag:s19] =	ssyncadd.s32 $0xFFFFFFC0  }
0x119: {  	_ =	swait.ge [sflag:s19], $0x40  }
0x11a: {  	s17 =	simm.s32 $0x80;
	[sflag:s19] =	ssyncset.done $0x0  }
0x11b: {  	s20 =	simm.s32 $0x180;
	s0 =	simm.s32 $0x40;
	[sflag:s19] =	ssyncadd.s32 $0xFFFFFFC0  }
0x11c: {  	[tilespmem:s20], [sflag:$0x3] =	stream.indirect.gather [hbm4b:s14+s0], $0x1, s17, s0, $0xb8;
	[tilespmem:$0x1F890] =	vst v63  }
0x11d: {  	s26 =	simm.s32 $0x290  }
0x11e: {  	[tilespmem:s26], [sflag:$0x3] =	stream.indirect.gather [hbm4b:s11+s0], $0x1, s17, s0, $0xb8;
	[tilespmem:$0x1F890] =	vst v63  }
0x11f: {  	v4 =	vld [tilespmem:$0x250]  }
0x120: {  	v5 =	vld [tilespmem:$0x260]  }
0x121: {  	v6 =	vld [tilespmem:$0x270]  }
0x122: {  	v7 =	vld [tilespmem:$0x280];
	_ =	sdelay $0x1  }
0x123: {  	vm0 =	vgt.s32 v4, $0x0  }
0x124: {  	vm13 =	vgt.s32 v5, $0x0;
	v4 =	vnsel vm0, $0x0, v4  }
0x125: {  	vm14 =	vgt.s32 v6, $0x0;
	v5 =	vnsel vm13, $0x0, v5;
	v4 =	vmin.u32 v4, $0x4E1F  }
0x126: {  	vm15 =	vgt.s32 v7, $0x0;
	[tilespmem:$0x310] =	vst v4;
	v4 =	vmin.u32 v5, $0x4E1F;
	v5 =	vnsel vm14, $0x0, v6  }
0x127: {  	[tilespmem:$0x320] =	vst v4;
	v4 =	vnsel vm15, $0x0, v7;
	v5 =	vmin.u32 v5, $0x4E1F  }
0x128: {  	[tilespmem:$0x330] =	vst v5;
	v4 =	vmin.u32 v4, $0x4E1F  }
0x129: {  	s7 =	simm.s32 $0x310;
	s20 =	simm.s32 $0x1;
	s17 =	simm.s32 $0x510;
	[tilespmem:$0x340] =	vst v4  }
0x12a: {  	[tilespmem:s17], [sflag:$0x1] =	stream.indirect.gather [hbm4b:s13+s0], $0x80, s7, s0, $0xb8;
	[tilespmem:$0x1F890] =	vst v63  }
0x12b: {  	_ =	swait.ge [sflag:s20], $0x2000  }
0x12c: {  	s26 =	simm.s32 $0x0;
	[sflag:s20] =	ssyncset.done $0x0  }
0x12d: {  	s0 =	sand.u32 $0x3F, s26;
	[sflag:s20] =	ssyncadd.s32 $0xFFFFE000  }
0x12e: {  	v4 =	vld [tilespmem:s0+$0x140];
	_ =	sdelay $0x4  }
0x12f: {  	(v2sf) =	vpush v4, $0x0;
	_ =	sdelay $0xe  }
0x130: {  	s0 =	spop (v2sf)  }
0x131: {  	p1 =	sne.s32 s0, $0x0  }
0x132: {  	s0 =	sshll.u32 @p1 s0, $0x9  }
0x133: {  	s0 =	sshra.s32 @p1 s0, $0x2  }
0x134: {  	v4 =	vld @p1 [tilespmem:s0+$0x310];
	_ =	sdelay $0x3  }
0x135: {  	s29 =	simm.s32 $0x7150  }
0x136: {  	[tilespmem:s29+$0xFFFFFFC0] =	vst @p1 v4  }
0x137: {  	v4 =	vld @p1 [tilespmem:s0+$0x320];
	_ =	sdelay $0x4  }
0x138: {  	[tilespmem:s29+$0xFFFFFFD0] =	vst @p1 v4  }
0x139: {  	v4 =	vld @p1 [tilespmem:s0+$0x330];
	_ =	sdelay $0x4  }
0x13a: {  	[tilespmem:s29+$0xFFFFFFE0] =	vst @p1 v4  }
0x13b: {  	v4 =	vld @p1 [tilespmem:s0+$0x340];
	_ =	sdelay $0x4  }
0x13c: {  	[tilespmem:s29+$0xFFFFFFF0] =	vst @p1 v4  }
0x13d: {  	v4 =	vld @p1 [tilespmem:s0+$0x350];
	_ =	sdelay $0x4  }
0x13e: {  	[tilespmem:s29+$0x0] =	vst @p1 v4  }
0x13f: {  	v4 =	vld @p1 [tilespmem:s0+$0x360];
	_ =	sdelay $0x4  }
0x140: {  	[tilespmem:s29+$0x10] =	vst @p1 v4  }
0x141: {  	v4 =	vld @p1 [tilespmem:s0+$0x370];
	_ =	sdelay $0x4  }
0x142: {  	s26 =	simm.s32 $0x580;
	[tilespmem:s29+$0x20] =	vst @p1 v4  }
0x143: {  	v4 =	vld @!p1 [tilespmem:s26+$0xFFFFFF90];
	_ =	sdelay $0x4  }
0x144: {  	[tilespmem:s29+$0xFFFFFFC0] =	vst @!p1 v4  }
0x145: {  	v4 =	vld @!p1 [tilespmem:s26+$0xFFFFFFA0];
	_ =	sdelay $0x4  }
0x146: {  	[tilespmem:s29+$0xFFFFFFD0] =	vst @!p1 v4  }
0x147: {  	v4 =	vld @!p1 [tilespmem:s26+$0xFFFFFFB0];
	_ =	sdelay $0x4  }
0x148: {  	[tilespmem:s29+$0xFFFFFFE0] =	vst @!p1 v4  }
0x149: {  	v4 =	vld @!p1 [tilespmem:s26+$0xFFFFFFC0];
	_ =	sdelay $0x4  }
0x14a: {  	[tilespmem:s29+$0xFFFFFFF0] =	vst @!p1 v4  }
0x14b: {  	v4 =	vld @!p1 [tilespmem:s26+$0xFFFFFFD0];
	_ =	sdelay $0x4  }
0x14c: {  	[tilespmem:s29+$0x0] =	vst @!p1 v4  }
0x14d: {  	v4 =	vld @!p1 [tilespmem:s26+$0xFFFFFFE0];
	_ =	sdelay $0x4  }
0x14e: {  	[tilespmem:s29+$0x10] =	vst @!p1 v4  }
0x14f: {  	v4 =	vld @!p1 [tilespmem:s26+$0xFFFFFFF0];
	_ =	sdelay $0x3  }
0x150: {  	s4 =	simm.s32 $0x580;
	s0 =	sadd.s32 @p1 $0x380, s0  }
0x151: {  	s4 =	smov.u32 @p1 s0;
	[tilespmem:s29+$0x20] =	vst @!p1 v4  }
0x152: {  	v4 =	vld [tilespmem:s4+$0x0];
	_ =	sdelay $0x2  }
0x153: {  	s31 =	simm.s32 $0x1;
	s30 =	simm.s32 $0x2;
	s28 =	simm.s32 $0x71E0;
	[tilespmem:s29+$0x40] =	vst v2  }
.LBB2_6:
0x154: {  	s0 =	sand.u32 $0x3F, s31;
	s26 =	sadd.s32 $0x80, s26  }
0x155: {  	[tilespmem:s29+$0x30] =	vst v4;
	s31 =	smov.u32 s30;
	s30 =	sadd.s32 $0x1, s30;
	s29 =	smov.u32 s28  }
0x156: {  	p1 =	sne.s32 s30, $0x40;
	v4 =	vld [tilespmem:s0+$0x140];
	_ =	sdelay $0x4  }
0x157: {  	(v2sf) =	vpush v4, $0x0;
	_ =	sdelay $0xe  }
0x158: {  	s0 =	spop (v2sf)  }
0x159: {  	p2 =	sne.s32 s0, $0x0  }
0x15a: {  	s0 =	sshll.u32 @p2 s0, $0x9  }
0x15b: {  	s0 =	sshra.s32 @p2 s0, $0x2  }
0x15c: {  	s20 =	smov.u32 s26;
	v4 =	vld @p2 [tilespmem:s0+$0x310];
	s4 =	sadd.s32 @p2 $0x380, s0  }
0x15d: {  	s20 =	smov.u32 @p2 s4;
	_ =	sdelay $0x3  }
0x15e: {  	[tilespmem:s28+$0xFFFFFFC0] =	vst @p2 v4  }
0x15f: {  	v4 =	vld @p2 [tilespmem:s0+$0x320];
	_ =	sdelay $0x4  }
0x160: {  	[tilespmem:s28+$0xFFFFFFD0] =	vst @p2 v4  }
0x161: {  	v4 =	vld @p2 [tilespmem:s0+$0x330];
	_ =	sdelay $0x4  }
0x162: {  	[tilespmem:s28+$0xFFFFFFE0] =	vst @p2 v4  }
0x163: {  	v4 =	vld @p2 [tilespmem:s0+$0x340];
	_ =	sdelay $0x4  }
0x164: {  	[tilespmem:s28+$0xFFFFFFF0] =	vst @p2 v4  }
0x165: {  	v4 =	vld @p2 [tilespmem:s0+$0x350];
	_ =	sdelay $0x4  }
0x166: {  	[tilespmem:s28+$0x0] =	vst @p2 v4  }
0x167: {  	v4 =	vld @p2 [tilespmem:s0+$0x360];
	_ =	sdelay $0x4  }
0x168: {  	[tilespmem:s28+$0x10] =	vst @p2 v4  }
0x169: {  	v4 =	vld @p2 [tilespmem:s0+$0x370];
	_ =	sdelay $0x4  }
0x16a: {  	[tilespmem:s28+$0x20] =	vst @p2 v4  }
0x16b: {  	v4 =	vld @!p2 [tilespmem:s26+$0xFFFFFF90];
	_ =	sdelay $0x4  }
0x16c: {  	[tilespmem:s28+$0xFFFFFFC0] =	vst @!p2 v4  }
0x16d: {  	v4 =	vld @!p2 [tilespmem:s26+$0xFFFFFFA0];
	_ =	sdelay $0x4  }
0x16e: {  	[tilespmem:s28+$0xFFFFFFD0] =	vst @!p2 v4  }
0x16f: {  	v4 =	vld @!p2 [tilespmem:s26+$0xFFFFFFB0];
	_ =	sdelay $0x4  }
0x170: {  	[tilespmem:s28+$0xFFFFFFE0] =	vst @!p2 v4  }
0x171: {  	v4 =	vld @!p2 [tilespmem:s26+$0xFFFFFFC0];
	_ =	sdelay $0x4  }
0x172: {  	[tilespmem:s28+$0xFFFFFFF0] =	vst @!p2 v4  }
0x173: {  	v4 =	vld @!p2 [tilespmem:s26+$0xFFFFFFD0];
	_ =	sdelay $0x4  }
0x174: {  	[tilespmem:s28+$0x0] =	vst @!p2 v4  }
0x175: {  	v4 =	vld @!p2 [tilespmem:s26+$0xFFFFFFE0];
	_ =	sdelay $0x4  }
0x176: {  	[tilespmem:s28+$0x10] =	vst @!p2 v4  }
0x177: {  	v4 =	vld @!p2 [tilespmem:s26+$0xFFFFFFF0];
	_ =	sdelay $0x4  }
0x178: {  	[tilespmem:s28+$0x20] =	vst @!p2 v4  }
.Ltmp4:
0x179: {  	v4 =	vld [tilespmem:s20+$0x0];
	(pc) =	sbr.rel @p1 .LBB2_6-.Ltmp4, $2  }
0x17a: {  	[tilespmem:s28+$0x40] =	vst v2;
	_ =	sdelay $0x2  }
0x17b: {  	s28 =	sadd.s32 $0x90, s28  }
0x17c: {  	s0 =	sand.u32 $0x3F, s31;
	[tilespmem:s29+$0x30] =	vst v4  }
0x17d: {  	v4 =	vld [tilespmem:s0+$0x140];
	_ =	sdelay $0x4  }
0x17e: {  	(v2sf) =	vpush v4, $0x0;
	_ =	sdelay $0xe  }
0x17f: {  	s0 =	spop (v2sf)  }
0x180: {  	p1 =	sne.s32 s0, $0x0  }
0x181: {  	s0 =	sshll.u32 @p1 s0, $0x9  }
0x182: {  	s0 =	sshra.s32 @p1 s0, $0x2  }
0x183: {  	v4 =	vld @p1 [tilespmem:s0+$0x310];
	_ =	sdelay $0x4  }
0x184: {  	[tilespmem:s28+$0xFFFFFFC0] =	vst @p1 v4  }
0x185: {  	v4 =	vld @p1 [tilespmem:s0+$0x320];
	_ =	sdelay $0x4  }
0x186: {  	[tilespmem:s28+$0xFFFFFFD0] =	vst @p1 v4  }
0x187: {  	v4 =	vld @p1 [tilespmem:s0+$0x330];
	_ =	sdelay $0x4  }
0x188: {  	[tilespmem:s28+$0xFFFFFFE0] =	vst @p1 v4  }
0x189: {  	v4 =	vld @p1 [tilespmem:s0+$0x340];
	_ =	sdelay $0x4  }
0x18a: {  	[tilespmem:s28+$0xFFFFFFF0] =	vst @p1 v4  }
0x18b: {  	v4 =	vld @p1 [tilespmem:s0+$0x350];
	_ =	sdelay $0x4  }
0x18c: {  	[tilespmem:s28+$0x0] =	vst @p1 v4  }
0x18d: {  	v4 =	vld @p1 [tilespmem:s0+$0x360];
	_ =	sdelay $0x4  }
0x18e: {  	[tilespmem:s28+$0x10] =	vst @p1 v4  }
0x18f: {  	v4 =	vld @p1 [tilespmem:s0+$0x370];
	_ =	sdelay $0x4  }
0x190: {  	s4 =	sadd.s32 $0x80, s26;
	[tilespmem:s28+$0x20] =	vst @p1 v4  }
0x191: {  	v4 =	vld @!p1 [tilespmem:s4+$0xFFFFFF90];
	_ =	sdelay $0x4  }
0x192: {  	[tilespmem:s28+$0xFFFFFFC0] =	vst @!p1 v4  }
0x193: {  	v4 =	vld @!p1 [tilespmem:s4+$0xFFFFFFA0];
	_ =	sdelay $0x4  }
0x194: {  	[tilespmem:s28+$0xFFFFFFD0] =	vst @!p1 v4  }
0x195: {  	v4 =	vld @!p1 [tilespmem:s4+$0xFFFFFFB0];
	_ =	sdelay $0x4  }
0x196: {  	[tilespmem:s28+$0xFFFFFFE0] =	vst @!p1 v4  }
0x197: {  	v4 =	vld @!p1 [tilespmem:s4+$0xFFFFFFC0];
	_ =	sdelay $0x4  }
0x198: {  	[tilespmem:s28+$0xFFFFFFF0] =	vst @!p1 v4  }
0x199: {  	v4 =	vld @!p1 [tilespmem:s4+$0xFFFFFFD0];
	_ =	sdelay $0x4  }
0x19a: {  	[tilespmem:s28+$0x0] =	vst @!p1 v4  }
0x19b: {  	v4 =	vld @!p1 [tilespmem:s4+$0xFFFFFFE0];
	_ =	sdelay $0x4  }
0x19c: {  	[tilespmem:s28+$0x10] =	vst @!p1 v4  }
0x19d: {  	v4 =	vld @!p1 [tilespmem:s4+$0xFFFFFFF0];
	_ =	sdelay $0x3  }
0x19e: {  	s0 =	sadd.s32 @p1 $0x380, s0  }
0x19f: {  	s4 =	smov.u32 @p1 s0;
	[tilespmem:s28+$0x20] =	vst @!p1 v4  }
0x1a0: {  	v4 =	vld [tilespmem:s4+$0x0];
	_ =	sdelay $0x3  }
0x1a1: {  	[tilespmem:s28+$0x40] =	vst v2  }
0x1a2: {  	s7 =	rddreg [dreg:$0x18];
	[tilespmem:s28+$0x30] =	vst v4  }
0x1a3: {  	[hbm4b:s7+s15] =	stream.linear.scatter [tilespmem:s5], [sflag:$0x2], $0x2400, $0x38;
	[tilespmem:$0x1F890] =	vst v63  }
0x1a4: {  	s1 =	rddreg [dreg:$0xb];
	s0 =	simm.s32 @p3 $0x0;
	s4 =	simm.s32 @p3 $0x140  }
0x1a5: {  	[hbm4b:s1+s0] =	stream.linear.scatter @p3 [tilespmem:s4], [sflag:$0x5], $0x40, $0x38;
	[tilespmem:$0x1F890] =	vst v63  }
0x1a6: {  	s0 =	simm.s32 @p3 $0x5  }
0x1a7: {  	_ =	swait.ge @p3 [sflag:s0], $0x40  }
0x1a8: {  	[sflag:s0] =	ssyncset.done @p3 $0x0  }
0x1a9: {  	[sflag:s0] =	ssyncadd.s32 @p3 $0xFFFFFFC0  }
0x1aa: {  	_ =	swait.ge [sflag:s12], $0x40  }
0x1ab: {  	[sflag:s12] =	ssyncset.done $0x0  }
0x1ac: {  	[sflag:s12] =	ssyncadd.s32 $0xFFFFFFC0  }
0x1ad: {  	_ =	swait.ge [sflag:s12], $0x40  }
0x1ae: {  	s17 =	simm.s32 $0xC0;
	[sflag:s12] =	ssyncset.done $0x0  }
0x1af: {  	s20 =	simm.s32 $0x1C0;
	s0 =	simm.s32 $0x40;
	[sflag:s12] =	ssyncadd.s32 $0xFFFFFFC0  }
0x1b0: {  	[tilespmem:s20], [sflag:$0x4] =	stream.indirect.gather [hbm4b:s14+s0], $0x1, s17, s0, $0xb8;
	[tilespmem:$0x1F890] =	vst v63  }
0x1b1: {  	s26 =	simm.s32 $0x2D0  }
0x1b2: {  	[tilespmem:s26], [sflag:$0x4] =	stream.indirect.gather [hbm4b:s11+s0], $0x1, s17, s0, $0xb8;
	[tilespmem:$0x1F890] =	vst v63  }
0x1b3: {  	v4 =	vld [tilespmem:$0x290]  }
0x1b4: {  	v5 =	vld [tilespmem:$0x2A0]  }
0x1b5: {  	v6 =	vld [tilespmem:$0x2B0]  }
0x1b6: {  	v7 =	vld [tilespmem:$0x2C0];
	_ =	sdelay $0x1  }
0x1b7: {  	vm0 =	vgt.s32 v4, $0x0  }
0x1b8: {  	vm13 =	vgt.s32 v5, $0x0;
	v4 =	vnsel vm0, $0x0, v4  }
0x1b9: {  	vm14 =	vgt.s32 v6, $0x0;
	v5 =	vnsel vm13, $0x0, v5;
	v4 =	vmin.u32 v4, $0x4E1F  }
0x1ba: {  	vm15 =	vgt.s32 v7, $0x0;
	[tilespmem:$0x310] =	vst v4;
	v4 =	vmin.u32 v5, $0x4E1F;
	v5 =	vnsel vm14, $0x0, v6  }
0x1bb: {  	[tilespmem:$0x320] =	vst v4;
	v4 =	vnsel vm15, $0x0, v7;
	v5 =	vmin.u32 v5, $0x4E1F  }
0x1bc: {  	[tilespmem:$0x330] =	vst v5;
	v4 =	vmin.u32 v4, $0x4E1F  }
0x1bd: {  	s4 =	simm.s32 $0x310;
	s20 =	simm.s32 $0x1;
	s17 =	simm.s32 $0x510;
	[tilespmem:$0x340] =	vst v4  }
0x1be: {  	[tilespmem:s17], [sflag:$0x1] =	stream.indirect.gather [hbm4b:s13+s0], $0x80, s4, s0, $0xb8;
	[tilespmem:$0x1F890] =	vst v63  }
0x1bf: {  	_ =	swait.ge [sflag:s20], $0x2000  }
0x1c0: {  	[sflag:s20] =	ssyncset.done $0x0  }
0x1c1: {  	[sflag:s20] =	ssyncadd.s32 $0xFFFFE000  }
0x1c2: {  	_ =	swait.ge [sflag:s18], $0x2400  }
0x1c3: {  	s26 =	simm.s32 $0x0;
	[sflag:s18] =	ssyncset.done $0x0  }
0x1c4: {  	s0 =	sand.u32 $0x3F, s26;
	[sflag:s18] =	ssyncadd.s32 $0xFFFFDC00  }
0x1c5: {  	v4 =	vld [tilespmem:s0+$0x180];
	_ =	sdelay $0x4  }
0x1c6: {  	(v2sf) =	vpush v4, $0x0;
	_ =	sdelay $0xe  }
0x1c7: {  	s0 =	spop (v2sf)  }
0x1c8: {  	p1 =	sne.s32 s0, $0x0  }
0x1c9: {  	s0 =	sshll.u32 @p1 s0, $0x9  }
0x1ca: {  	s0 =	sshra.s32 @p1 s0, $0x2  }
0x1cb: {  	v4 =	vld @p1 [tilespmem:s0+$0x310];
	_ =	sdelay $0x3  }
0x1cc: {  	s29 =	simm.s32 $0xB950  }
0x1cd: {  	[tilespmem:s29+$0xFFFFFFC0] =	vst @p1 v4  }
0x1ce: {  	v4 =	vld @p1 [tilespmem:s0+$0x320];
	_ =	sdelay $0x4  }
0x1cf: {  	[tilespmem:s29+$0xFFFFFFD0] =	vst @p1 v4  }
0x1d0: {  	v4 =	vld @p1 [tilespmem:s0+$0x330];
	_ =	sdelay $0x4  }
0x1d1: {  	[tilespmem:s29+$0xFFFFFFE0] =	vst @p1 v4  }
0x1d2: {  	v4 =	vld @p1 [tilespmem:s0+$0x340];
	_ =	sdelay $0x4  }
0x1d3: {  	[tilespmem:s29+$0xFFFFFFF0] =	vst @p1 v4  }
0x1d4: {  	v4 =	vld @p1 [tilespmem:s0+$0x350];
	_ =	sdelay $0x4  }
0x1d5: {  	[tilespmem:s29+$0x0] =	vst @p1 v4  }
0x1d6: {  	v4 =	vld @p1 [tilespmem:s0+$0x360];
	_ =	sdelay $0x4  }
0x1d7: {  	[tilespmem:s29+$0x10] =	vst @p1 v4  }
0x1d8: {  	v4 =	vld @p1 [tilespmem:s0+$0x370];
	_ =	sdelay $0x4  }
0x1d9: {  	s26 =	simm.s32 $0x580;
	[tilespmem:s29+$0x20] =	vst @p1 v4  }
0x1da: {  	v4 =	vld @!p1 [tilespmem:s26+$0xFFFFFF90];
	_ =	sdelay $0x4  }
0x1db: {  	[tilespmem:s29+$0xFFFFFFC0] =	vst @!p1 v4  }
0x1dc: {  	v4 =	vld @!p1 [tilespmem:s26+$0xFFFFFFA0];
	_ =	sdelay $0x4  }
0x1dd: {  	[tilespmem:s29+$0xFFFFFFD0] =	vst @!p1 v4  }
0x1de: {  	v4 =	vld @!p1 [tilespmem:s26+$0xFFFFFFB0];
	_ =	sdelay $0x4  }
0x1df: {  	[tilespmem:s29+$0xFFFFFFE0] =	vst @!p1 v4  }
0x1e0: {  	v4 =	vld @!p1 [tilespmem:s26+$0xFFFFFFC0];
	_ =	sdelay $0x4  }
0x1e1: {  	[tilespmem:s29+$0xFFFFFFF0] =	vst @!p1 v4  }
0x1e2: {  	v4 =	vld @!p1 [tilespmem:s26+$0xFFFFFFD0];
	_ =	sdelay $0x4  }
0x1e3: {  	[tilespmem:s29+$0x0] =	vst @!p1 v4  }
0x1e4: {  	v4 =	vld @!p1 [tilespmem:s26+$0xFFFFFFE0];
	_ =	sdelay $0x4  }
0x1e5: {  	[tilespmem:s29+$0x10] =	vst @!p1 v4  }
0x1e6: {  	v4 =	vld @!p1 [tilespmem:s26+$0xFFFFFFF0];
	_ =	sdelay $0x3  }
0x1e7: {  	s4 =	simm.s32 $0x580;
	s0 =	sadd.s32 @p1 $0x380, s0  }
0x1e8: {  	s4 =	smov.u32 @p1 s0;
	[tilespmem:s29+$0x20] =	vst @!p1 v4  }
0x1e9: {  	v4 =	vld [tilespmem:s4+$0x0];
	_ =	sdelay $0x1  }
0x1ea: {  	s31 =	simm.s32 $0x1  }
0x1eb: {  	s30 =	simm.s32 $0x2;
	s28 =	simm.s32 $0xB9E0;
	s7 =	simm.s32 $0x40;
	[tilespmem:s29+$0x40] =	vst v2  }
.LBB2_8:
0x1ec: {  	s0 =	sand.u32 $0x3F, s31;
	s26 =	sadd.s32 $0x80, s26  }
0x1ed: {  	[tilespmem:s29+$0x30] =	vst v4;
	s31 =	smov.u32 s30;
	s30 =	sadd.s32 $0x1, s30;
	s29 =	smov.u32 s28  }
0x1ee: {  	p1 =	sne.s32 s30, $0x40;
	v4 =	vld [tilespmem:s0+$0x180];
	_ =	sdelay $0x4  }
0x1ef: {  	(v2sf) =	vpush v4, $0x0;
	_ =	sdelay $0xe  }
0x1f0: {  	s0 =	spop (v2sf)  }
0x1f1: {  	p2 =	sne.s32 s0, $0x0  }
0x1f2: {  	s0 =	sshll.u32 @p2 s0, $0x9  }
0x1f3: {  	s0 =	sshra.s32 @p2 s0, $0x2  }
0x1f4: {  	s20 =	smov.u32 s26;
	v4 =	vld @p2 [tilespmem:s0+$0x310];
	s4 =	sadd.s32 @p2 $0x380, s0  }
0x1f5: {  	s20 =	smov.u32 @p2 s4;
	_ =	sdelay $0x3  }
0x1f6: {  	[tilespmem:s28+$0xFFFFFFC0] =	vst @p2 v4  }
0x1f7: {  	v4 =	vld @p2 [tilespmem:s0+$0x320];
	_ =	sdelay $0x4  }
0x1f8: {  	[tilespmem:s28+$0xFFFFFFD0] =	vst @p2 v4  }
0x1f9: {  	v4 =	vld @p2 [tilespmem:s0+$0x330];
	_ =	sdelay $0x4  }
0x1fa: {  	[tilespmem:s28+$0xFFFFFFE0] =	vst @p2 v4  }
0x1fb: {  	v4 =	vld @p2 [tilespmem:s0+$0x340];
	_ =	sdelay $0x4  }
0x1fc: {  	[tilespmem:s28+$0xFFFFFFF0] =	vst @p2 v4  }
0x1fd: {  	v4 =	vld @p2 [tilespmem:s0+$0x350];
	_ =	sdelay $0x4  }
0x1fe: {  	[tilespmem:s28+$0x0] =	vst @p2 v4  }
0x1ff: {  	v4 =	vld @p2 [tilespmem:s0+$0x360];
	_ =	sdelay $0x4  }
0x200: {  	[tilespmem:s28+$0x10] =	vst @p2 v4  }
0x201: {  	v4 =	vld @p2 [tilespmem:s0+$0x370];
	_ =	sdelay $0x4  }
0x202: {  	[tilespmem:s28+$0x20] =	vst @p2 v4  }
0x203: {  	v4 =	vld @!p2 [tilespmem:s26+$0xFFFFFF90];
	_ =	sdelay $0x4  }
0x204: {  	[tilespmem:s28+$0xFFFFFFC0] =	vst @!p2 v4  }
0x205: {  	v4 =	vld @!p2 [tilespmem:s26+$0xFFFFFFA0];
	_ =	sdelay $0x4  }
0x206: {  	[tilespmem:s28+$0xFFFFFFD0] =	vst @!p2 v4  }
0x207: {  	v4 =	vld @!p2 [tilespmem:s26+$0xFFFFFFB0];
	_ =	sdelay $0x4  }
0x208: {  	[tilespmem:s28+$0xFFFFFFE0] =	vst @!p2 v4  }
0x209: {  	v4 =	vld @!p2 [tilespmem:s26+$0xFFFFFFC0];
	_ =	sdelay $0x4  }
0x20a: {  	[tilespmem:s28+$0xFFFFFFF0] =	vst @!p2 v4  }
0x20b: {  	v4 =	vld @!p2 [tilespmem:s26+$0xFFFFFFD0];
	_ =	sdelay $0x4  }
0x20c: {  	[tilespmem:s28+$0x0] =	vst @!p2 v4  }
0x20d: {  	v4 =	vld @!p2 [tilespmem:s26+$0xFFFFFFE0];
	_ =	sdelay $0x4  }
0x20e: {  	[tilespmem:s28+$0x10] =	vst @!p2 v4  }
0x20f: {  	v4 =	vld @!p2 [tilespmem:s26+$0xFFFFFFF0];
	_ =	sdelay $0x4  }
0x210: {  	[tilespmem:s28+$0x20] =	vst @!p2 v4  }
.Ltmp5:
0x211: {  	v4 =	vld [tilespmem:s20+$0x0];
	(pc) =	sbr.rel @p1 .LBB2_8-.Ltmp5, $2  }
0x212: {  	[tilespmem:s28+$0x40] =	vst v2;
	_ =	sdelay $0x2  }
0x213: {  	s28 =	sadd.s32 $0x90, s28  }
0x214: {  	s0 =	sand.u32 $0x3F, s31;
	[tilespmem:s29+$0x30] =	vst v4  }
0x215: {  	v4 =	vld [tilespmem:s0+$0x180];
	_ =	sdelay $0x4  }
0x216: {  	(v2sf) =	vpush v4, $0x0;
	_ =	sdelay $0xe  }
0x217: {  	s0 =	spop (v2sf)  }
0x218: {  	p1 =	sne.s32 s0, $0x0  }
0x219: {  	s0 =	sshll.u32 @p1 s0, $0x9  }
0x21a: {  	s0 =	sshra.s32 @p1 s0, $0x2  }
0x21b: {  	v4 =	vld @p1 [tilespmem:s0+$0x310];
	_ =	sdelay $0x4  }
0x21c: {  	[tilespmem:s28+$0xFFFFFFC0] =	vst @p1 v4  }
0x21d: {  	v4 =	vld @p1 [tilespmem:s0+$0x320];
	_ =	sdelay $0x4  }
0x21e: {  	[tilespmem:s28+$0xFFFFFFD0] =	vst @p1 v4  }
0x21f: {  	v4 =	vld @p1 [tilespmem:s0+$0x330];
	_ =	sdelay $0x4  }
0x220: {  	[tilespmem:s28+$0xFFFFFFE0] =	vst @p1 v4  }
0x221: {  	v4 =	vld @p1 [tilespmem:s0+$0x340];
	_ =	sdelay $0x4  }
0x222: {  	[tilespmem:s28+$0xFFFFFFF0] =	vst @p1 v4  }
0x223: {  	v4 =	vld @p1 [tilespmem:s0+$0x350];
	_ =	sdelay $0x4  }
0x224: {  	[tilespmem:s28+$0x0] =	vst @p1 v4  }
0x225: {  	v4 =	vld @p1 [tilespmem:s0+$0x360];
	_ =	sdelay $0x4  }
0x226: {  	[tilespmem:s28+$0x10] =	vst @p1 v4  }
0x227: {  	v4 =	vld @p1 [tilespmem:s0+$0x370];
	_ =	sdelay $0x4  }
0x228: {  	s4 =	sadd.s32 $0x80, s26;
	[tilespmem:s28+$0x20] =	vst @p1 v4  }
0x229: {  	v4 =	vld @!p1 [tilespmem:s4+$0xFFFFFF90];
	_ =	sdelay $0x4  }
0x22a: {  	[tilespmem:s28+$0xFFFFFFC0] =	vst @!p1 v4  }
0x22b: {  	v4 =	vld @!p1 [tilespmem:s4+$0xFFFFFFA0];
	_ =	sdelay $0x4  }
0x22c: {  	[tilespmem:s28+$0xFFFFFFD0] =	vst @!p1 v4  }
0x22d: {  	v4 =	vld @!p1 [tilespmem:s4+$0xFFFFFFB0];
	_ =	sdelay $0x4  }
0x22e: {  	[tilespmem:s28+$0xFFFFFFE0] =	vst @!p1 v4  }
0x22f: {  	v4 =	vld @!p1 [tilespmem:s4+$0xFFFFFFC0];
	_ =	sdelay $0x4  }
0x230: {  	[tilespmem:s28+$0xFFFFFFF0] =	vst @!p1 v4  }
0x231: {  	v4 =	vld @!p1 [tilespmem:s4+$0xFFFFFFD0];
	_ =	sdelay $0x4  }
0x232: {  	[tilespmem:s28+$0x0] =	vst @!p1 v4  }
0x233: {  	v4 =	vld @!p1 [tilespmem:s4+$0xFFFFFFE0];
	_ =	sdelay $0x4  }
0x234: {  	[tilespmem:s28+$0x10] =	vst @!p1 v4  }
0x235: {  	v4 =	vld @!p1 [tilespmem:s4+$0xFFFFFFF0];
	_ =	sdelay $0x3  }
0x236: {  	s0 =	sadd.s32 @p1 $0x380, s0  }
0x237: {  	s4 =	smov.u32 @p1 s0;
	[tilespmem:s28+$0x20] =	vst @!p1 v4  }
0x238: {  	v4 =	vld [tilespmem:s4+$0x0];
	_ =	sdelay $0x3  }
0x239: {  	[tilespmem:s28+$0x40] =	vst v2  }
0x23a: {  	s26 =	rddreg [dreg:$0x19];
	s1 =	simm.s32 $0xB910;
	[tilespmem:s28+$0x30] =	vst v4  }
0x23b: {  	[hbm4b:s26+s15] =	stream.linear.scatter [tilespmem:s1], [sflag:$0x2], $0x2400, $0x38;
	[tilespmem:$0x1F890] =	vst v63  }
0x23c: {  	s0 =	simm.s32 @p3 $0x0;
	s4 =	simm.s32 @p3 $0x180;
	s1 =	rddreg [dreg:$0xc]  }
0x23d: {  	[hbm4b:s1+s0] =	stream.linear.scatter @p3 [tilespmem:s4], [sflag:$0x5], $0x40, $0x38;
	[tilespmem:$0x1F890] =	vst v63  }
0x23e: {  	s0 =	simm.s32 @p3 $0x5  }
0x23f: {  	_ =	swait.ge @p3 [sflag:s0], $0x40  }
0x240: {  	[sflag:s0] =	ssyncset.done @p3 $0x0  }
0x241: {  	[sflag:s0] =	ssyncadd.s32 @p3 $0xFFFFFFC0  }
0x242: {  	_ =	swait.ge [sflag:s19], $0x40  }
0x243: {  	[sflag:s19] =	ssyncset.done $0x0  }
0x244: {  	[sflag:s19] =	ssyncadd.s32 $0xFFFFFFC0  }
0x245: {  	_ =	swait.ge [sflag:s19], $0x40  }
0x246: {  	[sflag:s19] =	ssyncset.done $0x0  }
0x247: {  	[sflag:s19] =	ssyncadd.s32 $0xFFFFFFC0  }
0x248: {  	v4 =	vld [tilespmem:$0x2D0]  }
0x249: {  	v5 =	vld [tilespmem:$0x2E0]  }
0x24a: {  	v6 =	vld [tilespmem:$0x2F0]  }
0x24b: {  	v7 =	vld [tilespmem:$0x300];
	_ =	sdelay $0x1  }
0x24c: {  	vm0 =	vgt.s32 v4, $0x0  }
0x24d: {  	vm13 =	vgt.s32 v5, $0x0;
	v4 =	vnsel vm0, $0x0, v4  }
0x24e: {  	vm14 =	vgt.s32 v6, $0x0;
	v5 =	vnsel vm13, $0x0, v5;
	v4 =	vmin.u32 v4, $0x4E1F  }
0x24f: {  	vm15 =	vgt.s32 v7, $0x0;
	[tilespmem:$0x310] =	vst v4;
	v4 =	vmin.u32 v5, $0x4E1F;
	v5 =	vnsel vm14, $0x0, v6  }
0x250: {  	[tilespmem:$0x320] =	vst v4;
	v4 =	vnsel vm15, $0x0, v7;
	v5 =	vmin.u32 v5, $0x4E1F  }
0x251: {  	[tilespmem:$0x330] =	vst v5;
	v4 =	vmin.u32 v4, $0x4E1F  }
0x252: {  	s17 =	simm.s32 $0x510;
	s20 =	simm.s32 $0x1;
	s4 =	simm.s32 $0x310;
	[tilespmem:$0x340] =	vst v4  }
0x253: {  	[tilespmem:s17], [sflag:$0x1] =	stream.indirect.gather [hbm4b:s13+s7], $0x80, s4, s7, $0xb8;
	[tilespmem:$0x1F890] =	vst v63  }
0x254: {  	_ =	swait.ge [sflag:s20], $0x2000  }
0x255: {  	[sflag:s20] =	ssyncset.done $0x0  }
0x256: {  	[sflag:s20] =	ssyncadd.s32 $0xFFFFE000  }
0x257: {  	_ =	swait.ge [sflag:s18], $0x2400  }
0x258: {  	s26 =	simm.s32 $0x0;
	[sflag:s18] =	ssyncset.done $0x0  }
0x259: {  	s0 =	sand.u32 $0x3F, s26;
	[sflag:s18] =	ssyncadd.s32 $0xFFFFDC00  }
0x25a: {  	v4 =	vld [tilespmem:s0+$0x1C0];
	_ =	sdelay $0x4  }
0x25b: {  	(v2sf) =	vpush v4, $0x0;
	_ =	sdelay $0xe  }
0x25c: {  	s0 =	spop (v2sf)  }
0x25d: {  	p1 =	sne.s32 s0, $0x0  }
0x25e: {  	s0 =	sshll.u32 @p1 s0, $0x9  }
0x25f: {  	s0 =	sshra.s32 @p1 s0, $0x2  }
0x260: {  	v4 =	vld @p1 [tilespmem:s0+$0x310];
	_ =	sdelay $0x3  }
0x261: {  	s29 =	simm.s32 $0x7150  }
0x262: {  	[tilespmem:s29+$0xFFFFFFC0] =	vst @p1 v4  }
0x263: {  	v4 =	vld @p1 [tilespmem:s0+$0x320];
	_ =	sdelay $0x4  }
0x264: {  	[tilespmem:s29+$0xFFFFFFD0] =	vst @p1 v4  }
0x265: {  	v4 =	vld @p1 [tilespmem:s0+$0x330];
	_ =	sdelay $0x4  }
0x266: {  	[tilespmem:s29+$0xFFFFFFE0] =	vst @p1 v4  }
0x267: {  	v4 =	vld @p1 [tilespmem:s0+$0x340];
	_ =	sdelay $0x4  }
0x268: {  	[tilespmem:s29+$0xFFFFFFF0] =	vst @p1 v4  }
0x269: {  	v4 =	vld @p1 [tilespmem:s0+$0x350];
	_ =	sdelay $0x4  }
0x26a: {  	[tilespmem:s29+$0x0] =	vst @p1 v4  }
0x26b: {  	v4 =	vld @p1 [tilespmem:s0+$0x360];
	_ =	sdelay $0x4  }
0x26c: {  	[tilespmem:s29+$0x10] =	vst @p1 v4  }
0x26d: {  	v4 =	vld @p1 [tilespmem:s0+$0x370];
	_ =	sdelay $0x4  }
0x26e: {  	s26 =	simm.s32 $0x580;
	[tilespmem:s29+$0x20] =	vst @p1 v4  }
0x26f: {  	v4 =	vld @!p1 [tilespmem:s26+$0xFFFFFF90];
	_ =	sdelay $0x4  }
0x270: {  	[tilespmem:s29+$0xFFFFFFC0] =	vst @!p1 v4  }
0x271: {  	v4 =	vld @!p1 [tilespmem:s26+$0xFFFFFFA0];
	_ =	sdelay $0x4  }
0x272: {  	[tilespmem:s29+$0xFFFFFFD0] =	vst @!p1 v4  }
0x273: {  	v4 =	vld @!p1 [tilespmem:s26+$0xFFFFFFB0];
	_ =	sdelay $0x4  }
0x274: {  	[tilespmem:s29+$0xFFFFFFE0] =	vst @!p1 v4  }
0x275: {  	v4 =	vld @!p1 [tilespmem:s26+$0xFFFFFFC0];
	_ =	sdelay $0x4  }
0x276: {  	[tilespmem:s29+$0xFFFFFFF0] =	vst @!p1 v4  }
0x277: {  	v4 =	vld @!p1 [tilespmem:s26+$0xFFFFFFD0];
	_ =	sdelay $0x4  }
0x278: {  	[tilespmem:s29+$0x0] =	vst @!p1 v4  }
0x279: {  	v4 =	vld @!p1 [tilespmem:s26+$0xFFFFFFE0];
	_ =	sdelay $0x4  }
0x27a: {  	[tilespmem:s29+$0x10] =	vst @!p1 v4  }
0x27b: {  	v4 =	vld @!p1 [tilespmem:s26+$0xFFFFFFF0];
	_ =	sdelay $0x3  }
0x27c: {  	s4 =	simm.s32 $0x580;
	s0 =	sadd.s32 @p1 $0x380, s0  }
0x27d: {  	s4 =	smov.u32 @p1 s0;
	[tilespmem:s29+$0x20] =	vst @!p1 v4  }
0x27e: {  	v4 =	vld [tilespmem:s4+$0x0];
	_ =	sdelay $0x2  }
0x27f: {  	s31 =	simm.s32 $0x1;
	s30 =	simm.s32 $0x2;
	s28 =	simm.s32 $0x71E0;
	[tilespmem:s29+$0x40] =	vst v2  }
.LBB2_10:
0x280: {  	s0 =	sand.u32 $0x3F, s31;
	s26 =	sadd.s32 $0x80, s26  }
0x281: {  	[tilespmem:s29+$0x30] =	vst v4;
	s31 =	smov.u32 s30;
	s30 =	sadd.s32 $0x1, s30;
	s29 =	smov.u32 s28  }
0x282: {  	p1 =	sne.s32 s30, $0x40;
	v4 =	vld [tilespmem:s0+$0x1C0];
	_ =	sdelay $0x4  }
0x283: {  	(v2sf) =	vpush v4, $0x0;
	_ =	sdelay $0xe  }
0x284: {  	s0 =	spop (v2sf)  }
0x285: {  	p2 =	sne.s32 s0, $0x0  }
0x286: {  	s0 =	sshll.u32 @p2 s0, $0x9  }
0x287: {  	s0 =	sshra.s32 @p2 s0, $0x2  }
0x288: {  	s20 =	smov.u32 s26;
	v4 =	vld @p2 [tilespmem:s0+$0x310];
	s4 =	sadd.s32 @p2 $0x380, s0  }
0x289: {  	s20 =	smov.u32 @p2 s4;
	_ =	sdelay $0x3  }
0x28a: {  	[tilespmem:s28+$0xFFFFFFC0] =	vst @p2 v4  }
0x28b: {  	v4 =	vld @p2 [tilespmem:s0+$0x320];
	_ =	sdelay $0x4  }
0x28c: {  	[tilespmem:s28+$0xFFFFFFD0] =	vst @p2 v4  }
0x28d: {  	v4 =	vld @p2 [tilespmem:s0+$0x330];
	_ =	sdelay $0x4  }
0x28e: {  	[tilespmem:s28+$0xFFFFFFE0] =	vst @p2 v4  }
0x28f: {  	v4 =	vld @p2 [tilespmem:s0+$0x340];
	_ =	sdelay $0x4  }
0x290: {  	[tilespmem:s28+$0xFFFFFFF0] =	vst @p2 v4  }
0x291: {  	v4 =	vld @p2 [tilespmem:s0+$0x350];
	_ =	sdelay $0x4  }
0x292: {  	[tilespmem:s28+$0x0] =	vst @p2 v4  }
0x293: {  	v4 =	vld @p2 [tilespmem:s0+$0x360];
	_ =	sdelay $0x4  }
0x294: {  	[tilespmem:s28+$0x10] =	vst @p2 v4  }
0x295: {  	v4 =	vld @p2 [tilespmem:s0+$0x370];
	_ =	sdelay $0x4  }
0x296: {  	[tilespmem:s28+$0x20] =	vst @p2 v4  }
0x297: {  	v4 =	vld @!p2 [tilespmem:s26+$0xFFFFFF90];
	_ =	sdelay $0x4  }
0x298: {  	[tilespmem:s28+$0xFFFFFFC0] =	vst @!p2 v4  }
0x299: {  	v4 =	vld @!p2 [tilespmem:s26+$0xFFFFFFA0];
	_ =	sdelay $0x4  }
0x29a: {  	[tilespmem:s28+$0xFFFFFFD0] =	vst @!p2 v4  }
0x29b: {  	v4 =	vld @!p2 [tilespmem:s26+$0xFFFFFFB0];
	_ =	sdelay $0x4  }
0x29c: {  	[tilespmem:s28+$0xFFFFFFE0] =	vst @!p2 v4  }
0x29d: {  	v4 =	vld @!p2 [tilespmem:s26+$0xFFFFFFC0];
	_ =	sdelay $0x4  }
0x29e: {  	[tilespmem:s28+$0xFFFFFFF0] =	vst @!p2 v4  }
0x29f: {  	v4 =	vld @!p2 [tilespmem:s26+$0xFFFFFFD0];
	_ =	sdelay $0x4  }
0x2a0: {  	[tilespmem:s28+$0x0] =	vst @!p2 v4  }
0x2a1: {  	v4 =	vld @!p2 [tilespmem:s26+$0xFFFFFFE0];
	_ =	sdelay $0x4  }
0x2a2: {  	[tilespmem:s28+$0x10] =	vst @!p2 v4  }
0x2a3: {  	v4 =	vld @!p2 [tilespmem:s26+$0xFFFFFFF0];
	_ =	sdelay $0x4  }
0x2a4: {  	[tilespmem:s28+$0x20] =	vst @!p2 v4  }
.Ltmp6:
0x2a5: {  	v4 =	vld [tilespmem:s20+$0x0];
	(pc) =	sbr.rel @p1 .LBB2_10-.Ltmp6, $2  }
0x2a6: {  	[tilespmem:s28+$0x40] =	vst v2;
	_ =	sdelay $0x2  }
0x2a7: {  	s28 =	sadd.s32 $0x90, s28  }
0x2a8: {  	s0 =	sand.u32 $0x3F, s31;
	[tilespmem:s29+$0x30] =	vst v4  }
0x2a9: {  	v4 =	vld [tilespmem:s0+$0x1C0];
	_ =	sdelay $0x4  }
0x2aa: {  	(v2sf) =	vpush v4, $0x0;
	_ =	sdelay $0xe  }
0x2ab: {  	s0 =	spop (v2sf)  }
0x2ac: {  	p1 =	sne.s32 s0, $0x0  }
0x2ad: {  	s0 =	sshll.u32 @p1 s0, $0x9  }
0x2ae: {  	s0 =	sshra.s32 @p1 s0, $0x2  }
0x2af: {  	v4 =	vld @p1 [tilespmem:s0+$0x310];
	_ =	sdelay $0x4  }
0x2b0: {  	[tilespmem:s28+$0xFFFFFFC0] =	vst @p1 v4  }
0x2b1: {  	v4 =	vld @p1 [tilespmem:s0+$0x320];
	_ =	sdelay $0x4  }
0x2b2: {  	[tilespmem:s28+$0xFFFFFFD0] =	vst @p1 v4  }
0x2b3: {  	v4 =	vld @p1 [tilespmem:s0+$0x330];
	_ =	sdelay $0x4  }
0x2b4: {  	[tilespmem:s28+$0xFFFFFFE0] =	vst @p1 v4  }
0x2b5: {  	v4 =	vld @p1 [tilespmem:s0+$0x340];
	_ =	sdelay $0x4  }
0x2b6: {  	[tilespmem:s28+$0xFFFFFFF0] =	vst @p1 v4  }
0x2b7: {  	v4 =	vld @p1 [tilespmem:s0+$0x350];
	_ =	sdelay $0x4  }
0x2b8: {  	[tilespmem:s28+$0x0] =	vst @p1 v4  }
0x2b9: {  	v4 =	vld @p1 [tilespmem:s0+$0x360];
	_ =	sdelay $0x4  }
0x2ba: {  	[tilespmem:s28+$0x10] =	vst @p1 v4  }
0x2bb: {  	v4 =	vld @p1 [tilespmem:s0+$0x370];
	_ =	sdelay $0x4  }
0x2bc: {  	s4 =	sadd.s32 $0x80, s26;
	[tilespmem:s28+$0x20] =	vst @p1 v4  }
0x2bd: {  	v4 =	vld @!p1 [tilespmem:s4+$0xFFFFFF90];
	_ =	sdelay $0x4  }
0x2be: {  	[tilespmem:s28+$0xFFFFFFC0] =	vst @!p1 v4  }
0x2bf: {  	v4 =	vld @!p1 [tilespmem:s4+$0xFFFFFFA0];
	_ =	sdelay $0x4  }
0x2c0: {  	[tilespmem:s28+$0xFFFFFFD0] =	vst @!p1 v4  }
0x2c1: {  	v4 =	vld @!p1 [tilespmem:s4+$0xFFFFFFB0];
	_ =	sdelay $0x4  }
0x2c2: {  	[tilespmem:s28+$0xFFFFFFE0] =	vst @!p1 v4  }
0x2c3: {  	v4 =	vld @!p1 [tilespmem:s4+$0xFFFFFFC0];
	_ =	sdelay $0x4  }
0x2c4: {  	[tilespmem:s28+$0xFFFFFFF0] =	vst @!p1 v4  }
0x2c5: {  	v4 =	vld @!p1 [tilespmem:s4+$0xFFFFFFD0];
	_ =	sdelay $0x4  }
0x2c6: {  	[tilespmem:s28+$0x0] =	vst @!p1 v4  }
0x2c7: {  	v4 =	vld @!p1 [tilespmem:s4+$0xFFFFFFE0];
	_ =	sdelay $0x4  }
0x2c8: {  	[tilespmem:s28+$0x10] =	vst @!p1 v4  }
0x2c9: {  	v4 =	vld @!p1 [tilespmem:s4+$0xFFFFFFF0];
	_ =	sdelay $0x3  }
0x2ca: {  	s0 =	sadd.s32 @p1 $0x380, s0  }
0x2cb: {  	s4 =	smov.u32 @p1 s0;
	[tilespmem:s28+$0x20] =	vst @!p1 v4  }
0x2cc: {  	v4 =	vld [tilespmem:s4+$0x0];
	_ =	sdelay $0x3  }
0x2cd: {  	[tilespmem:s28+$0x40] =	vst v2  }
0x2ce: {  	s1 =	rddreg [dreg:$0x1a];
	[tilespmem:s28+$0x30] =	vst v4  }
0x2cf: {  	[hbm4b:s1+s15] =	stream.linear.scatter [tilespmem:s5], [sflag:$0x2], $0x2400, $0x38;
	[tilespmem:$0x1F890] =	vst v63  }
0x2d0: {  	s0 =	simm.s32 @p3 $0x0;
	s4 =	simm.s32 @p3 $0x1C0;
	s1 =	rddreg [dreg:$0xd]  }
0x2d1: {  	[hbm4b:s1+s0] =	stream.linear.scatter @p3 [tilespmem:s4], [sflag:$0x5], $0x40, $0x38;
	[tilespmem:$0x1F890] =	vst v63  }
0x2d2: {  	s0 =	simm.s32 @p3 $0x5  }
0x2d3: {  	_ =	swait.ge @p3 [sflag:s0], $0x40  }
0x2d4: {  	[sflag:s0] =	ssyncset.done @p3 $0x0  }
0x2d5: {  	[sflag:s0] =	ssyncadd.s32 @p3 $0xFFFFFFC0  }
0x2d6: {  	_ =	swait.ge [sflag:s18], $0x2400  }
0x2d7: {  	[sflag:s18] =	ssyncset.done $0x0  }
0x2d8: {  	[sflag:s18] =	ssyncadd.s32 $0xFFFFDC00  }
0x2d9: {  	_ =	swait.ge [sflag:s18], $0x2400  }
0x2da: {  	[sflag:s18] =	ssyncset.done $0x0  }
0x2db: {  	[sflag:s18] =	ssyncadd.s32 $0xFFFFDC00  }
0x2dc: {  	s30 =	simm.s32 $0x7110;
	[bflag:$0x0] =	sbarrier.arrive $0xFFFF  }
0x2dd: {  	s26 =	simm.s32 $0x0;
	s5 =	simm.s32 $0x2510;
	s4 =	rddreg [dreg:$0x13]  }
0x2de: {  	[tilespmem:s5], [sflag:$0x3] =	stream.linear.gather [hbm4b:s4+s26], $0x200, $0x38;
	[tilespmem:$0x1F890] =	vst v63  }
0x2df: {  	s17 =	simm.s32 $0x2710;
	s31 =	simm.s32 $0x2910;
	s7 =	rddreg [dreg:$0x14]  }
0x2e0: {  	[tilespmem:s17], [sflag:$0x3] =	stream.linear.gather [hbm4b:s7+s26], $0x200, $0x38;
	[tilespmem:$0x1F890] =	vst v63  }
0x2e1: {  	s29 =	simm.s32 $0x0;
	s28 =	simm.s32 $0x0;
	s20 =	rddreg [dreg:$0x15]  }
0x2e2: {  	[tilespmem:s31], [sflag:$0x3] =	stream.linear.gather [hbm4b:s20+s26], $0x200, $0x38;
	[tilespmem:$0x1F890] =	vst v63  }
.LBB2_12:
0x2e3: {  	_ =	swait.ge [sflag:s12], $0x200  }
0x2e4: {  	[sflag:s12] =	ssyncset.done $0x0  }
0x2e5: {  	[sflag:s12] =	ssyncadd.s32 $0xFFFFFE00  }
0x2e6: {  	_ =	swait.ge [sflag:s12], $0x200  }
0x2e7: {  	s20 =	sshll.u32 s28, $0xA;
	[sflag:s12] =	ssyncset.done $0x0  }
0x2e8: {  	s0 =	sor.u32 s20, s16;
	[sflag:s12] =	ssyncadd.s32 $0xFFFFFE00  }
0x2e9: {  	s0 =	sshrl.u32 s0, $0x3;
	_ =	swait.ge [sflag:s12], $0x200  }
0x2ea: {  	s0 =	sor.u32 $0x40, s0;
	[sflag:s12] =	ssyncset.done $0x0  }
0x2eb: {  	s4 =	sadd.s32 s3, s0;
	[sflag:s12] =	ssyncadd.s32 $0xFFFFFE00  }
0x2ec: {  	[tilespmem:s21], [sflag:$0x4] =	stream.linear.gather [hbm4b:s4+s26], $0x200, $0x38;
	[tilespmem:$0x1F890] =	vst v63  }
0x2ed: {  	s7 =	sadd.s32 s9, s0  }
0x2ee: {  	[tilespmem:s23], [sflag:$0x4] =	stream.linear.gather [hbm4b:s7+s26], $0x200, $0x38;
	[tilespmem:$0x1F890] =	vst v63  }
0x2ef: {  	s17 =	simm.s32 $0x0;
	s0 =	sadd.s32 s10, s0  }
0x2f0: {  	[tilespmem:s24], [sflag:$0x4] =	stream.linear.gather [hbm4b:s0+s26], $0x200, $0x38;
	[tilespmem:$0x1F890] =	vst v63  }
0x2f1: {  	v4 =	vld [tilespmem:s17+$0x2710];
	_ =	sdelay $0x1  }
0x2f2: {  	v5 =	vld [tilespmem:s17+$0x2910];
	_ =	sdelay $0x2  }
0x2f3: {  	vm0 =	vlt.s32 v4, $0x3E8  }
0x2f4: {  	v7 =	vld [tilespmem:s17+$0x2510];
	v6 =	vmpcnt.ones.xlane vm0  }
0x2f5: {  	v5 =	vmul.u32 $0x3E8, v5  }
0x2f6: {  	(v2sf) =	vpush v6, $0x0  }
0x2f7: {  	v4 =	vadd.s32 v4, v5  }
0x2f8: {  	v4 =	vshll.u32 v4, $0xF  }
0x2f9: {  	v4 =	vor.u32 v7, v4  }
0x2fa: {  	s31 =	simm.s32 $0x10;
	[tilespmem:s29+$0x3110] =	vst.msk vm0, v4  }
0x2fb: {  	v5 =	vld [tilespmem:s31+$0x2910]  }
0x2fc: {  	v4 =	vld [tilespmem:s31+$0x2710];
	_ =	sdelay $0x3  }
0x2fd: {  	v5 =	vmul.u32 $0x3E8, v5  }
0x2fe: {  	vm0 =	vlt.s32 v4, $0x3E8  }
0x2ff: {  	v6 =	vmpcnt.ones.xlane vm0;
	v5 =	vadd.s32 v4, v5;
	v4 =	vld [tilespmem:s31+$0x2510];
	_ =	sdelay $0x1  }
0x300: {  	(v2sf) =	vpush v6, $0x0  }
0x301: {  	s0 =	simm.s32 $0x80;
	v5 =	vshll.u32 v5, $0xF;
	s4 =	spop (v2sf)  }
.LBB2_13:
0x302: {  	p1 =	sne.s32 s0, $0x7C0  }
0x303: {  	v4 =	vor.u32 v4, v5;
	s29 =	sadd.s32 s29, s4;
	s4 =	smov.u32 s0;
	s0 =	sadd.s32 $0x40, s0  }
0x304: {  	s4 =	sshra.s32 s4, $0x2;
	[tilespmem:s29+$0x3110] =	vst.msk vm0, v4  }
0x305: {  	v5 =	vld [tilespmem:s4+$0x2710];
	_ =	sdelay $0x1  }
0x306: {  	v6 =	vld [tilespmem:s4+$0x2910];
	_ =	sdelay $0x2  }
0x307: {  	vm0 =	vlt.s32 v5, $0x3E8  }
.Ltmp7:
0x308: {  	v4 =	vld [tilespmem:s4+$0x2510];
	v7 =	vmpcnt.ones.xlane vm0;
	(pc) =	sbr.rel @p1 .LBB2_13-.Ltmp7, $4  }
0x309: {  	v6 =	vmul.u32 $0x3E8, v6  }
0x30a: {  	(v2sf) =	vpush v7, $0x0  }
0x30b: {  	v5 =	vadd.s32 v5, v6  }
0x30c: {  	v5 =	vshll.u32 v5, $0xF;
	s4 =	spop (v2sf)  }
0x30d: {  	_ =	sdelay $0xa  }
0x30e: {  	v4 =	vor.u32 v4, v5;
	s0 =	sadd.s32 s29, s4  }
0x30f: {  	[tilespmem:s0+$0x3110] =	vst.msk vm0, v4;
	s1 =	spop (v2sf)  }
0x310: {  	_ =	swait.ge [sflag:s19], $0x200  }
0x311: {  	[sflag:s19] =	ssyncset.done $0x0  }
0x312: {  	[sflag:s19] =	ssyncadd.s32 $0xFFFFFE00  }
0x313: {  	_ =	swait.ge [sflag:s19], $0x200  }
0x314: {  	[sflag:s19] =	ssyncset.done $0x0  }
0x315: {  	p0 =	seq.s32 s28, $0x7;
	[sflag:s19] =	ssyncadd.s32 $0xFFFFFE00  }
0x316: {  	s5 =	sadd.s32 @!p0 s20, s2;
	_ =	swait.ge [sflag:s19], $0x200  }
0x317: {  	s17 =	simm.s32 @!p0 $0x0;
	s5 =	sshrl.u32 @!p0 s5, $0x3;
	[sflag:s19] =	ssyncset.done $0x0  }
0x318: {  	s20 =	simm.s32 @!p0 $0x2510;
	s7 =	sadd.s32 @!p0 s3, s5;
	[sflag:s19] =	ssyncadd.s32 $0xFFFFFE00  }
0x319: {  	[tilespmem:s20], [sflag:$0x3] =	stream.linear.gather @!p0 [hbm4b:s7+s17], $0x200, $0x38;
	[tilespmem:$0x1F890] =	vst v63  }
0x31a: {  	s7 =	sadd.s32 @!p0 s9, s5;
	s20 =	simm.s32 @!p0 $0x2710  }
0x31b: {  	[tilespmem:s20], [sflag:$0x3] =	stream.linear.gather @!p0 [hbm4b:s7+s17], $0x200, $0x38;
	[tilespmem:$0x1F890] =	vst v63  }
0x31c: {  	s29 =	simm.s32 $0x0;
	s5 =	sadd.s32 @!p0 s10, s5;
	s7 =	simm.s32 @!p0 $0x2910  }
0x31d: {  	[tilespmem:s7], [sflag:$0x3] =	stream.linear.gather @!p0 [hbm4b:s5+s17], $0x200, $0x38;
	[tilespmem:$0x1F890] =	vst v63  }
0x31e: {  	v4 =	vld [tilespmem:s29+$0x2D10];
	_ =	sdelay $0x1  }
0x31f: {  	v5 =	vld [tilespmem:s29+$0x2F10];
	_ =	sdelay $0x2  }
0x320: {  	vm0 =	vlt.s32 v4, $0x3E8  }
0x321: {  	v7 =	vld [tilespmem:s29+$0x2B10];
	v6 =	vmpcnt.ones.xlane vm0  }
0x322: {  	v5 =	vmul.u32 $0x3E8, v5  }
0x323: {  	(v2sf) =	vpush v6, $0x0  }
0x324: {  	v4 =	vadd.s32 v4, v5  }
0x325: {  	v4 =	vshll.u32 v4, $0xF  }
0x326: {  	s20 =	sadd.s32 s0, s1;
	v4 =	vor.u32 v7, v4  }
0x327: {  	s31 =	simm.s32 $0x10;
	[tilespmem:s20+$0x3110] =	vst.msk vm0, v4  }
0x328: {  	v5 =	vld [tilespmem:s31+$0x2F10]  }
0x329: {  	v4 =	vld [tilespmem:s31+$0x2D10];
	_ =	sdelay $0x3  }
0x32a: {  	v5 =	vmul.u32 $0x3E8, v5  }
0x32b: {  	vm0 =	vlt.s32 v4, $0x3E8  }
0x32c: {  	v6 =	vmpcnt.ones.xlane vm0;
	v5 =	vadd.s32 v4, v5;
	v4 =	vld [tilespmem:s31+$0x2B10];
	_ =	sdelay $0x1  }
0x32d: {  	(v2sf) =	vpush v6, $0x0  }
0x32e: {  	s0 =	simm.s32 $0x80;
	v5 =	vshll.u32 v5, $0xF;
	s4 =	spop (v2sf)  }
.LBB2_15:
0x32f: {  	p1 =	sne.s32 s0, $0x7C0  }
0x330: {  	v4 =	vor.u32 v4, v5;
	s20 =	sadd.s32 s20, s4;
	s4 =	smov.u32 s0;
	s0 =	sadd.s32 $0x40, s0  }
0x331: {  	s4 =	sshra.s32 s4, $0x2;
	[tilespmem:s20+$0x3110] =	vst.msk vm0, v4  }
0x332: {  	v5 =	vld [tilespmem:s4+$0x2D10];
	_ =	sdelay $0x1  }
0x333: {  	v6 =	vld [tilespmem:s4+$0x2F10];
	_ =	sdelay $0x2  }
0x334: {  	vm0 =	vlt.s32 v5, $0x3E8  }
.Ltmp8:
0x335: {  	v4 =	vld [tilespmem:s4+$0x2B10];
	v7 =	vmpcnt.ones.xlane vm0;
	(pc) =	sbr.rel @p1 .LBB2_15-.Ltmp8, $4  }
0x336: {  	v6 =	vmul.u32 $0x3E8, v6  }
0x337: {  	(v2sf) =	vpush v7, $0x0  }
0x338: {  	v5 =	vadd.s32 v5, v6  }
0x339: {  	v5 =	vshll.u32 v5, $0xF;
	s4 =	spop (v2sf)  }
0x33a: {  	_ =	sdelay $0x6  }
0x33b: {  	s28 =	sadd.s32 $0x1, s28  }
0x33c: {  	p0 =	sne.s32 s28, $0x8  }
.Ltmp9:
0x33d: {  	_ = 	snop;
	(pc) =	sbr.rel @p0 .LBB2_12-.Ltmp9, $3  }
0x33e: {  	_ =	sdelay $0x1  }
0x33f: {  	v4 =	vor.u32 v4, v5;
	s0 =	sadd.s32 s20, s4;
	s31 =	spop (v2sf)  }
0x340: {  	[tilespmem:s0+$0x3110] =	vst.msk vm0, v4;
	s29 =	sadd.s32 s0, s31  }
0x341: {  	p0 =	slt.s32 s29, $0x1FF0;
	s0 =	smov.u32 s29  }
0x342: {  	s0 =	simm.s32 @!p0 $0x1FF0  }
0x343: {  	v4 =	vld [tilespmem:s0+$0x3110];
	_ =	sdelay $0x2  }
0x344: {  	v5 =	vadd.s32 s0, v3  }
0x345: {  	s4 =	sadd.s32 $0x10, s29;
	vm0 =	vlt.s32 v5, s29  }
0x346: {  	p0 =	slt.s32 s4, $0x1FF0;
	v4 =	vsel vm0, v4, v1  }
0x347: {  	s4 =	simm.s32 @!p0 $0x1FF0;
	[tilespmem:s0+$0x3110] =	vst v4  }
0x348: {  	v4 =	vld [tilespmem:s4+$0x3110];
	_ =	sdelay $0x2  }
0x349: {  	v5 =	vadd.s32 s4, v3  }
0x34a: {  	vm9 =	vlt.s32 v5, s29;
	s0 =	sadd.s32 $0x20, s29  }
0x34b: {  	p0 =	slt.s32 s0, $0x1FF0;
	v4 =	vsel vm9, v4, v1  }
0x34c: {  	s0 =	simm.s32 @!p0 $0x1FF0;
	[tilespmem:s4+$0x3110] =	vst v4  }
0x34d: {  	v4 =	vld [tilespmem:s0+$0x3110];
	_ =	sdelay $0x2  }
0x34e: {  	v5 =	vadd.s32 s0, v3  }
0x34f: {  	vm10 =	vlt.s32 v5, s29;
	s4 =	sadd.s32 $0x30, s29  }
0x350: {  	p0 =	slt.s32 s4, $0x1FF0;
	v4 =	vsel vm10, v4, v1  }
0x351: {  	s4 =	simm.s32 @!p0 $0x1FF0;
	[tilespmem:s0+$0x3110] =	vst v4  }
0x352: {  	v4 =	vld [tilespmem:s4+$0x3110];
	_ =	sdelay $0x2  }
0x353: {  	v5 =	vadd.s32 s4, v3  }
0x354: {  	vm11 =	vlt.s32 v5, s29;
	s0 =	sadd.s32 $0x40, s29  }
0x355: {  	p0 =	slt.s32 s0, $0x1FF0;
	v4 =	vsel vm11, v4, v1  }
0x356: {  	s0 =	simm.s32 @!p0 $0x1FF0;
	[tilespmem:s4+$0x3110] =	vst v4  }
0x357: {  	v4 =	vld [tilespmem:s0+$0x3110];
	_ =	sdelay $0x2  }
0x358: {  	v5 =	vadd.s32 s0, v3  }
0x359: {  	vm12 =	vlt.s32 v5, s29;
	s4 =	sadd.s32 $0x50, s29  }
0x35a: {  	p0 =	slt.s32 s4, $0x1FF0;
	v4 =	vsel vm12, v4, v1  }
0x35b: {  	s4 =	simm.s32 @!p0 $0x1FF0;
	[tilespmem:s0+$0x3110] =	vst v4  }
0x35c: {  	v4 =	vld [tilespmem:s4+$0x3110];
	_ =	sdelay $0x2  }
0x35d: {  	v5 =	vadd.s32 s4, v3  }
0x35e: {  	vm13 =	vlt.s32 v5, s29;
	s0 =	sadd.s32 $0x60, s29  }
0x35f: {  	p0 =	slt.s32 s0, $0x1FF0;
	v4 =	vsel vm13, v4, v1  }
0x360: {  	s0 =	simm.s32 @!p0 $0x1FF0;
	[tilespmem:s4+$0x3110] =	vst v4  }
0x361: {  	v4 =	vld [tilespmem:s0+$0x3110];
	_ =	sdelay $0x2  }
0x362: {  	s5 =	sadd.s32 $0x7F, s29;
	v5 =	vadd.s32 s0, v3  }
0x363: {  	s28 =	sand.u32 $0x7F, s5;
	s31 =	sshra.s32 s5, $0x1F;
	vm14 =	vlt.s32 v5, s29;
	s4 =	sadd.s32 $0x70, s29  }
0x364: {  	p1 =	slt.s32 s5, $0x1;
	p6 =	sne.s32 s28, $0x0;
	p0 =	slt.s32 s4, $0x1FF0;
	v4 =	vsel vm14, v4, v1  }
0x365: {  	s4 =	simm.s32 @!p0 $0x1FF0;
	p0 =	por !p1, !p6;
	[tilespmem:s0+$0x3110] =	vst v4;
	s0 =	sshrl.u32 s31, $0x19  }
0x366: {  	p0 =	por !p0, !p0;
	s0 =	sadd.s32 s0, s5;
	s5 =	simm.s32 $0x1  }
0x367: {  	s0 =	sshra.s32 s0, $0x7;
	s5 =	simm.s32 @!p0 $0x0  }
0x368: {  	v4 =	vld [tilespmem:s4+$0x3110];
	s26 =	ssub.s32 s0, s5  }
0x369: {  	p0 =	slt.s32 s26, $0x1  }
.Ltmp10:
0x36a: {  	_ = 	snop;
	(pc) =	sbr.rel @p0 .LBB2_25-.Ltmp10, $4  }
0x36b: {  	v5 =	vadd.s32 s4, v3  }
0x36c: {  	vm15 =	vlt.s32 v5, s29;
	s0 =	simm.s32 @!p0 $0x0  }
0x36d: {  	v4 =	vsel vm15, v4, v1;
	s0 =	simm.s32 @p0 $0x1  }
0x36e: {  	[tilespmem:s4+$0x3110] =	vst v4;
	[smem:$0x7FC] =	sst s0  }
0x36f: {  	s0 =	sshll.u32 s26, $0x3  }
0x370: {  	p0 =	sne.s32 s0, $0x1  }
.Ltmp11:
0x371: {  	_ = 	snop;
	(pc) =	sbr.rel @!p0 .LBB2_19-.Ltmp11, $3  }
0x372: {  	_ =	sdelay $0x1  }
0x373: {  	s4 =	simm.s32 $0x0  }
0x374: {  	s20 =	simm.s32 $0x0;
	p2 =	por $0x0, $0x0;
	v4 =	vld [tilespmem:s4+$0x3110];
	s5 =	sadd.s32 $0xFFFFFFFF, s0  }
0x375: {  	_ =	sdelay $0x1  }
0x376: {  	s0 =	sand.u32 $0xFFFFFE00, s20;
	p0 =	sne.s32 s5, $0x1  }
.Ltmp12:
0x377: {  	s7 =	sand.u32 $0x70, s20;
	s0 =	sshra.s32 s0, $0x2;
	(pc) =	sbr.rel @!p0 .LBB2_21-.Ltmp12, $4  }
0x378: {  	s0 =	sor.u32 s7, s0;
	v5 =	vshra.s32 v4, $0xF  }
0x379: {  	v4 =	vand.u32 $0x7FFF, v4;
	[tilespmem:s0+$0x5110] =	vst v5  }
0x37a: {  	s28 =	simm.s32 $0x10;
	p2 =	por $0x1, $0x1;
	[tilespmem:s4+$0x3110] =	vst v4  }
0x37b: {  	s0 =	simm.s32 $0x40;
	s4 =	sadd.s32 $0xFFFFFFFF, s5;
	s5 =	simm.s32 $0x0;
	v4 =	vld [tilespmem:s28+$0x3110]  }
.LBB2_22:
0x37c: {  	p0 =	sne.s32 s4, $0x1;
	_ =	sdelay $0x1  }
0x37d: {  	s7 =	sand.u32 $0xFFFFFE00, s0;
	s5 =	sadd.s32 $0x10, s5  }
.Ltmp13:
0x37e: {  	s17 =	sand.u32 $0x70, s5;
	s7 =	sshra.s32 s7, $0x2;
	(pc) =	sbr.rel @p0 .LBB2_22-.Ltmp13, $4  }
0x37f: {  	s7 =	sor.u32 s17, s7;
	v5 =	vshra.s32 v4, $0xF;
	v4 =	vand.u32 $0x7FFF, v4  }
0x380: {  	s0 =	sadd.s32 $0x40, s0;
	[tilespmem:s7+$0x5110] =	vst v5  }
0x381: {  	[tilespmem:s28+$0x3110] =	vst v4;
	s28 =	sshra.s32 s0, $0x2  }
0x382: {  	s4 =	sadd.s32 $0xFFFFFFFF, s4;
	v4 =	vld [tilespmem:s28+$0x3110]  }
0x383: {  	s4 =	smov.u32 s28  }
.LBB2_24:
0x384: {  	s5 =	sadd.s32 @p2 $0x10, s5  }
0x385: {  	s0 =	sand.u32 $0xFFFFFE00, s0;
	s20 =	smov.u32 @p2 s5  }
0x386: {  	s0 =	sshra.s32 s0, $0x2;
	s5 =	sand.u32 $0x70, s20  }
0x387: {  	v5 =	vshra.s32 v4, $0xF;
	s0 =	sor.u32 s5, s0  }
0x388: {  	v4 =	vand.u32 $0x7FFF, v4;
	[tilespmem:s0+$0x5110] =	vst v5  }
0x389: {  	s31 =	simm.s32 $0x80;
	s1 =	simm.s32 $0x3110;
	[tilespmem:s4+$0x3110] =	vst v4  }
0x38a: {  	[tilespmem:s30], [sflag:$0x1] =	stream.indirect.gather [hbm4b:s22+s31], $0x90, s1, s31, $0xb8;
	[tilespmem:$0x1F890] =	vst v63  }
.LBB2_25:
0x38b: {  	s0 =	sadd.s32 $0x1, s26  }
0x38c: {  	s4 =	sand.u32 $0x1, s0  }
0x38d: {  	p0 =	slt.s32 s26, $0x0;
	p2 =	seq.s32 s4, $0x1  }
0x38e: {  	s31 =	sshrl.u32 s0, $0x1F;
	p0 =	por !p0, !p2  }
0x38f: {  	s0 =	sadd.s32 s31, s0;
	s4 =	simm.s32 $0x1;
	p2 =	por !p0, !p0  }
0x390: {  	s20 =	sshra.s32 s0, $0x1;
	s4 =	simm.s32 @!p2 $0x0  }
0x391: {  	s0 =	ssub.s32 s20, s4  }
0x392: {  	p3 =	slt.s32 s0, $0x1  }
0x393: {  	p4 =	slt.s32 @!p3 s26, $0x1  }
0x394: {  	p0 =	por p4, p3  }
0x395: {  	s4 =	simm.s32 @!p0 $0x1  }
0x396: {  	p5 =	sne.s32 @!p0 s26, $0x1;
	_ =	swait.ge @!p0 [sflag:s4], $0x4800  }
0x397: {  	p6 =	por @!p3 !p5, p4;
	[sflag:s4] =	ssyncset.done @!p0 $0x0  }
0x398: {  	p6 =	por p6, p3;
	[sflag:s4] =	ssyncadd.s32 @!p0 $0xFFFFB800  }
0x399: {  	s4 =	simm.s32 @!p6 $0x80;
	s5 =	simm.s32 @!p6 $0x3190;
	s7 =	simm.s32 @!p6 $0xB910  }
0x39a: {  	[tilespmem:s7], [sflag:$0x1] =	stream.indirect.gather @!p6 [hbm4b:s22+s4], $0x90, s5, s4, $0xb8;
	[tilespmem:$0x1F890] =	vst v63  }
0x39b: {  	s17 =	simm.s32 @!p6 $0x7110;
	s5 =	simm.s32 @!p6 $0x5110  }
0x39c: {  	[spmem:s6] =	stream.indirect.scatter.add.f32 @!p6 [tilespmem:s17], [sflag:$0x2], $0x90, s5, s4, $0xb8;
	[tilespmem:$0x1F890] =	vst v63  }
0x39d: {  	s5 =	simm.s32 @!p6 $0x1  }
0x39e: {  	p1 =	seq.s32 @!p6 s26, $0x2;
	_ =	swait.ge @!p6 [sflag:s5], $0x4800  }
0x39f: {  	p0 =	por @!p0 p1, !p5;
	[sflag:s5] =	ssyncset.done @!p6 $0x0  }
0x3a0: {  	p0 =	por @!p3 p0, p4;
	[sflag:s5] =	ssyncadd.s32 @!p6 $0xFFFFB800;
	s5 =	simm.s32 @!p6 $0x2  }
0x3a1: {  	p0 =	por p0, p3;
	_ =	swait.ge @!p6 [sflag:s5], $0x4800  }
0x3a2: {  	s17 =	simm.s32 @!p0 $0x3210;
	[sflag:s5] =	ssyncset.done @!p6 $0x0  }
0x3a3: {  	s28 =	simm.s32 @!p0 $0x7110;
	[sflag:s5] =	ssyncadd.s32 @!p6 $0xFFFFB800;
	s5 =	simm.s32 @!p0 $0x80  }
0x3a4: {  	[tilespmem:s28], [sflag:$0x1] =	stream.indirect.gather @!p0 [hbm4b:s22+s5], $0x90, s17, s5, $0xb8;
	[tilespmem:$0x1F890] =	vst v63  }
0x3a5: {  	p0 =	por @!p3 p5, p4  }
0x3a6: {  	s5 =	simm.s32 @!p6 $0x5190;
	p0 =	por p0, p3  }
0x3a7: {  	[spmem:s6] =	stream.indirect.scatter.add.f32 @!p6 [tilespmem:s7], [sflag:$0x2], $0x90, s5, s4, $0xb8;
	[tilespmem:$0x1F890] =	vst v63  }
0x3a8: {  	s4 =	simm.s32 @!p0 $0x80;
	s5 =	simm.s32 @!p0 $0x5110;
	s7 =	simm.s32 @!p0 $0x7110  }
0x3a9: {  	[spmem:s6] =	stream.indirect.scatter.add.f32 @!p0 [tilespmem:s7], [sflag:$0x2], $0x90, s5, s4, $0xb8;
	[tilespmem:$0x1F890] =	vst v63  }
0x3aa: {  	p0 =	seq.s32 @!p3 s0, $0x1  }
0x3ab: {  	p0 =	por p3, p0  }
.Ltmp14:
0x3ac: {  	_ = 	snop;
	(pc) =	sbr.rel @p0 .LBB2_33-.Ltmp14, $1  }
0x3ad: {  	_ =	sdelay $0x3  }
0x3ae: {  	s0 =	simm.s32 $0xFFFFFFFF  }
0x3af: {  	s0 =	simm.s32 @!p2 $0x0  }
0x3b0: {  	s0 =	sadd.s32 s0, s20  }
0x3b1: {  	s0 =	sadd.s32 $0xFFFFFFFF, s0  }
0x3b2: {  	s0 =	sadd.s32 $0xFFFFFFFF, s0  }
0x3b3: {  	p0 =	sne.s32 s0, $0x0  }
.Ltmp15:
0x3b4: {  	_ = 	snop;
	(pc) =	sbr.rel @!p0 .LBB2_27-.Ltmp15, $3  }
0x3b5: {  	_ =	sdelay $0x1  }
0x3b6: {  	s29 =	simm.s32 $0x5210;
	s30 =	simm.s32 $0x4  }
0x3b7: {  	s28 =	simm.s32 $0x3290;
	p3 =	por $0x0, $0x0;
	p2 =	sle.s32 s26, $0x2  }
0x3b8: {  	s4 =	simm.s32 @!p2 $0x1  }
0x3b9: {  	_ =	swait.ge @!p2 [sflag:s4], $0x4800  }
0x3ba: {  	s15 =	smov.u32 s11;
	s11 =	smov.u32 s14;
	[sflag:s4] =	ssyncset.done @!p2 $0x0  }
0x3bb: {  	s1 =	smov.u32 s13;
	[sflag:s4] =	ssyncadd.s32 @!p2 $0xFFFFB800;
	s4 =	simm.s32 @!p2 $0x2  }
0x3bc: {  	p0 =	sle.s32 @!p2 s26, $0x3;
	s20 =	sadd.s32 $0xFFFFFFFF, s0;
	_ =	swait.ge @!p2 [sflag:s4], $0x4800  }
0x3bd: {  	p4 =	sle.s32 s26, $0x3;
	p0 =	por p0, p2;
	[sflag:s4] =	ssyncset.done @!p2 $0x0  }
0x3be: {  	s0 =	simm.s32 @!p0 $0x80;
	[sflag:s4] =	ssyncadd.s32 @!p2 $0xFFFFB800;
	s4 =	simm.s32 @!p0 $0xB910  }
0x3bf: {  	[tilespmem:s4], [sflag:$0x1] =	stream.indirect.gather @!p0 [hbm4b:s22+s0], $0x90, s28, s0, $0xb8;
	[tilespmem:$0x1F890] =	vst v63  }
0x3c0: {  	s31 =	simm.s32 $0x5310;
	s0 =	simm.s32 @!p2 $0x80;
	s4 =	simm.s32 @!p2 $0x7110  }
0x3c1: {  	[spmem:s6] =	stream.indirect.scatter.add.f32 @!p2 [tilespmem:s4], [sflag:$0x2], $0x90, s29, s0, $0xb8;
	[tilespmem:$0x1F890] =	vst v63  }
0x3c2: {  	s30 =	simm.s32 $0x6;
	p3 =	por $0x1, $0x1;
	s0 =	simm.s32 @!p4 $0x1  }
0x3c3: {  	p1 =	sle.s32 @!p4 s26, $0x4;
	p0 =	sne.s32 s20, $0x0;
	_ =	swait.ge @!p4 [sflag:s0], $0x4800  }
.Ltmp16:
0x3c4: {  	p5 =	por p1, p4;
	[sflag:s0] =	ssyncset.done @!p4 $0x0;
	(pc) =	sbr.rel @!p0 .LBB2_29-.Ltmp16, $4  }
0x3c5: {  	s17 =	simm.s32 @!p4 $0x2;
	s5 =	simm.s32 @!p5 $0x7110;
	[sflag:s0] =	ssyncadd.s32 @!p4 $0xFFFFB800  }
0x3c6: {  	s7 =	simm.s32 @!p5 $0x80;
	s28 =	simm.s32 $0x3390;
	_ =	swait.ge @!p4 [sflag:s17], $0x4800  }
0x3c7: {  	s4 =	simm.s32 @!p4 $0x80;
	p2 =	sle.s32 s26, $0x4;
	[sflag:s17] =	ssyncset.done @!p4 $0x0  }
0x3c8: {  	s0 =	simm.s32 @!p4 $0xB910;
	[sflag:s17] =	ssyncadd.s32 @!p4 $0xFFFFB800;
	s17 =	simm.s32 @!p5 $0x3310  }
.LBB2_30:
0x3c9: {  	[tilespmem:s5], [sflag:$0x1] =	stream.indirect.gather @!p5 [hbm4b:s22+s7], $0x90, s17, s7, $0xb8;
	[tilespmem:$0x1F890] =	vst v63  }
0x3ca: {  	s5 =	simm.s32 @!p2 $0x1;
	s7 =	sadd.s32 @!p2 $0xFFFFFFFF, s30;
	s17 =	sadd.s32 @!p4 $0x80, s29  }
0x3cb: {  	[spmem:s6] =	stream.indirect.scatter.add.f32 @!p4 [tilespmem:s0], [sflag:$0x2], $0x90, s17, s4, $0xb8;
	[tilespmem:$0x1F890] =	vst v63  }
0x3cc: {  	s20 =	sadd.s32 $0xFFFFFFFF, s20;
	p0 =	sge.s32 @!p2 s7, s26;
	_ =	swait.ge @!p2 [sflag:s5], $0x4800  }
0x3cd: {  	p6 =	sne.s32 s20, $0x0;
	p0 =	por p0, p2;
	[sflag:s5] =	ssyncset.done @!p2 $0x0  }
0x3ce: {  	s0 =	simm.s32 @!p2 $0x2;
	s17 =	smov.u32 s28;
	[sflag:s5] =	ssyncadd.s32 @!p2 $0xFFFFB800  }
0x3cf: {  	s29 =	smov.u32 s31;
	_ =	swait.ge @!p2 [sflag:s0], $0x4800  }
0x3d0: {  	s4 =	sadd.s32 $0xFFFFFFFF, s30;
	[sflag:s0] =	ssyncset.done @!p2 $0x0  }
0x3d1: {  	s5 =	simm.s32 @!p0 $0xB910;
	[sflag:s0] =	ssyncadd.s32 @!p2 $0xFFFFB800;
	s0 =	simm.s32 @!p0 $0x80  }
0x3d2: {  	[tilespmem:s5], [sflag:$0x1] =	stream.indirect.gather @!p0 [hbm4b:s22+s0], $0x90, s28, s0, $0xb8;
	[tilespmem:$0x1F890] =	vst v63  }
0x3d3: {  	p4 =	sge.s32 s4, s26;
	s0 =	simm.s32 @!p2 $0x80;
	s5 =	simm.s32 @!p2 $0x7110  }
0x3d4: {  	[spmem:s6] =	stream.indirect.scatter.add.f32 @!p2 [tilespmem:s5], [sflag:$0x2], $0x90, s31, s0, $0xb8;
	[tilespmem:$0x1F890] =	vst v63  }
0x3d5: {  	p0 =	sge.s32 @!p4 s30, s26;
	s28 =	sadd.s32 $0x100, s28;
	s0 =	simm.s32 @!p4 $0x1  }
0x3d6: {  	s30 =	sadd.s32 $0x2, s30;
	p5 =	por p0, p4;
	_ =	swait.ge @!p4 [sflag:s0], $0x4800  }
.Ltmp17:
0x3d7: {  	s31 =	sadd.s32 $0x100, s31;
	[sflag:s0] =	ssyncset.done @!p4 $0x0;
	(pc) =	sbr.rel @p6 .LBB2_30-.Ltmp17, $4  }
0x3d8: {  	s13 =	simm.s32 @!p4 $0x2;
	[sflag:s0] =	ssyncadd.s32 @!p4 $0xFFFFB800;
	s0 =	simm.s32 @!p4 $0xB910  }
0x3d9: {  	s4 =	simm.s32 @!p4 $0x80;
	s5 =	simm.s32 @!p5 $0x7110;
	_ =	swait.ge @!p4 [sflag:s13], $0x4800  }
0x3da: {  	s14 =	sadd.s32 $0xFFFFFFFE, s30;
	s7 =	simm.s32 @!p5 $0x80;
	[sflag:s13] =	ssyncset.done @!p4 $0x0  }
0x3db: {  	p2 =	sge.s32 s14, s26;
	s17 =	sadd.s32 @!p5 $0x80, s17;
	[sflag:s13] =	ssyncadd.s32 @!p4 $0xFFFFB800  }
.Ltmp18:
0x3dc: {  	(pc) =	sbr.rel .LBB2_32-.Ltmp18, $3  }
0x3dd: {  	_ =	sdelay $0x1  }
0x3de: {  	s20 =	smov.u32 s29;
	s29 =	smov.u32 s31;
	s13 =	smov.u32 s1  }
0x3df: {  	s14 =	smov.u32 s11;
	s11 =	smov.u32 s15;
	s15 =	simm.s32 $0x0  }
.LBB2_19:
.Ltmp19:
0x3e0: {  	(pc) =	sbr.rel .LBB2_24-.Ltmp19, $2  }
0x3e1: {  	_ =	sdelay $0x2  }
0x3e2: {  	s0 =	simm.s32 $0x0;
	s5 =	simm.s32 $0x0  }
.LBB2_21:
.Ltmp20:
0x3e3: {  	(pc) =	sbr.rel .LBB2_24-.Ltmp20, $2  }
0x3e4: {  	_ =	sdelay $0x2  }
0x3e5: {  	s5 =	simm.s32 $0x0;
	s4 =	simm.s32 $0x10  }
.LBB2_29:
.Ltmp21:
0x3e6: {  	(pc) =	sbr.rel .LBB2_32-.Ltmp21, $3  }
0x3e7: {  	_ =	sdelay $0x1  }
0x3e8: {  	s20 =	simm.s32 $0x5210;
	s29 =	simm.s32 $0x5310;
	s13 =	smov.u32 s1  }
0x3e9: {  	s14 =	smov.u32 s11;
	s11 =	smov.u32 s15;
	s15 =	simm.s32 $0x0  }
.LBB2_34:
0x3ea: {  	_ =	sfence.sel $0x180000  }
0x3eb: {  	[bflag:$0x0] =	sbarrier.arrive $0xFFFF  }
0x3ec: {  	_ =	strace $0x90000047  }
0x3ed: {  	s0 =	stileid.u32;
	[bflag:$0x2] =	sbarrier.arrive $0xFFFF  }
0x3ee: {  	p0 =	sne.s32 s0, $0x0;
	s0 =	rddreg [dreg:$0x8]  }
0x3ef: {  	s0 =	sadd.s32 @!p0 $0x100000, s0  }
0x3f0: {  	[sflag:s0] =	ssyncadd.tile.s32 @!p0 $0x1;
	_ =	shalt  }
.Lfunc_end2:
_tile_overlayer_lowered:
.L_overlay_start_2:
0x3f1: {  	(tag) =	ssettag $0x2  }
0x3f2: {  	s0 =	rddreg [dreg:$0x0];
	s2 =	stileid.u32  }
0x3f3: {  	s1 =	rddreg [dreg:$0x1];
	p0 =	sne.s32 s2, $0x0  }
0x3f4: {  	s3 =	rddreg [dreg:$0x2];
	[bflag:$0x3] =	sbarrier.arrive $0xFFFF;
	s2 =	simm.s32 @!p0 $0x1C05  }
0x3f5: {  	[timem:s3], [sflag:s2] =	dma.local @!p0 [hbm:s0], s1  }
0x3f6: {  	s0 =	simm.s32 @!p0 $0x5  }
0x3f7: {  	_ =	swait.ge @!p0 [sflag:s0], s1  }
0x3f8: {  	s1 =	ssub.s32 @!p0 $0x0, s1;
	[sflag:s0] =	ssyncset.done @!p0 $0x0  }
0x3f9: {  	[sflag:s0] =	ssyncadd.s32 @!p0 s1  }
0x3fa: {  	[bflag:$0x3] =	sbarrier.arrive $0xFFFF  }
0x3fb: {  	_ =	shalt  }

// kernel: kernel.9.cloned.1.call-start
scs
__scs_entry_jumppad:
0x0: {  	(pc) =	sbr.rel $0x88, $3  }
0x1: {  	(tag) =	ssettag $0x0;
	lr =	simm.s32 $0x1  }
0x2: {  	[smem:$0x3F92] =	sst lr;
	_ =	strace $0xD0000000  }
0x3: {  	_ = 	snop  }
0x4: {  	_ = 	snop  }
0x5: {  	_ = 	snop  }
0x6: {  	_ = 	snop  }
0x7: {  	_ = 	snop  }
__scs_overlays_trampoline_lowered:
0x8: {  	[smem:$0x3FA1] =	sst s0  }
0x9: {  	[smem:$0x3FA2] =	sst s1  }
0xa: {  	[smem:$0x3FA3] =	sst s2  }
0xb: {  	[smem:$0x3FA4] =	sst s3  }
0xc: {  	[smem:$0x3FA5] =	sst s4  }
0xd: {  	[smem:$0x3FA6] =	sst s5  }
0xe: {  	[smem:$0x3FA7] =	sst s6  }
0xf: {  	[smem:$0x3FA8] =	sst s7  }
0x10: {  	[smem:$0x3FA9] =	sst s8  }
0x11: {  	[smem:$0x3FAA] =	sst s9;
	s0 =	simm.s32 @!p0 $0x0  }
0x12: {  	s1 =	sld [smem:$0x3F90];
	s0 =	simm.s32 @p0 $0x1  }
0x13: {  	[smem:$0x3FAB] =	sst s0;
	s0 =	simm.s32 @!p1 $0x0  }
0x14: {  	s2 =	sld [smem:$0x3F8F];
	s0 =	simm.s32 @p1 $0x1  }
0x15: {  	[smem:$0x3FAC] =	sst s0;
	s0 =	simm.s32 @!p2 $0x0  }
0x16: {  	s3 =	sld [smem:$0x3FDB];
	s0 =	simm.s32 @p2 $0x1  }
0x17: {  	s4 =	simm.s32 $0x1BF5;
	[smem:$0x3FAE] =	sst s0  }
0x18: {  	s0 =	sld [smem:$0x3F91];
	_ =	swait.ge [sflag:s4], $0x0  }
0x19: {  	s7 =	sld [smem:$0x3F92]  }
0x1a: {  	s8 =	sadd.s32 $0xFFFFE003, lr  }
0x1b: {  	s9 =	sadd.s32 $0xFFFFFEF7, lr;
	s5 =	simm.s32 $0xFFFFFFFF;
	p2 =	slt.u32 s8, $0xFFFFF086  }
0x1c: {  	p1 =	slt.u32 s9, $0xF7A;
	s5 =	simm.s32 @!p2 $0x0  }
0x1d: {  	s5 =	simm.s32 @p1 $0x1;
	p0 =	seq.s32 s7, s2  }
0x1e: {  	s7 =	smul.u32 @!p0 $0xF7A, s2;
	p2 =	seq.s32 @!p0 s5, $0x0  }
0x1f: {  	s9 =	smul.u32 $0xF7A, s1;
	s8 =	simm.s32 @!p0 $0x1BF5;
	p2 =	por !p2, p0  }
0x20: {  	[sflag:s8] =	ssyncset.s32 @!p0 $0xFFFFF086;
	s6 =	sadd.s32 @!p0 s3, s7;
	s7 =	simm.s32 @!p0 $0x108  }
0x21: {  	s3 =	sadd.s32 s3, s9;
	s6 =	sadd.s32 @!p0 $0x88, s6;
	s7 =	simm.s32 @p2 $0x1082  }
0x22: {  	[simem:s7], [sflag:s8] =	dma.local @!p0 [hbm:s6], $0xF7A  }
0x23: {  	s9 =	sor.u32 $0xD0000000, s2;
	s6 =	simm.s32 $0x108;
	_ =	swait.ge @!p0 [sflag:s8], $0x0  }
0x24: {  	s3 =	sadd.s32 $0x88, s3;
	s6 =	simm.s32 @!p1 $0x1082;
	[sflag:s4] =	ssyncset.s32 $0xFFFFF086  }
0x25: {  	[simem:s6], [sflag:s4] =	dma.local [hbm:s3], $0xF7A  }
0x26: {  	[smem:$0x3F92] =	sst s1;
	(tag) =	ssettag s2;
	_ =	strace s9  }
0x27: {  	s1 =	sld [smem:$0x3FA2]  }
0x28: {  	s2 =	sld [smem:$0x3FA3]  }
0x29: {  	s4 =	sld [smem:$0x3FA5]  }
0x2a: {  	p0 =	seq.s32 s5, $0x0;
	s5 =	sld [smem:$0x3FA6]  }
0x2b: {  	s6 =	sld [smem:$0x3FA7]  }
0x2c: {  	s7 =	sld [smem:$0x3FA8]  }
0x2d: {  	s3 =	simm.s32 $0x108;
	s8 =	sld [smem:$0x3FA9]  }
0x2e: {  	s3 =	simm.s32 @!p0 $0x1082;
	s9 =	sld [smem:$0x3FAA]  }
0x2f: {  	lr =	sadd.s32 s0, s3;
	s0 =	sld [smem:$0x3FA1]  }
0x30: {  	s3 =	sld [smem:$0x3FA4]  }
0x31: {  	[smem:$0x3FAD] =	sst s10  }
0x32: {  	s10 =	sld [smem:$0x3FAB];
	_ =	sdelay $0x3  }
0x33: {  	p0 =	seq.s32 s10, $0x1;
	s10 =	sld [smem:$0x3FAD];
	_ =	sdelay $0x3  }
0x34: {  	[smem:$0x3FAD] =	sst s10  }
0x35: {  	s10 =	sld [smem:$0x3FAC];
	_ =	sdelay $0x3  }
0x36: {  	p1 =	seq.s32 s10, $0x1;
	s10 =	sld [smem:$0x3FAD];
	_ =	sdelay $0x3  }
0x37: {  	[smem:$0x3FAD] =	sst s10  }
0x38: {  	s10 =	sld [smem:$0x3FAE]  }
0x39: {  	_ = 	snop;
	(pc) =	sbr.ind lr, $3  }
0x3a: {  	_ = 	snop  }
0x3b: {  	_ = 	snop  }
0x3c: {  	p2 =	seq.s32 s10, $0x1;
	s10 =	sld [smem:$0x3FAD]  }
0x3d: {  	_ =	shalt  }
0x3e: {  	_ =	shalt  }
0x3f: {  	_ =	shalt  }
0x40: {  	_ =	shalt  }
0x41: {  	_ =	shalt  }
0x42: {  	_ =	shalt  }
0x43: {  	_ =	shalt  }
0x44: {  	_ =	shalt  }
0x45: {  	_ =	shalt  }
0x46: {  	_ =	shalt  }
0x47: {  	_ =	shalt  }
0x48: {  	_ =	shalt  }
0x49: {  	_ =	shalt  }
0x4a: {  	_ =	shalt  }
0x4b: {  	_ =	shalt  }
0x4c: {  	_ =	shalt  }
0x4d: {  	_ =	shalt  }
0x4e: {  	_ =	shalt  }
0x4f: {  	_ =	shalt  }
0x50: {  	_ =	shalt  }
0x51: {  	_ =	shalt  }
0x52: {  	_ =	shalt  }
0x53: {  	_ =	shalt  }
0x54: {  	_ =	shalt  }
0x55: {  	_ =	shalt  }
0x56: {  	_ =	shalt  }
0x57: {  	_ =	shalt  }
0x58: {  	_ =	shalt  }
0x59: {  	_ =	shalt  }
0x5a: {  	_ =	shalt  }
0x5b: {  	_ =	shalt  }
0x5c: {  	_ =	shalt  }
0x5d: {  	_ =	shalt  }
0x5e: {  	_ =	shalt  }
0x5f: {  	_ =	shalt  }
0x60: {  	_ =	shalt  }
0x61: {  	_ =	shalt  }
0x62: {  	_ =	shalt  }
0x63: {  	_ =	shalt  }
0x64: {  	_ =	shalt  }
0x65: {  	_ =	shalt  }
0x66: {  	_ =	shalt  }
0x67: {  	_ =	shalt  }
0x68: {  	_ =	shalt  }
0x69: {  	_ =	shalt  }
0x6a: {  	_ =	shalt  }
0x6b: {  	_ =	shalt  }
0x6c: {  	_ =	shalt  }
0x6d: {  	_ =	shalt  }
0x6e: {  	_ =	shalt  }
0x6f: {  	_ =	shalt  }
0x70: {  	_ =	shalt  }
0x71: {  	_ =	shalt  }
0x72: {  	_ =	shalt  }
0x73: {  	_ =	shalt  }
0x74: {  	_ =	shalt  }
0x75: {  	_ =	shalt  }
0x76: {  	_ =	shalt  }
0x77: {  	_ =	shalt  }
0x78: {  	_ =	shalt  }
0x79: {  	_ =	shalt  }
0x7a: {  	_ =	shalt  }
0x7b: {  	_ =	shalt  }
0x7c: {  	_ =	shalt  }
0x7d: {  	_ =	shalt  }
0x7e: {  	_ =	shalt  }
0x7f: {  	_ =	shalt  }
0x80: {  	_ =	shalt  }
0x81: {  	_ =	shalt  }
0x82: {  	_ =	shalt  }
0x83: {  	_ =	shalt  }
0x84: {  	_ =	shalt  }
0x85: {  	_ =	shalt  }
0x86: {  	_ =	shalt  }
0x87: {  	_ =	shalt  }
.Lfunc_end0:
.L_simem_size_0:
called_computation.1_lowered:
.L_overlay_start_0:
0x88: {  	s2 =	sld [smem:$0x3FD9]  }
0x89: {  	s3 =	sld [smem:$0x3FFE];
	_ =	sdelay $0x1  }
0x8a: {  	s1 =	srdreg.scid  }
0x8b: {  	s0 =	sand.u32 $0x1, s1  }
0x8c: {  	s17 =	sshll.u32 s0, $0xA;
	s2 =	sadd.s32 s3, s2  }
0x8d: {  	s2 =	sadd.s32 s2, s17  }
0x8e: {  	[smem:$0x3FB9] =	sst s2  }
0x8f: {  	_ = 	snop  }
0x90: {  	s2 =	sld [smem:$0x3FD0];
	(tm) =	ssettm $0x1  }
0x91: {  	s18 =	sld [smem:$0x3FFB];
	_ =	sdelay $0x3  }
0x92: {  	_ =	strace s18  }
0x93: {  	s3 =	sld [smem:$0x3FFC];
	_ =	sdelay $0x3  }
0x94: {  	_ =	strace s3  }
0x95: {  	s3 =	sld [smem:$0x3FFD];
	_ =	sdelay $0x3  }
0x96: {  	_ =	strace s3  }
0x97: {  	_ =	strace $0x8FFFFFFF  }
0x98: {  	s19 =	sld [smem:$0x3FDB];
	_ =	sdelay $0x1  }
0x99: {  	s4 =	simm.s32 $_scs_section_size  }
0x9a: {  	s5 =	simm.s32 $_size__tile_overlayer_lowered;
	s6 =	simm.s32 $_tile_overlayer_lowered  }
0x9b: {  	s22 =	simm.s32 $0x1BFF;
	s21 =	sshll.u32 s6, $0x1;
	s3 =	sadd.s32 s4, s19  }
0x9c: {  	s7 =	simm.s32 $0x0;
	s20 =	sshll.u32 s5, $0x1;
	s5 =	sadd.s32 s21, s3  }
0x9d: {  	[timem:s7], [sflag:s22] =	dma.local [hbm:s5], s20  }
0x9e: {  	_ =	swait.ge [sflag:s22], s20  }
0x9f: {  	s4 =	ssub.s32 $0x0, s20;
	[sflag:s22] =	ssyncset.done $0x0  }
0xa0: {  	[sflag:s22] =	ssyncadd.s32 s4;
	_ =	sdelay $0x1  }
0xa1: {  	s23 =	simm.s32 $0x1B8B  }
0xa2: {  	_ =	swait.ge [sflag:s23], $0x1  }
0xa3: {  	[sflag:s23] =	ssyncset.done $0x0  }
0xa4: {  	s25 =	simm.s32 $0x1B8E;
	s24 =	sld [smem:$0x3FFE];
	[sflag:s23] =	ssyncadd.s32 $0xFFFFFFFF  }
0xa5: {  	s26 =	simm.s32 $execute0_lowered;
	[smem:$0x3FD2] =	sst s25  }
0xa6: {  	s5 =	sshll.u32 s26, $0x1;
	_ =	strace $0x80000049;
	[dreg:$0x1] =	wrdreg $0xFFFFFFFF  }
0xa7: {  	s28 =	simm.s32 $_size_execute0_lowered;
	s3 =	sadd.s32 s3, s5;
	[dreg:$0x0] =	wrdreg $0x0  }
0xa8: {  	s5 =	sshll.u32 s28, $0x1;
	[dreg:$0x2] =	wrdreg s3  }
0xa9: {  	[dreg:$0x3] =	wrdreg s5  }
0xaa: {  	[dreg:$0x4] =	wrdreg $0xC0  }
0xab: {  	_ =	task [dreg:s7], $0x5FFFF  }
0xac: {  	[dreg:$0x1] =	wrdreg $0xFFFFFFFF  }
0xad: {  	[dreg:$0x0] =	wrdreg $0x60  }
0xae: {  	[dreg:$0x2] =	wrdreg s2  }
0xaf: {  	[dreg:$0x3] =	wrdreg s24  }
0xb0: {  	[dreg:$0x4] =	wrdreg $0xAC000  }
0xb1: {  	[dreg:$0x5] =	wrdreg $0x9  }
0xb2: {  	_ =	task.clear_ibuf [dreg:s7], $0x6FFFF;
	_ =	strace $0x90000049  }
0xb3: {  	s29 =	simm.s32 $0x9;
	_ =	strace $0x8000004B  }
0xb4: {  	_ =	swait.ge [sflag:s29], $0x1  }
0xb5: {  	[sflag:s29] =	ssyncadd.s32 $0xFFFFFFFF  }
0xb6: {  	_ =	strace $0x9000004B  }
0xb7: {  	_ =	sfence  }
0xb8: {  	s30 =	sld [smem:$0x0];
	_ =	sdelay $0x2  }
0xb9: {  	s31 =	sshll.u32 s1, $0xD;
	s1 =	sshrl.u32 s1, $0x2  }
0xba: {  	s3 =	sand.u32 $0x4000, s31;
	s1 =	sadd.s32 s1, s30  }
0xbb: {  	s0 =	sor.u32 s3, s0;
	s1 =	sshll.u32 s1, $0x11  }
0xbc: {  	s0 =	sor.u32 s1, s0  }
0xbd: {  	s0 =	sadd.s32 $0x8F2B, s0  }
0xbe: {  	[sflag:s0] =	ssyncadd.remote.s32 $0x1  }
0xbf: {  	_ =	sfence.sel $0xFFFF  }
0xc0: {  	[dreg:$0x0] =	wrdreg $0xFFFFFFFF;
	(pc) =	sbr.abs _section_cstart, $3  }
0xc1: {  	[dreg:$0x1] =	wrdreg $0xFFFFFFFF  }
0xc2: {  	_ =	task.clear_ibuf [dreg:s7], $0x2FFFF;
	_ =	strace $0x9FFFFFFF  }
0xc3: {  	(tm) =	ssettm $0x7FFFFFFF  }
tec
execute0_lowered:
.L_overlay_start_1:
0x0: {  	(tag) =	ssettag $0x1  }
0x1: {  	s1 =	rddreg [dreg:$0x0]  }
0x2: {  	s0 =	rddreg [dreg:$0x1]  }
0x3: {  	s2 =	rddreg [dreg:$0x2]  }
0x4: {  	s3 =	simm.s32 $0x0;
	s4 =	srdreg.scid;
	s19 =	stileid.u32  }
0x5: {  	s28 =	simm.s32 $0x800;
	s29 =	simm.s32 $0xA00;
	s30 =	simm.s32 $0x4  }
0x6: {  	[smem:$0x7FF] =	sst s3;
	s5 =	sadd.s32 $0x77800, s0;
	s4 =	sand.u32 $0x1, s4  }
0x7: {  	s6 =	sadd.s32 $0x75800, s0;
	s7 =	sadd.s32 $0x73800, s0;
	s10 =	smul.u32 $0x3DE00, s19  }
0x8: {  	s11 =	smul.u32 $0xF780, s19;
	s12 =	sshll.u32 s19, $0xC;
	s26 =	sshll.u32 s19, $0xF  }
0x9: {  	_ =	strace $0x8000004A;
	s8 =	smul.u32 $0x1EF00, s4;
	s9 =	ssub.s32 $0x2, s4  }
0xa: {  	s4 =	sshll.u32 s4, $0xB;
	s20 =	sshrl.u32 s9, $0x1;
	s10 =	sshrl.u32 s10, $0x2  }
0xb: {  	s4 =	sor.u32 s4, s12;
	s31 =	sshrl.u32 s11, $0x3;
	s0 =	sadd.s32 s8, s0  }
0xc: {  	s9 =	ssub.s32 s9, s20;
	s10 =	sadd.s32 s10, s2;
	s8 =	sadd.s32 s11, s2  }
0xd: {  	s12 =	sshrl.u32 s4, $0x3;
	s15 =	sor.u32 $0x200, s4;
	s4 =	sor.u32 $0xDB00000, s26  }
0xe: {  	s26 =	simm.s32 $0x600;
	s22 =	sadd.s32 $0x4800, s10;
	s21 =	sadd.s32 s7, s12  }
0xf: {  	s20 =	sadd.s32 $0x9000, s10;
	s9 =	smax.u32 s9, $0x1;
	[dreg:$0x8] =	wrdreg s21  }
0x10: {  	s23 =	sadd.s32 $0xD800, s10;
	s14 =	sadd.s32 s5, s12;
	[dreg:$0x9] =	wrdreg s9  }
.Ltmp0:
0x11: {  	s24 =	sadd.s32 s6, s12;
	[dreg:$0x4] =	wrdreg s20;
	(pc) =	sbr.rel .LBB2_1-.Ltmp0, $4  }
0x12: {  	s25 =	sor.u32 $0x80, s12;
	s0 =	sadd.s32 $0x1800, s0;
	[dreg:$0x5] =	wrdreg s23  }
0x13: {  	s16 =	sadd.s32 s5, s25;
	s17 =	sadd.s32 s6, s25;
	[dreg:$0x6] =	wrdreg s14  }
0x14: {  	s18 =	sadd.s32 s7, s25;
	s0 =	sadd.s32 s31, s0;
	[dreg:$0x7] =	wrdreg s24  }
0x15: {  	v1 =	vimm.f32 $0.0e+00;
	v2 =	vlaneseq.u32;
	v0 =	vmov s4;
	s21 =	simm.s32 $0x5;
	s25 =	simm.s32 $0x3;
	[dreg:$0xa] =	wrdreg s0  }
.LBB2_19:
0x16: {  	_ = 	snop  }
.LBB2_24:
0x17: {  	p0 =	por p4, !p2  }
0x18: {  	[tilespmem:s12], [sflag:$0x1] =	stream.indirect.gather @!p0 [hbm4b:s1+s13], $0x90, s14, s13, $0xb8;
	[tilespmem:$0x1A380] =	vst v63  }
0x19: {  	p0 =	por p3, !p2  }
0x1a: {  	s12 =	simm.s32 @!p1 $0x1;
	s4 =	sadd.s32 @!p0 $0x80, s4  }
0x1b: {  	[spmem:s2] =	stream.indirect.scatter.add.f32 @!p0 [tilespmem:s10], [sflag:$0x2], $0x90, s4, s11, $0xb8;
	[tilespmem:$0x1A380] =	vst v63  }
0x1c: {  	_ =	swait.ge @!p1 [sflag:s12], $0x4800  }
0x1d: {  	[sflag:s12] =	ssyncset.done @!p1 $0x0  }
0x1e: {  	s4 =	sadd.s32 @!p1 $0xFFFFFFFF, s24;
	s10 =	simm.s32 @!p1 $0x2;
	[sflag:s12] =	ssyncadd.s32 @!p1 $0xFFFFB800  }
0x1f: {  	s14 =	sadd.s32 $0xFFFFFFFF, s24;
	p0 =	sge.s32 @!p1 s4, s31;
	_ =	swait.ge @!p1 [sflag:s10], $0x4800  }
0x20: {  	p2 =	sge.s32 s14, s31;
	p0 =	por p0, p1;
	[sflag:s10] =	ssyncset.done @!p1 $0x0  }
0x21: {  	s11 =	simm.s32 @!p0 $0x6400;
	[sflag:s10] =	ssyncadd.s32 @!p1 $0xFFFFB800;
	s10 =	simm.s32 @!p0 $0x80  }
0x22: {  	[tilespmem:s11], [sflag:$0x1] =	stream.indirect.gather @!p0 [hbm4b:s1+s10], $0x90, s0, s10, $0xb8;
	[tilespmem:$0x1A380] =	vst v63  }
0x23: {  	s4 =	simm.s32 @!p2 $0x1;
	s10 =	simm.s32 @!p1 $0x80;
	s11 =	simm.s32 @!p1 $0x1C00  }
0x24: {  	[spmem:s2] =	stream.indirect.scatter.add.f32 @!p1 [tilespmem:s11], [sflag:$0x2], $0x90, s9, s10, $0xb8;
	[tilespmem:$0x1A380] =	vst v63  }
0x25: {  	_ =	swait.ge @!p2 [sflag:s4], $0x4800  }
0x26: {  	p0 =	sge.s32 @!p2 s24, s31;
	[sflag:s4] =	ssyncset.done @!p2 $0x0  }
0x27: {  	p0 =	por p0, p2;
	[sflag:s4] =	ssyncadd.s32 @!p2 $0xFFFFB800;
	s4 =	simm.s32 @!p2 $0x2  }
0x28: {  	s10 =	simm.s32 @!p0 $0x1C00;
	_ =	swait.ge @!p2 [sflag:s4], $0x4800  }
0x29: {  	s11 =	simm.s32 @!p0 $0x80;
	s0 =	sadd.s32 @!p0 $0x80, s0;
	[sflag:s4] =	ssyncset.done @!p2 $0x0  }
0x2a: {  	s9 =	sadd.s32 @!p2 $0x80, s9;
	s14 =	rddreg [dreg:$0x6];
	[sflag:s4] =	ssyncadd.s32 @!p2 $0xFFFFB800  }
0x2b: {  	[tilespmem:s10], [sflag:$0x1] =	stream.indirect.gather @!p0 [hbm4b:s1+s11], $0x90, s0, s11, $0xb8;
	[tilespmem:$0x1A380] =	vst v63  }
0x2c: {  	s24 =	rddreg [dreg:$0x7];
	s4 =	simm.s32 @!p2 $0x80;
	s0 =	simm.s32 @!p2 $0x6400  }
0x2d: {  	[spmem:s2] =	stream.indirect.scatter.add.f32 @!p2 [tilespmem:s0], [sflag:$0x2], $0x90, s9, s4, $0xb8;
	[tilespmem:$0x1A380] =	vst v63  }
.LBB2_25:
0x2e: {  	s0 =	sld [smem:$0x7FD];
	_ =	sdelay $0x2  }
0x2f: {  	p0 =	seq.s32 s0, $0x1  }
0x30: {  	s0 =	simm.s32 @!p0 $0x2  }
0x31: {  	_ =	swait.ge @!p0 [sflag:s0], $0x4800  }
0x32: {  	[sflag:s0] =	ssyncset.done @!p0 $0x0  }
0x33: {  	[sflag:s0] =	ssyncadd.s32 @!p0 $0xFFFFB800  }
0x34: {  	s13 =	sshll.u32 s19, $0x6;
	[bflag:$0x0] =	sbarrier.arrive $0xFFFF  }
0x35: {  	s4 =	sshrl.u32 s8, $0x3;
	s0 =	sor.u32 $0x1C05, s13;
	s9 =	rddreg [dreg:$0xa]  }
0x36: {  	[hbm:s9], [sflag:s0] =	dma.local [spmem:s4], $0x1EF0  }
0x37: {  	_ =	swait.ge [sflag:s21], $0x1EF0  }
0x38: {  	s3 =	sadd.s32 $0x1, s3;
	s31 =	rddreg [dreg:$0x9]  }
0x39: {  	p0 =	sne.s32 s3, s31  }
.Ltmp1:
0x3a: {  	_ = 	snop;
	(pc) =	sbr.rel @!p0 .LBB2_26-.Ltmp1, $3  }
0x3b: {  	_ =	sdelay $0x1  }
0x3c: {  	[sflag:s21] =	ssyncset.done $0x0  }
0x3d: {  	[sflag:s21] =	ssyncadd.s32 $0xFFFFE110  }
.LBB2_1:
0x3e: {  	s0 =	simm.s32 $0x0;
	s4 =	simm.s32 $0x240  }
.LBB2_2:
0x3f: {  	p0 =	sne.s32 s4, $0x11DC0;
	[tilespmem:s0+$0x1C80] =	vst v1  }
0x40: {  	[tilespmem:s0+$0x1C00] =	vst v1  }
0x41: {  	[tilespmem:s0+$0x1C10] =	vst v1  }
0x42: {  	[tilespmem:s0+$0x1C20] =	vst v1  }
.Ltmp2:
0x43: {  	[tilespmem:s0+$0x1C30] =	vst v1;
	(pc) =	sbr.rel @p0 .LBB2_2-.Ltmp2, $4  }
0x44: {  	[tilespmem:s0+$0x1C40] =	vst v1  }
0x45: {  	[tilespmem:s0+$0x1C50] =	vst v1  }
0x46: {  	[tilespmem:s0+$0x1C60] =	vst v1  }
0x47: {  	[tilespmem:s0+$0x1C70] =	vst v1;
	s0 =	sshra.s32 s4, $0x2;
	s4 =	sadd.s32 $0x240, s4  }
0x48: {  	[tilespmem:s0+$0x1C80] =	vst v1  }
0x49: {  	[tilespmem:s0+$0x1C00] =	vst v1  }
0x4a: {  	[tilespmem:s0+$0x1C10] =	vst v1  }
0x4b: {  	[tilespmem:s0+$0x1C20] =	vst v1  }
0x4c: {  	[tilespmem:s0+$0x1C30] =	vst v1  }
0x4d: {  	[tilespmem:s0+$0x1C40] =	vst v1  }
0x4e: {  	[tilespmem:s0+$0x1C50] =	vst v1  }
0x4f: {  	[tilespmem:s0+$0x1C60] =	vst v1  }
0x50: {  	[tilespmem:s0+$0x1C70] =	vst v1;
	s11 =	simm.s32 $0x1C00  }
0x51: {  	[spmem:s8] =	stream.linear.scatter [tilespmem:s11], [sflag:$0x5], $0x4800, $0x38;
	[tilespmem:$0x1A380] =	vst v63  }
0x52: {  	_ =	swait.ge [sflag:s21], $0x4800  }
0x53: {  	[sflag:s21] =	ssyncset.done $0x0  }
0x54: {  	[sflag:s21] =	ssyncadd.s32 $0xFFFFB800  }
0x55: {  	[spmem:s22] =	stream.linear.scatter [tilespmem:s11], [sflag:$0x5], $0x4800, $0x38;
	[tilespmem:$0x1A380] =	vst v63  }
0x56: {  	_ =	swait.ge [sflag:s21], $0x4800  }
0x57: {  	[sflag:s21] =	ssyncset.done $0x0  }
0x58: {  	[sflag:s21] =	ssyncadd.s32 $0xFFFFB800  }
0x59: {  	[spmem:s20] =	stream.linear.scatter [tilespmem:s11], [sflag:$0x5], $0x4800, $0x38;
	[tilespmem:$0x1A380] =	vst v63  }
0x5a: {  	_ =	swait.ge [sflag:s21], $0x4800  }
0x5b: {  	[sflag:s21] =	ssyncset.done $0x0  }
0x5c: {  	[sflag:s21] =	ssyncadd.s32 $0xFFFFB800  }
0x5d: {  	[spmem:s23] =	stream.linear.scatter [tilespmem:s11], [sflag:$0x5], $0x1F80, $0x38;
	[tilespmem:$0x1A380] =	vst v63  }
0x5e: {  	_ =	swait.ge [sflag:s21], $0x1F80  }
0x5f: {  	[sflag:s21] =	ssyncset.done $0x0  }
0x60: {  	[sflag:s21] =	ssyncadd.s32 $0xFFFFE080  }
0x61: {  	s31 =	simm.s32 $0x0;
	[bflag:$0x0] =	sbarrier.arrive $0xFFFF  }
0x62: {  	[tilespmem:s31], [sflag:$0x3] =	stream.linear.gather [hbm4b:s14+s31], $0x200, $0x38;
	[tilespmem:$0x1A380] =	vst v63  }
0x63: {  	s12 =	simm.s32 $0x200  }
0x64: {  	[tilespmem:s12], [sflag:$0x3] =	stream.linear.gather [hbm4b:s24+s31], $0x200, $0x38;
	[tilespmem:$0x1A380] =	vst v63  }
0x65: {  	s4 =	simm.s32 $0x400;
	s13 =	rddreg [dreg:$0x8]  }
0x66: {  	[tilespmem:s4], [sflag:$0x3] =	stream.linear.gather [hbm4b:s13+s31], $0x200, $0x38;
	[tilespmem:$0x1A380] =	vst v63  }
0x67: {  	p1 =	por $0x1, $0x1;
	s0 =	simm.s32 $0x0;
	s4 =	simm.s32 $0x0  }
.LBB2_4:
0x68: {  	_ =	swait.ge [sflag:s25], $0x200  }
0x69: {  	[sflag:s25] =	ssyncset.done $0x0  }
0x6a: {  	[sflag:s25] =	ssyncadd.s32 $0xFFFFFE00  }
0x6b: {  	_ =	swait.ge [sflag:s25], $0x200  }
0x6c: {  	[sflag:s25] =	ssyncset.done $0x0  }
0x6d: {  	[sflag:s25] =	ssyncadd.s32 $0xFFFFFE00  }
0x6e: {  	s4 =	sor.u32 s15, s4;
	_ =	swait.ge [sflag:s25], $0x200  }
0x6f: {  	s4 =	sshrl.u32 s4, $0x3;
	[sflag:s25] =	ssyncset.done $0x0  }
0x70: {  	s9 =	sadd.s32 s5, s4;
	[sflag:s25] =	ssyncadd.s32 $0xFFFFFE00  }
0x71: {  	[tilespmem:s26], [sflag:$0x4] =	stream.linear.gather [hbm4b:s9+s31], $0x200, $0x38;
	[tilespmem:$0x1A380] =	vst v63  }
0x72: {  	s11 =	sadd.s32 s6, s4  }
0x73: {  	[tilespmem:s28], [sflag:$0x4] =	stream.linear.gather [hbm4b:s11+s31], $0x200, $0x38;
	[tilespmem:$0x1A380] =	vst v63  }
0x74: {  	s12 =	simm.s32 $0x0;
	s4 =	sadd.s32 s7, s4  }
0x75: {  	[tilespmem:s29], [sflag:$0x4] =	stream.linear.gather [hbm4b:s4+s31], $0x200, $0x38;
	[tilespmem:$0x1A380] =	vst v63  }
0x76: {  	v3 =	vld [tilespmem:s12+$0x200];
	_ =	sdelay $0x1  }
0x77: {  	v4 =	vld [tilespmem:s12+$0x400];
	_ =	sdelay $0x2  }
0x78: {  	vm0 =	vlt.s32 v3, $0x3E8  }
0x79: {  	v6 =	vld [tilespmem:s12+$0x0];
	v5 =	vmpcnt.ones.xlane vm0  }
0x7a: {  	v4 =	vmul.u32 $0x3E8, v4  }
0x7b: {  	(v2sf) =	vpush v5, $0x0  }
0x7c: {  	v3 =	vadd.s32 v3, v4  }
0x7d: {  	v3 =	vshll.u32 v3, $0xF  }
0x7e: {  	v3 =	vor.u32 v6, v3  }
0x7f: {  	s13 =	simm.s32 $0x10;
	[tilespmem:s0+$0xC00] =	vst.msk vm0, v3  }
0x80: {  	v4 =	vld [tilespmem:s13+$0x400]  }
0x81: {  	v3 =	vld [tilespmem:s13+$0x200];
	_ =	sdelay $0x3  }
0x82: {  	v4 =	vmul.u32 $0x3E8, v4  }
0x83: {  	vm0 =	vlt.s32 v3, $0x3E8  }
0x84: {  	v5 =	vmpcnt.ones.xlane vm0;
	v4 =	vadd.s32 v3, v4;
	v3 =	vld [tilespmem:s13+$0x0];
	_ =	sdelay $0x1  }
0x85: {  	(v2sf) =	vpush v5, $0x0  }
0x86: {  	p0 =	por p1, p1;
	s4 =	simm.s32 $0x80;
	v4 =	vshll.u32 v4, $0xF;
	s9 =	spop (v2sf)  }
.LBB2_5:
0x87: {  	p1 =	sne.s32 s4, $0x7C0  }
0x88: {  	v3 =	vor.u32 v3, v4;
	s0 =	sadd.s32 s0, s9;
	s9 =	smov.u32 s4;
	s4 =	sadd.s32 $0x40, s4  }
0x89: {  	s9 =	sshra.s32 s9, $0x2;
	[tilespmem:s0+$0xC00] =	vst.msk vm0, v3  }
0x8a: {  	v4 =	vld [tilespmem:s9+$0x200];
	_ =	sdelay $0x1  }
0x8b: {  	v5 =	vld [tilespmem:s9+$0x400];
	_ =	sdelay $0x2  }
0x8c: {  	vm0 =	vlt.s32 v4, $0x3E8  }
.Ltmp3:
0x8d: {  	v3 =	vld [tilespmem:s9+$0x0];
	v6 =	vmpcnt.ones.xlane vm0;
	(pc) =	sbr.rel @p1 .LBB2_5-.Ltmp3, $4  }
0x8e: {  	v5 =	vmul.u32 $0x3E8, v5  }
0x8f: {  	(v2sf) =	vpush v6, $0x0  }
0x90: {  	v4 =	vadd.s32 v4, v5  }
0x91: {  	v4 =	vshll.u32 v4, $0xF;
	s9 =	spop (v2sf)  }
0x92: {  	_ =	sdelay $0xa  }
0x93: {  	v3 =	vor.u32 v3, v4;
	s0 =	sadd.s32 s0, s9  }
0x94: {  	[tilespmem:s0+$0xC00] =	vst.msk vm0, v3;
	s4 =	spop (v2sf)  }
0x95: {  	_ =	swait.ge [sflag:s30], $0x200  }
0x96: {  	[sflag:s30] =	ssyncset.done $0x0  }
0x97: {  	[sflag:s30] =	ssyncadd.s32 $0xFFFFFE00  }
0x98: {  	_ =	swait.ge [sflag:s30], $0x200  }
0x99: {  	[sflag:s30] =	ssyncset.done $0x0  }
0x9a: {  	[sflag:s30] =	ssyncadd.s32 $0xFFFFFE00  }
0x9b: {  	_ =	swait.ge [sflag:s30], $0x200  }
0x9c: {  	[sflag:s30] =	ssyncset.done $0x0  }
0x9d: {  	s9 =	simm.s32 @p0 $0x0;
	[sflag:s30] =	ssyncadd.s32 $0xFFFFFE00  }
0x9e: {  	[tilespmem:s9], [sflag:$0x3] =	stream.linear.gather @p0 [hbm4b:s16+s9], $0x200, $0x38;
	[tilespmem:$0x1A380] =	vst v63  }
0x9f: {  	s10 =	simm.s32 @p0 $0x200  }
0xa0: {  	[tilespmem:s10], [sflag:$0x3] =	stream.linear.gather @p0 [hbm4b:s17+s9], $0x200, $0x38;
	[tilespmem:$0x1A380] =	vst v63  }
0xa1: {  	s12 =	simm.s32 $0x0;
	s10 =	simm.s32 @p0 $0x400  }
0xa2: {  	[tilespmem:s10], [sflag:$0x3] =	stream.linear.gather @p0 [hbm4b:s18+s9], $0x200, $0x38;
	[tilespmem:$0x1A380] =	vst v63  }
0xa3: {  	v3 =	vld [tilespmem:s12+$0x800];
	_ =	sdelay $0x1  }
0xa4: {  	v4 =	vld [tilespmem:s12+$0xA00];
	_ =	sdelay $0x2  }
0xa5: {  	vm0 =	vlt.s32 v3, $0x3E8  }
0xa6: {  	v6 =	vld [tilespmem:s12+$0x600];
	v5 =	vmpcnt.ones.xlane vm0  }
0xa7: {  	v4 =	vmul.u32 $0x3E8, v4  }
0xa8: {  	(v2sf) =	vpush v5, $0x0  }
0xa9: {  	v3 =	vadd.s32 v3, v4  }
0xaa: {  	v3 =	vshll.u32 v3, $0xF  }
0xab: {  	s0 =	sadd.s32 s0, s4;
	v3 =	vor.u32 v6, v3  }
0xac: {  	s13 =	simm.s32 $0x10;
	[tilespmem:s0+$0xC00] =	vst.msk vm0, v3  }
0xad: {  	v4 =	vld [tilespmem:s13+$0xA00]  }
0xae: {  	v3 =	vld [tilespmem:s13+$0x800];
	_ =	sdelay $0x3  }
0xaf: {  	v4 =	vmul.u32 $0x3E8, v4  }
0xb0: {  	vm0 =	vlt.s32 v3, $0x3E8  }
0xb1: {  	v5 =	vmpcnt.ones.xlane vm0;
	v4 =	vadd.s32 v3, v4;
	v3 =	vld [tilespmem:s13+$0x600];
	_ =	sdelay $0x1  }
0xb2: {  	(v2sf) =	vpush v5, $0x0  }
0xb3: {  	s4 =	simm.s32 $0x80;
	v4 =	vshll.u32 v4, $0xF;
	s9 =	spop (v2sf)  }
.LBB2_7:
0xb4: {  	p1 =	sne.s32 s4, $0x7C0  }
0xb5: {  	v3 =	vor.u32 v3, v4;
	s0 =	sadd.s32 s0, s9;
	s9 =	smov.u32 s4;
	s4 =	sadd.s32 $0x40, s4  }
0xb6: {  	s9 =	sshra.s32 s9, $0x2;
	[tilespmem:s0+$0xC00] =	vst.msk vm0, v3  }
0xb7: {  	v4 =	vld [tilespmem:s9+$0x800];
	_ =	sdelay $0x1  }
0xb8: {  	v5 =	vld [tilespmem:s9+$0xA00];
	_ =	sdelay $0x2  }
0xb9: {  	vm0 =	vlt.s32 v4, $0x3E8  }
.Ltmp4:
0xba: {  	v3 =	vld [tilespmem:s9+$0x600];
	v6 =	vmpcnt.ones.xlane vm0;
	(pc) =	sbr.rel @p1 .LBB2_7-.Ltmp4, $4  }
0xbb: {  	v5 =	vmul.u32 $0x3E8, v5  }
0xbc: {  	(v2sf) =	vpush v6, $0x0  }
0xbd: {  	v4 =	vadd.s32 v4, v5  }
0xbe: {  	v4 =	vshll.u32 v4, $0xF;
	s9 =	spop (v2sf)  }
0xbf: {  	_ =	sdelay $0x8  }
.Ltmp5:
0xc0: {  	_ = 	snop;
	(pc) =	sbr.rel @p0 .LBB2_4-.Ltmp5, $3  }
0xc1: {  	_ =	sdelay $0x1  }
0xc2: {  	v3 =	vor.u32 v3, v4;
	s0 =	sadd.s32 s0, s9;
	s4 =	spop (v2sf)  }
0xc3: {  	p1 =	por $0x0, $0x0;
	[tilespmem:s0+$0xC00] =	vst.msk vm0, v3;
	s0 =	sadd.s32 s0, s4;
	s4 =	simm.s32 $0x400  }
0xc4: {  	p0 =	slt.s32 s0, $0x7F0;
	s4 =	smov.u32 s0  }
0xc5: {  	s4 =	simm.s32 @!p0 $0x7F0  }
0xc6: {  	v3 =	vld [tilespmem:s4+$0xC00];
	_ =	sdelay $0x2  }
0xc7: {  	v4 =	vadd.s32 s4, v2  }
0xc8: {  	s9 =	sadd.s32 $0x10, s0;
	vm0 =	vlt.s32 v4, s0  }
0xc9: {  	p0 =	slt.s32 s9, $0x7F0;
	v3 =	vsel vm0, v3, v0  }
0xca: {  	s9 =	simm.s32 @!p0 $0x7F0;
	[tilespmem:s4+$0xC00] =	vst v3  }
0xcb: {  	v3 =	vld [tilespmem:s9+$0xC00];
	_ =	sdelay $0x2  }
0xcc: {  	v57 =	vadd.s32 s9, v2  }
0xcd: {  	vm9 =	vlt.s32 v57, s0;
	s4 =	sadd.s32 $0x20, s0  }
0xce: {  	p0 =	slt.s32 s4, $0x7F0;
	v3 =	vsel vm9, v3, v0  }
0xcf: {  	s4 =	simm.s32 @!p0 $0x7F0;
	[tilespmem:s9+$0xC00] =	vst v3  }
0xd0: {  	v3 =	vld [tilespmem:s4+$0xC00];
	_ =	sdelay $0x2  }
0xd1: {  	v58 =	vadd.s32 s4, v2  }
0xd2: {  	vm10 =	vlt.s32 v58, s0;
	s9 =	sadd.s32 $0x30, s0  }
0xd3: {  	p0 =	slt.s32 s9, $0x7F0;
	v3 =	vsel vm10, v3, v0  }
0xd4: {  	s9 =	simm.s32 @!p0 $0x7F0;
	[tilespmem:s4+$0xC00] =	vst v3  }
0xd5: {  	v3 =	vld [tilespmem:s9+$0xC00];
	_ =	sdelay $0x2  }
0xd6: {  	v59 =	vadd.s32 s9, v2  }
0xd7: {  	vm11 =	vlt.s32 v59, s0;
	s4 =	sadd.s32 $0x40, s0  }
0xd8: {  	p0 =	slt.s32 s4, $0x7F0;
	v3 =	vsel vm11, v3, v0  }
0xd9: {  	s4 =	simm.s32 @!p0 $0x7F0;
	[tilespmem:s9+$0xC00] =	vst v3  }
0xda: {  	v3 =	vld [tilespmem:s4+$0xC00];
	_ =	sdelay $0x2  }
0xdb: {  	v60 =	vadd.s32 s4, v2  }
0xdc: {  	vm12 =	vlt.s32 v60, s0;
	s9 =	sadd.s32 $0x50, s0  }
0xdd: {  	p0 =	slt.s32 s9, $0x7F0;
	v3 =	vsel vm12, v3, v0  }
0xde: {  	s9 =	simm.s32 @!p0 $0x7F0;
	[tilespmem:s4+$0xC00] =	vst v3  }
0xdf: {  	v3 =	vld [tilespmem:s9+$0xC00];
	_ =	sdelay $0x2  }
0xe0: {  	v61 =	vadd.s32 s9, v2  }
0xe1: {  	vm13 =	vlt.s32 v61, s0;
	s4 =	sadd.s32 $0x60, s0  }
0xe2: {  	p0 =	slt.s32 s4, $0x7F0;
	v3 =	vsel vm13, v3, v0  }
0xe3: {  	s4 =	simm.s32 @!p0 $0x7F0;
	[tilespmem:s9+$0xC00] =	vst v3  }
0xe4: {  	v3 =	vld [tilespmem:s4+$0xC00];
	_ =	sdelay $0x2  }
0xe5: {  	s10 =	sadd.s32 $0x7F, s0;
	v62 =	vadd.s32 s4, v2  }
0xe6: {  	s12 =	sand.u32 $0x7F, s10;
	s13 =	sshra.s32 s10, $0x1F;
	vm14 =	vlt.s32 v62, s0;
	s9 =	sadd.s32 $0x70, s0  }
0xe7: {  	p1 =	slt.s32 s10, $0x1;
	p6 =	sne.s32 s12, $0x0;
	p0 =	slt.s32 s9, $0x7F0;
	v3 =	vsel vm14, v3, v0  }
0xe8: {  	s9 =	simm.s32 @!p0 $0x7F0;
	p0 =	por !p1, !p6;
	[tilespmem:s4+$0xC00] =	vst v3;
	s4 =	sshrl.u32 s13, $0x19  }
0xe9: {  	p0 =	por !p0, !p0;
	s4 =	sadd.s32 s4, s10;
	s10 =	simm.s32 $0x1  }
0xea: {  	s4 =	sshra.s32 s4, $0x7;
	s10 =	simm.s32 @!p0 $0x0  }
0xeb: {  	v3 =	vld [tilespmem:s9+$0xC00];
	s31 =	ssub.s32 s4, s10  }
0xec: {  	p0 =	slt.s32 s31, $0x1  }
.Ltmp6:
0xed: {  	_ = 	snop;
	(pc) =	sbr.rel @p0 .LBB2_17-.Ltmp6, $4  }
0xee: {  	v63 =	vadd.s32 s9, v2  }
0xef: {  	vm15 =	vlt.s32 v63, s0;
	s0 =	simm.s32 @!p0 $0x0  }
0xf0: {  	v3 =	vsel vm15, v3, v0;
	s0 =	simm.s32 @p0 $0x1  }
0xf1: {  	[tilespmem:s9+$0xC00] =	vst v3;
	[smem:$0x7FD] =	sst s0  }
0xf2: {  	s4 =	sshll.u32 s31, $0x3  }
0xf3: {  	p2 =	sne.s32 s4, $0x1  }
.Ltmp7:
0xf4: {  	_ = 	snop;
	(pc) =	sbr.rel @!p2 .LBB2_11-.Ltmp7, $3  }
0xf5: {  	_ =	sdelay $0x1  }
0xf6: {  	s9 =	simm.s32 $0x0  }
0xf7: {  	s0 =	simm.s32 $0x0;
	p1 =	por $0x0, $0x0;
	v3 =	vld [tilespmem:s9+$0xC00];
	s10 =	sadd.s32 $0xFFFFFFFF, s4  }
0xf8: {  	_ =	sdelay $0x1  }
0xf9: {  	s4 =	sand.u32 $0xFFFFFE00, s0;
	p2 =	sne.s32 s10, $0x1  }
.Ltmp8:
0xfa: {  	s11 =	sand.u32 $0x70, s0;
	s4 =	sshra.s32 s4, $0x2;
	(pc) =	sbr.rel @!p2 .LBB2_13-.Ltmp8, $4  }
0xfb: {  	s4 =	sor.u32 s11, s4;
	v4 =	vshra.s32 v3, $0xF  }
0xfc: {  	v3 =	vand.u32 $0x7FFF, v3;
	[tilespmem:s4+$0x1400] =	vst v4  }
0xfd: {  	p1 =	por $0x1, $0x1;
	s11 =	simm.s32 $0x10;
	[tilespmem:s9+$0xC00] =	vst v3  }
0xfe: {  	s4 =	simm.s32 $0x40;
	s9 =	sadd.s32 $0xFFFFFFFF, s10;
	s10 =	simm.s32 $0x0;
	v3 =	vld [tilespmem:s11+$0xC00]  }
.LBB2_14:
0xff: {  	p2 =	sne.s32 s9, $0x1;
	_ =	sdelay $0x1  }
0x100: {  	s12 =	sand.u32 $0xFFFFFE00, s4;
	s10 =	sadd.s32 $0x10, s10  }
.Ltmp9:
0x101: {  	s13 =	sand.u32 $0x70, s10;
	s12 =	sshra.s32 s12, $0x2;
	(pc) =	sbr.rel @p2 .LBB2_14-.Ltmp9, $4  }
0x102: {  	s12 =	sor.u32 s13, s12;
	v4 =	vshra.s32 v3, $0xF;
	v3 =	vand.u32 $0x7FFF, v3  }
0x103: {  	s4 =	sadd.s32 $0x40, s4;
	[tilespmem:s12+$0x1400] =	vst v4  }
0x104: {  	[tilespmem:s11+$0xC00] =	vst v3;
	s11 =	sshra.s32 s4, $0x2  }
0x105: {  	s9 =	sadd.s32 $0xFFFFFFFF, s9;
	v3 =	vld [tilespmem:s11+$0xC00]  }
0x106: {  	s9 =	smov.u32 s11  }
.LBB2_16:
0x107: {  	s10 =	sadd.s32 @p1 $0x10, s10  }
0x108: {  	s4 =	sand.u32 $0xFFFFFE00, s4;
	s0 =	smov.u32 @p1 s10  }
0x109: {  	s4 =	sshra.s32 s4, $0x2;
	s0 =	sand.u32 $0x70, s0  }
0x10a: {  	v4 =	vshra.s32 v3, $0xF;
	s0 =	sor.u32 s0, s4  }
0x10b: {  	v3 =	vand.u32 $0x7FFF, v3;
	[tilespmem:s0+$0x1400] =	vst v4  }
0x10c: {  	s11 =	simm.s32 $0x1C00;
	s12 =	simm.s32 $0x80;
	s13 =	simm.s32 $0xC00;
	[tilespmem:s9+$0xC00] =	vst v3  }
0x10d: {  	[tilespmem:s11], [sflag:$0x1] =	stream.indirect.gather [hbm4b:s1+s12], $0x90, s13, s12, $0xb8;
	[tilespmem:$0x1A380] =	vst v63  }
.LBB2_17:
0x10e: {  	s0 =	sadd.s32 $0x1, s31  }
0x10f: {  	s4 =	sand.u32 $0x1, s0  }
0x110: {  	p1 =	slt.s32 s31, $0x0;
	p2 =	seq.s32 s4, $0x1  }
0x111: {  	s13 =	sshrl.u32 s0, $0x1F;
	p1 =	por !p1, !p2  }
0x112: {  	s0 =	sadd.s32 s13, s0;
	s4 =	simm.s32 $0x1;
	p1 =	por !p1, !p1  }
0x113: {  	s0 =	sshra.s32 s0, $0x1;
	s4 =	simm.s32 @!p1 $0x0  }
0x114: {  	s4 =	ssub.s32 s0, s4  }
0x115: {  	p2 =	slt.s32 s4, $0x1  }
0x116: {  	p3 =	slt.s32 @!p2 s31, $0x1  }
0x117: {  	p6 =	por p3, p2  }
0x118: {  	s9 =	simm.s32 @!p6 $0x1  }
0x119: {  	p4 =	sne.s32 @!p6 s31, $0x1;
	_ =	swait.ge @!p6 [sflag:s9], $0x4800  }
0x11a: {  	p5 =	por @!p2 !p4, p3;
	[sflag:s9] =	ssyncset.done @!p6 $0x0  }
0x11b: {  	p5 =	por p5, p2;
	[sflag:s9] =	ssyncadd.s32 @!p6 $0xFFFFB800  }
0x11c: {  	s9 =	simm.s32 @!p5 $0x80;
	s10 =	simm.s32 @!p5 $0xC80;
	s11 =	simm.s32 @!p5 $0x6400  }
0x11d: {  	[tilespmem:s11], [sflag:$0x1] =	stream.indirect.gather @!p5 [hbm4b:s1+s9], $0x90, s10, s9, $0xb8;
	[tilespmem:$0x1A380] =	vst v63  }
0x11e: {  	s12 =	simm.s32 @!p5 $0x1C00;
	s10 =	simm.s32 @!p5 $0x1400  }
0x11f: {  	[spmem:s2] =	stream.indirect.scatter.add.f32 @!p5 [tilespmem:s12], [sflag:$0x2], $0x90, s10, s9, $0xb8;
	[tilespmem:$0x1A380] =	vst v63  }
0x120: {  	s10 =	simm.s32 @!p5 $0x1  }
0x121: {  	p0 =	seq.s32 @!p5 s31, $0x2;
	_ =	swait.ge @!p5 [sflag:s10], $0x4800  }
0x122: {  	p0 =	por @!p6 p0, !p4;
	[sflag:s10] =	ssyncset.done @!p5 $0x0  }
0x123: {  	p0 =	por @!p2 p0, p3;
	[sflag:s10] =	ssyncadd.s32 @!p5 $0xFFFFB800;
	s10 =	simm.s32 @!p5 $0x2  }
0x124: {  	p0 =	por p0, p2;
	_ =	swait.ge @!p5 [sflag:s10], $0x4800  }
0x125: {  	s12 =	simm.s32 @!p0 $0xD00;
	[sflag:s10] =	ssyncset.done @!p5 $0x0  }
0x126: {  	s13 =	simm.s32 @!p0 $0x1C00;
	[sflag:s10] =	ssyncadd.s32 @!p5 $0xFFFFB800;
	s10 =	simm.s32 @!p0 $0x80  }
0x127: {  	[tilespmem:s13], [sflag:$0x1] =	stream.indirect.gather @!p0 [hbm4b:s1+s10], $0x90, s12, s10, $0xb8;
	[tilespmem:$0x1A380] =	vst v63  }
0x128: {  	p0 =	por @!p2 p4, p3  }
0x129: {  	s10 =	simm.s32 @!p5 $0x1480;
	p0 =	por p0, p2  }
0x12a: {  	[spmem:s2] =	stream.indirect.scatter.add.f32 @!p5 [tilespmem:s11], [sflag:$0x2], $0x90, s10, s9, $0xb8;
	[tilespmem:$0x1A380] =	vst v63  }
0x12b: {  	s9 =	simm.s32 @!p0 $0x80;
	s10 =	simm.s32 @!p0 $0x1400;
	s11 =	simm.s32 @!p0 $0x1C00  }
0x12c: {  	[spmem:s2] =	stream.indirect.scatter.add.f32 @!p0 [tilespmem:s11], [sflag:$0x2], $0x90, s10, s9, $0xb8;
	[tilespmem:$0x1A380] =	vst v63  }
0x12d: {  	p0 =	seq.s32 @!p2 s4, $0x1  }
0x12e: {  	p0 =	por p2, p0  }
.Ltmp10:
0x12f: {  	_ = 	snop;
	(pc) =	sbr.rel @p0 .LBB2_25-.Ltmp10, $1  }
0x130: {  	_ =	sdelay $0x3  }
0x131: {  	s4 =	simm.s32 $0xFFFFFFFF  }
0x132: {  	s4 =	simm.s32 @!p1 $0x0  }
0x133: {  	s0 =	sadd.s32 s4, s0  }
0x134: {  	s0 =	sadd.s32 $0xFFFFFFFF, s0  }
0x135: {  	s4 =	sadd.s32 $0xFFFFFFFF, s0  }
0x136: {  	p0 =	sne.s32 s4, $0x0  }
.Ltmp11:
0x137: {  	_ = 	snop;
	(pc) =	sbr.rel @!p0 .LBB2_19-.Ltmp11, $3  }
0x138: {  	_ =	sdelay $0x1  }
0x139: {  	s9 =	simm.s32 $0x1500;
	s24 =	simm.s32 $0x4  }
0x13a: {  	p2 =	por $0x0, $0x0;
	p1 =	sle.s32 s31, $0x2;
	s0 =	simm.s32 $0xD80  }
0x13b: {  	s10 =	simm.s32 @!p1 $0x1  }
0x13c: {  	_ =	swait.ge @!p1 [sflag:s10], $0x4800  }
0x13d: {  	s20 =	smov.u32 s8;
	[sflag:s10] =	ssyncset.done @!p1 $0x0  }
0x13e: {  	s8 =	smov.u32 s22;
	[sflag:s10] =	ssyncadd.s32 @!p1 $0xFFFFB800;
	s10 =	simm.s32 @!p1 $0x2  }
0x13f: {  	p0 =	sle.s32 @!p1 s31, $0x3;
	s4 =	sadd.s32 $0xFFFFFFFF, s4;
	_ =	swait.ge @!p1 [sflag:s10], $0x4800  }
0x140: {  	p3 =	sle.s32 s31, $0x3;
	p0 =	por p0, p1;
	[sflag:s10] =	ssyncset.done @!p1 $0x0  }
0x141: {  	s11 =	simm.s32 @!p0 $0x6400;
	[sflag:s10] =	ssyncadd.s32 @!p1 $0xFFFFB800;
	s10 =	simm.s32 @!p0 $0x80  }
0x142: {  	[tilespmem:s11], [sflag:$0x1] =	stream.indirect.gather @!p0 [hbm4b:s1+s10], $0x90, s0, s10, $0xb8;
	[tilespmem:$0x1A380] =	vst v63  }
0x143: {  	s22 =	simm.s32 $0x1600;
	s0 =	simm.s32 @!p1 $0x80;
	s10 =	simm.s32 @!p1 $0x1C00  }
0x144: {  	[spmem:s2] =	stream.indirect.scatter.add.f32 @!p1 [tilespmem:s10], [sflag:$0x2], $0x90, s9, s0, $0xb8;
	[tilespmem:$0x1A380] =	vst v63  }
0x145: {  	s24 =	simm.s32 $0x6;
	p2 =	por $0x1, $0x1;
	s10 =	simm.s32 @!p3 $0x1  }
0x146: {  	p5 =	sne.s32 s4, $0x0;
	s14 =	simm.s32 @!p3 $0x2;
	_ =	swait.ge @!p3 [sflag:s10], $0x4800  }
.Ltmp12:
0x147: {  	p0 =	sle.s32 @!p3 s31, $0x4;
	[sflag:s10] =	ssyncset.done @!p3 $0x0;
	(pc) =	sbr.rel @!p5 .LBB2_21-.Ltmp12, $4  }
0x148: {  	s11 =	simm.s32 @!p3 $0x80;
	p4 =	por p0, p3;
	[sflag:s10] =	ssyncadd.s32 @!p3 $0xFFFFB800  }
0x149: {  	s0 =	simm.s32 $0xE80;
	s12 =	simm.s32 @!p4 $0x1C00;
	_ =	swait.ge @!p3 [sflag:s14], $0x4800  }
0x14a: {  	s13 =	simm.s32 @!p4 $0x80;
	p1 =	sle.s32 s31, $0x4;
	[sflag:s14] =	ssyncset.done @!p3 $0x0  }
0x14b: {  	s10 =	simm.s32 @!p3 $0x6400;
	[sflag:s14] =	ssyncadd.s32 @!p3 $0xFFFFB800;
	s14 =	simm.s32 @!p4 $0xE00  }
.LBB2_22:
0x14c: {  	[tilespmem:s12], [sflag:$0x1] =	stream.indirect.gather @!p4 [hbm4b:s1+s13], $0x90, s14, s13, $0xb8;
	[tilespmem:$0x1A380] =	vst v63  }
0x14d: {  	s12 =	simm.s32 @!p1 $0x1;
	s13 =	sadd.s32 @!p1 $0xFFFFFFFF, s24;
	s9 =	sadd.s32 @!p3 $0x80, s9  }
0x14e: {  	[spmem:s2] =	stream.indirect.scatter.add.f32 @!p3 [tilespmem:s10], [sflag:$0x2], $0x90, s9, s11, $0xb8;
	[tilespmem:$0x1A380] =	vst v63  }
0x14f: {  	s4 =	sadd.s32 $0xFFFFFFFF, s4;
	p0 =	sge.s32 @!p1 s13, s31;
	_ =	swait.ge @!p1 [sflag:s12], $0x4800  }
0x150: {  	p5 =	sne.s32 s4, $0x0;
	p3 =	por p0, p1;
	[sflag:s12] =	ssyncset.done @!p1 $0x0  }
0x151: {  	s14 =	smov.u32 s0;
	s10 =	simm.s32 @!p1 $0x2;
	[sflag:s12] =	ssyncadd.s32 @!p1 $0xFFFFB800  }
0x152: {  	s9 =	smov.u32 s22;
	_ =	swait.ge @!p1 [sflag:s10], $0x4800  }
0x153: {  	s11 =	sadd.s32 $0xFFFFFFFF, s24;
	[sflag:s10] =	ssyncset.done @!p1 $0x0  }
0x154: {  	s12 =	simm.s32 @!p3 $0x6400;
	[sflag:s10] =	ssyncadd.s32 @!p1 $0xFFFFB800;
	s10 =	simm.s32 @!p3 $0x80  }
0x155: {  	[tilespmem:s12], [sflag:$0x1] =	stream.indirect.gather @!p3 [hbm4b:s1+s10], $0x90, s0, s10, $0xb8;
	[tilespmem:$0x1A380] =	vst v63  }
0x156: {  	s10 =	simm.s32 @!p1 $0x80;
	s12 =	simm.s32 @!p1 $0x1C00;
	p3 =	sge.s32 s11, s31  }
0x157: {  	[spmem:s2] =	stream.indirect.scatter.add.f32 @!p1 [tilespmem:s12], [sflag:$0x2], $0x90, s22, s10, $0xb8;
	[tilespmem:$0x1A380] =	vst v63  }
0x158: {  	s0 =	sadd.s32 $0x100, s0;
	p0 =	sge.s32 @!p3 s24, s31;
	s10 =	simm.s32 @!p3 $0x1  }
0x159: {  	s24 =	sadd.s32 $0x2, s24;
	p4 =	por p0, p3;
	_ =	swait.ge @!p3 [sflag:s10], $0x4800  }
.Ltmp13:
0x15a: {  	s22 =	sadd.s32 $0x100, s22;
	[sflag:s10] =	ssyncset.done @!p3 $0x0;
	(pc) =	sbr.rel @p5 .LBB2_22-.Ltmp13, $4  }
0x15b: {  	s19 =	simm.s32 @!p3 $0x2;
	[sflag:s10] =	ssyncadd.s32 @!p3 $0xFFFFB800;
	s10 =	simm.s32 @!p3 $0x6400  }
0x15c: {  	s11 =	simm.s32 @!p3 $0x80;
	s12 =	simm.s32 @!p4 $0x1C00;
	_ =	swait.ge @!p3 [sflag:s19], $0x4800  }
0x15d: {  	s23 =	sadd.s32 $0xFFFFFFFE, s24;
	s13 =	simm.s32 @!p4 $0x80;
	[sflag:s19] =	ssyncset.done @!p3 $0x0  }
0x15e: {  	p1 =	sge.s32 s23, s31;
	s14 =	sadd.s32 @!p4 $0x80, s14;
	[sflag:s19] =	ssyncadd.s32 @!p3 $0xFFFFB800  }
.Ltmp14:
0x15f: {  	(pc) =	sbr.rel .LBB2_24-.Ltmp14, $4  }
0x160: {  	_ = 	snop  }
0x161: {  	s4 =	smov.u32 s9;
	s9 =	smov.u32 s22  }
0x162: {  	s22 =	smov.u32 s8;
	s8 =	smov.u32 s20;
	s20 =	rddreg [dreg:$0x4]  }
0x163: {  	s19 =	stileid.u32;
	s23 =	rddreg [dreg:$0x5]  }
.LBB2_11:
.Ltmp15:
0x164: {  	(pc) =	sbr.rel .LBB2_16-.Ltmp15, $2  }
0x165: {  	_ =	sdelay $0x2  }
0x166: {  	s4 =	simm.s32 $0x0;
	s10 =	simm.s32 $0x0  }
.LBB2_13:
.Ltmp16:
0x167: {  	(pc) =	sbr.rel .LBB2_16-.Ltmp16, $2  }
0x168: {  	_ =	sdelay $0x2  }
0x169: {  	s10 =	simm.s32 $0x0;
	s9 =	simm.s32 $0x10  }
.LBB2_21:
.Ltmp17:
0x16a: {  	(pc) =	sbr.rel .LBB2_24-.Ltmp17, $4  }
0x16b: {  	_ = 	snop  }
0x16c: {  	s4 =	simm.s32 $0x1500  }
0x16d: {  	s22 =	smov.u32 s8;
	s8 =	smov.u32 s20;
	s20 =	rddreg [dreg:$0x4]  }
0x16e: {  	s9 =	simm.s32 $0x1600;
	s19 =	stileid.u32;
	s23 =	rddreg [dreg:$0x5]  }
.LBB2_26:
0x16f: {  	_ =	sfence.sel $0x180000  }
0x170: {  	[bflag:$0x0] =	sbarrier.arrive $0xFFFF  }
0x171: {  	_ =	strace $0x9000004A  }
0x172: {  	[bflag:$0x2] =	sbarrier.arrive $0xFFFF  }
0x173: {  	p0 =	sne.s32 s19, $0x0;
	s0 =	rddreg [dreg:$0x3]  }
0x174: {  	s0 =	sadd.s32 @!p0 $0x100000, s0  }
0x175: {  	[sflag:s0] =	ssyncadd.tile.s32 @!p0 $0x1;
	_ =	shalt  }
.Lfunc_end2:
_tile_overlayer_lowered:
.L_overlay_start_2:
0x176: {  	(tag) =	ssettag $0x2  }
0x177: {  	s0 =	rddreg [dreg:$0x0];
	s2 =	stileid.u32  }
0x178: {  	s1 =	rddreg [dreg:$0x1];
	p0 =	sne.s32 s2, $0x0  }
0x179: {  	s3 =	rddreg [dreg:$0x2];
	[bflag:$0x3] =	sbarrier.arrive $0xFFFF;
	s2 =	simm.s32 @!p0 $0x1C05  }
0x17a: {  	[timem:s3], [sflag:s2] =	dma.local @!p0 [hbm:s0], s1  }
0x17b: {  	s0 =	simm.s32 @!p0 $0x5  }
0x17c: {  	_ =	swait.ge @!p0 [sflag:s0], s1  }
0x17d: {  	s1 =	ssub.s32 @!p0 $0x0, s1;
	[sflag:s0] =	ssyncset.done @!p0 $0x0  }
0x17e: {  	[sflag:s0] =	ssyncadd.s32 @!p0 s1  }
0x17f: {  	[bflag:$0x3] =	sbarrier.arrive $0xFFFF  }
0x180: {  	_ =	shalt  }

</sc_bundles>
